<compile_context>
chip_gen: v7x
topology: tpu7x:2x2x1
jax: 0.10.2.dev20260603
libtpu: 0.0.44.dev20260713+nightly
codegen_flags: <defaults>
</compile_context>

<pallas_src>
import jax
import jax.numpy as jnp
from jax import lax
from jax.experimental import pallas as pl
from jax.experimental.pallas import tpu as pltpu
from jax.experimental.pallas import tpu_sc as plsc

N = 10000
E = 160000
D = 256
HD = 128
L = 5
G = 64

NC = 2
NS = 16
CH = 128
RPT = 624
TAIL = N - NS * RPT

EPT = E // NS
NF = EPT // CH
RM = EPT - NF * CH

EPC = E // NC
EPTC = EPC // NS
NFC = EPTC // CH
RMC = EPTC - NFC * CH

BN = 400
NT = N // BN

_MESH = plsc.VectorSubcoreMesh(core_axis_name="c", subcore_axis_name="s")



def _spmm_body(hlo, hhi, src, dst, zrows, slo, shi,
               acc, isrc, idst, rows, isrc_r, idst_r, rows_r, sem):
    c = lax.axis_index("c")
    s = lax.axis_index("s")
    r0 = s * RPT
    e0 = s * EPT

    def run(h_ref, out_ref):
        pltpu.sync_copy(zrows.at[pl.ds(0, RPT)], acc.at[pl.ds(r0, RPT)])

        @pl.when(s == NS - 1)
        def _():
            pltpu.sync_copy(zrows.at[pl.ds(0, TAIL)],
                            acc.at[pl.ds(NS * RPT, TAIL)])

        plsc.subcore_barrier()

        def step(j, carry):
            ej = e0 + j * CH
            pltpu.sync_copy(src.at[pl.ds(ej, CH)], isrc)
            pltpu.sync_copy(dst.at[pl.ds(ej, CH)], idst)
            pltpu.async_copy(h_ref.at[isrc], rows, sem).wait()
            pltpu.sync_copy(rows, acc.at[idst], add=True)
            return carry

        lax.fori_loop(0, NF, step, 0)
        er = e0 + NF * CH
        pltpu.sync_copy(src.at[pl.ds(er, RM)], isrc_r)
        pltpu.sync_copy(dst.at[pl.ds(er, RM)], idst_r)
        pltpu.async_copy(h_ref.at[isrc_r], rows_r, sem).wait()
        pltpu.sync_copy(rows_r, acc.at[idst_r], add=True)
        plsc.subcore_barrier()
        pltpu.sync_copy(acc.at[pl.ds(r0, RPT)], out_ref.at[pl.ds(r0, RPT)])

        @pl.when(s == NS - 1)
        def _():
            pltpu.sync_copy(acc.at[pl.ds(NS * RPT, TAIL)],
                            out_ref.at[pl.ds(NS * RPT, TAIL)])

    @pl.when(c == 0)
    def _():
        run(hlo, slo)

    @pl.when(c == 1)
    def _():
        run(hhi, shi)


def _sc_spmm(hlo, hhi, src, dst, zrows):
    return pl.kernel(
        _spmm_body,
        out_type=(
            jax.ShapeDtypeStruct((N, HD), jnp.float32),
            jax.ShapeDtypeStruct((N, HD), jnp.float32),
        ),
        mesh=_MESH,
        scratch_types=[
            pltpu.VMEM_SHARED((N, HD), jnp.float32),
            pltpu.VMEM((CH,), jnp.int32),
            pltpu.VMEM((CH,), jnp.int32),
            pltpu.VMEM((CH, HD), jnp.float32),
            pltpu.VMEM((RM,), jnp.int32),
            pltpu.VMEM((RM,), jnp.int32),
            pltpu.VMEM((RM, HD), jnp.float32),
            pltpu.SemaphoreType.DMA,
        ],
        name="sc_spmm",
    )(hlo, hhi, src, dst, zrows)


def _counts_body(eb, dst, itab, zrows, c0out, c1out,
                 acc, ie, idst, rows, ie_r, idst_r, rows_r, sem):
    c = lax.axis_index("c")
    s = lax.axis_index("s")
    r0 = s * RPT
    e0 = c * EPC + s * EPTC

    pltpu.sync_copy(zrows.at[pl.ds(0, RPT)], acc.at[pl.ds(r0, RPT)])

    @pl.when(s == NS - 1)
    def _():
        pltpu.sync_copy(zrows.at[pl.ds(0, TAIL)],
                        acc.at[pl.ds(NS * RPT, TAIL)])

    plsc.subcore_barrier()

    def step(j, carry):
        ej = e0 + j * CH
        pltpu.sync_copy(eb.at[pl.ds(ej, CH)], ie)
        pltpu.sync_copy(dst.at[pl.ds(ej, CH)], idst)
        pltpu.async_copy(itab.at[ie], rows, sem).wait()
        pltpu.sync_copy(rows, acc.at[idst], add=True)
        return carry

    lax.fori_loop(0, NFC, step, 0)
    er = e0 + NFC * CH
    pltpu.sync_copy(eb.at[pl.ds(er, RMC)], ie_r)
    pltpu.sync_copy(dst.at[pl.ds(er, RMC)], idst_r)
    pltpu.async_copy(itab.at[ie_r], rows_r, sem).wait()
    pltpu.sync_copy(rows_r, acc.at[idst_r], add=True)
    plsc.subcore_barrier()

    def writeout(out_ref):
        pltpu.sync_copy(acc.at[pl.ds(r0, RPT)], out_ref.at[pl.ds(r0, RPT)])

        @pl.when(s == NS - 1)
        def _():
            pltpu.sync_copy(acc.at[pl.ds(NS * RPT, TAIL)],
                            out_ref.at[pl.ds(NS * RPT, TAIL)])

    @pl.when(c == 0)
    def _():
        writeout(c0out)

    @pl.when(c == 1)
    def _():
        writeout(c1out)


def _sc_counts(eb, dst, itab, zrows):
    return pl.kernel(
        _counts_body,
        out_type=(
            jax.ShapeDtypeStruct((N, HD), jnp.float32),
            jax.ShapeDtypeStruct((N, HD), jnp.float32),
        ),
        mesh=_MESH,
        scratch_types=[
            pltpu.VMEM_SHARED((N, HD), jnp.float32),
            pltpu.VMEM((CH,), jnp.int32),
            pltpu.VMEM((CH,), jnp.int32),
            pltpu.VMEM((CH, HD), jnp.float32),
            pltpu.VMEM((RMC,), jnp.int32),
            pltpu.VMEM((RMC,), jnp.int32),
            pltpu.VMEM((RMC, HD), jnp.float32),
            pltpu.SemaphoreType.DMA,
        ],
        name="sc_counts",
    )(eb, dst, itab, zrows)



def _embed_body(x0, x1, e1, e2, hlo, hhi):
    h = jnp.zeros((BN, D), jnp.float32)
    for k in range(3):
        mk = (x0[...] == float(k)).astype(jnp.float32)
        h = h + mk * e1[k:k + 1, :]
    for k in range(3):
        mk = (x1[...] == float(k)).astype(jnp.float32)
        h = h + mk * e2[k:k + 1, :]
    hlo[...] = h[:, :HD]
    hhi[...] = h[:, HD:]


def _tc_embed(x0f, x1f, e1p, e2p):
    return pl.pallas_call(
        _embed_body,
        grid=(NT,),
        in_specs=[
            pl.BlockSpec((BN, 1), lambda i: (i, 0)),
            pl.BlockSpec((BN, 1), lambda i: (i, 0)),
            pl.BlockSpec((8, D), lambda i: (0, 0)),
            pl.BlockSpec((8, D), lambda i: (0, 0)),
        ],
        out_specs=[
            pl.BlockSpec((BN, HD), lambda i: (i, 0)),
            pl.BlockSpec((BN, HD), lambda i: (i, 0)),
        ],
        out_shape=[
            jax.ShapeDtypeStruct((N, HD), jnp.float32),
            jax.ShapeDtypeStruct((N, HD), jnp.float32),
        ],
        name="tc_embed",
    )(x0f, x1f, e1p, e2p)


def _layer_a_body(slo, shi, hlo, hhi, c0, c1, tp, w1, b1, w2, b2,
                  hh_out, stats_out, acc):
    i = pl.program_id(0)
    ct = c0[...] + c1[...]
    ec = jnp.dot(ct, tp[...], preferred_element_type=jnp.float32,
                 precision=lax.Precision.HIGHEST)
    ec = ec + tp[9:10, :]
    agg = ec + jnp.concatenate([slo[...] + hlo[...], shi[...] + hhi[...]],
                               axis=1)
    hid = jnp.maximum(
        jnp.dot(agg, w1[...], preferred_element_type=jnp.float32) + b1[...],
        0.0)
    hh = jnp.dot(hid, w2[...], preferred_element_type=jnp.float32) + b2[...]
    hh_out[...] = hh
    s1 = jnp.sum(hh, axis=0, keepdims=True)
    s2 = jnp.sum(hh * hh, axis=0, keepdims=True)

    @pl.when(i == 0)
    def _():
        acc[0:1, :] = s1
        acc[1:2, :] = s2

    @pl.when(i > 0)
    def _():
        acc[0:1, :] = acc[0:1, :] + s1
        acc[1:2, :] = acc[1:2, :] + s2

    stats_out[...] = acc[...]


def _tc_layer_a(slo, shi, hlo, hhi, c0, c1, tp, w1, b1, w2, b2):
    return pl.pallas_call(
        _layer_a_body,
        grid=(NT,),
        in_specs=[
            pl.BlockSpec((BN, HD), lambda i: (i, 0)),
            pl.BlockSpec((BN, HD), lambda i: (i, 0)),
            pl.BlockSpec((BN, HD), lambda i: (i, 0)),
            pl.BlockSpec((BN, HD), lambda i: (i, 0)),
            pl.BlockSpec((BN, HD), lambda i: (i, 0)),
            pl.BlockSpec((BN, HD), lambda i: (i, 0)),
            pl.BlockSpec((HD, D), lambda i: (0, 0)),
            pl.BlockSpec((D, 2 * D), lambda i: (0, 0)),
            pl.BlockSpec((1, 2 * D), lambda i: (0, 0)),
            pl.BlockSpec((2 * D, D), lambda i: (0, 0)),
            pl.BlockSpec((1, D), lambda i: (0, 0)),
        ],
        out_specs=[
            pl.BlockSpec((BN, D), lambda i: (i, 0)),
            pl.BlockSpec((2, D), lambda i: (0, 0)),
        ],
        out_shape=[
            jax.ShapeDtypeStruct((N, D), jnp.float32),
            jax.ShapeDtypeStruct((2, D), jnp.float32),
        ],
        scratch_shapes=[pltpu.VMEM((2, D), jnp.float32)],
        name="tc_layer_a",
    )(slo, shi, hlo, hhi, c0, c1, tp, w1, b1, w2, b2)


def _layer_b_body(hh, stats, gamma, beta, hlo_out, hhi_out):
    st = stats[...]
    mu = st[0:1, :] * (1.0 / N)
    var = st[1:2, :] * (1.0 / N) - mu * mu
    y = (hh[...] - mu) / jnp.sqrt(var + 1e-5) * gamma[...] + beta[...]
    y = jnp.maximum(y, 0.0)
    hlo_out[...] = y[:, :HD]
    hhi_out[...] = y[:, HD:]


def _tc_layer_b(hh, stats, gamma, beta):
    return pl.pallas_call(
        _layer_b_body,
        grid=(NT,),
        in_specs=[
            pl.BlockSpec((BN, D), lambda i: (i, 0)),
            pl.BlockSpec((2, D), lambda i: (0, 0)),
            pl.BlockSpec((1, D), lambda i: (0, 0)),
            pl.BlockSpec((1, D), lambda i: (0, 0)),
        ],
        out_specs=[
            pl.BlockSpec((BN, HD), lambda i: (i, 0)),
            pl.BlockSpec((BN, HD), lambda i: (i, 0)),
        ],
        out_shape=[
            jax.ShapeDtypeStruct((N, HD), jnp.float32),
            jax.ShapeDtypeStruct((N, HD), jnp.float32),
        ],
        name="tc_layer_b",
    )(hh, stats, gamma, beta)


def _final_body(hh, stats, gamma, beta, bf, pw, pb, h_out, pred_out, pacc, cacc):
    i = pl.program_id(0)
    st = stats[...]
    mu = st[0:1, :] * (1.0 / N)
    var = st[1:2, :] * (1.0 / N) - mu * mu
    y = (hh[...] - mu) / jnp.sqrt(var + 1e-5) * gamma[...] + beta[...]
    h_out[...] = y
    gids = lax.broadcasted_iota(jnp.int32, (BN, G), 1).astype(jnp.float32)
    onehot = (bf[...] == gids).astype(jnp.float32)
    ps = lax.dot_general(onehot, y, (((0,), (0,)), ((), ())),
                         preferred_element_type=jnp.float32,
                  precision=lax.Precision.HIGHEST)
    ones = jnp.ones((BN, 1), jnp.float32)
    cs = lax.dot_general(onehot, ones, (((0,), (0,)), ((), ())),
                         preferred_element_type=jnp.float32,
                  precision=lax.Precision.HIGHEST)

    @pl.when(i == 0)
    def _():
        pacc[...] = ps
        cacc[...] = cs

    @pl.when(i > 0)
    def _():
        pacc[...] = pacc[...] + ps
        cacc[...] = cacc[...] + cs

    @pl.when(i == NT - 1)
    def _():
        pooled = pacc[...] / jnp.maximum(cacc[...], 1.0)
        pred_out[...] = (jnp.dot(pooled, pw[...],
                                 preferred_element_type=jnp.float32,
                  precision=lax.Precision.HIGHEST)
                         + pb[...])


def _tc_final(hh, stats, gamma, beta, bf, pw, pb):
    return pl.pallas_call(
        _final_body,
        grid=(NT,),
        in_specs=[
            pl.BlockSpec((BN, D), lambda i: (i, 0)),
            pl.BlockSpec((2, D), lambda i: (0, 0)),
            pl.BlockSpec((1, D), lambda i: (0, 0)),
            pl.BlockSpec((1, D), lambda i: (0, 0)),
            pl.BlockSpec((BN, 1), lambda i: (i, 0)),
            pl.BlockSpec((D, 1), lambda i: (0, 0)),
            pl.BlockSpec((1, 1), lambda i: (0, 0)),
        ],
        out_specs=[
            pl.BlockSpec((BN, D), lambda i: (i, 0)),
            pl.BlockSpec((G, 1), lambda i: (0, 0)),
        ],
        out_shape=[
            jax.ShapeDtypeStruct((N, D), jnp.float32),
            jax.ShapeDtypeStruct((G, 1), jnp.float32),
        ],
        scratch_shapes=[
            pltpu.VMEM((G, D), jnp.float32),
            pltpu.VMEM((G, 1), jnp.float32),
        ],
        name="tc_final",
    )(hh, stats, gamma, beta, bf, pw, pb)



def kernel(x, edge_index, edge_attr, batch, params):
    f32 = jnp.float32
    src = edge_index[0]
    dst = edge_index[1]
    eb = edge_attr[:, 0] * 3 + edge_attr[:, 1]

    x0f = x[:, 0].astype(f32).reshape(N, 1)
    x1f = x[:, 1].astype(f32).reshape(N, 1)
    bf = batch.astype(f32).reshape(N, 1)

    zrows = jnp.zeros((RPT, HD), f32)
    itab = jnp.eye(16, HD, dtype=f32)

    e1p = jnp.concatenate([params['x_emb1'][:3], jnp.zeros((5, D), f32)], axis=0)
    e2p = jnp.concatenate([params['x_emb2'][:3], jnp.zeros((5, D), f32)], axis=0)

    hlo, hhi = _tc_embed(x0f, x1f, e1p, e2p)
    c0, c1 = _sc_counts(eb, dst, itab, zrows)

    h_final = None
    pred = None
    for l in range(L):
        lp = params['layers'][l]
        t9 = (lp['ee1'][:3, None, :] + lp['ee2'][None, :3, :]).reshape(9, D)
        const = (lp['ee1'][4] + lp['ee2'][0]).reshape(1, D)
        tp = jnp.concatenate([t9, const, jnp.zeros((HD - 10, D), f32)], axis=0)
        b1r = lp['b1'].reshape(1, 2 * D)
        b2r = lp['b2'].reshape(1, D)
        gr = lp['gamma'].reshape(1, D)
        br = lp['beta'].reshape(1, D)

        slo, shi = _sc_spmm(hlo, hhi, src, dst, zrows)
        hh, stats = _tc_layer_a(slo, shi, hlo, hhi, c0, c1, tp,
                                lp['W1'], b1r, lp['W2'], b2r)
        if l < L - 1:
            hlo, hhi = _tc_layer_b(hh, stats, gr, br)
        else:
            h_final, pred = _tc_final(hh, stats, gr, br, bf,
                                      params['pred_W'],
                                      params['pred_b'].reshape(1, 1))
    return (pred, h_final)

# --- scband reference (transcript-rebuilt; emitter-appended) ---
"""Pipeline reference for scband-gnn-prediction-12214886990271 (READ-ONLY COPY).

The authoritative reference and input builder live on the scoring server;
editing this copy changes nothing except your own understanding.
"""

import jax, jax.numpy as jnp
import numpy as np

N = 10000
E = 160000
D = 256
L = 5
G = 64
NUM_ATOM_TYPE = 120
NUM_CHIRALITY = 3
NUM_BOND_TYPE = 6
NUM_BOND_DIR = 3


def _init_params(key):
    ks = jax.random.split(key, 4 + 8 * L)
    p = {
        'x_emb1': jax.random.normal(ks[0], (NUM_ATOM_TYPE, D), dtype=jnp.float32) * 0.02,
        'x_emb2': jax.random.normal(ks[1], (NUM_CHIRALITY, D), dtype=jnp.float32) * 0.02,
        'pred_W': jax.random.normal(ks[2], (D, 1), dtype=jnp.float32) * (1.0 / np.sqrt(D)),
        'pred_b': jnp.zeros((1,), dtype=jnp.float32),
        'layers': [],
    }
    for l in range(L):
        base = 4 + 8 * l
        lp = {
            'ee1': jax.random.normal(ks[base + 0], (NUM_BOND_TYPE, D), dtype=jnp.float32) * 0.02,
            'ee2': jax.random.normal(ks[base + 1], (NUM_BOND_DIR, D), dtype=jnp.float32) * 0.02,
            'W1': jax.random.normal(ks[base + 2], (D, 2 * D), dtype=jnp.float32) * (1.0 / np.sqrt(D)),
            'b1': jnp.zeros((2 * D,), dtype=jnp.float32),
            'W2': jax.random.normal(ks[base + 3], (2 * D, D), dtype=jnp.float32) * (1.0 / np.sqrt(2 * D)),
            'b2': jnp.zeros((D,), dtype=jnp.float32),
            'gamma': jnp.ones((D,), dtype=jnp.float32),
            'beta': jnp.zeros((D,), dtype=jnp.float32),
        }
        p['layers'].append(lp)
    return p


def setup_inputs(seed: int = 0) -> dict:
    key = jax.random.key(seed)
    ks = jax.random.split(key, 6)
    x = jax.random.randint(ks[0], (N, 2), 0, 3, dtype=jnp.int32)
    edge_index = jax.random.randint(ks[1], (2, E), 0, N, dtype=jnp.int32)
    edge_attr = jax.random.randint(ks[2], (E, 2), 0, 3, dtype=jnp.int32)
    batch = jnp.sort(jax.random.randint(ks[3], (N,), 0, G, dtype=jnp.int32))
    params = _init_params(ks[4])
    return {'x': x, 'edge_index': edge_index, 'edge_attr': edge_attr, 'batch': batch, 'params': params}


def _gnn_forward(params, x, edge_index, edge_attr, batch):
    # atom embedding sum (pretrain-gnns chem GNN)
    h = params['x_emb1'][x[:, 0]] + params['x_emb2'][x[:, 1]]
    # add self loops with bond-type attr [4, 0]
    loop = jnp.arange(N, dtype=edge_index.dtype)
    si = jnp.concatenate([edge_index[0], loop])
    di = jnp.concatenate([edge_index[1], loop])
    self_attr = jnp.tile(jnp.array([[4, 0]], dtype=edge_attr.dtype), (N, 1))
    ea = jnp.concatenate([edge_attr, self_attr], axis=0)
    for l in range(L):
        lp = params['layers'][l]
        e_emb = lp['ee1'][ea[:, 0]] + lp['ee2'][ea[:, 1]]
        msg = h[si] + e_emb
        agg = jax.ops.segment_sum(msg, di, num_segments=N)
        hh = jax.nn.relu(agg @ lp['W1'] + lp['b1']) @ lp['W2'] + lp['b2']
        # BatchNorm1d (batch statistics)
        mu = jnp.mean(hh, axis=0)
        var = jnp.var(hh, axis=0)
        hh = (hh - mu) / jnp.sqrt(var + 1e-5) * lp['gamma'] + lp['beta']
        # dropout_prob = 0 -> no-op; relu on all but last layer (jk='last')
        h = hh if l == L - 1 else jax.nn.relu(hh)
    # global mean pool over graphs
    sums = jax.ops.segment_sum(h, batch, num_segments=G)
    cnts = jax.ops.segment_sum(jnp.ones((N,), dtype=h.dtype), batch, num_segments=G)
    pooled = sums / jnp.clip(cnts, 1.0)[:, None]
    pred = pooled @ params['pred_W'] + params['pred_b']
    return (pred, h)


def reference(x, edge_index, edge_attr, batch, params):
    return _gnn_forward(params, x, edge_index, edge_attr, batch)

if __name__ == "__main__":
    import jax
    _d = setup_inputs()
    print(jax.jit(kernel)(*tuple(_d.values())))

</pallas_src>

<mosaic_0001>
#map = affine_map<(d0, d1) -> (0, 0)>
#map1 = affine_map<(d0, d1) -> (0)>
module attributes {stable_mosaic.version = 14 : i64} {
  func.func @sc_spmm(%arg0: i32, %arg1: i32, %arg2: memref<10000x128xf32, #tpu.memory_space<hbm>>, %arg3: memref<10000x128xf32, #tpu.memory_space<hbm>>, %arg4: memref<160000xi32, #tpu.memory_space<hbm>>, %arg5: memref<160000xi32, #tpu.memory_space<hbm>>, %arg6: memref<624x128xf32, #tpu.memory_space<hbm>>, %arg7: memref<10000x128xf32, #tpu.memory_space<hbm>>, %arg8: memref<10000x128xf32, #tpu.memory_space<hbm>>, %arg9: memref<10000x128xf32, #tpu.memory_space<vmem_shared>>, %arg10: memref<128xi32, #tpu.memory_space<vmem>>, %arg11: memref<128xi32, #tpu.memory_space<vmem>>, %arg12: memref<128x128xf32, #tpu.memory_space<vmem>>, %arg13: memref<16xi32, #tpu.memory_space<vmem>>, %arg14: memref<16xi32, #tpu.memory_space<vmem>>, %arg15: memref<16x128xf32, #tpu.memory_space<vmem>>, %arg16: memref<!tpu.dma_semaphore, #tpu.memory_space<semaphore_mem>>) attributes {dimension_semantics = [#tpu.dimension_semantics<core_parallel>, #tpu.dimension_semantics<subcore_parallel>], iteration_bounds = array<i64: 2, 16>, scalar_prefetch = 0 : i64, scratch_operands = 8 : i64, tpu.core_type = #tpu.core_type<sc_vector_subcore>, window_params = [{transform_indices = #map}, {transform_indices = #map}, {transform_indices = #map1}, {transform_indices = #map1}, {transform_indices = #map}, {transform_indices = #map}, {transform_indices = #map}]} {
    %mul3A = arith.constant 624 : i32
    %mul3A_0 = arith.muli %arg1, %mul3A : i32
    %mul3A_1 = arith.constant 10000 : i32
    %mul3A_2 = arith.muli %arg1, %mul3A_1 : i32
    %eq3A = arith.constant 0 : i32
    %eq3A_3 = arith.cmpi eq, %arg0, %eq3A : i32
    %convert_element_type3A = arith.extui %eq3A_3 : i1 to i32
    %cond3A = arith.constant 0 : i32
    %cond3A_4 = arith.cmpi ne, %convert_element_type3A, %cond3A : i32
    scf.if %cond3A_4 {
      "tpu.region"() ({
        %run_scoped3A = tpu.sem_alloc : memref<!tpu.dma_semaphore, #tpu.memory_space<semaphore_mem>>
        %dma_start3A_31 = arith.constant 0 : i32
        %dma_start3A_32 = tpu.memref_slice %arg9[%mul3A_0, %dma_start3A_31] : memref<10000x128xf32, #tpu.memory_space<vmem_shared>> -> memref<624x128xf32, #tpu.memory_space<vmem_shared>>
        %dma_start3A_33 = arith.constant 0 : i32
        %dma_start3A_34 = arith.constant 0 : i32
        %dma_start3A_35 = tpu.memref_slice %arg6[%dma_start3A_33, %dma_start3A_34] : memref<624x128xf32, #tpu.memory_space<hbm>> -> memref<624x128xf32, #tpu.memory_space<hbm>>
        tpu.enqueue_dma source(%dma_start3A_35 : memref<624x128xf32, #tpu.memory_space<hbm>>) target(%dma_start3A_32 : memref<624x128xf32, #tpu.memory_space<vmem_shared>>) target_semaphore(%run_scoped3A : memref<!tpu.dma_semaphore, #tpu.memory_space<semaphore_mem>>)
        %dma_wait3A_36 = arith.constant 0 : i32
        %dma_wait3A_37 = tpu.memref_slice %arg9[%mul3A_0, %dma_wait3A_36] : memref<10000x128xf32, #tpu.memory_space<vmem_shared>> -> memref<624x128xf32, #tpu.memory_space<vmem_shared>>
        %dma_wait3A_38 = arith.constant 0 : i32
        %dma_wait3A_39 = arith.constant 0 : i32
        %dma_wait3A_40 = tpu.memref_slice %arg6[%dma_wait3A_38, %dma_wait3A_39] : memref<624x128xf32, #tpu.memory_space<hbm>> -> memref<624x128xf32, #tpu.memory_space<hbm>>
        tpu.wait_dma2 semaphore(%run_scoped3A : memref<!tpu.dma_semaphore, #tpu.memory_space<semaphore_mem>>) src(%dma_wait3A_40 : memref<624x128xf32, #tpu.memory_space<hbm>>) dst(%dma_wait3A_37 : memref<624x128xf32, #tpu.memory_space<vmem_shared>>)
        tpu.yield
      }) : () -> ()
      %eq3A_10 = arith.constant 15 : i32
      %eq3A_11 = arith.cmpi eq, %arg1, %eq3A_10 : i32
      %convert_element_type3A_12 = arith.extui %eq3A_11 : i1 to i32
      %cond3A_13 = arith.constant 0 : i32
      %cond3A_14 = arith.cmpi ne, %convert_element_type3A_12, %cond3A_13 : i32
      scf.if %cond3A_14 {
        "tpu.region"() ({
          %run_scoped3A = tpu.sem_alloc : memref<!tpu.dma_semaphore, #tpu.memory_space<semaphore_mem>>
          %dma_start3A_31 = arith.constant 9984 : i32
          %dma_start3A_32 = arith.constant 0 : i32
          %dma_start3A_33 = tpu.memref_slice %arg9[%dma_start3A_31, %dma_start3A_32] : memref<10000x128xf32, #tpu.memory_space<vmem_shared>> -> memref<16x128xf32, #tpu.memory_space<vmem_shared>>
          %dma_start3A_34 = arith.constant 0 : i32
          %dma_start3A_35 = arith.constant 0 : i32
          %dma_start3A_36 = tpu.memref_slice %arg6[%dma_start3A_34, %dma_start3A_35] : memref<624x128xf32, #tpu.memory_space<hbm>> -> memref<16x128xf32, #tpu.memory_space<hbm>>
          tpu.enqueue_dma source(%dma_start3A_36 : memref<16x128xf32, #tpu.memory_space<hbm>>) target(%dma_start3A_33 : memref<16x128xf32, #tpu.memory_space<vmem_shared>>) target_semaphore(%run_scoped3A : memref<!tpu.dma_semaphore, #tpu.memory_space<semaphore_mem>>)
          %dma_wait3A_37 = arith.constant 9984 : i32
          %dma_wait3A_38 = arith.constant 0 : i32
          %dma_wait3A_39 = tpu.memref_slice %arg9[%dma_wait3A_37, %dma_wait3A_38] : memref<10000x128xf32, #tpu.memory_space<vmem_shared>> -> memref<16x128xf32, #tpu.memory_space<vmem_shared>>
          %dma_wait3A_40 = arith.constant 0 : i32
          %dma_wait3A_41 = arith.constant 0 : i32
          %dma_wait3A_42 = tpu.memref_slice %arg6[%dma_wait3A_40, %dma_wait3A_41] : memref<624x128xf32, #tpu.memory_space<hbm>> -> memref<16x128xf32, #tpu.memory_space<hbm>>
          tpu.wait_dma2 semaphore(%run_scoped3A : memref<!tpu.dma_semaphore, #tpu.memory_space<semaphore_mem>>) src(%dma_wait3A_42 : memref<16x128xf32, #tpu.memory_space<hbm>>) dst(%dma_wait3A_39 : memref<16x128xf32, #tpu.memory_space<vmem_shared>>)
          tpu.yield
        }) : () -> ()
      } else {
      }
      %barrier3A = arith.constant 0 : index
      tpu.barrier barrier_id(%barrier3A)
      %scan3A = arith.constant 0 : i32
      %scan3A_15 = arith.constant 0 : i32
      %scan3A_16 = arith.constant 78 : i32
      %scan3A_17 = arith.addi %scan3A_15, %scan3A_16 : i32
      %scan3A_18 = arith.constant 1 : i32
      scf.for %scan3A_31 = %scan3A_15 to %scan3A_17 step %scan3A_18  : i32 {
        %mul3A_32 = arith.constant 128 : i32
        %mul3A_33 = arith.muli %scan3A_31, %mul3A_32 : i32
        %add3A_34 = arith.addi %mul3A_2, %mul3A_33 : i32
        "tpu.region"() ({
          %run_scoped3A = tpu.sem_alloc : memref<!tpu.dma_semaphore, #tpu.memory_space<semaphore_mem>>
          %dma_start3A_41 = tpu.memref_slice %arg4[%add3A_34] : memref<160000xi32, #tpu.memory_space<hbm>> -> memref<128xi32, #tpu.memory_space<hbm>>
          %dma_start3A_42 = tpu.memref_slice %arg4[%add3A_34] : memref<160000xi32, #tpu.memory_space<hbm>> -> memref<128xi32, #tpu.memory_space<hbm>>
          tpu.enqueue_dma source(%dma_start3A_42 : memref<128xi32, #tpu.memory_space<hbm>>) target(%arg10 : memref<128xi32, #tpu.memory_space<vmem>>) target_semaphore(%run_scoped3A : memref<!tpu.dma_semaphore, #tpu.memory_space<semaphore_mem>>)
          %dma_wait3A_43 = tpu.memref_slice %arg4[%add3A_34] : memref<160000xi32, #tpu.memory_space<hbm>> -> memref<128xi32, #tpu.memory_space<hbm>>
          %dma_wait3A_44 = tpu.memref_slice %arg4[%add3A_34] : memref<160000xi32, #tpu.memory_space<hbm>> -> memref<128xi32, #tpu.memory_space<hbm>>
          tpu.wait_dma2 semaphore(%run_scoped3A : memref<!tpu.dma_semaphore, #tpu.memory_space<semaphore_mem>>) src(%dma_wait3A_44 : memref<128xi32, #tpu.memory_space<hbm>>) dst(%arg10 : memref<128xi32, #tpu.memory_space<vmem>>)
          tpu.yield
        }) : () -> ()
        "tpu.region"() ({
          %run_scoped3A = tpu.sem_alloc : memref<!tpu.dma_semaphore, #tpu.memory_space<semaphore_mem>>
          %dma_start3A_41 = tpu.memref_slice %arg5[%add3A_34] : memref<160000xi32, #tpu.memory_space<hbm>> -> memref<128xi32, #tpu.memory_space<hbm>>
          %dma_start3A_42 = tpu.memref_slice %arg5[%add3A_34] : memref<160000xi32, #tpu.memory_space<hbm>> -> memref<128xi32, #tpu.memory_space<hbm>>
          tpu.enqueue_dma source(%dma_start3A_42 : memref<128xi32, #tpu.memory_space<hbm>>) target(%arg11 : memref<128xi32, #tpu.memory_space<vmem>>) target_semaphore(%run_scoped3A : memref<!tpu.dma_semaphore, #tpu.memory_space<semaphore_mem>>)
          %dma_wait3A_43 = tpu.memref_slice %arg5[%add3A_34] : memref<160000xi32, #tpu.memory_space<hbm>> -> memref<128xi32, #tpu.memory_space<hbm>>
          %dma_wait3A_44 = tpu.memref_slice %arg5[%add3A_34] : memref<160000xi32, #tpu.memory_space<hbm>> -> memref<128xi32, #tpu.memory_space<hbm>>
          tpu.wait_dma2 semaphore(%run_scoped3A : memref<!tpu.dma_semaphore, #tpu.memory_space<semaphore_mem>>) src(%dma_wait3A_44 : memref<128xi32, #tpu.memory_space<hbm>>) dst(%arg11 : memref<128xi32, #tpu.memory_space<vmem>>)
          tpu.yield
        }) : () -> ()
        %dma_start3A_35 = arith.constant 0 : i32
        %dma_start3A_36 = arith.constant 0 : i32
        %dma_start3A_37 = tpu.memref_slice %arg2[%dma_start3A_35, %dma_start3A_36] : memref<10000x128xf32, #tpu.memory_space<hbm>> -> memref<10000x128xf32, #tpu.memory_space<hbm>>
        tpu.enqueue_indirect_dma source(%dma_start3A_37 : memref<10000x128xf32, #tpu.memory_space<hbm>>) target(%arg12 : memref<128x128xf32, #tpu.memory_space<vmem>>) offsets(%arg10 : memref<128xi32, #tpu.memory_space<vmem>>) semaphore(%arg16 : memref<!tpu.dma_semaphore, #tpu.memory_space<semaphore_mem>>)
        %dma_wait3A_38 = arith.constant 0 : i32
        %dma_wait3A_39 = arith.constant 0 : i32
        %dma_wait3A_40 = tpu.memref_slice %arg2[%dma_wait3A_38, %dma_wait3A_39] : memref<10000x128xf32, #tpu.memory_space<hbm>> -> memref<10000x128xf32, #tpu.memory_space<hbm>>
        tpu.wait_indirect_dma semaphore(%arg16 : memref<!tpu.dma_semaphore, #tpu.memory_space<semaphore_mem>>) src(%dma_wait3A_40 : memref<10000x128xf32, #tpu.memory_space<hbm>>) dst(%arg12 : memref<128x128xf32, #tpu.memory_space<vmem>>)
        "tpu.region"() ({
          %run_scoped3A = tpu.sem_alloc : memref<!tpu.dma_semaphore, #tpu.memory_space<semaphore_mem>>
          %dma_start3A_41 = arith.constant 0 : i32
          %dma_start3A_42 = arith.constant 0 : i32
          %dma_start3A_43 = tpu.memref_slice %arg9[%dma_start3A_41, %dma_start3A_42] : memref<10000x128xf32, #tpu.memory_space<vmem_shared>> -> memref<10000x128xf32, #tpu.memory_space<vmem_shared>>
          tpu.enqueue_indirect_dma source(%arg12 : memref<128x128xf32, #tpu.memory_space<vmem>>) target(%dma_start3A_43 : memref<10000x128xf32, #tpu.memory_space<vmem_shared>>) offsets(%arg11 : memref<128xi32, #tpu.memory_space<vmem>>) semaphore(%run_scoped3A : memref<!tpu.dma_semaphore, #tpu.memory_space<semaphore_mem>>) {add = true}
          %dma_wait3A_44 = arith.constant 0 : i32
          %dma_wait3A_45 = arith.constant 0 : i32
          %dma_wait3A_46 = tpu.memref_slice %arg9[%dma_wait3A_44, %dma_wait3A_45] : memref<10000x128xf32, #tpu.memory_space<vmem_shared>> -> memref<10000x128xf32, #tpu.memory_space<vmem_shared>>
          tpu.wait_indirect_dma semaphore(%run_scoped3A : memref<!tpu.dma_semaphore, #tpu.memory_space<semaphore_mem>>) src(%arg12 : memref<128x128xf32, #tpu.memory_space<vmem>>) dst(%dma_wait3A_46 : memref<10000x128xf32, #tpu.memory_space<vmem_shared>>)
          tpu.yield
        }) : () -> ()
      }
      %scan3A_19 = arith.constant 78 : i32
      %add3A = arith.constant 9984 : i32
      %add3A_20 = arith.addi %mul3A_2, %add3A : i32
      "tpu.region"() ({
        %run_scoped3A = tpu.sem_alloc : memref<!tpu.dma_semaphore, #tpu.memory_space<semaphore_mem>>
        %dma_start3A_31 = tpu.memref_slice %arg4[%add3A_20] : memref<160000xi32, #tpu.memory_space<hbm>> -> memref<16xi32, #tpu.memory_space<hbm>>
        %dma_start3A_32 = tpu.memref_slice %arg4[%add3A_20] : memref<160000xi32, #tpu.memory_space<hbm>> -> memref<16xi32, #tpu.memory_space<hbm>>
        tpu.enqueue_dma source(%dma_start3A_32 : memref<16xi32, #tpu.memory_space<hbm>>) target(%arg13 : memref<16xi32, #tpu.memory_space<vmem>>) target_semaphore(%run_scoped3A : memref<!tpu.dma_semaphore, #tpu.memory_space<semaphore_mem>>)
        %dma_wait3A_33 = tpu.memref_slice %arg4[%add3A_20] : memref<160000xi32, #tpu.memory_space<hbm>> -> memref<16xi32, #tpu.memory_space<hbm>>
        %dma_wait3A_34 = tpu.memref_slice %arg4[%add3A_20] : memref<160000xi32, #tpu.memory_space<hbm>> -> memref<16xi32, #tpu.memory_space<hbm>>
        tpu.wait_dma2 semaphore(%run_scoped3A : memref<!tpu.dma_semaphore, #tpu.memory_space<semaphore_mem>>) src(%dma_wait3A_34 : memref<16xi32, #tpu.memory_space<hbm>>) dst(%arg13 : memref<16xi32, #tpu.memory_space<vmem>>)
        tpu.yield
      }) : () -> ()
      "tpu.region"() ({
        %run_scoped3A = tpu.sem_alloc : memref<!tpu.dma_semaphore, #tpu.memory_space<semaphore_mem>>
        %dma_start3A_31 = tpu.memref_slice %arg5[%add3A_20] : memref<160000xi32, #tpu.memory_space<hbm>> -> memref<16xi32, #tpu.memory_space<hbm>>
        %dma_start3A_32 = tpu.memref_slice %arg5[%add3A_20] : memref<160000xi32, #tpu.memory_space<hbm>> -> memref<16xi32, #tpu.memory_space<hbm>>
        tpu.enqueue_dma source(%dma_start3A_32 : memref<16xi32, #tpu.memory_space<hbm>>) target(%arg14 : memref<16xi32, #tpu.memory_space<vmem>>) target_semaphore(%run_scoped3A : memref<!tpu.dma_semaphore, #tpu.memory_space<semaphore_mem>>)
        %dma_wait3A_33 = tpu.memref_slice %arg5[%add3A_20] : memref<160000xi32, #tpu.memory_space<hbm>> -> memref<16xi32, #tpu.memory_space<hbm>>
        %dma_wait3A_34 = tpu.memref_slice %arg5[%add3A_20] : memref<160000xi32, #tpu.memory_space<hbm>> -> memref<16xi32, #tpu.memory_space<hbm>>
        tpu.wait_dma2 semaphore(%run_scoped3A : memref<!tpu.dma_semaphore, #tpu.memory_space<semaphore_mem>>) src(%dma_wait3A_34 : memref<16xi32, #tpu.memory_space<hbm>>) dst(%arg14 : memref<16xi32, #tpu.memory_space<vmem>>)
        tpu.yield
      }) : () -> ()
      %dma_start3A = arith.constant 0 : i32
      %dma_start3A_21 = arith.constant 0 : i32
      %dma_start3A_22 = tpu.memref_slice %arg2[%dma_start3A, %dma_start3A_21] : memref<10000x128xf32, #tpu.memory_space<hbm>> -> memref<10000x128xf32, #tpu.memory_space<hbm>>
      tpu.enqueue_indirect_dma source(%dma_start3A_22 : memref<10000x128xf32, #tpu.memory_space<hbm>>) target(%arg15 : memref<16x128xf32, #tpu.memory_space<vmem>>) offsets(%arg13 : memref<16xi32, #tpu.memory_space<vmem>>) semaphore(%arg16 : memref<!tpu.dma_semaphore, #tpu.memory_space<semaphore_mem>>)
      %dma_wait3A = arith.constant 0 : i32
      %dma_wait3A_23 = arith.constant 0 : i32
      %dma_wait3A_24 = tpu.memref_slice %arg2[%dma_wait3A, %dma_wait3A_23] : memref<10000x128xf32, #tpu.memory_space<hbm>> -> memref<10000x128xf32, #tpu.memory_space<hbm>>
      tpu.wait_indirect_dma semaphore(%arg16 : memref<!tpu.dma_semaphore, #tpu.memory_space<semaphore_mem>>) src(%dma_wait3A_24 : memref<10000x128xf32, #tpu.memory_space<hbm>>) dst(%arg15 : memref<16x128xf32, #tpu.memory_space<vmem>>)
      "tpu.region"() ({
        %run_scoped3A = tpu.sem_alloc : memref<!tpu.dma_semaphore, #tpu.memory_space<semaphore_mem>>
        %dma_start3A_31 = arith.constant 0 : i32
        %dma_start3A_32 = arith.constant 0 : i32
        %dma_start3A_33 = tpu.memref_slice %arg9[%dma_start3A_31, %dma_start3A_32] : memref<10000x128xf32, #tpu.memory_space<vmem_shared>> -> memref<10000x128xf32, #tpu.memory_space<vmem_shared>>
        tpu.enqueue_indirect_dma source(%arg15 : memref<16x128xf32, #tpu.memory_space<vmem>>) target(%dma_start3A_33 : memref<10000x128xf32, #tpu.memory_space<vmem_shared>>) offsets(%arg14 : memref<16xi32, #tpu.memory_space<vmem>>) semaphore(%run_scoped3A : memref<!tpu.dma_semaphore, #tpu.memory_space<semaphore_mem>>) {add = true}
        %dma_wait3A_34 = arith.constant 0 : i32
        %dma_wait3A_35 = arith.constant 0 : i32
        %dma_wait3A_36 = tpu.memref_slice %arg9[%dma_wait3A_34, %dma_wait3A_35] : memref<10000x128xf32, #tpu.memory_space<vmem_shared>> -> memref<10000x128xf32, #tpu.memory_space<vmem_shared>>
        tpu.wait_indirect_dma semaphore(%run_scoped3A : memref<!tpu.dma_semaphore, #tpu.memory_space<semaphore_mem>>) src(%arg15 : memref<16x128xf32, #tpu.memory_space<vmem>>) dst(%dma_wait3A_36 : memref<10000x128xf32, #tpu.memory_space<vmem_shared>>)
        tpu.yield
      }) : () -> ()
      %barrier3A_25 = arith.constant 0 : index
      tpu.barrier barrier_id(%barrier3A_25)
      "tpu.region"() ({
        %run_scoped3A = tpu.sem_alloc : memref<!tpu.dma_semaphore, #tpu.memory_space<semaphore_mem>>
        %dma_start3A_31 = arith.constant 0 : i32
        %dma_start3A_32 = tpu.memref_slice %arg7[%mul3A_0, %dma_start3A_31] : memref<10000x128xf32, #tpu.memory_space<hbm>> -> memref<624x128xf32, #tpu.memory_space<hbm>>
        %dma_start3A_33 = arith.constant 0 : i32
        %dma_start3A_34 = tpu.memref_slice %arg9[%mul3A_0, %dma_start3A_33] : memref<10000x128xf32, #tpu.memory_space<vmem_shared>> -> memref<624x128xf32, #tpu.memory_space<vmem_shared>>
        tpu.enqueue_dma source(%dma_start3A_34 : memref<624x128xf32, #tpu.memory_space<vmem_shared>>) target(%dma_start3A_32 : memref<624x128xf32, #tpu.memory_space<hbm>>) target_semaphore(%run_scoped3A : memref<!tpu.dma_semaphore, #tpu.memory_space<semaphore_mem>>)
        %dma_wait3A_35 = arith.constant 0 : i32
        %dma_wait3A_36 = tpu.memref_slice %arg7[%mul3A_0, %dma_wait3A_35] : memref<10000x128xf32, #tpu.memory_space<hbm>> -> memref<624x128xf32, #tpu.memory_space<hbm>>
        %dma_wait3A_37 = arith.constant 0 : i32
        %dma_wait3A_38 = tpu.memref_slice %arg9[%mul3A_0, %dma_wait3A_37] : memref<10000x128xf32, #tpu.memory_space<vmem_shared>> -> memref<624x128xf32, #tpu.memory_space<vmem_shared>>
        tpu.wait_dma2 semaphore(%run_scoped3A : memref<!tpu.dma_semaphore, #tpu.memory_space<semaphore_mem>>) src(%dma_wait3A_38 : memref<624x128xf32, #tpu.memory_space<vmem_shared>>) dst(%dma_wait3A_36 : memref<624x128xf32, #tpu.memory_space<hbm>>)
        tpu.yield
      }) : () -> ()
      %eq3A_26 = arith.constant 15 : i32
      %eq3A_27 = arith.cmpi eq, %arg1, %eq3A_26 : i32
      %convert_element_type3A_28 = arith.extui %eq3A_27 : i1 to i32
      %cond3A_29 = arith.constant 0 : i32
      %cond3A_30 = arith.cmpi ne, %convert_element_type3A_28, %cond3A_29 : i32
      scf.if %cond3A_30 {
        "tpu.region"() ({
          %run_scoped3A = tpu.sem_alloc : memref<!tpu.dma_semaphore, #tpu.memory_space<semaphore_mem>>
          %dma_start3A_31 = arith.constant 9984 : i32
          %dma_start3A_32 = arith.constant 0 : i32
          %dma_start3A_33 = tpu.memref_slice %arg7[%dma_start3A_31, %dma_start3A_32] : memref<10000x128xf32, #tpu.memory_space<hbm>> -> memref<16x128xf32, #tpu.memory_space<hbm>>
          %dma_start3A_34 = arith.constant 9984 : i32
          %dma_start3A_35 = arith.constant 0 : i32
          %dma_start3A_36 = tpu.memref_slice %arg9[%dma_start3A_34, %dma_start3A_35] : memref<10000x128xf32, #tpu.memory_space<vmem_shared>> -> memref<16x128xf32, #tpu.memory_space<vmem_shared>>
          tpu.enqueue_dma source(%dma_start3A_36 : memref<16x128xf32, #tpu.memory_space<vmem_shared>>) target(%dma_start3A_33 : memref<16x128xf32, #tpu.memory_space<hbm>>) target_semaphore(%run_scoped3A : memref<!tpu.dma_semaphore, #tpu.memory_space<semaphore_mem>>)
          %dma_wait3A_37 = arith.constant 9984 : i32
          %dma_wait3A_38 = arith.constant 0 : i32
          %dma_wait3A_39 = tpu.memref_slice %arg7[%dma_wait3A_37, %dma_wait3A_38] : memref<10000x128xf32, #tpu.memory_space<hbm>> -> memref<16x128xf32, #tpu.memory_space<hbm>>
          %dma_wait3A_40 = arith.constant 9984 : i32
          %dma_wait3A_41 = arith.constant 0 : i32
          %dma_wait3A_42 = tpu.memref_slice %arg9[%dma_wait3A_40, %dma_wait3A_41] : memref<10000x128xf32, #tpu.memory_space<vmem_shared>> -> memref<16x128xf32, #tpu.memory_space<vmem_shared>>
          tpu.wait_dma2 semaphore(%run_scoped3A : memref<!tpu.dma_semaphore, #tpu.memory_space<semaphore_mem>>) src(%dma_wait3A_42 : memref<16x128xf32, #tpu.memory_space<vmem_shared>>) dst(%dma_wait3A_39 : memref<16x128xf32, #tpu.memory_space<hbm>>)
          tpu.yield
        }) : () -> ()
      } else {
      }
    } else {
    }
    %eq3A_5 = arith.constant 1 : i32
    %eq3A_6 = arith.cmpi eq, %arg0, %eq3A_5 : i32
    %convert_element_type3A_7 = arith.extui %eq3A_6 : i1 to i32
    %cond3A_8 = arith.constant 0 : i32
    %cond3A_9 = arith.cmpi ne, %convert_element_type3A_7, %cond3A_8 : i32
    scf.if %cond3A_9 {
      "tpu.region"() ({
        %run_scoped3A = tpu.sem_alloc : memref<!tpu.dma_semaphore, #tpu.memory_space<semaphore_mem>>
        %dma_start3A_31 = arith.constant 0 : i32
        %dma_start3A_32 = tpu.memref_slice %arg9[%mul3A_0, %dma_start3A_31] : memref<10000x128xf32, #tpu.memory_space<vmem_shared>> -> memref<624x128xf32, #tpu.memory_space<vmem_shared>>
        %dma_start3A_33 = arith.constant 0 : i32
        %dma_start3A_34 = arith.constant 0 : i32
        %dma_start3A_35 = tpu.memref_slice %arg6[%dma_start3A_33, %dma_start3A_34] : memref<624x128xf32, #tpu.memory_space<hbm>> -> memref<624x128xf32, #tpu.memory_space<hbm>>
        tpu.enqueue_dma source(%dma_start3A_35 : memref<624x128xf32, #tpu.memory_space<hbm>>) target(%dma_start3A_32 : memref<624x128xf32, #tpu.memory_space<vmem_shared>>) target_semaphore(%run_scoped3A : memref<!tpu.dma_semaphore, #tpu.memory_space<semaphore_mem>>)
        %dma_wait3A_36 = arith.constant 0 : i32
        %dma_wait3A_37 = tpu.memref_slice %arg9[%mul3A_0, %dma_wait3A_36] : memref<10000x128xf32, #tpu.memory_space<vmem_shared>> -> memref<624x128xf32, #tpu.memory_space<vmem_shared>>
        %dma_wait3A_38 = arith.constant 0 : i32
        %dma_wait3A_39 = arith.constant 0 : i32
        %dma_wait3A_40 = tpu.memref_slice %arg6[%dma_wait3A_38, %dma_wait3A_39] : memref<624x128xf32, #tpu.memory_space<hbm>> -> memref<624x128xf32, #tpu.memory_space<hbm>>
        tpu.wait_dma2 semaphore(%run_scoped3A : memref<!tpu.dma_semaphore, #tpu.memory_space<semaphore_mem>>) src(%dma_wait3A_40 : memref<624x128xf32, #tpu.memory_space<hbm>>) dst(%dma_wait3A_37 : memref<624x128xf32, #tpu.memory_space<vmem_shared>>)
        tpu.yield
      }) : () -> ()
      %eq3A_10 = arith.constant 15 : i32
      %eq3A_11 = arith.cmpi eq, %arg1, %eq3A_10 : i32
      %convert_element_type3A_12 = arith.extui %eq3A_11 : i1 to i32
      %cond3A_13 = arith.constant 0 : i32
      %cond3A_14 = arith.cmpi ne, %convert_element_type3A_12, %cond3A_13 : i32
      scf.if %cond3A_14 {
        "tpu.region"() ({
          %run_scoped3A = tpu.sem_alloc : memref<!tpu.dma_semaphore, #tpu.memory_space<semaphore_mem>>
          %dma_start3A_31 = arith.constant 9984 : i32
          %dma_start3A_32 = arith.constant 0 : i32
          %dma_start3A_33 = tpu.memref_slice %arg9[%dma_start3A_31, %dma_start3A_32] : memref<10000x128xf32, #tpu.memory_space<vmem_shared>> -> memref<16x128xf32, #tpu.memory_space<vmem_shared>>
          %dma_start3A_34 = arith.constant 0 : i32
          %dma_start3A_35 = arith.constant 0 : i32
          %dma_start3A_36 = tpu.memref_slice %arg6[%dma_start3A_34, %dma_start3A_35] : memref<624x128xf32, #tpu.memory_space<hbm>> -> memref<16x128xf32, #tpu.memory_space<hbm>>
          tpu.enqueue_dma source(%dma_start3A_36 : memref<16x128xf32, #tpu.memory_space<hbm>>) target(%dma_start3A_33 : memref<16x128xf32, #tpu.memory_space<vmem_shared>>) target_semaphore(%run_scoped3A : memref<!tpu.dma_semaphore, #tpu.memory_space<semaphore_mem>>)
          %dma_wait3A_37 = arith.constant 9984 : i32
          %dma_wait3A_38 = arith.constant 0 : i32
          %dma_wait3A_39 = tpu.memref_slice %arg9[%dma_wait3A_37, %dma_wait3A_38] : memref<10000x128xf32, #tpu.memory_space<vmem_shared>> -> memref<16x128xf32, #tpu.memory_space<vmem_shared>>
          %dma_wait3A_40 = arith.constant 0 : i32
          %dma_wait3A_41 = arith.constant 0 : i32
          %dma_wait3A_42 = tpu.memref_slice %arg6[%dma_wait3A_40, %dma_wait3A_41] : memref<624x128xf32, #tpu.memory_space<hbm>> -> memref<16x128xf32, #tpu.memory_space<hbm>>
          tpu.wait_dma2 semaphore(%run_scoped3A : memref<!tpu.dma_semaphore, #tpu.memory_space<semaphore_mem>>) src(%dma_wait3A_42 : memref<16x128xf32, #tpu.memory_space<hbm>>) dst(%dma_wait3A_39 : memref<16x128xf32, #tpu.memory_space<vmem_shared>>)
          tpu.yield
        }) : () -> ()
      } else {
      }
      %barrier3A = arith.constant 0 : index
      tpu.barrier barrier_id(%barrier3A)
      %scan3A = arith.constant 0 : i32
      %scan3A_15 = arith.constant 0 : i32
      %scan3A_16 = arith.constant 78 : i32
      %scan3A_17 = arith.addi %scan3A_15, %scan3A_16 : i32
      %scan3A_18 = arith.constant 1 : i32
      scf.for %scan3A_31 = %scan3A_15 to %scan3A_17 step %scan3A_18  : i32 {
        %mul3A_32 = arith.constant 128 : i32
        %mul3A_33 = arith.muli %scan3A_31, %mul3A_32 : i32
        %add3A_34 = arith.addi %mul3A_2, %mul3A_33 : i32
        "tpu.region"() ({
          %run_scoped3A = tpu.sem_alloc : memref<!tpu.dma_semaphore, #tpu.memory_space<semaphore_mem>>
          %dma_start3A_41 = tpu.memref_slice %arg4[%add3A_34] : memref<160000xi32, #tpu.memory_space<hbm>> -> memref<128xi32, #tpu.memory_space<hbm>>
          %dma_start3A_42 = tpu.memref_slice %arg4[%add3A_34] : memref<160000xi32, #tpu.memory_space<hbm>> -> memref<128xi32, #tpu.memory_space<hbm>>
          tpu.enqueue_dma source(%dma_start3A_42 : memref<128xi32, #tpu.memory_space<hbm>>) target(%arg10 : memref<128xi32, #tpu.memory_space<vmem>>) target_semaphore(%run_scoped3A : memref<!tpu.dma_semaphore, #tpu.memory_space<semaphore_mem>>)
          %dma_wait3A_43 = tpu.memref_slice %arg4[%add3A_34] : memref<160000xi32, #tpu.memory_space<hbm>> -> memref<128xi32, #tpu.memory_space<hbm>>
          %dma_wait3A_44 = tpu.memref_slice %arg4[%add3A_34] : memref<160000xi32, #tpu.memory_space<hbm>> -> memref<128xi32, #tpu.memory_space<hbm>>
          tpu.wait_dma2 semaphore(%run_scoped3A : memref<!tpu.dma_semaphore, #tpu.memory_space<semaphore_mem>>) src(%dma_wait3A_44 : memref<128xi32, #tpu.memory_space<hbm>>) dst(%arg10 : memref<128xi32, #tpu.memory_space<vmem>>)
          tpu.yield
        }) : () -> ()
        "tpu.region"() ({
          %run_scoped3A = tpu.sem_alloc : memref<!tpu.dma_semaphore, #tpu.memory_space<semaphore_mem>>
          %dma_start3A_41 = tpu.memref_slice %arg5[%add3A_34] : memref<160000xi32, #tpu.memory_space<hbm>> -> memref<128xi32, #tpu.memory_space<hbm>>
          %dma_start3A_42 = tpu.memref_slice %arg5[%add3A_34] : memref<160000xi32, #tpu.memory_space<hbm>> -> memref<128xi32, #tpu.memory_space<hbm>>
          tpu.enqueue_dma source(%dma_start3A_42 : memref<128xi32, #tpu.memory_space<hbm>>) target(%arg11 : memref<128xi32, #tpu.memory_space<vmem>>) target_semaphore(%run_scoped3A : memref<!tpu.dma_semaphore, #tpu.memory_space<semaphore_mem>>)
          %dma_wait3A_43 = tpu.memref_slice %arg5[%add3A_34] : memref<160000xi32, #tpu.memory_space<hbm>> -> memref<128xi32, #tpu.memory_space<hbm>>
          %dma_wait3A_44 = tpu.memref_slice %arg5[%add3A_34] : memref<160000xi32, #tpu.memory_space<hbm>> -> memref<128xi32, #tpu.memory_space<hbm>>
          tpu.wait_dma2 semaphore(%run_scoped3A : memref<!tpu.dma_semaphore, #tpu.memory_space<semaphore_mem>>) src(%dma_wait3A_44 : memref<128xi32, #tpu.memory_space<hbm>>) dst(%arg11 : memref<128xi32, #tpu.memory_space<vmem>>)
          tpu.yield
        }) : () -> ()
        %dma_start3A_35 = arith.constant 0 : i32
        %dma_start3A_36 = arith.constant 0 : i32
        %dma_start3A_37 = tpu.memref_slice %arg3[%dma_start3A_35, %dma_start3A_36] : memref<10000x128xf32, #tpu.memory_space<hbm>> -> memref<10000x128xf32, #tpu.memory_space<hbm>>
        tpu.enqueue_indirect_dma source(%dma_start3A_37 : memref<10000x128xf32, #tpu.memory_space<hbm>>) target(%arg12 : memref<128x128xf32, #tpu.memory_space<vmem>>) offsets(%arg10 : memref<128xi32, #tpu.memory_space<vmem>>) semaphore(%arg16 : memref<!tpu.dma_semaphore, #tpu.memory_space<semaphore_mem>>)
        %dma_wait3A_38 = arith.constant 0 : i32
        %dma_wait3A_39 = arith.constant 0 : i32
        %dma_wait3A_40 = tpu.memref_slice %arg3[%dma_wait3A_38, %dma_wait3A_39] : memref<10000x128xf32, #tpu.memory_space<hbm>> -> memref<10000x128xf32, #tpu.memory_space<hbm>>
        tpu.wait_indirect_dma semaphore(%arg16 : memref<!tpu.dma_semaphore, #tpu.memory_space<semaphore_mem>>) src(%dma_wait3A_40 : memref<10000x128xf32, #tpu.memory_space<hbm>>) dst(%arg12 : memref<128x128xf32, #tpu.memory_space<vmem>>)
        "tpu.region"() ({
          %run_scoped3A = tpu.sem_alloc : memref<!tpu.dma_semaphore, #tpu.memory_space<semaphore_mem>>
          %dma_start3A_41 = arith.constant 0 : i32
          %dma_start3A_42 = arith.constant 0 : i32
          %dma_start3A_43 = tpu.memref_slice %arg9[%dma_start3A_41, %dma_start3A_42] : memref<10000x128xf32, #tpu.memory_space<vmem_shared>> -> memref<10000x128xf32, #tpu.memory_space<vmem_shared>>
          tpu.enqueue_indirect_dma source(%arg12 : memref<128x128xf32, #tpu.memory_space<vmem>>) target(%dma_start3A_43 : memref<10000x128xf32, #tpu.memory_space<vmem_shared>>) offsets(%arg11 : memref<128xi32, #tpu.memory_space<vmem>>) semaphore(%run_scoped3A : memref<!tpu.dma_semaphore, #tpu.memory_space<semaphore_mem>>) {add = true}
          %dma_wait3A_44 = arith.constant 0 : i32
          %dma_wait3A_45 = arith.constant 0 : i32
          %dma_wait3A_46 = tpu.memref_slice %arg9[%dma_wait3A_44, %dma_wait3A_45] : memref<10000x128xf32, #tpu.memory_space<vmem_shared>> -> memref<10000x128xf32, #tpu.memory_space<vmem_shared>>
          tpu.wait_indirect_dma semaphore(%run_scoped3A : memref<!tpu.dma_semaphore, #tpu.memory_space<semaphore_mem>>) src(%arg12 : memref<128x128xf32, #tpu.memory_space<vmem>>) dst(%dma_wait3A_46 : memref<10000x128xf32, #tpu.memory_space<vmem_shared>>)
          tpu.yield
        }) : () -> ()
      }
      %scan3A_19 = arith.constant 78 : i32
      %add3A = arith.constant 9984 : i32
      %add3A_20 = arith.addi %mul3A_2, %add3A : i32
      "tpu.region"() ({
        %run_scoped3A = tpu.sem_alloc : memref<!tpu.dma_semaphore, #tpu.memory_space<semaphore_mem>>
        %dma_start3A_31 = tpu.memref_slice %arg4[%add3A_20] : memref<160000xi32, #tpu.memory_space<hbm>> -> memref<16xi32, #tpu.memory_space<hbm>>
        %dma_start3A_32 = tpu.memref_slice %arg4[%add3A_20] : memref<160000xi32, #tpu.memory_space<hbm>> -> memref<16xi32, #tpu.memory_space<hbm>>
        tpu.enqueue_dma source(%dma_start3A_32 : memref<16xi32, #tpu.memory_space<hbm>>) target(%arg13 : memref<16xi32, #tpu.memory_space<vmem>>) target_semaphore(%run_scoped3A : memref<!tpu.dma_semaphore, #tpu.memory_space<semaphore_mem>>)
        %dma_wait3A_33 = tpu.memref_slice %arg4[%add3A_20] : memref<160000xi32, #tpu.memory_space<hbm>> -> memref<16xi32, #tpu.memory_space<hbm>>
        %dma_wait3A_34 = tpu.memref_slice %arg4[%add3A_20] : memref<160000xi32, #tpu.memory_space<hbm>> -> memref<16xi32, #tpu.memory_space<hbm>>
        tpu.wait_dma2 semaphore(%run_scoped3A : memref<!tpu.dma_semaphore, #tpu.memory_space<semaphore_mem>>) src(%dma_wait3A_34 : memref<16xi32, #tpu.memory_space<hbm>>) dst(%arg13 : memref<16xi32, #tpu.memory_space<vmem>>)
        tpu.yield
      }) : () -> ()
      "tpu.region"() ({
        %run_scoped3A = tpu.sem_alloc : memref<!tpu.dma_semaphore, #tpu.memory_space<semaphore_mem>>
        %dma_start3A_31 = tpu.memref_slice %arg5[%add3A_20] : memref<160000xi32, #tpu.memory_space<hbm>> -> memref<16xi32, #tpu.memory_space<hbm>>
        %dma_start3A_32 = tpu.memref_slice %arg5[%add3A_20] : memref<160000xi32, #tpu.memory_space<hbm>> -> memref<16xi32, #tpu.memory_space<hbm>>
        tpu.enqueue_dma source(%dma_start3A_32 : memref<16xi32, #tpu.memory_space<hbm>>) target(%arg14 : memref<16xi32, #tpu.memory_space<vmem>>) target_semaphore(%run_scoped3A : memref<!tpu.dma_semaphore, #tpu.memory_space<semaphore_mem>>)
        %dma_wait3A_33 = tpu.memref_slice %arg5[%add3A_20] : memref<160000xi32, #tpu.memory_space<hbm>> -> memref<16xi32, #tpu.memory_space<hbm>>
        %dma_wait3A_34 = tpu.memref_slice %arg5[%add3A_20] : memref<160000xi32, #tpu.memory_space<hbm>> -> memref<16xi32, #tpu.memory_space<hbm>>
        tpu.wait_dma2 semaphore(%run_scoped3A : memref<!tpu.dma_semaphore, #tpu.memory_space<semaphore_mem>>) src(%dma_wait3A_34 : memref<16xi32, #tpu.memory_space<hbm>>) dst(%arg14 : memref<16xi32, #tpu.memory_space<vmem>>)
        tpu.yield
      }) : () -> ()
      %dma_start3A = arith.constant 0 : i32
      %dma_start3A_21 = arith.constant 0 : i32
      %dma_start3A_22 = tpu.memref_slice %arg3[%dma_start3A, %dma_start3A_21] : memref<10000x128xf32, #tpu.memory_space<hbm>> -> memref<10000x128xf32, #tpu.memory_space<hbm>>
      tpu.enqueue_indirect_dma source(%dma_start3A_22 : memref<10000x128xf32, #tpu.memory_space<hbm>>) target(%arg15 : memref<16x128xf32, #tpu.memory_space<vmem>>) offsets(%arg13 : memref<16xi32, #tpu.memory_space<vmem>>) semaphore(%arg16 : memref<!tpu.dma_semaphore, #tpu.memory_space<semaphore_mem>>)
      %dma_wait3A = arith.constant 0 : i32
      %dma_wait3A_23 = arith.constant 0 : i32
      %dma_wait3A_24 = tpu.memref_slice %arg3[%dma_wait3A, %dma_wait3A_23] : memref<10000x128xf32, #tpu.memory_space<hbm>> -> memref<10000x128xf32, #tpu.memory_space<hbm>>
      tpu.wait_indirect_dma semaphore(%arg16 : memref<!tpu.dma_semaphore, #tpu.memory_space<semaphore_mem>>) src(%dma_wait3A_24 : memref<10000x128xf32, #tpu.memory_space<hbm>>) dst(%arg15 : memref<16x128xf32, #tpu.memory_space<vmem>>)
      "tpu.region"() ({
        %run_scoped3A = tpu.sem_alloc : memref<!tpu.dma_semaphore, #tpu.memory_space<semaphore_mem>>
        %dma_start3A_31 = arith.constant 0 : i32
        %dma_start3A_32 = arith.constant 0 : i32
        %dma_start3A_33 = tpu.memref_slice %arg9[%dma_start3A_31, %dma_start3A_32] : memref<10000x128xf32, #tpu.memory_space<vmem_shared>> -> memref<10000x128xf32, #tpu.memory_space<vmem_shared>>
        tpu.enqueue_indirect_dma source(%arg15 : memref<16x128xf32, #tpu.memory_space<vmem>>) target(%dma_start3A_33 : memref<10000x128xf32, #tpu.memory_space<vmem_shared>>) offsets(%arg14 : memref<16xi32, #tpu.memory_space<vmem>>) semaphore(%run_scoped3A : memref<!tpu.dma_semaphore, #tpu.memory_space<semaphore_mem>>) {add = true}
        %dma_wait3A_34 = arith.constant 0 : i32
        %dma_wait3A_35 = arith.constant 0 : i32
        %dma_wait3A_36 = tpu.memref_slice %arg9[%dma_wait3A_34, %dma_wait3A_35] : memref<10000x128xf32, #tpu.memory_space<vmem_shared>> -> memref<10000x128xf32, #tpu.memory_space<vmem_shared>>
        tpu.wait_indirect_dma semaphore(%run_scoped3A : memref<!tpu.dma_semaphore, #tpu.memory_space<semaphore_mem>>) src(%arg15 : memref<16x128xf32, #tpu.memory_space<vmem>>) dst(%dma_wait3A_36 : memref<10000x128xf32, #tpu.memory_space<vmem_shared>>)
        tpu.yield
      }) : () -> ()
      %barrier3A_25 = arith.constant 0 : index
      tpu.barrier barrier_id(%barrier3A_25)
      "tpu.region"() ({
        %run_scoped3A = tpu.sem_alloc : memref<!tpu.dma_semaphore, #tpu.memory_space<semaphore_mem>>
        %dma_start3A_31 = arith.constant 0 : i32
        %dma_start3A_32 = tpu.memref_slice %arg8[%mul3A_0, %dma_start3A_31] : memref<10000x128xf32, #tpu.memory_space<hbm>> -> memref<624x128xf32, #tpu.memory_space<hbm>>
        %dma_start3A_33 = arith.constant 0 : i32
        %dma_start3A_34 = tpu.memref_slice %arg9[%mul3A_0, %dma_start3A_33] : memref<10000x128xf32, #tpu.memory_space<vmem_shared>> -> memref<624x128xf32, #tpu.memory_space<vmem_shared>>
        tpu.enqueue_dma source(%dma_start3A_34 : memref<624x128xf32, #tpu.memory_space<vmem_shared>>) target(%dma_start3A_32 : memref<624x128xf32, #tpu.memory_space<hbm>>) target_semaphore(%run_scoped3A : memref<!tpu.dma_semaphore, #tpu.memory_space<semaphore_mem>>)
        %dma_wait3A_35 = arith.constant 0 : i32
        %dma_wait3A_36 = tpu.memref_slice %arg8[%mul3A_0, %dma_wait3A_35] : memref<10000x128xf32, #tpu.memory_space<hbm>> -> memref<624x128xf32, #tpu.memory_space<hbm>>
        %dma_wait3A_37 = arith.constant 0 : i32
        %dma_wait3A_38 = tpu.memref_slice %arg9[%mul3A_0, %dma_wait3A_37] : memref<10000x128xf32, #tpu.memory_space<vmem_shared>> -> memref<624x128xf32, #tpu.memory_space<vmem_shared>>
        tpu.wait_dma2 semaphore(%run_scoped3A : memref<!tpu.dma_semaphore, #tpu.memory_space<semaphore_mem>>) src(%dma_wait3A_38 : memref<624x128xf32, #tpu.memory_space<vmem_shared>>) dst(%dma_wait3A_36 : memref<624x128xf32, #tpu.memory_space<hbm>>)
        tpu.yield
      }) : () -> ()
      %eq3A_26 = arith.constant 15 : i32
      %eq3A_27 = arith.cmpi eq, %arg1, %eq3A_26 : i32
      %convert_element_type3A_28 = arith.extui %eq3A_27 : i1 to i32
      %cond3A_29 = arith.constant 0 : i32
      %cond3A_30 = arith.cmpi ne, %convert_element_type3A_28, %cond3A_29 : i32
      scf.if %cond3A_30 {
        "tpu.region"() ({
          %run_scoped3A = tpu.sem_alloc : memref<!tpu.dma_semaphore, #tpu.memory_space<semaphore_mem>>
          %dma_start3A_31 = arith.constant 9984 : i32
          %dma_start3A_32 = arith.constant 0 : i32
          %dma_start3A_33 = tpu.memref_slice %arg8[%dma_start3A_31, %dma_start3A_32] : memref<10000x128xf32, #tpu.memory_space<hbm>> -> memref<16x128xf32, #tpu.memory_space<hbm>>
          %dma_start3A_34 = arith.constant 9984 : i32
          %dma_start3A_35 = arith.constant 0 : i32
          %dma_start3A_36 = tpu.memref_slice %arg9[%dma_start3A_34, %dma_start3A_35] : memref<10000x128xf32, #tpu.memory_space<vmem_shared>> -> memref<16x128xf32, #tpu.memory_space<vmem_shared>>
          tpu.enqueue_dma source(%dma_start3A_36 : memref<16x128xf32, #tpu.memory_space<vmem_shared>>) target(%dma_start3A_33 : memref<16x128xf32, #tpu.memory_space<hbm>>) target_semaphore(%run_scoped3A : memref<!tpu.dma_semaphore, #tpu.memory_space<semaphore_mem>>)
          %dma_wait3A_37 = arith.constant 9984 : i32
          %dma_wait3A_38 = arith.constant 0 : i32
          %dma_wait3A_39 = tpu.memref_slice %arg8[%dma_wait3A_37, %dma_wait3A_38] : memref<10000x128xf32, #tpu.memory_space<hbm>> -> memref<16x128xf32, #tpu.memory_space<hbm>>
          %dma_wait3A_40 = arith.constant 9984 : i32
          %dma_wait3A_41 = arith.constant 0 : i32
          %dma_wait3A_42 = tpu.memref_slice %arg9[%dma_wait3A_40, %dma_wait3A_41] : memref<10000x128xf32, #tpu.memory_space<vmem_shared>> -> memref<16x128xf32, #tpu.memory_space<vmem_shared>>
          tpu.wait_dma2 semaphore(%run_scoped3A : memref<!tpu.dma_semaphore, #tpu.memory_space<semaphore_mem>>) src(%dma_wait3A_42 : memref<16x128xf32, #tpu.memory_space<vmem_shared>>) dst(%dma_wait3A_39 : memref<16x128xf32, #tpu.memory_space<hbm>>)
          tpu.yield
        }) : () -> ()
      } else {
      }
    } else {
    }
    return
  }
}

#map = affine_map<(d0, d1) -> (0)>
#map1 = affine_map<(d0, d1) -> (0, 0)>
module attributes {stable_mosaic.version = 14 : i64} {
  func.func @sc_counts(%arg0: i32, %arg1: i32, %arg2: memref<160000xi32, #tpu.memory_space<hbm>>, %arg3: memref<160000xi32, #tpu.memory_space<hbm>>, %arg4: memref<16x128xf32, #tpu.memory_space<hbm>>, %arg5: memref<624x128xf32, #tpu.memory_space<hbm>>, %arg6: memref<10000x128xf32, #tpu.memory_space<hbm>>, %arg7: memref<10000x128xf32, #tpu.memory_space<hbm>>, %arg8: memref<10000x128xf32, #tpu.memory_space<vmem_shared>>, %arg9: memref<128xi32, #tpu.memory_space<vmem>>, %arg10: memref<128xi32, #tpu.memory_space<vmem>>, %arg11: memref<128x128xf32, #tpu.memory_space<vmem>>, %arg12: memref<8xi32, #tpu.memory_space<vmem>>, %arg13: memref<8xi32, #tpu.memory_space<vmem>>, %arg14: memref<8x128xf32, #tpu.memory_space<vmem>>, %arg15: memref<!tpu.dma_semaphore, #tpu.memory_space<semaphore_mem>>) attributes {dimension_semantics = [#tpu.dimension_semantics<core_parallel>, #tpu.dimension_semantics<subcore_parallel>], iteration_bounds = array<i64: 2, 16>, scalar_prefetch = 0 : i64, scratch_operands = 8 : i64, tpu.core_type = #tpu.core_type<sc_vector_subcore>, window_params = [{transform_indices = #map}, {transform_indices = #map}, {transform_indices = #map1}, {transform_indices = #map1}, {transform_indices = #map1}, {transform_indices = #map1}]} {
    %mul3A = arith.constant 624 : i32
    %mul3A_0 = arith.muli %arg1, %mul3A : i32
    %mul3A_1 = arith.constant 80000 : i32
    %mul3A_2 = arith.muli %arg0, %mul3A_1 : i32
    %mul3A_3 = arith.constant 5000 : i32
    %mul3A_4 = arith.muli %arg1, %mul3A_3 : i32
    %add3A = arith.addi %mul3A_2, %mul3A_4 : i32
    "tpu.region"() ({
      %run_scoped3A = tpu.sem_alloc : memref<!tpu.dma_semaphore, #tpu.memory_space<semaphore_mem>>
      %dma_start3A_29 = arith.constant 0 : i32
      %dma_start3A_30 = tpu.memref_slice %arg8[%mul3A_0, %dma_start3A_29] : memref<10000x128xf32, #tpu.memory_space<vmem_shared>> -> memref<624x128xf32, #tpu.memory_space<vmem_shared>>
      %dma_start3A_31 = arith.constant 0 : i32
      %dma_start3A_32 = arith.constant 0 : i32
      %dma_start3A_33 = tpu.memref_slice %arg5[%dma_start3A_31, %dma_start3A_32] : memref<624x128xf32, #tpu.memory_space<hbm>> -> memref<624x128xf32, #tpu.memory_space<hbm>>
      tpu.enqueue_dma source(%dma_start3A_33 : memref<624x128xf32, #tpu.memory_space<hbm>>) target(%dma_start3A_30 : memref<624x128xf32, #tpu.memory_space<vmem_shared>>) target_semaphore(%run_scoped3A : memref<!tpu.dma_semaphore, #tpu.memory_space<semaphore_mem>>)
      %dma_wait3A_34 = arith.constant 0 : i32
      %dma_wait3A_35 = tpu.memref_slice %arg8[%mul3A_0, %dma_wait3A_34] : memref<10000x128xf32, #tpu.memory_space<vmem_shared>> -> memref<624x128xf32, #tpu.memory_space<vmem_shared>>
      %dma_wait3A_36 = arith.constant 0 : i32
      %dma_wait3A_37 = arith.constant 0 : i32
      %dma_wait3A_38 = tpu.memref_slice %arg5[%dma_wait3A_36, %dma_wait3A_37] : memref<624x128xf32, #tpu.memory_space<hbm>> -> memref<624x128xf32, #tpu.memory_space<hbm>>
      tpu.wait_dma2 semaphore(%run_scoped3A : memref<!tpu.dma_semaphore, #tpu.memory_space<semaphore_mem>>) src(%dma_wait3A_38 : memref<624x128xf32, #tpu.memory_space<hbm>>) dst(%dma_wait3A_35 : memref<624x128xf32, #tpu.memory_space<vmem_shared>>)
      tpu.yield
    }) : () -> ()
    %eq3A = arith.constant 15 : i32
    %eq3A_5 = arith.cmpi eq, %arg1, %eq3A : i32
    %convert_element_type3A = arith.extui %eq3A_5 : i1 to i32
    %cond3A = arith.constant 0 : i32
    %cond3A_6 = arith.cmpi ne, %convert_element_type3A, %cond3A : i32
    scf.if %cond3A_6 {
      "tpu.region"() ({
        %run_scoped3A = tpu.sem_alloc : memref<!tpu.dma_semaphore, #tpu.memory_space<semaphore_mem>>
        %dma_start3A_29 = arith.constant 9984 : i32
        %dma_start3A_30 = arith.constant 0 : i32
        %dma_start3A_31 = tpu.memref_slice %arg8[%dma_start3A_29, %dma_start3A_30] : memref<10000x128xf32, #tpu.memory_space<vmem_shared>> -> memref<16x128xf32, #tpu.memory_space<vmem_shared>>
        %dma_start3A_32 = arith.constant 0 : i32
        %dma_start3A_33 = arith.constant 0 : i32
        %dma_start3A_34 = tpu.memref_slice %arg5[%dma_start3A_32, %dma_start3A_33] : memref<624x128xf32, #tpu.memory_space<hbm>> -> memref<16x128xf32, #tpu.memory_space<hbm>>
        tpu.enqueue_dma source(%dma_start3A_34 : memref<16x128xf32, #tpu.memory_space<hbm>>) target(%dma_start3A_31 : memref<16x128xf32, #tpu.memory_space<vmem_shared>>) target_semaphore(%run_scoped3A : memref<!tpu.dma_semaphore, #tpu.memory_space<semaphore_mem>>)
        %dma_wait3A_35 = arith.constant 9984 : i32
        %dma_wait3A_36 = arith.constant 0 : i32
        %dma_wait3A_37 = tpu.memref_slice %arg8[%dma_wait3A_35, %dma_wait3A_36] : memref<10000x128xf32, #tpu.memory_space<vmem_shared>> -> memref<16x128xf32, #tpu.memory_space<vmem_shared>>
        %dma_wait3A_38 = arith.constant 0 : i32
        %dma_wait3A_39 = arith.constant 0 : i32
        %dma_wait3A_40 = tpu.memref_slice %arg5[%dma_wait3A_38, %dma_wait3A_39] : memref<624x128xf32, #tpu.memory_space<hbm>> -> memref<16x128xf32, #tpu.memory_space<hbm>>
        tpu.wait_dma2 semaphore(%run_scoped3A : memref<!tpu.dma_semaphore, #tpu.memory_space<semaphore_mem>>) src(%dma_wait3A_40 : memref<16x128xf32, #tpu.memory_space<hbm>>) dst(%dma_wait3A_37 : memref<16x128xf32, #tpu.memory_space<vmem_shared>>)
        tpu.yield
      }) : () -> ()
    } else {
    }
    %barrier3A = arith.constant 0 : index
    tpu.barrier barrier_id(%barrier3A)
    %scan3A = arith.constant 0 : i32
    %scan3A_7 = arith.constant 0 : i32
    %scan3A_8 = arith.constant 39 : i32
    %scan3A_9 = arith.addi %scan3A_7, %scan3A_8 : i32
    %scan3A_10 = arith.constant 1 : i32
    scf.for %scan3A_29 = %scan3A_7 to %scan3A_9 step %scan3A_10  : i32 {
      %mul3A_30 = arith.constant 128 : i32
      %mul3A_31 = arith.muli %scan3A_29, %mul3A_30 : i32
      %add3A_32 = arith.addi %add3A, %mul3A_31 : i32
      "tpu.region"() ({
        %run_scoped3A = tpu.sem_alloc : memref<!tpu.dma_semaphore, #tpu.memory_space<semaphore_mem>>
        %dma_start3A_39 = tpu.memref_slice %arg2[%add3A_32] : memref<160000xi32, #tpu.memory_space<hbm>> -> memref<128xi32, #tpu.memory_space<hbm>>
        %dma_start3A_40 = tpu.memref_slice %arg2[%add3A_32] : memref<160000xi32, #tpu.memory_space<hbm>> -> memref<128xi32, #tpu.memory_space<hbm>>
        tpu.enqueue_dma source(%dma_start3A_40 : memref<128xi32, #tpu.memory_space<hbm>>) target(%arg9 : memref<128xi32, #tpu.memory_space<vmem>>) target_semaphore(%run_scoped3A : memref<!tpu.dma_semaphore, #tpu.memory_space<semaphore_mem>>)
        %dma_wait3A_41 = tpu.memref_slice %arg2[%add3A_32] : memref<160000xi32, #tpu.memory_space<hbm>> -> memref<128xi32, #tpu.memory_space<hbm>>
        %dma_wait3A_42 = tpu.memref_slice %arg2[%add3A_32] : memref<160000xi32, #tpu.memory_space<hbm>> -> memref<128xi32, #tpu.memory_space<hbm>>
        tpu.wait_dma2 semaphore(%run_scoped3A : memref<!tpu.dma_semaphore, #tpu.memory_space<semaphore_mem>>) src(%dma_wait3A_42 : memref<128xi32, #tpu.memory_space<hbm>>) dst(%arg9 : memref<128xi32, #tpu.memory_space<vmem>>)
        tpu.yield
      }) : () -> ()
      "tpu.region"() ({
        %run_scoped3A = tpu.sem_alloc : memref<!tpu.dma_semaphore, #tpu.memory_space<semaphore_mem>>
        %dma_start3A_39 = tpu.memref_slice %arg3[%add3A_32] : memref<160000xi32, #tpu.memory_space<hbm>> -> memref<128xi32, #tpu.memory_space<hbm>>
        %dma_start3A_40 = tpu.memref_slice %arg3[%add3A_32] : memref<160000xi32, #tpu.memory_space<hbm>> -> memref<128xi32, #tpu.memory_space<hbm>>
        tpu.enqueue_dma source(%dma_start3A_40 : memref<128xi32, #tpu.memory_space<hbm>>) target(%arg10 : memref<128xi32, #tpu.memory_space<vmem>>) target_semaphore(%run_scoped3A : memref<!tpu.dma_semaphore, #tpu.memory_space<semaphore_mem>>)
        %dma_wait3A_41 = tpu.memref_slice %arg3[%add3A_32] : memref<160000xi32, #tpu.memory_space<hbm>> -> memref<128xi32, #tpu.memory_space<hbm>>
        %dma_wait3A_42 = tpu.memref_slice %arg3[%add3A_32] : memref<160000xi32, #tpu.memory_space<hbm>> -> memref<128xi32, #tpu.memory_space<hbm>>
        tpu.wait_dma2 semaphore(%run_scoped3A : memref<!tpu.dma_semaphore, #tpu.memory_space<semaphore_mem>>) src(%dma_wait3A_42 : memref<128xi32, #tpu.memory_space<hbm>>) dst(%arg10 : memref<128xi32, #tpu.memory_space<vmem>>)
        tpu.yield
      }) : () -> ()
      %dma_start3A_33 = arith.constant 0 : i32
      %dma_start3A_34 = arith.constant 0 : i32
      %dma_start3A_35 = tpu.memref_slice %arg4[%dma_start3A_33, %dma_start3A_34] : memref<16x128xf32, #tpu.memory_space<hbm>> -> memref<16x128xf32, #tpu.memory_space<hbm>>
      tpu.enqueue_indirect_dma source(%dma_start3A_35 : memref<16x128xf32, #tpu.memory_space<hbm>>) target(%arg11 : memref<128x128xf32, #tpu.memory_space<vmem>>) offsets(%arg9 : memref<128xi32, #tpu.memory_space<vmem>>) semaphore(%arg15 : memref<!tpu.dma_semaphore, #tpu.memory_space<semaphore_mem>>)
      %dma_wait3A_36 = arith.constant 0 : i32
      %dma_wait3A_37 = arith.constant 0 : i32
      %dma_wait3A_38 = tpu.memref_slice %arg4[%dma_wait3A_36, %dma_wait3A_37] : memref<16x128xf32, #tpu.memory_space<hbm>> -> memref<16x128xf32, #tpu.memory_space<hbm>>
      tpu.wait_indirect_dma semaphore(%arg15 : memref<!tpu.dma_semaphore, #tpu.memory_space<semaphore_mem>>) src(%dma_wait3A_38 : memref<16x128xf32, #tpu.memory_space<hbm>>) dst(%arg11 : memref<128x128xf32, #tpu.memory_space<vmem>>)
      "tpu.region"() ({
        %run_scoped3A = tpu.sem_alloc : memref<!tpu.dma_semaphore, #tpu.memory_space<semaphore_mem>>
        %dma_start3A_39 = arith.constant 0 : i32
        %dma_start3A_40 = arith.constant 0 : i32
        %dma_start3A_41 = tpu.memref_slice %arg8[%dma_start3A_39, %dma_start3A_40] : memref<10000x128xf32, #tpu.memory_space<vmem_shared>> -> memref<10000x128xf32, #tpu.memory_space<vmem_shared>>
        tpu.enqueue_indirect_dma source(%arg11 : memref<128x128xf32, #tpu.memory_space<vmem>>) target(%dma_start3A_41 : memref<10000x128xf32, #tpu.memory_space<vmem_shared>>) offsets(%arg10 : memref<128xi32, #tpu.memory_space<vmem>>) semaphore(%run_scoped3A : memref<!tpu.dma_semaphore, #tpu.memory_space<semaphore_mem>>) {add = true}
        %dma_wait3A_42 = arith.constant 0 : i32
        %dma_wait3A_43 = arith.constant 0 : i32
        %dma_wait3A_44 = tpu.memref_slice %arg8[%dma_wait3A_42, %dma_wait3A_43] : memref<10000x128xf32, #tpu.memory_space<vmem_shared>> -> memref<10000x128xf32, #tpu.memory_space<vmem_shared>>
        tpu.wait_indirect_dma semaphore(%run_scoped3A : memref<!tpu.dma_semaphore, #tpu.memory_space<semaphore_mem>>) src(%arg11 : memref<128x128xf32, #tpu.memory_space<vmem>>) dst(%dma_wait3A_44 : memref<10000x128xf32, #tpu.memory_space<vmem_shared>>)
        tpu.yield
      }) : () -> ()
    }
    %scan3A_11 = arith.constant 39 : i32
    %add3A_12 = arith.constant 4992 : i32
    %add3A_13 = arith.addi %add3A, %add3A_12 : i32
    "tpu.region"() ({
      %run_scoped3A = tpu.sem_alloc : memref<!tpu.dma_semaphore, #tpu.memory_space<semaphore_mem>>
      %dma_start3A_29 = tpu.memref_slice %arg2[%add3A_13] : memref<160000xi32, #tpu.memory_space<hbm>> -> memref<8xi32, #tpu.memory_space<hbm>>
      %dma_start3A_30 = tpu.memref_slice %arg2[%add3A_13] : memref<160000xi32, #tpu.memory_space<hbm>> -> memref<8xi32, #tpu.memory_space<hbm>>
      tpu.enqueue_dma source(%dma_start3A_30 : memref<8xi32, #tpu.memory_space<hbm>>) target(%arg12 : memref<8xi32, #tpu.memory_space<vmem>>) target_semaphore(%run_scoped3A : memref<!tpu.dma_semaphore, #tpu.memory_space<semaphore_mem>>)
      %dma_wait3A_31 = tpu.memref_slice %arg2[%add3A_13] : memref<160000xi32, #tpu.memory_space<hbm>> -> memref<8xi32, #tpu.memory_space<hbm>>
      %dma_wait3A_32 = tpu.memref_slice %arg2[%add3A_13] : memref<160000xi32, #tpu.memory_space<hbm>> -> memref<8xi32, #tpu.memory_space<hbm>>
      tpu.wait_dma2 semaphore(%run_scoped3A : memref<!tpu.dma_semaphore, #tpu.memory_space<semaphore_mem>>) src(%dma_wait3A_32 : memref<8xi32, #tpu.memory_space<hbm>>) dst(%arg12 : memref<8xi32, #tpu.memory_space<vmem>>)
      tpu.yield
    }) : () -> ()
    "tpu.region"() ({
      %run_scoped3A = tpu.sem_alloc : memref<!tpu.dma_semaphore, #tpu.memory_space<semaphore_mem>>
      %dma_start3A_29 = tpu.memref_slice %arg3[%add3A_13] : memref<160000xi32, #tpu.memory_space<hbm>> -> memref<8xi32, #tpu.memory_space<hbm>>
      %dma_start3A_30 = tpu.memref_slice %arg3[%add3A_13] : memref<160000xi32, #tpu.memory_space<hbm>> -> memref<8xi32, #tpu.memory_space<hbm>>
      tpu.enqueue_dma source(%dma_start3A_30 : memref<8xi32, #tpu.memory_space<hbm>>) target(%arg13 : memref<8xi32, #tpu.memory_space<vmem>>) target_semaphore(%run_scoped3A : memref<!tpu.dma_semaphore, #tpu.memory_space<semaphore_mem>>)
      %dma_wait3A_31 = tpu.memref_slice %arg3[%add3A_13] : memref<160000xi32, #tpu.memory_space<hbm>> -> memref<8xi32, #tpu.memory_space<hbm>>
      %dma_wait3A_32 = tpu.memref_slice %arg3[%add3A_13] : memref<160000xi32, #tpu.memory_space<hbm>> -> memref<8xi32, #tpu.memory_space<hbm>>
      tpu.wait_dma2 semaphore(%run_scoped3A : memref<!tpu.dma_semaphore, #tpu.memory_space<semaphore_mem>>) src(%dma_wait3A_32 : memref<8xi32, #tpu.memory_space<hbm>>) dst(%arg13 : memref<8xi32, #tpu.memory_space<vmem>>)
      tpu.yield
    }) : () -> ()
    %dma_start3A = arith.constant 0 : i32
    %dma_start3A_14 = arith.constant 0 : i32
    %dma_start3A_15 = tpu.memref_slice %arg4[%dma_start3A, %dma_start3A_14] : memref<16x128xf32, #tpu.memory_space<hbm>> -> memref<16x128xf32, #tpu.memory_space<hbm>>
    tpu.enqueue_indirect_dma source(%dma_start3A_15 : memref<16x128xf32, #tpu.memory_space<hbm>>) target(%arg14 : memref<8x128xf32, #tpu.memory_space<vmem>>) offsets(%arg12 : memref<8xi32, #tpu.memory_space<vmem>>) semaphore(%arg15 : memref<!tpu.dma_semaphore, #tpu.memory_space<semaphore_mem>>)
    %dma_wait3A = arith.constant 0 : i32
    %dma_wait3A_16 = arith.constant 0 : i32
    %dma_wait3A_17 = tpu.memref_slice %arg4[%dma_wait3A, %dma_wait3A_16] : memref<16x128xf32, #tpu.memory_space<hbm>> -> memref<16x128xf32, #tpu.memory_space<hbm>>
    tpu.wait_indirect_dma semaphore(%arg15 : memref<!tpu.dma_semaphore, #tpu.memory_space<semaphore_mem>>) src(%dma_wait3A_17 : memref<16x128xf32, #tpu.memory_space<hbm>>) dst(%arg14 : memref<8x128xf32, #tpu.memory_space<vmem>>)
    "tpu.region"() ({
      %run_scoped3A = tpu.sem_alloc : memref<!tpu.dma_semaphore, #tpu.memory_space<semaphore_mem>>
      %dma_start3A_29 = arith.constant 0 : i32
      %dma_start3A_30 = arith.constant 0 : i32
      %dma_start3A_31 = tpu.memref_slice %arg8[%dma_start3A_29, %dma_start3A_30] : memref<10000x128xf32, #tpu.memory_space<vmem_shared>> -> memref<10000x128xf32, #tpu.memory_space<vmem_shared>>
      tpu.enqueue_indirect_dma source(%arg14 : memref<8x128xf32, #tpu.memory_space<vmem>>) target(%dma_start3A_31 : memref<10000x128xf32, #tpu.memory_space<vmem_shared>>) offsets(%arg13 : memref<8xi32, #tpu.memory_space<vmem>>) semaphore(%run_scoped3A : memref<!tpu.dma_semaphore, #tpu.memory_space<semaphore_mem>>) {add = true}
      %dma_wait3A_32 = arith.constant 0 : i32
      %dma_wait3A_33 = arith.constant 0 : i32
      %dma_wait3A_34 = tpu.memref_slice %arg8[%dma_wait3A_32, %dma_wait3A_33] : memref<10000x128xf32, #tpu.memory_space<vmem_shared>> -> memref<10000x128xf32, #tpu.memory_space<vmem_shared>>
      tpu.wait_indirect_dma semaphore(%run_scoped3A : memref<!tpu.dma_semaphore, #tpu.memory_space<semaphore_mem>>) src(%arg14 : memref<8x128xf32, #tpu.memory_space<vmem>>) dst(%dma_wait3A_34 : memref<10000x128xf32, #tpu.memory_space<vmem_shared>>)
      tpu.yield
    }) : () -> ()
    %barrier3A_18 = arith.constant 0 : index
    tpu.barrier barrier_id(%barrier3A_18)
    %eq3A_19 = arith.constant 0 : i32
    %eq3A_20 = arith.cmpi eq, %arg0, %eq3A_19 : i32
    %convert_element_type3A_21 = arith.extui %eq3A_20 : i1 to i32
    %cond3A_22 = arith.constant 0 : i32
    %cond3A_23 = arith.cmpi ne, %convert_element_type3A_21, %cond3A_22 : i32
    scf.if %cond3A_23 {
      "tpu.region"() ({
        %run_scoped3A = tpu.sem_alloc : memref<!tpu.dma_semaphore, #tpu.memory_space<semaphore_mem>>
        %dma_start3A_34 = arith.constant 0 : i32
        %dma_start3A_35 = tpu.memref_slice %arg6[%mul3A_0, %dma_start3A_34] : memref<10000x128xf32, #tpu.memory_space<hbm>> -> memref<624x128xf32, #tpu.memory_space<hbm>>
        %dma_start3A_36 = arith.constant 0 : i32
        %dma_start3A_37 = tpu.memref_slice %arg8[%mul3A_0, %dma_start3A_36] : memref<10000x128xf32, #tpu.memory_space<vmem_shared>> -> memref<624x128xf32, #tpu.memory_space<vmem_shared>>
        tpu.enqueue_dma source(%dma_start3A_37 : memref<624x128xf32, #tpu.memory_space<vmem_shared>>) target(%dma_start3A_35 : memref<624x128xf32, #tpu.memory_space<hbm>>) target_semaphore(%run_scoped3A : memref<!tpu.dma_semaphore, #tpu.memory_space<semaphore_mem>>)
        %dma_wait3A_38 = arith.constant 0 : i32
        %dma_wait3A_39 = tpu.memref_slice %arg6[%mul3A_0, %dma_wait3A_38] : memref<10000x128xf32, #tpu.memory_space<hbm>> -> memref<624x128xf32, #tpu.memory_space<hbm>>
        %dma_wait3A_40 = arith.constant 0 : i32
        %dma_wait3A_41 = tpu.memref_slice %arg8[%mul3A_0, %dma_wait3A_40] : memref<10000x128xf32, #tpu.memory_space<vmem_shared>> -> memref<624x128xf32, #tpu.memory_space<vmem_shared>>
        tpu.wait_dma2 semaphore(%run_scoped3A : memref<!tpu.dma_semaphore, #tpu.memory_space<semaphore_mem>>) src(%dma_wait3A_41 : memref<624x128xf32, #tpu.memory_space<vmem_shared>>) dst(%dma_wait3A_39 : memref<624x128xf32, #tpu.memory_space<hbm>>)
        tpu.yield
      }) : () -> ()
      %eq3A_29 = arith.constant 15 : i32
      %eq3A_30 = arith.cmpi eq, %arg1, %eq3A_29 : i32
      %convert_element_type3A_31 = arith.extui %eq3A_30 : i1 to i32
      %cond3A_32 = arith.constant 0 : i32
      %cond3A_33 = arith.cmpi ne, %convert_element_type3A_31, %cond3A_32 : i32
      scf.if %cond3A_33 {
        "tpu.region"() ({
          %run_scoped3A = tpu.sem_alloc : memref<!tpu.dma_semaphore, #tpu.memory_space<semaphore_mem>>
          %dma_start3A_34 = arith.constant 9984 : i32
          %dma_start3A_35 = arith.constant 0 : i32
          %dma_start3A_36 = tpu.memref_slice %arg6[%dma_start3A_34, %dma_start3A_35] : memref<10000x128xf32, #tpu.memory_space<hbm>> -> memref<16x128xf32, #tpu.memory_space<hbm>>
          %dma_start3A_37 = arith.constant 9984 : i32
          %dma_start3A_38 = arith.constant 0 : i32
          %dma_start3A_39 = tpu.memref_slice %arg8[%dma_start3A_37, %dma_start3A_38] : memref<10000x128xf32, #tpu.memory_space<vmem_shared>> -> memref<16x128xf32, #tpu.memory_space<vmem_shared>>
          tpu.enqueue_dma source(%dma_start3A_39 : memref<16x128xf32, #tpu.memory_space<vmem_shared>>) target(%dma_start3A_36 : memref<16x128xf32, #tpu.memory_space<hbm>>) target_semaphore(%run_scoped3A : memref<!tpu.dma_semaphore, #tpu.memory_space<semaphore_mem>>)
          %dma_wait3A_40 = arith.constant 9984 : i32
          %dma_wait3A_41 = arith.constant 0 : i32
          %dma_wait3A_42 = tpu.memref_slice %arg6[%dma_wait3A_40, %dma_wait3A_41] : memref<10000x128xf32, #tpu.memory_space<hbm>> -> memref<16x128xf32, #tpu.memory_space<hbm>>
          %dma_wait3A_43 = arith.constant 9984 : i32
          %dma_wait3A_44 = arith.constant 0 : i32
          %dma_wait3A_45 = tpu.memref_slice %arg8[%dma_wait3A_43, %dma_wait3A_44] : memref<10000x128xf32, #tpu.memory_space<vmem_shared>> -> memref<16x128xf32, #tpu.memory_space<vmem_shared>>
          tpu.wait_dma2 semaphore(%run_scoped3A : memref<!tpu.dma_semaphore, #tpu.memory_space<semaphore_mem>>) src(%dma_wait3A_45 : memref<16x128xf32, #tpu.memory_space<vmem_shared>>) dst(%dma_wait3A_42 : memref<16x128xf32, #tpu.memory_space<hbm>>)
          tpu.yield
        }) : () -> ()
      } else {
      }
    } else {
    }
    %eq3A_24 = arith.constant 1 : i32
    %eq3A_25 = arith.cmpi eq, %arg0, %eq3A_24 : i32
    %convert_element_type3A_26 = arith.extui %eq3A_25 : i1 to i32
    %cond3A_27 = arith.constant 0 : i32
    %cond3A_28 = arith.cmpi ne, %convert_element_type3A_26, %cond3A_27 : i32
    scf.if %cond3A_28 {
      "tpu.region"() ({
        %run_scoped3A = tpu.sem_alloc : memref<!tpu.dma_semaphore, #tpu.memory_space<semaphore_mem>>
        %dma_start3A_34 = arith.constant 0 : i32
        %dma_start3A_35 = tpu.memref_slice %arg7[%mul3A_0, %dma_start3A_34] : memref<10000x128xf32, #tpu.memory_space<hbm>> -> memref<624x128xf32, #tpu.memory_space<hbm>>
        %dma_start3A_36 = arith.constant 0 : i32
        %dma_start3A_37 = tpu.memref_slice %arg8[%mul3A_0, %dma_start3A_36] : memref<10000x128xf32, #tpu.memory_space<vmem_shared>> -> memref<624x128xf32, #tpu.memory_space<vmem_shared>>
        tpu.enqueue_dma source(%dma_start3A_37 : memref<624x128xf32, #tpu.memory_space<vmem_shared>>) target(%dma_start3A_35 : memref<624x128xf32, #tpu.memory_space<hbm>>) target_semaphore(%run_scoped3A : memref<!tpu.dma_semaphore, #tpu.memory_space<semaphore_mem>>)
        %dma_wait3A_38 = arith.constant 0 : i32
        %dma_wait3A_39 = tpu.memref_slice %arg7[%mul3A_0, %dma_wait3A_38] : memref<10000x128xf32, #tpu.memory_space<hbm>> -> memref<624x128xf32, #tpu.memory_space<hbm>>
        %dma_wait3A_40 = arith.constant 0 : i32
        %dma_wait3A_41 = tpu.memref_slice %arg8[%mul3A_0, %dma_wait3A_40] : memref<10000x128xf32, #tpu.memory_space<vmem_shared>> -> memref<624x128xf32, #tpu.memory_space<vmem_shared>>
        tpu.wait_dma2 semaphore(%run_scoped3A : memref<!tpu.dma_semaphore, #tpu.memory_space<semaphore_mem>>) src(%dma_wait3A_41 : memref<624x128xf32, #tpu.memory_space<vmem_shared>>) dst(%dma_wait3A_39 : memref<624x128xf32, #tpu.memory_space<hbm>>)
        tpu.yield
      }) : () -> ()
      %eq3A_29 = arith.constant 15 : i32
      %eq3A_30 = arith.cmpi eq, %arg1, %eq3A_29 : i32
      %convert_element_type3A_31 = arith.extui %eq3A_30 : i1 to i32
      %cond3A_32 = arith.constant 0 : i32
      %cond3A_33 = arith.cmpi ne, %convert_element_type3A_31, %cond3A_32 : i32
      scf.if %cond3A_33 {
        "tpu.region"() ({
          %run_scoped3A = tpu.sem_alloc : memref<!tpu.dma_semaphore, #tpu.memory_space<semaphore_mem>>
          %dma_start3A_34 = arith.constant 9984 : i32
          %dma_start3A_35 = arith.constant 0 : i32
          %dma_start3A_36 = tpu.memref_slice %arg7[%dma_start3A_34, %dma_start3A_35] : memref<10000x128xf32, #tpu.memory_space<hbm>> -> memref<16x128xf32, #tpu.memory_space<hbm>>
          %dma_start3A_37 = arith.constant 9984 : i32
          %dma_start3A_38 = arith.constant 0 : i32
          %dma_start3A_39 = tpu.memref_slice %arg8[%dma_start3A_37, %dma_start3A_38] : memref<10000x128xf32, #tpu.memory_space<vmem_shared>> -> memref<16x128xf32, #tpu.memory_space<vmem_shared>>
          tpu.enqueue_dma source(%dma_start3A_39 : memref<16x128xf32, #tpu.memory_space<vmem_shared>>) target(%dma_start3A_36 : memref<16x128xf32, #tpu.memory_space<hbm>>) target_semaphore(%run_scoped3A : memref<!tpu.dma_semaphore, #tpu.memory_space<semaphore_mem>>)
          %dma_wait3A_40 = arith.constant 9984 : i32
          %dma_wait3A_41 = arith.constant 0 : i32
          %dma_wait3A_42 = tpu.memref_slice %arg7[%dma_wait3A_40, %dma_wait3A_41] : memref<10000x128xf32, #tpu.memory_space<hbm>> -> memref<16x128xf32, #tpu.memory_space<hbm>>
          %dma_wait3A_43 = arith.constant 9984 : i32
          %dma_wait3A_44 = arith.constant 0 : i32
          %dma_wait3A_45 = tpu.memref_slice %arg8[%dma_wait3A_43, %dma_wait3A_44] : memref<10000x128xf32, #tpu.memory_space<vmem_shared>> -> memref<16x128xf32, #tpu.memory_space<vmem_shared>>
          tpu.wait_dma2 semaphore(%run_scoped3A : memref<!tpu.dma_semaphore, #tpu.memory_space<semaphore_mem>>) src(%dma_wait3A_45 : memref<16x128xf32, #tpu.memory_space<vmem_shared>>) dst(%dma_wait3A_42 : memref<16x128xf32, #tpu.memory_space<hbm>>)
          tpu.yield
        }) : () -> ()
      } else {
      }
    } else {
    }
    return
  }
}

#map = affine_map<(d0, d1) -> (0, 0)>
#map1 = affine_map<(d0, d1) -> (0)>
module attributes {stable_mosaic.version = 14 : i64} {
  func.func @sc_spmm(%arg0: i32, %arg1: i32, %arg2: memref<10000x128xf32, #tpu.memory_space<hbm>>, %arg3: memref<10000x128xf32, #tpu.memory_space<hbm>>, %arg4: memref<160000xi32, #tpu.memory_space<hbm>>, %arg5: memref<160000xi32, #tpu.memory_space<hbm>>, %arg6: memref<624x128xf32, #tpu.memory_space<hbm>>, %arg7: memref<10000x128xf32, #tpu.memory_space<hbm>>, %arg8: memref<10000x128xf32, #tpu.memory_space<hbm>>, %arg9: memref<10000x128xf32, #tpu.memory_space<vmem_shared>>, %arg10: memref<128xi32, #tpu.memory_space<vmem>>, %arg11: memref<128xi32, #tpu.memory_space<vmem>>, %arg12: memref<128x128xf32, #tpu.memory_space<vmem>>, %arg13: memref<16xi32, #tpu.memory_space<vmem>>, %arg14: memref<16xi32, #tpu.memory_space<vmem>>, %arg15: memref<16x128xf32, #tpu.memory_space<vmem>>, %arg16: memref<!tpu.dma_semaphore, #tpu.memory_space<semaphore_mem>>) attributes {dimension_semantics = [#tpu.dimension_semantics<core_parallel>, #tpu.dimension_semantics<subcore_parallel>], iteration_bounds = array<i64: 2, 16>, scalar_prefetch = 0 : i64, scratch_operands = 8 : i64, tpu.core_type = #tpu.core_type<sc_vector_subcore>, window_params = [{transform_indices = #map}, {transform_indices = #map}, {transform_indices = #map1}, {transform_indices = #map1}, {transform_indices = #map}, {transform_indices = #map}, {transform_indices = #map}]} {
    %mul3A = arith.constant 624 : i32
    %mul3A_0 = arith.muli %arg1, %mul3A : i32
    %mul3A_1 = arith.constant 10000 : i32
    %mul3A_2 = arith.muli %arg1, %mul3A_1 : i32
    %eq3A = arith.constant 0 : i32
    %eq3A_3 = arith.cmpi eq, %arg0, %eq3A : i32
    %convert_element_type3A = arith.extui %eq3A_3 : i1 to i32
    %cond3A = arith.constant 0 : i32
    %cond3A_4 = arith.cmpi ne, %convert_element_type3A, %cond3A : i32
    scf.if %cond3A_4 {
      "tpu.region"() ({
        %run_scoped3A = tpu.sem_alloc : memref<!tpu.dma_semaphore, #tpu.memory_space<semaphore_mem>>
        %dma_start3A_31 = arith.constant 0 : i32
        %dma_start3A_32 = tpu.memref_slice %arg9[%mul3A_0, %dma_start3A_31] : memref<10000x128xf32, #tpu.memory_space<vmem_shared>> -> memref<624x128xf32, #tpu.memory_space<vmem_shared>>
        %dma_start3A_33 = arith.constant 0 : i32
        %dma_start3A_34 = arith.constant 0 : i32
        %dma_start3A_35 = tpu.memref_slice %arg6[%dma_start3A_33, %dma_start3A_34] : memref<624x128xf32, #tpu.memory_space<hbm>> -> memref<624x128xf32, #tpu.memory_space<hbm>>
        tpu.enqueue_dma source(%dma_start3A_35 : memref<624x128xf32, #tpu.memory_space<hbm>>) target(%dma_start3A_32 : memref<624x128xf32, #tpu.memory_space<vmem_shared>>) target_semaphore(%run_scoped3A : memref<!tpu.dma_semaphore, #tpu.memory_space<semaphore_mem>>)
        %dma_wait3A_36 = arith.constant 0 : i32
        %dma_wait3A_37 = tpu.memref_slice %arg9[%mul3A_0, %dma_wait3A_36] : memref<10000x128xf32, #tpu.memory_space<vmem_shared>> -> memref<624x128xf32, #tpu.memory_space<vmem_shared>>
        %dma_wait3A_38 = arith.constant 0 : i32
        %dma_wait3A_39 = arith.constant 0 : i32
        %dma_wait3A_40 = tpu.memref_slice %arg6[%dma_wait3A_38, %dma_wait3A_39] : memref<624x128xf32, #tpu.memory_space<hbm>> -> memref<624x128xf32, #tpu.memory_space<hbm>>
        tpu.wait_dma2 semaphore(%run_scoped3A : memref<!tpu.dma_semaphore, #tpu.memory_space<semaphore_mem>>) src(%dma_wait3A_40 : memref<624x128xf32, #tpu.memory_space<hbm>>) dst(%dma_wait3A_37 : memref<624x128xf32, #tpu.memory_space<vmem_shared>>)
        tpu.yield
      }) : () -> ()
      %eq3A_10 = arith.constant 15 : i32
      %eq3A_11 = arith.cmpi eq, %arg1, %eq3A_10 : i32
      %convert_element_type3A_12 = arith.extui %eq3A_11 : i1 to i32
      %cond3A_13 = arith.constant 0 : i32
      %cond3A_14 = arith.cmpi ne, %convert_element_type3A_12, %cond3A_13 : i32
      scf.if %cond3A_14 {
        "tpu.region"() ({
          %run_scoped3A = tpu.sem_alloc : memref<!tpu.dma_semaphore, #tpu.memory_space<semaphore_mem>>
          %dma_start3A_31 = arith.constant 9984 : i32
          %dma_start3A_32 = arith.constant 0 : i32
          %dma_start3A_33 = tpu.memref_slice %arg9[%dma_start3A_31, %dma_start3A_32] : memref<10000x128xf32, #tpu.memory_space<vmem_shared>> -> memref<16x128xf32, #tpu.memory_space<vmem_shared>>
          %dma_start3A_34 = arith.constant 0 : i32
          %dma_start3A_35 = arith.constant 0 : i32
          %dma_start3A_36 = tpu.memref_slice %arg6[%dma_start3A_34, %dma_start3A_35] : memref<624x128xf32, #tpu.memory_space<hbm>> -> memref<16x128xf32, #tpu.memory_space<hbm>>
          tpu.enqueue_dma source(%dma_start3A_36 : memref<16x128xf32, #tpu.memory_space<hbm>>) target(%dma_start3A_33 : memref<16x128xf32, #tpu.memory_space<vmem_shared>>) target_semaphore(%run_scoped3A : memref<!tpu.dma_semaphore, #tpu.memory_space<semaphore_mem>>)
          %dma_wait3A_37 = arith.constant 9984 : i32
          %dma_wait3A_38 = arith.constant 0 : i32
          %dma_wait3A_39 = tpu.memref_slice %arg9[%dma_wait3A_37, %dma_wait3A_38] : memref<10000x128xf32, #tpu.memory_space<vmem_shared>> -> memref<16x128xf32, #tpu.memory_space<vmem_shared>>
          %dma_wait3A_40 = arith.constant 0 : i32
          %dma_wait3A_41 = arith.constant 0 : i32
          %dma_wait3A_42 = tpu.memref_slice %arg6[%dma_wait3A_40, %dma_wait3A_41] : memref<624x128xf32, #tpu.memory_space<hbm>> -> memref<16x128xf32, #tpu.memory_space<hbm>>
          tpu.wait_dma2 semaphore(%run_scoped3A : memref<!tpu.dma_semaphore, #tpu.memory_space<semaphore_mem>>) src(%dma_wait3A_42 : memref<16x128xf32, #tpu.memory_space<hbm>>) dst(%dma_wait3A_39 : memref<16x128xf32, #tpu.memory_space<vmem_shared>>)
          tpu.yield
        }) : () -> ()
      } else {
      }
      %barrier3A = arith.constant 0 : index
      tpu.barrier barrier_id(%barrier3A)
      %scan3A = arith.constant 0 : i32
      %scan3A_15 = arith.constant 0 : i32
      %scan3A_16 = arith.constant 78 : i32
      %scan3A_17 = arith.addi %scan3A_15, %scan3A_16 : i32
      %scan3A_18 = arith.constant 1 : i32
      scf.for %scan3A_31 = %scan3A_15 to %scan3A_17 step %scan3A_18  : i32 {
        %mul3A_32 = arith.constant 128 : i32
        %mul3A_33 = arith.muli %scan3A_31, %mul3A_32 : i32
        %add3A_34 = arith.addi %mul3A_2, %mul3A_33 : i32
        "tpu.region"() ({
          %run_scoped3A = tpu.sem_alloc : memref<!tpu.dma_semaphore, #tpu.memory_space<semaphore_mem>>
          %dma_start3A_41 = tpu.memref_slice %arg4[%add3A_34] : memref<160000xi32, #tpu.memory_space<hbm>> -> memref<128xi32, #tpu.memory_space<hbm>>
          %dma_start3A_42 = tpu.memref_slice %arg4[%add3A_34] : memref<160000xi32, #tpu.memory_space<hbm>> -> memref<128xi32, #tpu.memory_space<hbm>>
          tpu.enqueue_dma source(%dma_start3A_42 : memref<128xi32, #tpu.memory_space<hbm>>) target(%arg10 : memref<128xi32, #tpu.memory_space<vmem>>) target_semaphore(%run_scoped3A : memref<!tpu.dma_semaphore, #tpu.memory_space<semaphore_mem>>)
          %dma_wait3A_43 = tpu.memref_slice %arg4[%add3A_34] : memref<160000xi32, #tpu.memory_space<hbm>> -> memref<128xi32, #tpu.memory_space<hbm>>
          %dma_wait3A_44 = tpu.memref_slice %arg4[%add3A_34] : memref<160000xi32, #tpu.memory_space<hbm>> -> memref<128xi32, #tpu.memory_space<hbm>>
          tpu.wait_dma2 semaphore(%run_scoped3A : memref<!tpu.dma_semaphore, #tpu.memory_space<semaphore_mem>>) src(%dma_wait3A_44 : memref<128xi32, #tpu.memory_space<hbm>>) dst(%arg10 : memref<128xi32, #tpu.memory_space<vmem>>)
          tpu.yield
        }) : () -> ()
        "tpu.region"() ({
          %run_scoped3A = tpu.sem_alloc : memref<!tpu.dma_semaphore, #tpu.memory_space<semaphore_mem>>
          %dma_start3A_41 = tpu.memref_slice %arg5[%add3A_34] : memref<160000xi32, #tpu.memory_space<hbm>> -> memref<128xi32, #tpu.memory_space<hbm>>
          %dma_start3A_42 = tpu.memref_slice %arg5[%add3A_34] : memref<160000xi32, #tpu.memory_space<hbm>> -> memref<128xi32, #tpu.memory_space<hbm>>
          tpu.enqueue_dma source(%dma_start3A_42 : memref<128xi32, #tpu.memory_space<hbm>>) target(%arg11 : memref<128xi32, #tpu.memory_space<vmem>>) target_semaphore(%run_scoped3A : memref<!tpu.dma_semaphore, #tpu.memory_space<semaphore_mem>>)
          %dma_wait3A_43 = tpu.memref_slice %arg5[%add3A_34] : memref<160000xi32, #tpu.memory_space<hbm>> -> memref<128xi32, #tpu.memory_space<hbm>>
          %dma_wait3A_44 = tpu.memref_slice %arg5[%add3A_34] : memref<160000xi32, #tpu.memory_space<hbm>> -> memref<128xi32, #tpu.memory_space<hbm>>
          tpu.wait_dma2 semaphore(%run_scoped3A : memref<!tpu.dma_semaphore, #tpu.memory_space<semaphore_mem>>) src(%dma_wait3A_44 : memref<128xi32, #tpu.memory_space<hbm>>) dst(%arg11 : memref<128xi32, #tpu.memory_space<vmem>>)
          tpu.yield
        }) : () -> ()
        %dma_start3A_35 = arith.constant 0 : i32
        %dma_start3A_36 = arith.constant 0 : i32
        %dma_start3A_37 = tpu.memref_slice %arg2[%dma_start3A_35, %dma_start3A_36] : memref<10000x128xf32, #tpu.memory_space<hbm>> -> memref<10000x128xf32, #tpu.memory_space<hbm>>
        tpu.enqueue_indirect_dma source(%dma_start3A_37 : memref<10000x128xf32, #tpu.memory_space<hbm>>) target(%arg12 : memref<128x128xf32, #tpu.memory_space<vmem>>) offsets(%arg10 : memref<128xi32, #tpu.memory_space<vmem>>) semaphore(%arg16 : memref<!tpu.dma_semaphore, #tpu.memory_space<semaphore_mem>>)
        %dma_wait3A_38 = arith.constant 0 : i32
        %dma_wait3A_39 = arith.constant 0 : i32
        %dma_wait3A_40 = tpu.memref_slice %arg2[%dma_wait3A_38, %dma_wait3A_39] : memref<10000x128xf32, #tpu.memory_space<hbm>> -> memref<10000x128xf32, #tpu.memory_space<hbm>>
        tpu.wait_indirect_dma semaphore(%arg16 : memref<!tpu.dma_semaphore, #tpu.memory_space<semaphore_mem>>) src(%dma_wait3A_40 : memref<10000x128xf32, #tpu.memory_space<hbm>>) dst(%arg12 : memref<128x128xf32, #tpu.memory_space<vmem>>)
        "tpu.region"() ({
          %run_scoped3A = tpu.sem_alloc : memref<!tpu.dma_semaphore, #tpu.memory_space<semaphore_mem>>
          %dma_start3A_41 = arith.constant 0 : i32
          %dma_start3A_42 = arith.constant 0 : i32
          %dma_start3A_43 = tpu.memref_slice %arg9[%dma_start3A_41, %dma_start3A_42] : memref<10000x128xf32, #tpu.memory_space<vmem_shared>> -> memref<10000x128xf32, #tpu.memory_space<vmem_shared>>
          tpu.enqueue_indirect_dma source(%arg12 : memref<128x128xf32, #tpu.memory_space<vmem>>) target(%dma_start3A_43 : memref<10000x128xf32, #tpu.memory_space<vmem_shared>>) offsets(%arg11 : memref<128xi32, #tpu.memory_space<vmem>>) semaphore(%run_scoped3A : memref<!tpu.dma_semaphore, #tpu.memory_space<semaphore_mem>>) {add = true}
          %dma_wait3A_44 = arith.constant 0 : i32
          %dma_wait3A_45 = arith.constant 0 : i32
          %dma_wait3A_46 = tpu.memref_slice %arg9[%dma_wait3A_44, %dma_wait3A_45] : memref<10000x128xf32, #tpu.memory_space<vmem_shared>> -> memref<10000x128xf32, #tpu.memory_space<vmem_shared>>
          tpu.wait_indirect_dma semaphore(%run_scoped3A : memref<!tpu.dma_semaphore, #tpu.memory_space<semaphore_mem>>) src(%arg12 : memref<128x128xf32, #tpu.memory_space<vmem>>) dst(%dma_wait3A_46 : memref<10000x128xf32, #tpu.memory_space<vmem_shared>>)
          tpu.yield
        }) : () -> ()
      }
      %scan3A_19 = arith.constant 78 : i32
      %add3A = arith.constant 9984 : i32
      %add3A_20 = arith.addi %mul3A_2, %add3A : i32
      "tpu.region"() ({
        %run_scoped3A = tpu.sem_alloc : memref<!tpu.dma_semaphore, #tpu.memory_space<semaphore_mem>>
        %dma_start3A_31 = tpu.memref_slice %arg4[%add3A_20] : memref<160000xi32, #tpu.memory_space<hbm>> -> memref<16xi32, #tpu.memory_space<hbm>>
        %dma_start3A_32 = tpu.memref_slice %arg4[%add3A_20] : memref<160000xi32, #tpu.memory_space<hbm>> -> memref<16xi32, #tpu.memory_space<hbm>>
        tpu.enqueue_dma source(%dma_start3A_32 : memref<16xi32, #tpu.memory_space<hbm>>) target(%arg13 : memref<16xi32, #tpu.memory_space<vmem>>) target_semaphore(%run_scoped3A : memref<!tpu.dma_semaphore, #tpu.memory_space<semaphore_mem>>)
        %dma_wait3A_33 = tpu.memref_slice %arg4[%add3A_20] : memref<160000xi32, #tpu.memory_space<hbm>> -> memref<16xi32, #tpu.memory_space<hbm>>
        %dma_wait3A_34 = tpu.memref_slice %arg4[%add3A_20] : memref<160000xi32, #tpu.memory_space<hbm>> -> memref<16xi32, #tpu.memory_space<hbm>>
        tpu.wait_dma2 semaphore(%run_scoped3A : memref<!tpu.dma_semaphore, #tpu.memory_space<semaphore_mem>>) src(%dma_wait3A_34 : memref<16xi32, #tpu.memory_space<hbm>>) dst(%arg13 : memref<16xi32, #tpu.memory_space<vmem>>)
        tpu.yield
      }) : () -> ()
      "tpu.region"() ({
        %run_scoped3A = tpu.sem_alloc : memref<!tpu.dma_semaphore, #tpu.memory_space<semaphore_mem>>
        %dma_start3A_31 = tpu.memref_slice %arg5[%add3A_20] : memref<160000xi32, #tpu.memory_space<hbm>> -> memref<16xi32, #tpu.memory_space<hbm>>
        %dma_start3A_32 = tpu.memref_slice %arg5[%add3A_20] : memref<160000xi32, #tpu.memory_space<hbm>> -> memref<16xi32, #tpu.memory_space<hbm>>
        tpu.enqueue_dma source(%dma_start3A_32 : memref<16xi32, #tpu.memory_space<hbm>>) target(%arg14 : memref<16xi32, #tpu.memory_space<vmem>>) target_semaphore(%run_scoped3A : memref<!tpu.dma_semaphore, #tpu.memory_space<semaphore_mem>>)
        %dma_wait3A_33 = tpu.memref_slice %arg5[%add3A_20] : memref<160000xi32, #tpu.memory_space<hbm>> -> memref<16xi32, #tpu.memory_space<hbm>>
        %dma_wait3A_34 = tpu.memref_slice %arg5[%add3A_20] : memref<160000xi32, #tpu.memory_space<hbm>> -> memref<16xi32, #tpu.memory_space<hbm>>
        tpu.wait_dma2 semaphore(%run_scoped3A : memref<!tpu.dma_semaphore, #tpu.memory_space<semaphore_mem>>) src(%dma_wait3A_34 : memref<16xi32, #tpu.memory_space<hbm>>) dst(%arg14 : memref<16xi32, #tpu.memory_space<vmem>>)
        tpu.yield
      }) : () -> ()
      %dma_start3A = arith.constant 0 : i32
      %dma_start3A_21 = arith.constant 0 : i32
      %dma_start3A_22 = tpu.memref_slice %arg2[%dma_start3A, %dma_start3A_21] : memref<10000x128xf32, #tpu.memory_space<hbm>> -> memref<10000x128xf32, #tpu.memory_space<hbm>>
      tpu.enqueue_indirect_dma source(%dma_start3A_22 : memref<10000x128xf32, #tpu.memory_space<hbm>>) target(%arg15 : memref<16x128xf32, #tpu.memory_space<vmem>>) offsets(%arg13 : memref<16xi32, #tpu.memory_space<vmem>>) semaphore(%arg16 : memref<!tpu.dma_semaphore, #tpu.memory_space<semaphore_mem>>)
      %dma_wait3A = arith.constant 0 : i32
      %dma_wait3A_23 = arith.constant 0 : i32
      %dma_wait3A_24 = tpu.memref_slice %arg2[%dma_wait3A, %dma_wait3A_23] : memref<10000x128xf32, #tpu.memory_space<hbm>> -> memref<10000x128xf32, #tpu.memory_space<hbm>>
      tpu.wait_indirect_dma semaphore(%arg16 : memref<!tpu.dma_semaphore, #tpu.memory_space<semaphore_mem>>) src(%dma_wait3A_24 : memref<10000x128xf32, #tpu.memory_space<hbm>>) dst(%arg15 : memref<16x128xf32, #tpu.memory_space<vmem>>)
      "tpu.region"() ({
        %run_scoped3A = tpu.sem_alloc : memref<!tpu.dma_semaphore, #tpu.memory_space<semaphore_mem>>
        %dma_start3A_31 = arith.constant 0 : i32
        %dma_start3A_32 = arith.constant 0 : i32
        %dma_start3A_33 = tpu.memref_slice %arg9[%dma_start3A_31, %dma_start3A_32] : memref<10000x128xf32, #tpu.memory_space<vmem_shared>> -> memref<10000x128xf32, #tpu.memory_space<vmem_shared>>
        tpu.enqueue_indirect_dma source(%arg15 : memref<16x128xf32, #tpu.memory_space<vmem>>) target(%dma_start3A_33 : memref<10000x128xf32, #tpu.memory_space<vmem_shared>>) offsets(%arg14 : memref<16xi32, #tpu.memory_space<vmem>>) semaphore(%run_scoped3A : memref<!tpu.dma_semaphore, #tpu.memory_space<semaphore_mem>>) {add = true}
        %dma_wait3A_34 = arith.constant 0 : i32
        %dma_wait3A_35 = arith.constant 0 : i32
        %dma_wait3A_36 = tpu.memref_slice %arg9[%dma_wait3A_34, %dma_wait3A_35] : memref<10000x128xf32, #tpu.memory_space<vmem_shared>> -> memref<10000x128xf32, #tpu.memory_space<vmem_shared>>
        tpu.wait_indirect_dma semaphore(%run_scoped3A : memref<!tpu.dma_semaphore, #tpu.memory_space<semaphore_mem>>) src(%arg15 : memref<16x128xf32, #tpu.memory_space<vmem>>) dst(%dma_wait3A_36 : memref<10000x128xf32, #tpu.memory_space<vmem_shared>>)
        tpu.yield
      }) : () -> ()
      %barrier3A_25 = arith.constant 0 : index
      tpu.barrier barrier_id(%barrier3A_25)
      "tpu.region"() ({
        %run_scoped3A = tpu.sem_alloc : memref<!tpu.dma_semaphore, #tpu.memory_space<semaphore_mem>>
        %dma_start3A_31 = arith.constant 0 : i32
        %dma_start3A_32 = tpu.memref_slice %arg7[%mul3A_0, %dma_start3A_31] : memref<10000x128xf32, #tpu.memory_space<hbm>> -> memref<624x128xf32, #tpu.memory_space<hbm>>
        %dma_start3A_33 = arith.constant 0 : i32
        %dma_start3A_34 = tpu.memref_slice %arg9[%mul3A_0, %dma_start3A_33] : memref<10000x128xf32, #tpu.memory_space<vmem_shared>> -> memref<624x128xf32, #tpu.memory_space<vmem_shared>>
        tpu.enqueue_dma source(%dma_start3A_34 : memref<624x128xf32, #tpu.memory_space<vmem_shared>>) target(%dma_start3A_32 : memref<624x128xf32, #tpu.memory_space<hbm>>) target_semaphore(%run_scoped3A : memref<!tpu.dma_semaphore, #tpu.memory_space<semaphore_mem>>)
        %dma_wait3A_35 = arith.constant 0 : i32
        %dma_wait3A_36 = tpu.memref_slice %arg7[%mul3A_0, %dma_wait3A_35] : memref<10000x128xf32, #tpu.memory_space<hbm>> -> memref<624x128xf32, #tpu.memory_space<hbm>>
        %dma_wait3A_37 = arith.constant 0 : i32
        %dma_wait3A_38 = tpu.memref_slice %arg9[%mul3A_0, %dma_wait3A_37] : memref<10000x128xf32, #tpu.memory_space<vmem_shared>> -> memref<624x128xf32, #tpu.memory_space<vmem_shared>>
        tpu.wait_dma2 semaphore(%run_scoped3A : memref<!tpu.dma_semaphore, #tpu.memory_space<semaphore_mem>>) src(%dma_wait3A_38 : memref<624x128xf32, #tpu.memory_space<vmem_shared>>) dst(%dma_wait3A_36 : memref<624x128xf32, #tpu.memory_space<hbm>>)
        tpu.yield
      }) : () -> ()
      %eq3A_26 = arith.constant 15 : i32
      %eq3A_27 = arith.cmpi eq, %arg1, %eq3A_26 : i32
      %convert_element_type3A_28 = arith.extui %eq3A_27 : i1 to i32
      %cond3A_29 = arith.constant 0 : i32
      %cond3A_30 = arith.cmpi ne, %convert_element_type3A_28, %cond3A_29 : i32
      scf.if %cond3A_30 {
        "tpu.region"() ({
          %run_scoped3A = tpu.sem_alloc : memref<!tpu.dma_semaphore, #tpu.memory_space<semaphore_mem>>
          %dma_start3A_31 = arith.constant 9984 : i32
          %dma_start3A_32 = arith.constant 0 : i32
          %dma_start3A_33 = tpu.memref_slice %arg7[%dma_start3A_31, %dma_start3A_32] : memref<10000x128xf32, #tpu.memory_space<hbm>> -> memref<16x128xf32, #tpu.memory_space<hbm>>
          %dma_start3A_34 = arith.constant 9984 : i32
          %dma_start3A_35 = arith.constant 0 : i32
          %dma_start3A_36 = tpu.memref_slice %arg9[%dma_start3A_34, %dma_start3A_35] : memref<10000x128xf32, #tpu.memory_space<vmem_shared>> -> memref<16x128xf32, #tpu.memory_space<vmem_shared>>
          tpu.enqueue_dma source(%dma_start3A_36 : memref<16x128xf32, #tpu.memory_space<vmem_shared>>) target(%dma_start3A_33 : memref<16x128xf32, #tpu.memory_space<hbm>>) target_semaphore(%run_scoped3A : memref<!tpu.dma_semaphore, #tpu.memory_space<semaphore_mem>>)
          %dma_wait3A_37 = arith.constant 9984 : i32
          %dma_wait3A_38 = arith.constant 0 : i32
          %dma_wait3A_39 = tpu.memref_slice %arg7[%dma_wait3A_37, %dma_wait3A_38] : memref<10000x128xf32, #tpu.memory_space<hbm>> -> memref<16x128xf32, #tpu.memory_space<hbm>>
          %dma_wait3A_40 = arith.constant 9984 : i32
          %dma_wait3A_41 = arith.constant 0 : i32
          %dma_wait3A_42 = tpu.memref_slice %arg9[%dma_wait3A_40, %dma_wait3A_41] : memref<10000x128xf32, #tpu.memory_space<vmem_shared>> -> memref<16x128xf32, #tpu.memory_space<vmem_shared>>
          tpu.wait_dma2 semaphore(%run_scoped3A : memref<!tpu.dma_semaphore, #tpu.memory_space<semaphore_mem>>) src(%dma_wait3A_42 : memref<16x128xf32, #tpu.memory_space<vmem_shared>>) dst(%dma_wait3A_39 : memref<16x128xf32, #tpu.memory_space<hbm>>)
          tpu.yield
        }) : () -> ()
      } else {
      }
    } else {
    }
    %eq3A_5 = arith.constant 1 : i32
    %eq3A_6 = arith.cmpi eq, %arg0, %eq3A_5 : i32
    %convert_element_type3A_7 = arith.extui %eq3A_6 : i1 to i32
    %cond3A_8 = arith.constant 0 : i32
    %cond3A_9 = arith.cmpi ne, %convert_element_type3A_7, %cond3A_8 : i32
    scf.if %cond3A_9 {
      "tpu.region"() ({
        %run_scoped3A = tpu.sem_alloc : memref<!tpu.dma_semaphore, #tpu.memory_space<semaphore_mem>>
        %dma_start3A_31 = arith.constant 0 : i32
        %dma_start3A_32 = tpu.memref_slice %arg9[%mul3A_0, %dma_start3A_31] : memref<10000x128xf32, #tpu.memory_space<vmem_shared>> -> memref<624x128xf32, #tpu.memory_space<vmem_shared>>
        %dma_start3A_33 = arith.constant 0 : i32
        %dma_start3A_34 = arith.constant 0 : i32
        %dma_start3A_35 = tpu.memref_slice %arg6[%dma_start3A_33, %dma_start3A_34] : memref<624x128xf32, #tpu.memory_space<hbm>> -> memref<624x128xf32, #tpu.memory_space<hbm>>
        tpu.enqueue_dma source(%dma_start3A_35 : memref<624x128xf32, #tpu.memory_space<hbm>>) target(%dma_start3A_32 : memref<624x128xf32, #tpu.memory_space<vmem_shared>>) target_semaphore(%run_scoped3A : memref<!tpu.dma_semaphore, #tpu.memory_space<semaphore_mem>>)
        %dma_wait3A_36 = arith.constant 0 : i32
        %dma_wait3A_37 = tpu.memref_slice %arg9[%mul3A_0, %dma_wait3A_36] : memref<10000x128xf32, #tpu.memory_space<vmem_shared>> -> memref<624x128xf32, #tpu.memory_space<vmem_shared>>
        %dma_wait3A_38 = arith.constant 0 : i32
        %dma_wait3A_39 = arith.constant 0 : i32
        %dma_wait3A_40 = tpu.memref_slice %arg6[%dma_wait3A_38, %dma_wait3A_39] : memref<624x128xf32, #tpu.memory_space<hbm>> -> memref<624x128xf32, #tpu.memory_space<hbm>>
        tpu.wait_dma2 semaphore(%run_scoped3A : memref<!tpu.dma_semaphore, #tpu.memory_space<semaphore_mem>>) src(%dma_wait3A_40 : memref<624x128xf32, #tpu.memory_space<hbm>>) dst(%dma_wait3A_37 : memref<624x128xf32, #tpu.memory_space<vmem_shared>>)
        tpu.yield
      }) : () -> ()
      %eq3A_10 = arith.constant 15 : i32
      %eq3A_11 = arith.cmpi eq, %arg1, %eq3A_10 : i32
      %convert_element_type3A_12 = arith.extui %eq3A_11 : i1 to i32
      %cond3A_13 = arith.constant 0 : i32
      %cond3A_14 = arith.cmpi ne, %convert_element_type3A_12, %cond3A_13 : i32
      scf.if %cond3A_14 {
        "tpu.region"() ({
          %run_scoped3A = tpu.sem_alloc : memref<!tpu.dma_semaphore, #tpu.memory_space<semaphore_mem>>
          %dma_start3A_31 = arith.constant 9984 : i32
          %dma_start3A_32 = arith.constant 0 : i32
          %dma_start3A_33 = tpu.memref_slice %arg9[%dma_start3A_31, %dma_start3A_32] : memref<10000x128xf32, #tpu.memory_space<vmem_shared>> -> memref<16x128xf32, #tpu.memory_space<vmem_shared>>
          %dma_start3A_34 = arith.constant 0 : i32
          %dma_start3A_35 = arith.constant 0 : i32
          %dma_start3A_36 = tpu.memref_slice %arg6[%dma_start3A_34, %dma_start3A_35] : memref<624x128xf32, #tpu.memory_space<hbm>> -> memref<16x128xf32, #tpu.memory_space<hbm>>
          tpu.enqueue_dma source(%dma_start3A_36 : memref<16x128xf32, #tpu.memory_space<hbm>>) target(%dma_start3A_33 : memref<16x128xf32, #tpu.memory_space<vmem_shared>>) target_semaphore(%run_scoped3A : memref<!tpu.dma_semaphore, #tpu.memory_space<semaphore_mem>>)
          %dma_wait3A_37 = arith.constant 9984 : i32
          %dma_wait3A_38 = arith.constant 0 : i32
          %dma_wait3A_39 = tpu.memref_slice %arg9[%dma_wait3A_37, %dma_wait3A_38] : memref<10000x128xf32, #tpu.memory_space<vmem_shared>> -> memref<16x128xf32, #tpu.memory_space<vmem_shared>>
          %dma_wait3A_40 = arith.constant 0 : i32
          %dma_wait3A_41 = arith.constant 0 : i32
          %dma_wait3A_42 = tpu.memref_slice %arg6[%dma_wait3A_40, %dma_wait3A_41] : memref<624x128xf32, #tpu.memory_space<hbm>> -> memref<16x128xf32, #tpu.memory_space<hbm>>
          tpu.wait_dma2 semaphore(%run_scoped3A : memref<!tpu.dma_semaphore, #tpu.memory_space<semaphore_mem>>) src(%dma_wait3A_42 : memref<16x128xf32, #tpu.memory_space<hbm>>) dst(%dma_wait3A_39 : memref<16x128xf32, #tpu.memory_space<vmem_shared>>)
          tpu.yield
        }) : () -> ()
      } else {
      }
      %barrier3A = arith.constant 0 : index
      tpu.barrier barrier_id(%barrier3A)
      %scan3A = arith.constant 0 : i32
      %scan3A_15 = arith.constant 0 : i32
      %scan3A_16 = arith.constant 78 : i32
      %scan3A_17 = arith.addi %scan3A_15, %scan3A_16 : i32
      %scan3A_18 = arith.constant 1 : i32
      scf.for %scan3A_31 = %scan3A_15 to %scan3A_17 step %scan3A_18  : i32 {
        %mul3A_32 = arith.constant 128 : i32
        %mul3A_33 = arith.muli %scan3A_31, %mul3A_32 : i32
        %add3A_34 = arith.addi %mul3A_2, %mul3A_33 : i32
        "tpu.region"() ({
          %run_scoped3A = tpu.sem_alloc : memref<!tpu.dma_semaphore, #tpu.memory_space<semaphore_mem>>
          %dma_start3A_41 = tpu.memref_slice %arg4[%add3A_34] : memref<160000xi32, #tpu.memory_space<hbm>> -> memref<128xi32, #tpu.memory_space<hbm>>
          %dma_start3A_42 = tpu.memref_slice %arg4[%add3A_34] : memref<160000xi32, #tpu.memory_space<hbm>> -> memref<128xi32, #tpu.memory_space<hbm>>
          tpu.enqueue_dma source(%dma_start3A_42 : memref<128xi32, #tpu.memory_space<hbm>>) target(%arg10 : memref<128xi32, #tpu.memory_space<vmem>>) target_semaphore(%run_scoped3A : memref<!tpu.dma_semaphore, #tpu.memory_space<semaphore_mem>>)
          %dma_wait3A_43 = tpu.memref_slice %arg4[%add3A_34] : memref<160000xi32, #tpu.memory_space<hbm>> -> memref<128xi32, #tpu.memory_space<hbm>>
          %dma_wait3A_44 = tpu.memref_slice %arg4[%add3A_34] : memref<160000xi32, #tpu.memory_space<hbm>> -> memref<128xi32, #tpu.memory_space<hbm>>
          tpu.wait_dma2 semaphore(%run_scoped3A : memref<!tpu.dma_semaphore, #tpu.memory_space<semaphore_mem>>) src(%dma_wait3A_44 : memref<128xi32, #tpu.memory_space<hbm>>) dst(%arg10 : memref<128xi32, #tpu.memory_space<vmem>>)
          tpu.yield
        }) : () -> ()
        "tpu.region"() ({
          %run_scoped3A = tpu.sem_alloc : memref<!tpu.dma_semaphore, #tpu.memory_space<semaphore_mem>>
          %dma_start3A_41 = tpu.memref_slice %arg5[%add3A_34] : memref<160000xi32, #tpu.memory_space<hbm>> -> memref<128xi32, #tpu.memory_space<hbm>>
          %dma_start3A_42 = tpu.memref_slice %arg5[%add3A_34] : memref<160000xi32, #tpu.memory_space<hbm>> -> memref<128xi32, #tpu.memory_space<hbm>>
          tpu.enqueue_dma source(%dma_start3A_42 : memref<128xi32, #tpu.memory_space<hbm>>) target(%arg11 : memref<128xi32, #tpu.memory_space<vmem>>) target_semaphore(%run_scoped3A : memref<!tpu.dma_semaphore, #tpu.memory_space<semaphore_mem>>)
          %dma_wait3A_43 = tpu.memref_slice %arg5[%add3A_34] : memref<160000xi32, #tpu.memory_space<hbm>> -> memref<128xi32, #tpu.memory_space<hbm>>
          %dma_wait3A_44 = tpu.memref_slice %arg5[%add3A_34] : memref<160000xi32, #tpu.memory_space<hbm>> -> memref<128xi32, #tpu.memory_space<hbm>>
          tpu.wait_dma2 semaphore(%run_scoped3A : memref<!tpu.dma_semaphore, #tpu.memory_space<semaphore_mem>>) src(%dma_wait3A_44 : memref<128xi32, #tpu.memory_space<hbm>>) dst(%arg11 : memref<128xi32, #tpu.memory_space<vmem>>)
          tpu.yield
        }) : () -> ()
        %dma_start3A_35 = arith.constant 0 : i32
        %dma_start3A_36 = arith.constant 0 : i32
        %dma_start3A_37 = tpu.memref_slice %arg3[%dma_start3A_35, %dma_start3A_36] : memref<10000x128xf32, #tpu.memory_space<hbm>> -> memref<10000x128xf32, #tpu.memory_space<hbm>>
        tpu.enqueue_indirect_dma source(%dma_start3A_37 : memref<10000x128xf32, #tpu.memory_space<hbm>>) target(%arg12 : memref<128x128xf32, #tpu.memory_space<vmem>>) offsets(%arg10 : memref<128xi32, #tpu.memory_space<vmem>>) semaphore(%arg16 : memref<!tpu.dma_semaphore, #tpu.memory_space<semaphore_mem>>)
        %dma_wait3A_38 = arith.constant 0 : i32
        %dma_wait3A_39 = arith.constant 0 : i32
        %dma_wait3A_40 = tpu.memref_slice %arg3[%dma_wait3A_38, %dma_wait3A_39] : memref<10000x128xf32, #tpu.memory_space<hbm>> -> memref<10000x128xf32, #tpu.memory_space<hbm>>
        tpu.wait_indirect_dma semaphore(%arg16 : memref<!tpu.dma_semaphore, #tpu.memory_space<semaphore_mem>>) src(%dma_wait3A_40 : memref<10000x128xf32, #tpu.memory_space<hbm>>) dst(%arg12 : memref<128x128xf32, #tpu.memory_space<vmem>>)
        "tpu.region"() ({
          %run_scoped3A = tpu.sem_alloc : memref<!tpu.dma_semaphore, #tpu.memory_space<semaphore_mem>>
          %dma_start3A_41 = arith.constant 0 : i32
          %dma_start3A_42 = arith.constant 0 : i32
          %dma_start3A_43 = tpu.memref_slice %arg9[%dma_start3A_41, %dma_start3A_42] : memref<10000x128xf32, #tpu.memory_space<vmem_shared>> -> memref<10000x128xf32, #tpu.memory_space<vmem_shared>>
          tpu.enqueue_indirect_dma source(%arg12 : memref<128x128xf32, #tpu.memory_space<vmem>>) target(%dma_start3A_43 : memref<10000x128xf32, #tpu.memory_space<vmem_shared>>) offsets(%arg11 : memref<128xi32, #tpu.memory_space<vmem>>) semaphore(%run_scoped3A : memref<!tpu.dma_semaphore, #tpu.memory_space<semaphore_mem>>) {add = true}
          %dma_wait3A_44 = arith.constant 0 : i32
          %dma_wait3A_45 = arith.constant 0 : i32
          %dma_wait3A_46 = tpu.memref_slice %arg9[%dma_wait3A_44, %dma_wait3A_45] : memref<10000x128xf32, #tpu.memory_space<vmem_shared>> -> memref<10000x128xf32, #tpu.memory_space<vmem_shared>>
          tpu.wait_indirect_dma semaphore(%run_scoped3A : memref<!tpu.dma_semaphore, #tpu.memory_space<semaphore_mem>>) src(%arg12 : memref<128x128xf32, #tpu.memory_space<vmem>>) dst(%dma_wait3A_46 : memref<10000x128xf32, #tpu.memory_space<vmem_shared>>)
          tpu.yield
        }) : () -> ()
      }
      %scan3A_19 = arith.constant 78 : i32
      %add3A = arith.constant 9984 : i32
      %add3A_20 = arith.addi %mul3A_2, %add3A : i32
      "tpu.region"() ({
        %run_scoped3A = tpu.sem_alloc : memref<!tpu.dma_semaphore, #tpu.memory_space<semaphore_mem>>
        %dma_start3A_31 = tpu.memref_slice %arg4[%add3A_20] : memref<160000xi32, #tpu.memory_space<hbm>> -> memref<16xi32, #tpu.memory_space<hbm>>
        %dma_start3A_32 = tpu.memref_slice %arg4[%add3A_20] : memref<160000xi32, #tpu.memory_space<hbm>> -> memref<16xi32, #tpu.memory_space<hbm>>
        tpu.enqueue_dma source(%dma_start3A_32 : memref<16xi32, #tpu.memory_space<hbm>>) target(%arg13 : memref<16xi32, #tpu.memory_space<vmem>>) target_semaphore(%run_scoped3A : memref<!tpu.dma_semaphore, #tpu.memory_space<semaphore_mem>>)
        %dma_wait3A_33 = tpu.memref_slice %arg4[%add3A_20] : memref<160000xi32, #tpu.memory_space<hbm>> -> memref<16xi32, #tpu.memory_space<hbm>>
        %dma_wait3A_34 = tpu.memref_slice %arg4[%add3A_20] : memref<160000xi32, #tpu.memory_space<hbm>> -> memref<16xi32, #tpu.memory_space<hbm>>
        tpu.wait_dma2 semaphore(%run_scoped3A : memref<!tpu.dma_semaphore, #tpu.memory_space<semaphore_mem>>) src(%dma_wait3A_34 : memref<16xi32, #tpu.memory_space<hbm>>) dst(%arg13 : memref<16xi32, #tpu.memory_space<vmem>>)
        tpu.yield
      }) : () -> ()
      "tpu.region"() ({
        %run_scoped3A = tpu.sem_alloc : memref<!tpu.dma_semaphore, #tpu.memory_space<semaphore_mem>>
        %dma_start3A_31 = tpu.memref_slice %arg5[%add3A_20] : memref<160000xi32, #tpu.memory_space<hbm>> -> memref<16xi32, #tpu.memory_space<hbm>>
        %dma_start3A_32 = tpu.memref_slice %arg5[%add3A_20] : memref<160000xi32, #tpu.memory_space<hbm>> -> memref<16xi32, #tpu.memory_space<hbm>>
        tpu.enqueue_dma source(%dma_start3A_32 : memref<16xi32, #tpu.memory_space<hbm>>) target(%arg14 : memref<16xi32, #tpu.memory_space<vmem>>) target_semaphore(%run_scoped3A : memref<!tpu.dma_semaphore, #tpu.memory_space<semaphore_mem>>)
        %dma_wait3A_33 = tpu.memref_slice %arg5[%add3A_20] : memref<160000xi32, #tpu.memory_space<hbm>> -> memref<16xi32, #tpu.memory_space<hbm>>
        %dma_wait3A_34 = tpu.memref_slice %arg5[%add3A_20] : memref<160000xi32, #tpu.memory_space<hbm>> -> memref<16xi32, #tpu.memory_space<hbm>>
        tpu.wait_dma2 semaphore(%run_scoped3A : memref<!tpu.dma_semaphore, #tpu.memory_space<semaphore_mem>>) src(%dma_wait3A_34 : memref<16xi32, #tpu.memory_space<hbm>>) dst(%arg14 : memref<16xi32, #tpu.memory_space<vmem>>)
        tpu.yield
      }) : () -> ()
      %dma_start3A = arith.constant 0 : i32
      %dma_start3A_21 = arith.constant 0 : i32
      %dma_start3A_22 = tpu.memref_slice %arg3[%dma_start3A, %dma_start3A_21] : memref<10000x128xf32, #tpu.memory_space<hbm>> -> memref<10000x128xf32, #tpu.memory_space<hbm>>
      tpu.enqueue_indirect_dma source(%dma_start3A_22 : memref<10000x128xf32, #tpu.memory_space<hbm>>) target(%arg15 : memref<16x128xf32, #tpu.memory_space<vmem>>) offsets(%arg13 : memref<16xi32, #tpu.memory_space<vmem>>) semaphore(%arg16 : memref<!tpu.dma_semaphore, #tpu.memory_space<semaphore_mem>>)
      %dma_wait3A = arith.constant 0 : i32
      %dma_wait3A_23 = arith.constant 0 : i32
      %dma_wait3A_24 = tpu.memref_slice %arg3[%dma_wait3A, %dma_wait3A_23] : memref<10000x128xf32, #tpu.memory_space<hbm>> -> memref<10000x128xf32, #tpu.memory_space<hbm>>
      tpu.wait_indirect_dma semaphore(%arg16 : memref<!tpu.dma_semaphore, #tpu.memory_space<semaphore_mem>>) src(%dma_wait3A_24 : memref<10000x128xf32, #tpu.memory_space<hbm>>) dst(%arg15 : memref<16x128xf32, #tpu.memory_space<vmem>>)
      "tpu.region"() ({
        %run_scoped3A = tpu.sem_alloc : memref<!tpu.dma_semaphore, #tpu.memory_space<semaphore_mem>>
        %dma_start3A_31 = arith.constant 0 : i32
        %dma_start3A_32 = arith.constant 0 : i32
        %dma_start3A_33 = tpu.memref_slice %arg9[%dma_start3A_31, %dma_start3A_32] : memref<10000x128xf32, #tpu.memory_space<vmem_shared>> -> memref<10000x128xf32, #tpu.memory_space<vmem_shared>>
        tpu.enqueue_indirect_dma source(%arg15 : memref<16x128xf32, #tpu.memory_space<vmem>>) target(%dma_start3A_33 : memref<10000x128xf32, #tpu.memory_space<vmem_shared>>) offsets(%arg14 : memref<16xi32, #tpu.memory_space<vmem>>) semaphore(%run_scoped3A : memref<!tpu.dma_semaphore, #tpu.memory_space<semaphore_mem>>) {add = true}
        %dma_wait3A_34 = arith.constant 0 : i32
        %dma_wait3A_35 = arith.constant 0 : i32
        %dma_wait3A_36 = tpu.memref_slice %arg9[%dma_wait3A_34, %dma_wait3A_35] : memref<10000x128xf32, #tpu.memory_space<vmem_shared>> -> memref<10000x128xf32, #tpu.memory_space<vmem_shared>>
        tpu.wait_indirect_dma semaphore(%run_scoped3A : memref<!tpu.dma_semaphore, #tpu.memory_space<semaphore_mem>>) src(%arg15 : memref<16x128xf32, #tpu.memory_space<vmem>>) dst(%dma_wait3A_36 : memref<10000x128xf32, #tpu.memory_space<vmem_shared>>)
        tpu.yield
      }) : () -> ()
      %barrier3A_25 = arith.constant 0 : index
      tpu.barrier barrier_id(%barrier3A_25)
      "tpu.region"() ({
        %run_scoped3A = tpu.sem_alloc : memref<!tpu.dma_semaphore, #tpu.memory_space<semaphore_mem>>
        %dma_start3A_31 = arith.constant 0 : i32
        %dma_start3A_32 = tpu.memref_slice %arg8[%mul3A_0, %dma_start3A_31] : memref<10000x128xf32, #tpu.memory_space<hbm>> -> memref<624x128xf32, #tpu.memory_space<hbm>>
        %dma_start3A_33 = arith.constant 0 : i32
        %dma_start3A_34 = tpu.memref_slice %arg9[%mul3A_0, %dma_start3A_33] : memref<10000x128xf32, #tpu.memory_space<vmem_shared>> -> memref<624x128xf32, #tpu.memory_space<vmem_shared>>
        tpu.enqueue_dma source(%dma_start3A_34 : memref<624x128xf32, #tpu.memory_space<vmem_shared>>) target(%dma_start3A_32 : memref<624x128xf32, #tpu.memory_space<hbm>>) target_semaphore(%run_scoped3A : memref<!tpu.dma_semaphore, #tpu.memory_space<semaphore_mem>>)
        %dma_wait3A_35 = arith.constant 0 : i32
        %dma_wait3A_36 = tpu.memref_slice %arg8[%mul3A_0, %dma_wait3A_35] : memref<10000x128xf32, #tpu.memory_space<hbm>> -> memref<624x128xf32, #tpu.memory_space<hbm>>
        %dma_wait3A_37 = arith.constant 0 : i32
        %dma_wait3A_38 = tpu.memref_slice %arg9[%mul3A_0, %dma_wait3A_37] : memref<10000x128xf32, #tpu.memory_space<vmem_shared>> -> memref<624x128xf32, #tpu.memory_space<vmem_shared>>
        tpu.wait_dma2 semaphore(%run_scoped3A : memref<!tpu.dma_semaphore, #tpu.memory_space<semaphore_mem>>) src(%dma_wait3A_38 : memref<624x128xf32, #tpu.memory_space<vmem_shared>>) dst(%dma_wait3A_36 : memref<624x128xf32, #tpu.memory_space<hbm>>)
        tpu.yield
      }) : () -> ()
      %eq3A_26 = arith.constant 15 : i32
      %eq3A_27 = arith.cmpi eq, %arg1, %eq3A_26 : i32
      %convert_element_type3A_28 = arith.extui %eq3A_27 : i1 to i32
      %cond3A_29 = arith.constant 0 : i32
      %cond3A_30 = arith.cmpi ne, %convert_element_type3A_28, %cond3A_29 : i32
      scf.if %cond3A_30 {
        "tpu.region"() ({
          %run_scoped3A = tpu.sem_alloc : memref<!tpu.dma_semaphore, #tpu.memory_space<semaphore_mem>>
          %dma_start3A_31 = arith.constant 9984 : i32
          %dma_start3A_32 = arith.constant 0 : i32
          %dma_start3A_33 = tpu.memref_slice %arg8[%dma_start3A_31, %dma_start3A_32] : memref<10000x128xf32, #tpu.memory_space<hbm>> -> memref<16x128xf32, #tpu.memory_space<hbm>>
          %dma_start3A_34 = arith.constant 9984 : i32
          %dma_start3A_35 = arith.constant 0 : i32
          %dma_start3A_36 = tpu.memref_slice %arg9[%dma_start3A_34, %dma_start3A_35] : memref<10000x128xf32, #tpu.memory_space<vmem_shared>> -> memref<16x128xf32, #tpu.memory_space<vmem_shared>>
          tpu.enqueue_dma source(%dma_start3A_36 : memref<16x128xf32, #tpu.memory_space<vmem_shared>>) target(%dma_start3A_33 : memref<16x128xf32, #tpu.memory_space<hbm>>) target_semaphore(%run_scoped3A : memref<!tpu.dma_semaphore, #tpu.memory_space<semaphore_mem>>)
          %dma_wait3A_37 = arith.constant 9984 : i32
          %dma_wait3A_38 = arith.constant 0 : i32
          %dma_wait3A_39 = tpu.memref_slice %arg8[%dma_wait3A_37, %dma_wait3A_38] : memref<10000x128xf32, #tpu.memory_space<hbm>> -> memref<16x128xf32, #tpu.memory_space<hbm>>
          %dma_wait3A_40 = arith.constant 9984 : i32
          %dma_wait3A_41 = arith.constant 0 : i32
          %dma_wait3A_42 = tpu.memref_slice %arg9[%dma_wait3A_40, %dma_wait3A_41] : memref<10000x128xf32, #tpu.memory_space<vmem_shared>> -> memref<16x128xf32, #tpu.memory_space<vmem_shared>>
          tpu.wait_dma2 semaphore(%run_scoped3A : memref<!tpu.dma_semaphore, #tpu.memory_space<semaphore_mem>>) src(%dma_wait3A_42 : memref<16x128xf32, #tpu.memory_space<vmem_shared>>) dst(%dma_wait3A_39 : memref<16x128xf32, #tpu.memory_space<hbm>>)
          tpu.yield
        }) : () -> ()
      } else {
      }
    } else {
    }
    return
  }
}

#map = affine_map<(d0, d1) -> (0, 0)>
#map1 = affine_map<(d0, d1) -> (0)>
module attributes {stable_mosaic.version = 14 : i64} {
  func.func @sc_spmm(%arg0: i32, %arg1: i32, %arg2: memref<10000x128xf32, #tpu.memory_space<hbm>>, %arg3: memref<10000x128xf32, #tpu.memory_space<hbm>>, %arg4: memref<160000xi32, #tpu.memory_space<hbm>>, %arg5: memref<160000xi32, #tpu.memory_space<hbm>>, %arg6: memref<624x128xf32, #tpu.memory_space<hbm>>, %arg7: memref<10000x128xf32, #tpu.memory_space<hbm>>, %arg8: memref<10000x128xf32, #tpu.memory_space<hbm>>, %arg9: memref<10000x128xf32, #tpu.memory_space<vmem_shared>>, %arg10: memref<128xi32, #tpu.memory_space<vmem>>, %arg11: memref<128xi32, #tpu.memory_space<vmem>>, %arg12: memref<128x128xf32, #tpu.memory_space<vmem>>, %arg13: memref<16xi32, #tpu.memory_space<vmem>>, %arg14: memref<16xi32, #tpu.memory_space<vmem>>, %arg15: memref<16x128xf32, #tpu.memory_space<vmem>>, %arg16: memref<!tpu.dma_semaphore, #tpu.memory_space<semaphore_mem>>) attributes {dimension_semantics = [#tpu.dimension_semantics<core_parallel>, #tpu.dimension_semantics<subcore_parallel>], iteration_bounds = array<i64: 2, 16>, scalar_prefetch = 0 : i64, scratch_operands = 8 : i64, tpu.core_type = #tpu.core_type<sc_vector_subcore>, window_params = [{transform_indices = #map}, {transform_indices = #map}, {transform_indices = #map1}, {transform_indices = #map1}, {transform_indices = #map}, {transform_indices = #map}, {transform_indices = #map}]} {
    %mul3A = arith.constant 624 : i32
    %mul3A_0 = arith.muli %arg1, %mul3A : i32
    %mul3A_1 = arith.constant 10000 : i32
    %mul3A_2 = arith.muli %arg1, %mul3A_1 : i32
    %eq3A = arith.constant 0 : i32
    %eq3A_3 = arith.cmpi eq, %arg0, %eq3A : i32
    %convert_element_type3A = arith.extui %eq3A_3 : i1 to i32
    %cond3A = arith.constant 0 : i32
    %cond3A_4 = arith.cmpi ne, %convert_element_type3A, %cond3A : i32
    scf.if %cond3A_4 {
      "tpu.region"() ({
        %run_scoped3A = tpu.sem_alloc : memref<!tpu.dma_semaphore, #tpu.memory_space<semaphore_mem>>
        %dma_start3A_31 = arith.constant 0 : i32
        %dma_start3A_32 = tpu.memref_slice %arg9[%mul3A_0, %dma_start3A_31] : memref<10000x128xf32, #tpu.memory_space<vmem_shared>> -> memref<624x128xf32, #tpu.memory_space<vmem_shared>>
        %dma_start3A_33 = arith.constant 0 : i32
        %dma_start3A_34 = arith.constant 0 : i32
        %dma_start3A_35 = tpu.memref_slice %arg6[%dma_start3A_33, %dma_start3A_34] : memref<624x128xf32, #tpu.memory_space<hbm>> -> memref<624x128xf32, #tpu.memory_space<hbm>>
        tpu.enqueue_dma source(%dma_start3A_35 : memref<624x128xf32, #tpu.memory_space<hbm>>) target(%dma_start3A_32 : memref<624x128xf32, #tpu.memory_space<vmem_shared>>) target_semaphore(%run_scoped3A : memref<!tpu.dma_semaphore, #tpu.memory_space<semaphore_mem>>)
        %dma_wait3A_36 = arith.constant 0 : i32
        %dma_wait3A_37 = tpu.memref_slice %arg9[%mul3A_0, %dma_wait3A_36] : memref<10000x128xf32, #tpu.memory_space<vmem_shared>> -> memref<624x128xf32, #tpu.memory_space<vmem_shared>>
        %dma_wait3A_38 = arith.constant 0 : i32
        %dma_wait3A_39 = arith.constant 0 : i32
        %dma_wait3A_40 = tpu.memref_slice %arg6[%dma_wait3A_38, %dma_wait3A_39] : memref<624x128xf32, #tpu.memory_space<hbm>> -> memref<624x128xf32, #tpu.memory_space<hbm>>
        tpu.wait_dma2 semaphore(%run_scoped3A : memref<!tpu.dma_semaphore, #tpu.memory_space<semaphore_mem>>) src(%dma_wait3A_40 : memref<624x128xf32, #tpu.memory_space<hbm>>) dst(%dma_wait3A_37 : memref<624x128xf32, #tpu.memory_space<vmem_shared>>)
        tpu.yield
      }) : () -> ()
      %eq3A_10 = arith.constant 15 : i32
      %eq3A_11 = arith.cmpi eq, %arg1, %eq3A_10 : i32
      %convert_element_type3A_12 = arith.extui %eq3A_11 : i1 to i32
      %cond3A_13 = arith.constant 0 : i32
      %cond3A_14 = arith.cmpi ne, %convert_element_type3A_12, %cond3A_13 : i32
      scf.if %cond3A_14 {
        "tpu.region"() ({
          %run_scoped3A = tpu.sem_alloc : memref<!tpu.dma_semaphore, #tpu.memory_space<semaphore_mem>>
          %dma_start3A_31 = arith.constant 9984 : i32
          %dma_start3A_32 = arith.constant 0 : i32
          %dma_start3A_33 = tpu.memref_slice %arg9[%dma_start3A_31, %dma_start3A_32] : memref<10000x128xf32, #tpu.memory_space<vmem_shared>> -> memref<16x128xf32, #tpu.memory_space<vmem_shared>>
          %dma_start3A_34 = arith.constant 0 : i32
          %dma_start3A_35 = arith.constant 0 : i32
          %dma_start3A_36 = tpu.memref_slice %arg6[%dma_start3A_34, %dma_start3A_35] : memref<624x128xf32, #tpu.memory_space<hbm>> -> memref<16x128xf32, #tpu.memory_space<hbm>>
          tpu.enqueue_dma source(%dma_start3A_36 : memref<16x128xf32, #tpu.memory_space<hbm>>) target(%dma_start3A_33 : memref<16x128xf32, #tpu.memory_space<vmem_shared>>) target_semaphore(%run_scoped3A : memref<!tpu.dma_semaphore, #tpu.memory_space<semaphore_mem>>)
          %dma_wait3A_37 = arith.constant 9984 : i32
          %dma_wait3A_38 = arith.constant 0 : i32
          %dma_wait3A_39 = tpu.memref_slice %arg9[%dma_wait3A_37, %dma_wait3A_38] : memref<10000x128xf32, #tpu.memory_space<vmem_shared>> -> memref<16x128xf32, #tpu.memory_space<vmem_shared>>
          %dma_wait3A_40 = arith.constant 0 : i32
          %dma_wait3A_41 = arith.constant 0 : i32
          %dma_wait3A_42 = tpu.memref_slice %arg6[%dma_wait3A_40, %dma_wait3A_41] : memref<624x128xf32, #tpu.memory_space<hbm>> -> memref<16x128xf32, #tpu.memory_space<hbm>>
          tpu.wait_dma2 semaphore(%run_scoped3A : memref<!tpu.dma_semaphore, #tpu.memory_space<semaphore_mem>>) src(%dma_wait3A_42 : memref<16x128xf32, #tpu.memory_space<hbm>>) dst(%dma_wait3A_39 : memref<16x128xf32, #tpu.memory_space<vmem_shared>>)
          tpu.yield
        }) : () -> ()
      } else {
      }
      %barrier3A = arith.constant 0 : index
      tpu.barrier barrier_id(%barrier3A)
      %scan3A = arith.constant 0 : i32
      %scan3A_15 = arith.constant 0 : i32
      %scan3A_16 = arith.constant 78 : i32
      %scan3A_17 = arith.addi %scan3A_15, %scan3A_16 : i32
      %scan3A_18 = arith.constant 1 : i32
      scf.for %scan3A_31 = %scan3A_15 to %scan3A_17 step %scan3A_18  : i32 {
        %mul3A_32 = arith.constant 128 : i32
        %mul3A_33 = arith.muli %scan3A_31, %mul3A_32 : i32
        %add3A_34 = arith.addi %mul3A_2, %mul3A_33 : i32
        "tpu.region"() ({
          %run_scoped3A = tpu.sem_alloc : memref<!tpu.dma_semaphore, #tpu.memory_space<semaphore_mem>>
          %dma_start3A_41 = tpu.memref_slice %arg4[%add3A_34] : memref<160000xi32, #tpu.memory_space<hbm>> -> memref<128xi32, #tpu.memory_space<hbm>>
          %dma_start3A_42 = tpu.memref_slice %arg4[%add3A_34] : memref<160000xi32, #tpu.memory_space<hbm>> -> memref<128xi32, #tpu.memory_space<hbm>>
          tpu.enqueue_dma source(%dma_start3A_42 : memref<128xi32, #tpu.memory_space<hbm>>) target(%arg10 : memref<128xi32, #tpu.memory_space<vmem>>) target_semaphore(%run_scoped3A : memref<!tpu.dma_semaphore, #tpu.memory_space<semaphore_mem>>)
          %dma_wait3A_43 = tpu.memref_slice %arg4[%add3A_34] : memref<160000xi32, #tpu.memory_space<hbm>> -> memref<128xi32, #tpu.memory_space<hbm>>
          %dma_wait3A_44 = tpu.memref_slice %arg4[%add3A_34] : memref<160000xi32, #tpu.memory_space<hbm>> -> memref<128xi32, #tpu.memory_space<hbm>>
          tpu.wait_dma2 semaphore(%run_scoped3A : memref<!tpu.dma_semaphore, #tpu.memory_space<semaphore_mem>>) src(%dma_wait3A_44 : memref<128xi32, #tpu.memory_space<hbm>>) dst(%arg10 : memref<128xi32, #tpu.memory_space<vmem>>)
          tpu.yield
        }) : () -> ()
        "tpu.region"() ({
          %run_scoped3A = tpu.sem_alloc : memref<!tpu.dma_semaphore, #tpu.memory_space<semaphore_mem>>
          %dma_start3A_41 = tpu.memref_slice %arg5[%add3A_34] : memref<160000xi32, #tpu.memory_space<hbm>> -> memref<128xi32, #tpu.memory_space<hbm>>
          %dma_start3A_42 = tpu.memref_slice %arg5[%add3A_34] : memref<160000xi32, #tpu.memory_space<hbm>> -> memref<128xi32, #tpu.memory_space<hbm>>
          tpu.enqueue_dma source(%dma_start3A_42 : memref<128xi32, #tpu.memory_space<hbm>>) target(%arg11 : memref<128xi32, #tpu.memory_space<vmem>>) target_semaphore(%run_scoped3A : memref<!tpu.dma_semaphore, #tpu.memory_space<semaphore_mem>>)
          %dma_wait3A_43 = tpu.memref_slice %arg5[%add3A_34] : memref<160000xi32, #tpu.memory_space<hbm>> -> memref<128xi32, #tpu.memory_space<hbm>>
          %dma_wait3A_44 = tpu.memref_slice %arg5[%add3A_34] : memref<160000xi32, #tpu.memory_space<hbm>> -> memref<128xi32, #tpu.memory_space<hbm>>
          tpu.wait_dma2 semaphore(%run_scoped3A : memref<!tpu.dma_semaphore, #tpu.memory_space<semaphore_mem>>) src(%dma_wait3A_44 : memref<128xi32, #tpu.memory_space<hbm>>) dst(%arg11 : memref<128xi32, #tpu.memory_space<vmem>>)
          tpu.yield
        }) : () -> ()
        %dma_start3A_35 = arith.constant 0 : i32
        %dma_start3A_36 = arith.constant 0 : i32
        %dma_start3A_37 = tpu.memref_slice %arg2[%dma_start3A_35, %dma_start3A_36] : memref<10000x128xf32, #tpu.memory_space<hbm>> -> memref<10000x128xf32, #tpu.memory_space<hbm>>
        tpu.enqueue_indirect_dma source(%dma_start3A_37 : memref<10000x128xf32, #tpu.memory_space<hbm>>) target(%arg12 : memref<128x128xf32, #tpu.memory_space<vmem>>) offsets(%arg10 : memref<128xi32, #tpu.memory_space<vmem>>) semaphore(%arg16 : memref<!tpu.dma_semaphore, #tpu.memory_space<semaphore_mem>>)
        %dma_wait3A_38 = arith.constant 0 : i32
        %dma_wait3A_39 = arith.constant 0 : i32
        %dma_wait3A_40 = tpu.memref_slice %arg2[%dma_wait3A_38, %dma_wait3A_39] : memref<10000x128xf32, #tpu.memory_space<hbm>> -> memref<10000x128xf32, #tpu.memory_space<hbm>>
        tpu.wait_indirect_dma semaphore(%arg16 : memref<!tpu.dma_semaphore, #tpu.memory_space<semaphore_mem>>) src(%dma_wait3A_40 : memref<10000x128xf32, #tpu.memory_space<hbm>>) dst(%arg12 : memref<128x128xf32, #tpu.memory_space<vmem>>)
        "tpu.region"() ({
          %run_scoped3A = tpu.sem_alloc : memref<!tpu.dma_semaphore, #tpu.memory_space<semaphore_mem>>
          %dma_start3A_41 = arith.constant 0 : i32
          %dma_start3A_42 = arith.constant 0 : i32
          %dma_start3A_43 = tpu.memref_slice %arg9[%dma_start3A_41, %dma_start3A_42] : memref<10000x128xf32, #tpu.memory_space<vmem_shared>> -> memref<10000x128xf32, #tpu.memory_space<vmem_shared>>
          tpu.enqueue_indirect_dma source(%arg12 : memref<128x128xf32, #tpu.memory_space<vmem>>) target(%dma_start3A_43 : memref<10000x128xf32, #tpu.memory_space<vmem_shared>>) offsets(%arg11 : memref<128xi32, #tpu.memory_space<vmem>>) semaphore(%run_scoped3A : memref<!tpu.dma_semaphore, #tpu.memory_space<semaphore_mem>>) {add = true}
          %dma_wait3A_44 = arith.constant 0 : i32
          %dma_wait3A_45 = arith.constant 0 : i32
          %dma_wait3A_46 = tpu.memref_slice %arg9[%dma_wait3A_44, %dma_wait3A_45] : memref<10000x128xf32, #tpu.memory_space<vmem_shared>> -> memref<10000x128xf32, #tpu.memory_space<vmem_shared>>
          tpu.wait_indirect_dma semaphore(%run_scoped3A : memref<!tpu.dma_semaphore, #tpu.memory_space<semaphore_mem>>) src(%arg12 : memref<128x128xf32, #tpu.memory_space<vmem>>) dst(%dma_wait3A_46 : memref<10000x128xf32, #tpu.memory_space<vmem_shared>>)
          tpu.yield
        }) : () -> ()
      }
      %scan3A_19 = arith.constant 78 : i32
      %add3A = arith.constant 9984 : i32
      %add3A_20 = arith.addi %mul3A_2, %add3A : i32
      "tpu.region"() ({
        %run_scoped3A = tpu.sem_alloc : memref<!tpu.dma_semaphore, #tpu.memory_space<semaphore_mem>>
        %dma_start3A_31 = tpu.memref_slice %arg4[%add3A_20] : memref<160000xi32, #tpu.memory_space<hbm>> -> memref<16xi32, #tpu.memory_space<hbm>>
        %dma_start3A_32 = tpu.memref_slice %arg4[%add3A_20] : memref<160000xi32, #tpu.memory_space<hbm>> -> memref<16xi32, #tpu.memory_space<hbm>>
        tpu.enqueue_dma source(%dma_start3A_32 : memref<16xi32, #tpu.memory_space<hbm>>) target(%arg13 : memref<16xi32, #tpu.memory_space<vmem>>) target_semaphore(%run_scoped3A : memref<!tpu.dma_semaphore, #tpu.memory_space<semaphore_mem>>)
        %dma_wait3A_33 = tpu.memref_slice %arg4[%add3A_20] : memref<160000xi32, #tpu.memory_space<hbm>> -> memref<16xi32, #tpu.memory_space<hbm>>
        %dma_wait3A_34 = tpu.memref_slice %arg4[%add3A_20] : memref<160000xi32, #tpu.memory_space<hbm>> -> memref<16xi32, #tpu.memory_space<hbm>>
        tpu.wait_dma2 semaphore(%run_scoped3A : memref<!tpu.dma_semaphore, #tpu.memory_space<semaphore_mem>>) src(%dma_wait3A_34 : memref<16xi32, #tpu.memory_space<hbm>>) dst(%arg13 : memref<16xi32, #tpu.memory_space<vmem>>)
        tpu.yield
      }) : () -> ()
      "tpu.region"() ({
        %run_scoped3A = tpu.sem_alloc : memref<!tpu.dma_semaphore, #tpu.memory_space<semaphore_mem>>
        %dma_start3A_31 = tpu.memref_slice %arg5[%add3A_20] : memref<160000xi32, #tpu.memory_space<hbm>> -> memref<16xi32, #tpu.memory_space<hbm>>
        %dma_start3A_32 = tpu.memref_slice %arg5[%add3A_20] : memref<160000xi32, #tpu.memory_space<hbm>> -> memref<16xi32, #tpu.memory_space<hbm>>
        tpu.enqueue_dma source(%dma_start3A_32 : memref<16xi32, #tpu.memory_space<hbm>>) target(%arg14 : memref<16xi32, #tpu.memory_space<vmem>>) target_semaphore(%run_scoped3A : memref<!tpu.dma_semaphore, #tpu.memory_space<semaphore_mem>>)
        %dma_wait3A_33 = tpu.memref_slice %arg5[%add3A_20] : memref<160000xi32, #tpu.memory_space<hbm>> -> memref<16xi32, #tpu.memory_space<hbm>>
        %dma_wait3A_34 = tpu.memref_slice %arg5[%add3A_20] : memref<160000xi32, #tpu.memory_space<hbm>> -> memref<16xi32, #tpu.memory_space<hbm>>
        tpu.wait_dma2 semaphore(%run_scoped3A : memref<!tpu.dma_semaphore, #tpu.memory_space<semaphore_mem>>) src(%dma_wait3A_34 : memref<16xi32, #tpu.memory_space<hbm>>) dst(%arg14 : memref<16xi32, #tpu.memory_space<vmem>>)
        tpu.yield
      }) : () -> ()
      %dma_start3A = arith.constant 0 : i32
      %dma_start3A_21 = arith.constant 0 : i32
      %dma_start3A_22 = tpu.memref_slice %arg2[%dma_start3A, %dma_start3A_21] : memref<10000x128xf32, #tpu.memory_space<hbm>> -> memref<10000x128xf32, #tpu.memory_space<hbm>>
      tpu.enqueue_indirect_dma source(%dma_start3A_22 : memref<10000x128xf32, #tpu.memory_space<hbm>>) target(%arg15 : memref<16x128xf32, #tpu.memory_space<vmem>>) offsets(%arg13 : memref<16xi32, #tpu.memory_space<vmem>>) semaphore(%arg16 : memref<!tpu.dma_semaphore, #tpu.memory_space<semaphore_mem>>)
      %dma_wait3A = arith.constant 0 : i32
      %dma_wait3A_23 = arith.constant 0 : i32
      %dma_wait3A_24 = tpu.memref_slice %arg2[%dma_wait3A, %dma_wait3A_23] : memref<10000x128xf32, #tpu.memory_space<hbm>> -> memref<10000x128xf32, #tpu.memory_space<hbm>>
      tpu.wait_indirect_dma semaphore(%arg16 : memref<!tpu.dma_semaphore, #tpu.memory_space<semaphore_mem>>) src(%dma_wait3A_24 : memref<10000x128xf32, #tpu.memory_space<hbm>>) dst(%arg15 : memref<16x128xf32, #tpu.memory_space<vmem>>)
      "tpu.region"() ({
        %run_scoped3A = tpu.sem_alloc : memref<!tpu.dma_semaphore, #tpu.memory_space<semaphore_mem>>
        %dma_start3A_31 = arith.constant 0 : i32
        %dma_start3A_32 = arith.constant 0 : i32
        %dma_start3A_33 = tpu.memref_slice %arg9[%dma_start3A_31, %dma_start3A_32] : memref<10000x128xf32, #tpu.memory_space<vmem_shared>> -> memref<10000x128xf32, #tpu.memory_space<vmem_shared>>
        tpu.enqueue_indirect_dma source(%arg15 : memref<16x128xf32, #tpu.memory_space<vmem>>) target(%dma_start3A_33 : memref<10000x128xf32, #tpu.memory_space<vmem_shared>>) offsets(%arg14 : memref<16xi32, #tpu.memory_space<vmem>>) semaphore(%run_scoped3A : memref<!tpu.dma_semaphore, #tpu.memory_space<semaphore_mem>>) {add = true}
        %dma_wait3A_34 = arith.constant 0 : i32
        %dma_wait3A_35 = arith.constant 0 : i32
        %dma_wait3A_36 = tpu.memref_slice %arg9[%dma_wait3A_34, %dma_wait3A_35] : memref<10000x128xf32, #tpu.memory_space<vmem_shared>> -> memref<10000x128xf32, #tpu.memory_space<vmem_shared>>
        tpu.wait_indirect_dma semaphore(%run_scoped3A : memref<!tpu.dma_semaphore, #tpu.memory_space<semaphore_mem>>) src(%arg15 : memref<16x128xf32, #tpu.memory_space<vmem>>) dst(%dma_wait3A_36 : memref<10000x128xf32, #tpu.memory_space<vmem_shared>>)
        tpu.yield
      }) : () -> ()
      %barrier3A_25 = arith.constant 0 : index
      tpu.barrier barrier_id(%barrier3A_25)
      "tpu.region"() ({
        %run_scoped3A = tpu.sem_alloc : memref<!tpu.dma_semaphore, #tpu.memory_space<semaphore_mem>>
        %dma_start3A_31 = arith.constant 0 : i32
        %dma_start3A_32 = tpu.memref_slice %arg7[%mul3A_0, %dma_start3A_31] : memref<10000x128xf32, #tpu.memory_space<hbm>> -> memref<624x128xf32, #tpu.memory_space<hbm>>
        %dma_start3A_33 = arith.constant 0 : i32
        %dma_start3A_34 = tpu.memref_slice %arg9[%mul3A_0, %dma_start3A_33] : memref<10000x128xf32, #tpu.memory_space<vmem_shared>> -> memref<624x128xf32, #tpu.memory_space<vmem_shared>>
        tpu.enqueue_dma source(%dma_start3A_34 : memref<624x128xf32, #tpu.memory_space<vmem_shared>>) target(%dma_start3A_32 : memref<624x128xf32, #tpu.memory_space<hbm>>) target_semaphore(%run_scoped3A : memref<!tpu.dma_semaphore, #tpu.memory_space<semaphore_mem>>)
        %dma_wait3A_35 = arith.constant 0 : i32
        %dma_wait3A_36 = tpu.memref_slice %arg7[%mul3A_0, %dma_wait3A_35] : memref<10000x128xf32, #tpu.memory_space<hbm>> -> memref<624x128xf32, #tpu.memory_space<hbm>>
        %dma_wait3A_37 = arith.constant 0 : i32
        %dma_wait3A_38 = tpu.memref_slice %arg9[%mul3A_0, %dma_wait3A_37] : memref<10000x128xf32, #tpu.memory_space<vmem_shared>> -> memref<624x128xf32, #tpu.memory_space<vmem_shared>>
        tpu.wait_dma2 semaphore(%run_scoped3A : memref<!tpu.dma_semaphore, #tpu.memory_space<semaphore_mem>>) src(%dma_wait3A_38 : memref<624x128xf32, #tpu.memory_space<vmem_shared>>) dst(%dma_wait3A_36 : memref<624x128xf32, #tpu.memory_space<hbm>>)
        tpu.yield
      }) : () -> ()
      %eq3A_26 = arith.constant 15 : i32
      %eq3A_27 = arith.cmpi eq, %arg1, %eq3A_26 : i32
      %convert_element_type3A_28 = arith.extui %eq3A_27 : i1 to i32
      %cond3A_29 = arith.constant 0 : i32
      %cond3A_30 = arith.cmpi ne, %convert_element_type3A_28, %cond3A_29 : i32
      scf.if %cond3A_30 {
        "tpu.region"() ({
          %run_scoped3A = tpu.sem_alloc : memref<!tpu.dma_semaphore, #tpu.memory_space<semaphore_mem>>
          %dma_start3A_31 = arith.constant 9984 : i32
          %dma_start3A_32 = arith.constant 0 : i32
          %dma_start3A_33 = tpu.memref_slice %arg7[%dma_start3A_31, %dma_start3A_32] : memref<10000x128xf32, #tpu.memory_space<hbm>> -> memref<16x128xf32, #tpu.memory_space<hbm>>
          %dma_start3A_34 = arith.constant 9984 : i32
          %dma_start3A_35 = arith.constant 0 : i32
          %dma_start3A_36 = tpu.memref_slice %arg9[%dma_start3A_34, %dma_start3A_35] : memref<10000x128xf32, #tpu.memory_space<vmem_shared>> -> memref<16x128xf32, #tpu.memory_space<vmem_shared>>
          tpu.enqueue_dma source(%dma_start3A_36 : memref<16x128xf32, #tpu.memory_space<vmem_shared>>) target(%dma_start3A_33 : memref<16x128xf32, #tpu.memory_space<hbm>>) target_semaphore(%run_scoped3A : memref<!tpu.dma_semaphore, #tpu.memory_space<semaphore_mem>>)
          %dma_wait3A_37 = arith.constant 9984 : i32
          %dma_wait3A_38 = arith.constant 0 : i32
          %dma_wait3A_39 = tpu.memref_slice %arg7[%dma_wait3A_37, %dma_wait3A_38] : memref<10000x128xf32, #tpu.memory_space<hbm>> -> memref<16x128xf32, #tpu.memory_space<hbm>>
          %dma_wait3A_40 = arith.constant 9984 : i32
          %dma_wait3A_41 = arith.constant 0 : i32
          %dma_wait3A_42 = tpu.memref_slice %arg9[%dma_wait3A_40, %dma_wait3A_41] : memref<10000x128xf32, #tpu.memory_space<vmem_shared>> -> memref<16x128xf32, #tpu.memory_space<vmem_shared>>
          tpu.wait_dma2 semaphore(%run_scoped3A : memref<!tpu.dma_semaphore, #tpu.memory_space<semaphore_mem>>) src(%dma_wait3A_42 : memref<16x128xf32, #tpu.memory_space<vmem_shared>>) dst(%dma_wait3A_39 : memref<16x128xf32, #tpu.memory_space<hbm>>)
          tpu.yield
        }) : () -> ()
      } else {
      }
    } else {
    }
    %eq3A_5 = arith.constant 1 : i32
    %eq3A_6 = arith.cmpi eq, %arg0, %eq3A_5 : i32
    %convert_element_type3A_7 = arith.extui %eq3A_6 : i1 to i32
    %cond3A_8 = arith.constant 0 : i32
    %cond3A_9 = arith.cmpi ne, %convert_element_type3A_7, %cond3A_8 : i32
    scf.if %cond3A_9 {
      "tpu.region"() ({
        %run_scoped3A = tpu.sem_alloc : memref<!tpu.dma_semaphore, #tpu.memory_space<semaphore_mem>>
        %dma_start3A_31 = arith.constant 0 : i32
        %dma_start3A_32 = tpu.memref_slice %arg9[%mul3A_0, %dma_start3A_31] : memref<10000x128xf32, #tpu.memory_space<vmem_shared>> -> memref<624x128xf32, #tpu.memory_space<vmem_shared>>
        %dma_start3A_33 = arith.constant 0 : i32
        %dma_start3A_34 = arith.constant 0 : i32
        %dma_start3A_35 = tpu.memref_slice %arg6[%dma_start3A_33, %dma_start3A_34] : memref<624x128xf32, #tpu.memory_space<hbm>> -> memref<624x128xf32, #tpu.memory_space<hbm>>
        tpu.enqueue_dma source(%dma_start3A_35 : memref<624x128xf32, #tpu.memory_space<hbm>>) target(%dma_start3A_32 : memref<624x128xf32, #tpu.memory_space<vmem_shared>>) target_semaphore(%run_scoped3A : memref<!tpu.dma_semaphore, #tpu.memory_space<semaphore_mem>>)
        %dma_wait3A_36 = arith.constant 0 : i32
        %dma_wait3A_37 = tpu.memref_slice %arg9[%mul3A_0, %dma_wait3A_36] : memref<10000x128xf32, #tpu.memory_space<vmem_shared>> -> memref<624x128xf32, #tpu.memory_space<vmem_shared>>
        %dma_wait3A_38 = arith.constant 0 : i32
        %dma_wait3A_39 = arith.constant 0 : i32
        %dma_wait3A_40 = tpu.memref_slice %arg6[%dma_wait3A_38, %dma_wait3A_39] : memref<624x128xf32, #tpu.memory_space<hbm>> -> memref<624x128xf32, #tpu.memory_space<hbm>>
        tpu.wait_dma2 semaphore(%run_scoped3A : memref<!tpu.dma_semaphore, #tpu.memory_space<semaphore_mem>>) src(%dma_wait3A_40 : memref<624x128xf32, #tpu.memory_space<hbm>>) dst(%dma_wait3A_37 : memref<624x128xf32, #tpu.memory_space<vmem_shared>>)
        tpu.yield
      }) : () -> ()
      %eq3A_10 = arith.constant 15 : i32
      %eq3A_11 = arith.cmpi eq, %arg1, %eq3A_10 : i32
      %convert_element_type3A_12 = arith.extui %eq3A_11 : i1 to i32
      %cond3A_13 = arith.constant 0 : i32
      %cond3A_14 = arith.cmpi ne, %convert_element_type3A_12, %cond3A_13 : i32
      scf.if %cond3A_14 {
        "tpu.region"() ({
          %run_scoped3A = tpu.sem_alloc : memref<!tpu.dma_semaphore, #tpu.memory_space<semaphore_mem>>
          %dma_start3A_31 = arith.constant 9984 : i32
          %dma_start3A_32 = arith.constant 0 : i32
          %dma_start3A_33 = tpu.memref_slice %arg9[%dma_start3A_31, %dma_start3A_32] : memref<10000x128xf32, #tpu.memory_space<vmem_shared>> -> memref<16x128xf32, #tpu.memory_space<vmem_shared>>
          %dma_start3A_34 = arith.constant 0 : i32
          %dma_start3A_35 = arith.constant 0 : i32
          %dma_start3A_36 = tpu.memref_slice %arg6[%dma_start3A_34, %dma_start3A_35] : memref<624x128xf32, #tpu.memory_space<hbm>> -> memref<16x128xf32, #tpu.memory_space<hbm>>
          tpu.enqueue_dma source(%dma_start3A_36 : memref<16x128xf32, #tpu.memory_space<hbm>>) target(%dma_start3A_33 : memref<16x128xf32, #tpu.memory_space<vmem_shared>>) target_semaphore(%run_scoped3A : memref<!tpu.dma_semaphore, #tpu.memory_space<semaphore_mem>>)
          %dma_wait3A_37 = arith.constant 9984 : i32
          %dma_wait3A_38 = arith.constant 0 : i32
          %dma_wait3A_39 = tpu.memref_slice %arg9[%dma_wait3A_37, %dma_wait3A_38] : memref<10000x128xf32, #tpu.memory_space<vmem_shared>> -> memref<16x128xf32, #tpu.memory_space<vmem_shared>>
          %dma_wait3A_40 = arith.constant 0 : i32
          %dma_wait3A_41 = arith.constant 0 : i32
          %dma_wait3A_42 = tpu.memref_slice %arg6[%dma_wait3A_40, %dma_wait3A_41] : memref<624x128xf32, #tpu.memory_space<hbm>> -> memref<16x128xf32, #tpu.memory_space<hbm>>
          tpu.wait_dma2 semaphore(%run_scoped3A : memref<!tpu.dma_semaphore, #tpu.memory_space<semaphore_mem>>) src(%dma_wait3A_42 : memref<16x128xf32, #tpu.memory_space<hbm>>) dst(%dma_wait3A_39 : memref<16x128xf32, #tpu.memory_space<vmem_shared>>)
          tpu.yield
        }) : () -> ()
      } else {
      }
      %barrier3A = arith.constant 0 : index
      tpu.barrier barrier_id(%barrier3A)
      %scan3A = arith.constant 0 : i32
      %scan3A_15 = arith.constant 0 : i32
      %scan3A_16 = arith.constant 78 : i32
      %scan3A_17 = arith.addi %scan3A_15, %scan3A_16 : i32
      %scan3A_18 = arith.constant 1 : i32
      scf.for %scan3A_31 = %scan3A_15 to %scan3A_17 step %scan3A_18  : i32 {
        %mul3A_32 = arith.constant 128 : i32
        %mul3A_33 = arith.muli %scan3A_31, %mul3A_32 : i32
        %add3A_34 = arith.addi %mul3A_2, %mul3A_33 : i32
        "tpu.region"() ({
          %run_scoped3A = tpu.sem_alloc : memref<!tpu.dma_semaphore, #tpu.memory_space<semaphore_mem>>
          %dma_start3A_41 = tpu.memref_slice %arg4[%add3A_34] : memref<160000xi32, #tpu.memory_space<hbm>> -> memref<128xi32, #tpu.memory_space<hbm>>
          %dma_start3A_42 = tpu.memref_slice %arg4[%add3A_34] : memref<160000xi32, #tpu.memory_space<hbm>> -> memref<128xi32, #tpu.memory_space<hbm>>
          tpu.enqueue_dma source(%dma_start3A_42 : memref<128xi32, #tpu.memory_space<hbm>>) target(%arg10 : memref<128xi32, #tpu.memory_space<vmem>>) target_semaphore(%run_scoped3A : memref<!tpu.dma_semaphore, #tpu.memory_space<semaphore_mem>>)
          %dma_wait3A_43 = tpu.memref_slice %arg4[%add3A_34] : memref<160000xi32, #tpu.memory_space<hbm>> -> memref<128xi32, #tpu.memory_space<hbm>>
          %dma_wait3A_44 = tpu.memref_slice %arg4[%add3A_34] : memref<160000xi32, #tpu.memory_space<hbm>> -> memref<128xi32, #tpu.memory_space<hbm>>
          tpu.wait_dma2 semaphore(%run_scoped3A : memref<!tpu.dma_semaphore, #tpu.memory_space<semaphore_mem>>) src(%dma_wait3A_44 : memref<128xi32, #tpu.memory_space<hbm>>) dst(%arg10 : memref<128xi32, #tpu.memory_space<vmem>>)
          tpu.yield
        }) : () -> ()
        "tpu.region"() ({
          %run_scoped3A = tpu.sem_alloc : memref<!tpu.dma_semaphore, #tpu.memory_space<semaphore_mem>>
          %dma_start3A_41 = tpu.memref_slice %arg5[%add3A_34] : memref<160000xi32, #tpu.memory_space<hbm>> -> memref<128xi32, #tpu.memory_space<hbm>>
          %dma_start3A_42 = tpu.memref_slice %arg5[%add3A_34] : memref<160000xi32, #tpu.memory_space<hbm>> -> memref<128xi32, #tpu.memory_space<hbm>>
          tpu.enqueue_dma source(%dma_start3A_42 : memref<128xi32, #tpu.memory_space<hbm>>) target(%arg11 : memref<128xi32, #tpu.memory_space<vmem>>) target_semaphore(%run_scoped3A : memref<!tpu.dma_semaphore, #tpu.memory_space<semaphore_mem>>)
          %dma_wait3A_43 = tpu.memref_slice %arg5[%add3A_34] : memref<160000xi32, #tpu.memory_space<hbm>> -> memref<128xi32, #tpu.memory_space<hbm>>
          %dma_wait3A_44 = tpu.memref_slice %arg5[%add3A_34] : memref<160000xi32, #tpu.memory_space<hbm>> -> memref<128xi32, #tpu.memory_space<hbm>>
          tpu.wait_dma2 semaphore(%run_scoped3A : memref<!tpu.dma_semaphore, #tpu.memory_space<semaphore_mem>>) src(%dma_wait3A_44 : memref<128xi32, #tpu.memory_space<hbm>>) dst(%arg11 : memref<128xi32, #tpu.memory_space<vmem>>)
          tpu.yield
        }) : () -> ()
        %dma_start3A_35 = arith.constant 0 : i32
        %dma_start3A_36 = arith.constant 0 : i32
        %dma_start3A_37 = tpu.memref_slice %arg3[%dma_start3A_35, %dma_start3A_36] : memref<10000x128xf32, #tpu.memory_space<hbm>> -> memref<10000x128xf32, #tpu.memory_space<hbm>>
        tpu.enqueue_indirect_dma source(%dma_start3A_37 : memref<10000x128xf32, #tpu.memory_space<hbm>>) target(%arg12 : memref<128x128xf32, #tpu.memory_space<vmem>>) offsets(%arg10 : memref<128xi32, #tpu.memory_space<vmem>>) semaphore(%arg16 : memref<!tpu.dma_semaphore, #tpu.memory_space<semaphore_mem>>)
        %dma_wait3A_38 = arith.constant 0 : i32
        %dma_wait3A_39 = arith.constant 0 : i32
        %dma_wait3A_40 = tpu.memref_slice %arg3[%dma_wait3A_38, %dma_wait3A_39] : memref<10000x128xf32, #tpu.memory_space<hbm>> -> memref<10000x128xf32, #tpu.memory_space<hbm>>
        tpu.wait_indirect_dma semaphore(%arg16 : memref<!tpu.dma_semaphore, #tpu.memory_space<semaphore_mem>>) src(%dma_wait3A_40 : memref<10000x128xf32, #tpu.memory_space<hbm>>) dst(%arg12 : memref<128x128xf32, #tpu.memory_space<vmem>>)
        "tpu.region"() ({
          %run_scoped3A = tpu.sem_alloc : memref<!tpu.dma_semaphore, #tpu.memory_space<semaphore_mem>>
          %dma_start3A_41 = arith.constant 0 : i32
          %dma_start3A_42 = arith.constant 0 : i32
          %dma_start3A_43 = tpu.memref_slice %arg9[%dma_start3A_41, %dma_start3A_42] : memref<10000x128xf32, #tpu.memory_space<vmem_shared>> -> memref<10000x128xf32, #tpu.memory_space<vmem_shared>>
          tpu.enqueue_indirect_dma source(%arg12 : memref<128x128xf32, #tpu.memory_space<vmem>>) target(%dma_start3A_43 : memref<10000x128xf32, #tpu.memory_space<vmem_shared>>) offsets(%arg11 : memref<128xi32, #tpu.memory_space<vmem>>) semaphore(%run_scoped3A : memref<!tpu.dma_semaphore, #tpu.memory_space<semaphore_mem>>) {add = true}
          %dma_wait3A_44 = arith.constant 0 : i32
          %dma_wait3A_45 = arith.constant 0 : i32
          %dma_wait3A_46 = tpu.memref_slice %arg9[%dma_wait3A_44, %dma_wait3A_45] : memref<10000x128xf32, #tpu.memory_space<vmem_shared>> -> memref<10000x128xf32, #tpu.memory_space<vmem_shared>>
          tpu.wait_indirect_dma semaphore(%run_scoped3A : memref<!tpu.dma_semaphore, #tpu.memory_space<semaphore_mem>>) src(%arg12 : memref<128x128xf32, #tpu.memory_space<vmem>>) dst(%dma_wait3A_46 : memref<10000x128xf32, #tpu.memory_space<vmem_shared>>)
          tpu.yield
        }) : () -> ()
      }
      %scan3A_19 = arith.constant 78 : i32
      %add3A = arith.constant 9984 : i32
      %add3A_20 = arith.addi %mul3A_2, %add3A : i32
      "tpu.region"() ({
        %run_scoped3A = tpu.sem_alloc : memref<!tpu.dma_semaphore, #tpu.memory_space<semaphore_mem>>
        %dma_start3A_31 = tpu.memref_slice %arg4[%add3A_20] : memref<160000xi32, #tpu.memory_space<hbm>> -> memref<16xi32, #tpu.memory_space<hbm>>
        %dma_start3A_32 = tpu.memref_slice %arg4[%add3A_20] : memref<160000xi32, #tpu.memory_space<hbm>> -> memref<16xi32, #tpu.memory_space<hbm>>
        tpu.enqueue_dma source(%dma_start3A_32 : memref<16xi32, #tpu.memory_space<hbm>>) target(%arg13 : memref<16xi32, #tpu.memory_space<vmem>>) target_semaphore(%run_scoped3A : memref<!tpu.dma_semaphore, #tpu.memory_space<semaphore_mem>>)
        %dma_wait3A_33 = tpu.memref_slice %arg4[%add3A_20] : memref<160000xi32, #tpu.memory_space<hbm>> -> memref<16xi32, #tpu.memory_space<hbm>>
        %dma_wait3A_34 = tpu.memref_slice %arg4[%add3A_20] : memref<160000xi32, #tpu.memory_space<hbm>> -> memref<16xi32, #tpu.memory_space<hbm>>
        tpu.wait_dma2 semaphore(%run_scoped3A : memref<!tpu.dma_semaphore, #tpu.memory_space<semaphore_mem>>) src(%dma_wait3A_34 : memref<16xi32, #tpu.memory_space<hbm>>) dst(%arg13 : memref<16xi32, #tpu.memory_space<vmem>>)
        tpu.yield
      }) : () -> ()
      "tpu.region"() ({
        %run_scoped3A = tpu.sem_alloc : memref<!tpu.dma_semaphore, #tpu.memory_space<semaphore_mem>>
        %dma_start3A_31 = tpu.memref_slice %arg5[%add3A_20] : memref<160000xi32, #tpu.memory_space<hbm>> -> memref<16xi32, #tpu.memory_space<hbm>>
        %dma_start3A_32 = tpu.memref_slice %arg5[%add3A_20] : memref<160000xi32, #tpu.memory_space<hbm>> -> memref<16xi32, #tpu.memory_space<hbm>>
        tpu.enqueue_dma source(%dma_start3A_32 : memref<16xi32, #tpu.memory_space<hbm>>) target(%arg14 : memref<16xi32, #tpu.memory_space<vmem>>) target_semaphore(%run_scoped3A : memref<!tpu.dma_semaphore, #tpu.memory_space<semaphore_mem>>)
        %dma_wait3A_33 = tpu.memref_slice %arg5[%add3A_20] : memref<160000xi32, #tpu.memory_space<hbm>> -> memref<16xi32, #tpu.memory_space<hbm>>
        %dma_wait3A_34 = tpu.memref_slice %arg5[%add3A_20] : memref<160000xi32, #tpu.memory_space<hbm>> -> memref<16xi32, #tpu.memory_space<hbm>>
        tpu.wait_dma2 semaphore(%run_scoped3A : memref<!tpu.dma_semaphore, #tpu.memory_space<semaphore_mem>>) src(%dma_wait3A_34 : memref<16xi32, #tpu.memory_space<hbm>>) dst(%arg14 : memref<16xi32, #tpu.memory_space<vmem>>)
        tpu.yield
      }) : () -> ()
      %dma_start3A = arith.constant 0 : i32
      %dma_start3A_21 = arith.constant 0 : i32
      %dma_start3A_22 = tpu.memref_slice %arg3[%dma_start3A, %dma_start3A_21] : memref<10000x128xf32, #tpu.memory_space<hbm>> -> memref<10000x128xf32, #tpu.memory_space<hbm>>
      tpu.enqueue_indirect_dma source(%dma_start3A_22 : memref<10000x128xf32, #tpu.memory_space<hbm>>) target(%arg15 : memref<16x128xf32, #tpu.memory_space<vmem>>) offsets(%arg13 : memref<16xi32, #tpu.memory_space<vmem>>) semaphore(%arg16 : memref<!tpu.dma_semaphore, #tpu.memory_space<semaphore_mem>>)
      %dma_wait3A = arith.constant 0 : i32
      %dma_wait3A_23 = arith.constant 0 : i32
      %dma_wait3A_24 = tpu.memref_slice %arg3[%dma_wait3A, %dma_wait3A_23] : memref<10000x128xf32, #tpu.memory_space<hbm>> -> memref<10000x128xf32, #tpu.memory_space<hbm>>
      tpu.wait_indirect_dma semaphore(%arg16 : memref<!tpu.dma_semaphore, #tpu.memory_space<semaphore_mem>>) src(%dma_wait3A_24 : memref<10000x128xf32, #tpu.memory_space<hbm>>) dst(%arg15 : memref<16x128xf32, #tpu.memory_space<vmem>>)
      "tpu.region"() ({
        %run_scoped3A = tpu.sem_alloc : memref<!tpu.dma_semaphore, #tpu.memory_space<semaphore_mem>>
        %dma_start3A_31 = arith.constant 0 : i32
        %dma_start3A_32 = arith.constant 0 : i32
        %dma_start3A_33 = tpu.memref_slice %arg9[%dma_start3A_31, %dma_start3A_32] : memref<10000x128xf32, #tpu.memory_space<vmem_shared>> -> memref<10000x128xf32, #tpu.memory_space<vmem_shared>>
        tpu.enqueue_indirect_dma source(%arg15 : memref<16x128xf32, #tpu.memory_space<vmem>>) target(%dma_start3A_33 : memref<10000x128xf32, #tpu.memory_space<vmem_shared>>) offsets(%arg14 : memref<16xi32, #tpu.memory_space<vmem>>) semaphore(%run_scoped3A : memref<!tpu.dma_semaphore, #tpu.memory_space<semaphore_mem>>) {add = true}
        %dma_wait3A_34 = arith.constant 0 : i32
        %dma_wait3A_35 = arith.constant 0 : i32
        %dma_wait3A_36 = tpu.memref_slice %arg9[%dma_wait3A_34, %dma_wait3A_35] : memref<10000x128xf32, #tpu.memory_space<vmem_shared>> -> memref<10000x128xf32, #tpu.memory_space<vmem_shared>>
        tpu.wait_indirect_dma semaphore(%run_scoped3A : memref<!tpu.dma_semaphore, #tpu.memory_space<semaphore_mem>>) src(%arg15 : memref<16x128xf32, #tpu.memory_space<vmem>>) dst(%dma_wait3A_36 : memref<10000x128xf32, #tpu.memory_space<vmem_shared>>)
        tpu.yield
      }) : () -> ()
      %barrier3A_25 = arith.constant 0 : index
      tpu.barrier barrier_id(%barrier3A_25)
      "tpu.region"() ({
        %run_scoped3A = tpu.sem_alloc : memref<!tpu.dma_semaphore, #tpu.memory_space<semaphore_mem>>
        %dma_start3A_31 = arith.constant 0 : i32
        %dma_start3A_32 = tpu.memref_slice %arg8[%mul3A_0, %dma_start3A_31] : memref<10000x128xf32, #tpu.memory_space<hbm>> -> memref<624x128xf32, #tpu.memory_space<hbm>>
        %dma_start3A_33 = arith.constant 0 : i32
        %dma_start3A_34 = tpu.memref_slice %arg9[%mul3A_0, %dma_start3A_33] : memref<10000x128xf32, #tpu.memory_space<vmem_shared>> -> memref<624x128xf32, #tpu.memory_space<vmem_shared>>
        tpu.enqueue_dma source(%dma_start3A_34 : memref<624x128xf32, #tpu.memory_space<vmem_shared>>) target(%dma_start3A_32 : memref<624x128xf32, #tpu.memory_space<hbm>>) target_semaphore(%run_scoped3A : memref<!tpu.dma_semaphore, #tpu.memory_space<semaphore_mem>>)
        %dma_wait3A_35 = arith.constant 0 : i32
        %dma_wait3A_36 = tpu.memref_slice %arg8[%mul3A_0, %dma_wait3A_35] : memref<10000x128xf32, #tpu.memory_space<hbm>> -> memref<624x128xf32, #tpu.memory_space<hbm>>
        %dma_wait3A_37 = arith.constant 0 : i32
        %dma_wait3A_38 = tpu.memref_slice %arg9[%mul3A_0, %dma_wait3A_37] : memref<10000x128xf32, #tpu.memory_space<vmem_shared>> -> memref<624x128xf32, #tpu.memory_space<vmem_shared>>
        tpu.wait_dma2 semaphore(%run_scoped3A : memref<!tpu.dma_semaphore, #tpu.memory_space<semaphore_mem>>) src(%dma_wait3A_38 : memref<624x128xf32, #tpu.memory_space<vmem_shared>>) dst(%dma_wait3A_36 : memref<624x128xf32, #tpu.memory_space<hbm>>)
        tpu.yield
      }) : () -> ()
      %eq3A_26 = arith.constant 15 : i32
      %eq3A_27 = arith.cmpi eq, %arg1, %eq3A_26 : i32
      %convert_element_type3A_28 = arith.extui %eq3A_27 : i1 to i32
      %cond3A_29 = arith.constant 0 : i32
      %cond3A_30 = arith.cmpi ne, %convert_element_type3A_28, %cond3A_29 : i32
      scf.if %cond3A_30 {
        "tpu.region"() ({
          %run_scoped3A = tpu.sem_alloc : memref<!tpu.dma_semaphore, #tpu.memory_space<semaphore_mem>>
          %dma_start3A_31 = arith.constant 9984 : i32
          %dma_start3A_32 = arith.constant 0 : i32
          %dma_start3A_33 = tpu.memref_slice %arg8[%dma_start3A_31, %dma_start3A_32] : memref<10000x128xf32, #tpu.memory_space<hbm>> -> memref<16x128xf32, #tpu.memory_space<hbm>>
          %dma_start3A_34 = arith.constant 9984 : i32
          %dma_start3A_35 = arith.constant 0 : i32
          %dma_start3A_36 = tpu.memref_slice %arg9[%dma_start3A_34, %dma_start3A_35] : memref<10000x128xf32, #tpu.memory_space<vmem_shared>> -> memref<16x128xf32, #tpu.memory_space<vmem_shared>>
          tpu.enqueue_dma source(%dma_start3A_36 : memref<16x128xf32, #tpu.memory_space<vmem_shared>>) target(%dma_start3A_33 : memref<16x128xf32, #tpu.memory_space<hbm>>) target_semaphore(%run_scoped3A : memref<!tpu.dma_semaphore, #tpu.memory_space<semaphore_mem>>)
          %dma_wait3A_37 = arith.constant 9984 : i32
          %dma_wait3A_38 = arith.constant 0 : i32
          %dma_wait3A_39 = tpu.memref_slice %arg8[%dma_wait3A_37, %dma_wait3A_38] : memref<10000x128xf32, #tpu.memory_space<hbm>> -> memref<16x128xf32, #tpu.memory_space<hbm>>
          %dma_wait3A_40 = arith.constant 9984 : i32
          %dma_wait3A_41 = arith.constant 0 : i32
          %dma_wait3A_42 = tpu.memref_slice %arg9[%dma_wait3A_40, %dma_wait3A_41] : memref<10000x128xf32, #tpu.memory_space<vmem_shared>> -> memref<16x128xf32, #tpu.memory_space<vmem_shared>>
          tpu.wait_dma2 semaphore(%run_scoped3A : memref<!tpu.dma_semaphore, #tpu.memory_space<semaphore_mem>>) src(%dma_wait3A_42 : memref<16x128xf32, #tpu.memory_space<vmem_shared>>) dst(%dma_wait3A_39 : memref<16x128xf32, #tpu.memory_space<hbm>>)
          tpu.yield
        }) : () -> ()
      } else {
      }
    } else {
    }
    return
  }
}

#map = affine_map<(d0, d1) -> (0, 0)>
#map1 = affine_map<(d0, d1) -> (0)>
module attributes {stable_mosaic.version = 14 : i64} {
  func.func @sc_spmm(%arg0: i32, %arg1: i32, %arg2: memref<10000x128xf32, #tpu.memory_space<hbm>>, %arg3: memref<10000x128xf32, #tpu.memory_space<hbm>>, %arg4: memref<160000xi32, #tpu.memory_space<hbm>>, %arg5: memref<160000xi32, #tpu.memory_space<hbm>>, %arg6: memref<624x128xf32, #tpu.memory_space<hbm>>, %arg7: memref<10000x128xf32, #tpu.memory_space<hbm>>, %arg8: memref<10000x128xf32, #tpu.memory_space<hbm>>, %arg9: memref<10000x128xf32, #tpu.memory_space<vmem_shared>>, %arg10: memref<128xi32, #tpu.memory_space<vmem>>, %arg11: memref<128xi32, #tpu.memory_space<vmem>>, %arg12: memref<128x128xf32, #tpu.memory_space<vmem>>, %arg13: memref<16xi32, #tpu.memory_space<vmem>>, %arg14: memref<16xi32, #tpu.memory_space<vmem>>, %arg15: memref<16x128xf32, #tpu.memory_space<vmem>>, %arg16: memref<!tpu.dma_semaphore, #tpu.memory_space<semaphore_mem>>) attributes {dimension_semantics = [#tpu.dimension_semantics<core_parallel>, #tpu.dimension_semantics<subcore_parallel>], iteration_bounds = array<i64: 2, 16>, scalar_prefetch = 0 : i64, scratch_operands = 8 : i64, tpu.core_type = #tpu.core_type<sc_vector_subcore>, window_params = [{transform_indices = #map}, {transform_indices = #map}, {transform_indices = #map1}, {transform_indices = #map1}, {transform_indices = #map}, {transform_indices = #map}, {transform_indices = #map}]} {
    %mul3A = arith.constant 624 : i32
    %mul3A_0 = arith.muli %arg1, %mul3A : i32
    %mul3A_1 = arith.constant 10000 : i32
    %mul3A_2 = arith.muli %arg1, %mul3A_1 : i32
    %eq3A = arith.constant 0 : i32
    %eq3A_3 = arith.cmpi eq, %arg0, %eq3A : i32
    %convert_element_type3A = arith.extui %eq3A_3 : i1 to i32
    %cond3A = arith.constant 0 : i32
    %cond3A_4 = arith.cmpi ne, %convert_element_type3A, %cond3A : i32
    scf.if %cond3A_4 {
      "tpu.region"() ({
        %run_scoped3A = tpu.sem_alloc : memref<!tpu.dma_semaphore, #tpu.memory_space<semaphore_mem>>
        %dma_start3A_31 = arith.constant 0 : i32
        %dma_start3A_32 = tpu.memref_slice %arg9[%mul3A_0, %dma_start3A_31] : memref<10000x128xf32, #tpu.memory_space<vmem_shared>> -> memref<624x128xf32, #tpu.memory_space<vmem_shared>>
        %dma_start3A_33 = arith.constant 0 : i32
        %dma_start3A_34 = arith.constant 0 : i32
        %dma_start3A_35 = tpu.memref_slice %arg6[%dma_start3A_33, %dma_start3A_34] : memref<624x128xf32, #tpu.memory_space<hbm>> -> memref<624x128xf32, #tpu.memory_space<hbm>>
        tpu.enqueue_dma source(%dma_start3A_35 : memref<624x128xf32, #tpu.memory_space<hbm>>) target(%dma_start3A_32 : memref<624x128xf32, #tpu.memory_space<vmem_shared>>) target_semaphore(%run_scoped3A : memref<!tpu.dma_semaphore, #tpu.memory_space<semaphore_mem>>)
        %dma_wait3A_36 = arith.constant 0 : i32
        %dma_wait3A_37 = tpu.memref_slice %arg9[%mul3A_0, %dma_wait3A_36] : memref<10000x128xf32, #tpu.memory_space<vmem_shared>> -> memref<624x128xf32, #tpu.memory_space<vmem_shared>>
        %dma_wait3A_38 = arith.constant 0 : i32
        %dma_wait3A_39 = arith.constant 0 : i32
        %dma_wait3A_40 = tpu.memref_slice %arg6[%dma_wait3A_38, %dma_wait3A_39] : memref<624x128xf32, #tpu.memory_space<hbm>> -> memref<624x128xf32, #tpu.memory_space<hbm>>
        tpu.wait_dma2 semaphore(%run_scoped3A : memref<!tpu.dma_semaphore, #tpu.memory_space<semaphore_mem>>) src(%dma_wait3A_40 : memref<624x128xf32, #tpu.memory_space<hbm>>) dst(%dma_wait3A_37 : memref<624x128xf32, #tpu.memory_space<vmem_shared>>)
        tpu.yield
      }) : () -> ()
      %eq3A_10 = arith.constant 15 : i32
      %eq3A_11 = arith.cmpi eq, %arg1, %eq3A_10 : i32
      %convert_element_type3A_12 = arith.extui %eq3A_11 : i1 to i32
      %cond3A_13 = arith.constant 0 : i32
      %cond3A_14 = arith.cmpi ne, %convert_element_type3A_12, %cond3A_13 : i32
      scf.if %cond3A_14 {
        "tpu.region"() ({
          %run_scoped3A = tpu.sem_alloc : memref<!tpu.dma_semaphore, #tpu.memory_space<semaphore_mem>>
          %dma_start3A_31 = arith.constant 9984 : i32
          %dma_start3A_32 = arith.constant 0 : i32
          %dma_start3A_33 = tpu.memref_slice %arg9[%dma_start3A_31, %dma_start3A_32] : memref<10000x128xf32, #tpu.memory_space<vmem_shared>> -> memref<16x128xf32, #tpu.memory_space<vmem_shared>>
          %dma_start3A_34 = arith.constant 0 : i32
          %dma_start3A_35 = arith.constant 0 : i32
          %dma_start3A_36 = tpu.memref_slice %arg6[%dma_start3A_34, %dma_start3A_35] : memref<624x128xf32, #tpu.memory_space<hbm>> -> memref<16x128xf32, #tpu.memory_space<hbm>>
          tpu.enqueue_dma source(%dma_start3A_36 : memref<16x128xf32, #tpu.memory_space<hbm>>) target(%dma_start3A_33 : memref<16x128xf32, #tpu.memory_space<vmem_shared>>) target_semaphore(%run_scoped3A : memref<!tpu.dma_semaphore, #tpu.memory_space<semaphore_mem>>)
          %dma_wait3A_37 = arith.constant 9984 : i32
          %dma_wait3A_38 = arith.constant 0 : i32
          %dma_wait3A_39 = tpu.memref_slice %arg9[%dma_wait3A_37, %dma_wait3A_38] : memref<10000x128xf32, #tpu.memory_space<vmem_shared>> -> memref<16x128xf32, #tpu.memory_space<vmem_shared>>
          %dma_wait3A_40 = arith.constant 0 : i32
          %dma_wait3A_41 = arith.constant 0 : i32
          %dma_wait3A_42 = tpu.memref_slice %arg6[%dma_wait3A_40, %dma_wait3A_41] : memref<624x128xf32, #tpu.memory_space<hbm>> -> memref<16x128xf32, #tpu.memory_space<hbm>>
          tpu.wait_dma2 semaphore(%run_scoped3A : memref<!tpu.dma_semaphore, #tpu.memory_space<semaphore_mem>>) src(%dma_wait3A_42 : memref<16x128xf32, #tpu.memory_space<hbm>>) dst(%dma_wait3A_39 : memref<16x128xf32, #tpu.memory_space<vmem_shared>>)
          tpu.yield
        }) : () -> ()
      } else {
      }
      %barrier3A = arith.constant 0 : index
      tpu.barrier barrier_id(%barrier3A)
      %scan3A = arith.constant 0 : i32
      %scan3A_15 = arith.constant 0 : i32
      %scan3A_16 = arith.constant 78 : i32
      %scan3A_17 = arith.addi %scan3A_15, %scan3A_16 : i32
      %scan3A_18 = arith.constant 1 : i32
      scf.for %scan3A_31 = %scan3A_15 to %scan3A_17 step %scan3A_18  : i32 {
        %mul3A_32 = arith.constant 128 : i32
        %mul3A_33 = arith.muli %scan3A_31, %mul3A_32 : i32
        %add3A_34 = arith.addi %mul3A_2, %mul3A_33 : i32
        "tpu.region"() ({
          %run_scoped3A = tpu.sem_alloc : memref<!tpu.dma_semaphore, #tpu.memory_space<semaphore_mem>>
          %dma_start3A_41 = tpu.memref_slice %arg4[%add3A_34] : memref<160000xi32, #tpu.memory_space<hbm>> -> memref<128xi32, #tpu.memory_space<hbm>>
          %dma_start3A_42 = tpu.memref_slice %arg4[%add3A_34] : memref<160000xi32, #tpu.memory_space<hbm>> -> memref<128xi32, #tpu.memory_space<hbm>>
          tpu.enqueue_dma source(%dma_start3A_42 : memref<128xi32, #tpu.memory_space<hbm>>) target(%arg10 : memref<128xi32, #tpu.memory_space<vmem>>) target_semaphore(%run_scoped3A : memref<!tpu.dma_semaphore, #tpu.memory_space<semaphore_mem>>)
          %dma_wait3A_43 = tpu.memref_slice %arg4[%add3A_34] : memref<160000xi32, #tpu.memory_space<hbm>> -> memref<128xi32, #tpu.memory_space<hbm>>
          %dma_wait3A_44 = tpu.memref_slice %arg4[%add3A_34] : memref<160000xi32, #tpu.memory_space<hbm>> -> memref<128xi32, #tpu.memory_space<hbm>>
          tpu.wait_dma2 semaphore(%run_scoped3A : memref<!tpu.dma_semaphore, #tpu.memory_space<semaphore_mem>>) src(%dma_wait3A_44 : memref<128xi32, #tpu.memory_space<hbm>>) dst(%arg10 : memref<128xi32, #tpu.memory_space<vmem>>)
          tpu.yield
        }) : () -> ()
        "tpu.region"() ({
          %run_scoped3A = tpu.sem_alloc : memref<!tpu.dma_semaphore, #tpu.memory_space<semaphore_mem>>
          %dma_start3A_41 = tpu.memref_slice %arg5[%add3A_34] : memref<160000xi32, #tpu.memory_space<hbm>> -> memref<128xi32, #tpu.memory_space<hbm>>
          %dma_start3A_42 = tpu.memref_slice %arg5[%add3A_34] : memref<160000xi32, #tpu.memory_space<hbm>> -> memref<128xi32, #tpu.memory_space<hbm>>
          tpu.enqueue_dma source(%dma_start3A_42 : memref<128xi32, #tpu.memory_space<hbm>>) target(%arg11 : memref<128xi32, #tpu.memory_space<vmem>>) target_semaphore(%run_scoped3A : memref<!tpu.dma_semaphore, #tpu.memory_space<semaphore_mem>>)
          %dma_wait3A_43 = tpu.memref_slice %arg5[%add3A_34] : memref<160000xi32, #tpu.memory_space<hbm>> -> memref<128xi32, #tpu.memory_space<hbm>>
          %dma_wait3A_44 = tpu.memref_slice %arg5[%add3A_34] : memref<160000xi32, #tpu.memory_space<hbm>> -> memref<128xi32, #tpu.memory_space<hbm>>
          tpu.wait_dma2 semaphore(%run_scoped3A : memref<!tpu.dma_semaphore, #tpu.memory_space<semaphore_mem>>) src(%dma_wait3A_44 : memref<128xi32, #tpu.memory_space<hbm>>) dst(%arg11 : memref<128xi32, #tpu.memory_space<vmem>>)
          tpu.yield
        }) : () -> ()
        %dma_start3A_35 = arith.constant 0 : i32
        %dma_start3A_36 = arith.constant 0 : i32
        %dma_start3A_37 = tpu.memref_slice %arg2[%dma_start3A_35, %dma_start3A_36] : memref<10000x128xf32, #tpu.memory_space<hbm>> -> memref<10000x128xf32, #tpu.memory_space<hbm>>
        tpu.enqueue_indirect_dma source(%dma_start3A_37 : memref<10000x128xf32, #tpu.memory_space<hbm>>) target(%arg12 : memref<128x128xf32, #tpu.memory_space<vmem>>) offsets(%arg10 : memref<128xi32, #tpu.memory_space<vmem>>) semaphore(%arg16 : memref<!tpu.dma_semaphore, #tpu.memory_space<semaphore_mem>>)
        %dma_wait3A_38 = arith.constant 0 : i32
        %dma_wait3A_39 = arith.constant 0 : i32
        %dma_wait3A_40 = tpu.memref_slice %arg2[%dma_wait3A_38, %dma_wait3A_39] : memref<10000x128xf32, #tpu.memory_space<hbm>> -> memref<10000x128xf32, #tpu.memory_space<hbm>>
        tpu.wait_indirect_dma semaphore(%arg16 : memref<!tpu.dma_semaphore, #tpu.memory_space<semaphore_mem>>) src(%dma_wait3A_40 : memref<10000x128xf32, #tpu.memory_space<hbm>>) dst(%arg12 : memref<128x128xf32, #tpu.memory_space<vmem>>)
        "tpu.region"() ({
          %run_scoped3A = tpu.sem_alloc : memref<!tpu.dma_semaphore, #tpu.memory_space<semaphore_mem>>
          %dma_start3A_41 = arith.constant 0 : i32
          %dma_start3A_42 = arith.constant 0 : i32
          %dma_start3A_43 = tpu.memref_slice %arg9[%dma_start3A_41, %dma_start3A_42] : memref<10000x128xf32, #tpu.memory_space<vmem_shared>> -> memref<10000x128xf32, #tpu.memory_space<vmem_shared>>
          tpu.enqueue_indirect_dma source(%arg12 : memref<128x128xf32, #tpu.memory_space<vmem>>) target(%dma_start3A_43 : memref<10000x128xf32, #tpu.memory_space<vmem_shared>>) offsets(%arg11 : memref<128xi32, #tpu.memory_space<vmem>>) semaphore(%run_scoped3A : memref<!tpu.dma_semaphore, #tpu.memory_space<semaphore_mem>>) {add = true}
          %dma_wait3A_44 = arith.constant 0 : i32
          %dma_wait3A_45 = arith.constant 0 : i32
          %dma_wait3A_46 = tpu.memref_slice %arg9[%dma_wait3A_44, %dma_wait3A_45] : memref<10000x128xf32, #tpu.memory_space<vmem_shared>> -> memref<10000x128xf32, #tpu.memory_space<vmem_shared>>
          tpu.wait_indirect_dma semaphore(%run_scoped3A : memref<!tpu.dma_semaphore, #tpu.memory_space<semaphore_mem>>) src(%arg12 : memref<128x128xf32, #tpu.memory_space<vmem>>) dst(%dma_wait3A_46 : memref<10000x128xf32, #tpu.memory_space<vmem_shared>>)
          tpu.yield
        }) : () -> ()
      }
      %scan3A_19 = arith.constant 78 : i32
      %add3A = arith.constant 9984 : i32
      %add3A_20 = arith.addi %mul3A_2, %add3A : i32
      "tpu.region"() ({
        %run_scoped3A = tpu.sem_alloc : memref<!tpu.dma_semaphore, #tpu.memory_space<semaphore_mem>>
        %dma_start3A_31 = tpu.memref_slice %arg4[%add3A_20] : memref<160000xi32, #tpu.memory_space<hbm>> -> memref<16xi32, #tpu.memory_space<hbm>>
        %dma_start3A_32 = tpu.memref_slice %arg4[%add3A_20] : memref<160000xi32, #tpu.memory_space<hbm>> -> memref<16xi32, #tpu.memory_space<hbm>>
        tpu.enqueue_dma source(%dma_start3A_32 : memref<16xi32, #tpu.memory_space<hbm>>) target(%arg13 : memref<16xi32, #tpu.memory_space<vmem>>) target_semaphore(%run_scoped3A : memref<!tpu.dma_semaphore, #tpu.memory_space<semaphore_mem>>)
        %dma_wait3A_33 = tpu.memref_slice %arg4[%add3A_20] : memref<160000xi32, #tpu.memory_space<hbm>> -> memref<16xi32, #tpu.memory_space<hbm>>
        %dma_wait3A_34 = tpu.memref_slice %arg4[%add3A_20] : memref<160000xi32, #tpu.memory_space<hbm>> -> memref<16xi32, #tpu.memory_space<hbm>>
        tpu.wait_dma2 semaphore(%run_scoped3A : memref<!tpu.dma_semaphore, #tpu.memory_space<semaphore_mem>>) src(%dma_wait3A_34 : memref<16xi32, #tpu.memory_space<hbm>>) dst(%arg13 : memref<16xi32, #tpu.memory_space<vmem>>)
        tpu.yield
      }) : () -> ()
      "tpu.region"() ({
        %run_scoped3A = tpu.sem_alloc : memref<!tpu.dma_semaphore, #tpu.memory_space<semaphore_mem>>
        %dma_start3A_31 = tpu.memref_slice %arg5[%add3A_20] : memref<160000xi32, #tpu.memory_space<hbm>> -> memref<16xi32, #tpu.memory_space<hbm>>
        %dma_start3A_32 = tpu.memref_slice %arg5[%add3A_20] : memref<160000xi32, #tpu.memory_space<hbm>> -> memref<16xi32, #tpu.memory_space<hbm>>
        tpu.enqueue_dma source(%dma_start3A_32 : memref<16xi32, #tpu.memory_space<hbm>>) target(%arg14 : memref<16xi32, #tpu.memory_space<vmem>>) target_semaphore(%run_scoped3A : memref<!tpu.dma_semaphore, #tpu.memory_space<semaphore_mem>>)
        %dma_wait3A_33 = tpu.memref_slice %arg5[%add3A_20] : memref<160000xi32, #tpu.memory_space<hbm>> -> memref<16xi32, #tpu.memory_space<hbm>>
        %dma_wait3A_34 = tpu.memref_slice %arg5[%add3A_20] : memref<160000xi32, #tpu.memory_space<hbm>> -> memref<16xi32, #tpu.memory_space<hbm>>
        tpu.wait_dma2 semaphore(%run_scoped3A : memref<!tpu.dma_semaphore, #tpu.memory_space<semaphore_mem>>) src(%dma_wait3A_34 : memref<16xi32, #tpu.memory_space<hbm>>) dst(%arg14 : memref<16xi32, #tpu.memory_space<vmem>>)
        tpu.yield
      }) : () -> ()
      %dma_start3A = arith.constant 0 : i32
      %dma_start3A_21 = arith.constant 0 : i32
      %dma_start3A_22 = tpu.memref_slice %arg2[%dma_start3A, %dma_start3A_21] : memref<10000x128xf32, #tpu.memory_space<hbm>> -> memref<10000x128xf32, #tpu.memory_space<hbm>>
      tpu.enqueue_indirect_dma source(%dma_start3A_22 : memref<10000x128xf32, #tpu.memory_space<hbm>>) target(%arg15 : memref<16x128xf32, #tpu.memory_space<vmem>>) offsets(%arg13 : memref<16xi32, #tpu.memory_space<vmem>>) semaphore(%arg16 : memref<!tpu.dma_semaphore, #tpu.memory_space<semaphore_mem>>)
      %dma_wait3A = arith.constant 0 : i32
      %dma_wait3A_23 = arith.constant 0 : i32
      %dma_wait3A_24 = tpu.memref_slice %arg2[%dma_wait3A, %dma_wait3A_23] : memref<10000x128xf32, #tpu.memory_space<hbm>> -> memref<10000x128xf32, #tpu.memory_space<hbm>>
      tpu.wait_indirect_dma semaphore(%arg16 : memref<!tpu.dma_semaphore, #tpu.memory_space<semaphore_mem>>) src(%dma_wait3A_24 : memref<10000x128xf32, #tpu.memory_space<hbm>>) dst(%arg15 : memref<16x128xf32, #tpu.memory_space<vmem>>)
      "tpu.region"() ({
        %run_scoped3A = tpu.sem_alloc : memref<!tpu.dma_semaphore, #tpu.memory_space<semaphore_mem>>
        %dma_start3A_31 = arith.constant 0 : i32
        %dma_start3A_32 = arith.constant 0 : i32
        %dma_start3A_33 = tpu.memref_slice %arg9[%dma_start3A_31, %dma_start3A_32] : memref<10000x128xf32, #tpu.memory_space<vmem_shared>> -> memref<10000x128xf32, #tpu.memory_space<vmem_shared>>
        tpu.enqueue_indirect_dma source(%arg15 : memref<16x128xf32, #tpu.memory_space<vmem>>) target(%dma_start3A_33 : memref<10000x128xf32, #tpu.memory_space<vmem_shared>>) offsets(%arg14 : memref<16xi32, #tpu.memory_space<vmem>>) semaphore(%run_scoped3A : memref<!tpu.dma_semaphore, #tpu.memory_space<semaphore_mem>>) {add = true}
        %dma_wait3A_34 = arith.constant 0 : i32
        %dma_wait3A_35 = arith.constant 0 : i32
        %dma_wait3A_36 = tpu.memref_slice %arg9[%dma_wait3A_34, %dma_wait3A_35] : memref<10000x128xf32, #tpu.memory_space<vmem_shared>> -> memref<10000x128xf32, #tpu.memory_space<vmem_shared>>
        tpu.wait_indirect_dma semaphore(%run_scoped3A : memref<!tpu.dma_semaphore, #tpu.memory_space<semaphore_mem>>) src(%arg15 : memref<16x128xf32, #tpu.memory_space<vmem>>) dst(%dma_wait3A_36 : memref<10000x128xf32, #tpu.memory_space<vmem_shared>>)
        tpu.yield
      }) : () -> ()
      %barrier3A_25 = arith.constant 0 : index
      tpu.barrier barrier_id(%barrier3A_25)
      "tpu.region"() ({
        %run_scoped3A = tpu.sem_alloc : memref<!tpu.dma_semaphore, #tpu.memory_space<semaphore_mem>>
        %dma_start3A_31 = arith.constant 0 : i32
        %dma_start3A_32 = tpu.memref_slice %arg7[%mul3A_0, %dma_start3A_31] : memref<10000x128xf32, #tpu.memory_space<hbm>> -> memref<624x128xf32, #tpu.memory_space<hbm>>
        %dma_start3A_33 = arith.constant 0 : i32
        %dma_start3A_34 = tpu.memref_slice %arg9[%mul3A_0, %dma_start3A_33] : memref<10000x128xf32, #tpu.memory_space<vmem_shared>> -> memref<624x128xf32, #tpu.memory_space<vmem_shared>>
        tpu.enqueue_dma source(%dma_start3A_34 : memref<624x128xf32, #tpu.memory_space<vmem_shared>>) target(%dma_start3A_32 : memref<624x128xf32, #tpu.memory_space<hbm>>) target_semaphore(%run_scoped3A : memref<!tpu.dma_semaphore, #tpu.memory_space<semaphore_mem>>)
        %dma_wait3A_35 = arith.constant 0 : i32
        %dma_wait3A_36 = tpu.memref_slice %arg7[%mul3A_0, %dma_wait3A_35] : memref<10000x128xf32, #tpu.memory_space<hbm>> -> memref<624x128xf32, #tpu.memory_space<hbm>>
        %dma_wait3A_37 = arith.constant 0 : i32
        %dma_wait3A_38 = tpu.memref_slice %arg9[%mul3A_0, %dma_wait3A_37] : memref<10000x128xf32, #tpu.memory_space<vmem_shared>> -> memref<624x128xf32, #tpu.memory_space<vmem_shared>>
        tpu.wait_dma2 semaphore(%run_scoped3A : memref<!tpu.dma_semaphore, #tpu.memory_space<semaphore_mem>>) src(%dma_wait3A_38 : memref<624x128xf32, #tpu.memory_space<vmem_shared>>) dst(%dma_wait3A_36 : memref<624x128xf32, #tpu.memory_space<hbm>>)
        tpu.yield
      }) : () -> ()
      %eq3A_26 = arith.constant 15 : i32
      %eq3A_27 = arith.cmpi eq, %arg1, %eq3A_26 : i32
      %convert_element_type3A_28 = arith.extui %eq3A_27 : i1 to i32
      %cond3A_29 = arith.constant 0 : i32
      %cond3A_30 = arith.cmpi ne, %convert_element_type3A_28, %cond3A_29 : i32
      scf.if %cond3A_30 {
        "tpu.region"() ({
          %run_scoped3A = tpu.sem_alloc : memref<!tpu.dma_semaphore, #tpu.memory_space<semaphore_mem>>
          %dma_start3A_31 = arith.constant 9984 : i32
          %dma_start3A_32 = arith.constant 0 : i32
          %dma_start3A_33 = tpu.memref_slice %arg7[%dma_start3A_31, %dma_start3A_32] : memref<10000x128xf32, #tpu.memory_space<hbm>> -> memref<16x128xf32, #tpu.memory_space<hbm>>
          %dma_start3A_34 = arith.constant 9984 : i32
          %dma_start3A_35 = arith.constant 0 : i32
          %dma_start3A_36 = tpu.memref_slice %arg9[%dma_start3A_34, %dma_start3A_35] : memref<10000x128xf32, #tpu.memory_space<vmem_shared>> -> memref<16x128xf32, #tpu.memory_space<vmem_shared>>
          tpu.enqueue_dma source(%dma_start3A_36 : memref<16x128xf32, #tpu.memory_space<vmem_shared>>) target(%dma_start3A_33 : memref<16x128xf32, #tpu.memory_space<hbm>>) target_semaphore(%run_scoped3A : memref<!tpu.dma_semaphore, #tpu.memory_space<semaphore_mem>>)
          %dma_wait3A_37 = arith.constant 9984 : i32
          %dma_wait3A_38 = arith.constant 0 : i32
          %dma_wait3A_39 = tpu.memref_slice %arg7[%dma_wait3A_37, %dma_wait3A_38] : memref<10000x128xf32, #tpu.memory_space<hbm>> -> memref<16x128xf32, #tpu.memory_space<hbm>>
          %dma_wait3A_40 = arith.constant 9984 : i32
          %dma_wait3A_41 = arith.constant 0 : i32
          %dma_wait3A_42 = tpu.memref_slice %arg9[%dma_wait3A_40, %dma_wait3A_41] : memref<10000x128xf32, #tpu.memory_space<vmem_shared>> -> memref<16x128xf32, #tpu.memory_space<vmem_shared>>
          tpu.wait_dma2 semaphore(%run_scoped3A : memref<!tpu.dma_semaphore, #tpu.memory_space<semaphore_mem>>) src(%dma_wait3A_42 : memref<16x128xf32, #tpu.memory_space<vmem_shared>>) dst(%dma_wait3A_39 : memref<16x128xf32, #tpu.memory_space<hbm>>)
          tpu.yield
        }) : () -> ()
      } else {
      }
    } else {
    }
    %eq3A_5 = arith.constant 1 : i32
    %eq3A_6 = arith.cmpi eq, %arg0, %eq3A_5 : i32
    %convert_element_type3A_7 = arith.extui %eq3A_6 : i1 to i32
    %cond3A_8 = arith.constant 0 : i32
    %cond3A_9 = arith.cmpi ne, %convert_element_type3A_7, %cond3A_8 : i32
    scf.if %cond3A_9 {
      "tpu.region"() ({
        %run_scoped3A = tpu.sem_alloc : memref<!tpu.dma_semaphore, #tpu.memory_space<semaphore_mem>>
        %dma_start3A_31 = arith.constant 0 : i32
        %dma_start3A_32 = tpu.memref_slice %arg9[%mul3A_0, %dma_start3A_31] : memref<10000x128xf32, #tpu.memory_space<vmem_shared>> -> memref<624x128xf32, #tpu.memory_space<vmem_shared>>
        %dma_start3A_33 = arith.constant 0 : i32
        %dma_start3A_34 = arith.constant 0 : i32
        %dma_start3A_35 = tpu.memref_slice %arg6[%dma_start3A_33, %dma_start3A_34] : memref<624x128xf32, #tpu.memory_space<hbm>> -> memref<624x128xf32, #tpu.memory_space<hbm>>
        tpu.enqueue_dma source(%dma_start3A_35 : memref<624x128xf32, #tpu.memory_space<hbm>>) target(%dma_start3A_32 : memref<624x128xf32, #tpu.memory_space<vmem_shared>>) target_semaphore(%run_scoped3A : memref<!tpu.dma_semaphore, #tpu.memory_space<semaphore_mem>>)
        %dma_wait3A_36 = arith.constant 0 : i32
        %dma_wait3A_37 = tpu.memref_slice %arg9[%mul3A_0, %dma_wait3A_36] : memref<10000x128xf32, #tpu.memory_space<vmem_shared>> -> memref<624x128xf32, #tpu.memory_space<vmem_shared>>
        %dma_wait3A_38 = arith.constant 0 : i32
        %dma_wait3A_39 = arith.constant 0 : i32
        %dma_wait3A_40 = tpu.memref_slice %arg6[%dma_wait3A_38, %dma_wait3A_39] : memref<624x128xf32, #tpu.memory_space<hbm>> -> memref<624x128xf32, #tpu.memory_space<hbm>>
        tpu.wait_dma2 semaphore(%run_scoped3A : memref<!tpu.dma_semaphore, #tpu.memory_space<semaphore_mem>>) src(%dma_wait3A_40 : memref<624x128xf32, #tpu.memory_space<hbm>>) dst(%dma_wait3A_37 : memref<624x128xf32, #tpu.memory_space<vmem_shared>>)
        tpu.yield
      }) : () -> ()
      %eq3A_10 = arith.constant 15 : i32
      %eq3A_11 = arith.cmpi eq, %arg1, %eq3A_10 : i32
      %convert_element_type3A_12 = arith.extui %eq3A_11 : i1 to i32
      %cond3A_13 = arith.constant 0 : i32
      %cond3A_14 = arith.cmpi ne, %convert_element_type3A_12, %cond3A_13 : i32
      scf.if %cond3A_14 {
        "tpu.region"() ({
          %run_scoped3A = tpu.sem_alloc : memref<!tpu.dma_semaphore, #tpu.memory_space<semaphore_mem>>
          %dma_start3A_31 = arith.constant 9984 : i32
          %dma_start3A_32 = arith.constant 0 : i32
          %dma_start3A_33 = tpu.memref_slice %arg9[%dma_start3A_31, %dma_start3A_32] : memref<10000x128xf32, #tpu.memory_space<vmem_shared>> -> memref<16x128xf32, #tpu.memory_space<vmem_shared>>
          %dma_start3A_34 = arith.constant 0 : i32
          %dma_start3A_35 = arith.constant 0 : i32
          %dma_start3A_36 = tpu.memref_slice %arg6[%dma_start3A_34, %dma_start3A_35] : memref<624x128xf32, #tpu.memory_space<hbm>> -> memref<16x128xf32, #tpu.memory_space<hbm>>
          tpu.enqueue_dma source(%dma_start3A_36 : memref<16x128xf32, #tpu.memory_space<hbm>>) target(%dma_start3A_33 : memref<16x128xf32, #tpu.memory_space<vmem_shared>>) target_semaphore(%run_scoped3A : memref<!tpu.dma_semaphore, #tpu.memory_space<semaphore_mem>>)
          %dma_wait3A_37 = arith.constant 9984 : i32
          %dma_wait3A_38 = arith.constant 0 : i32
          %dma_wait3A_39 = tpu.memref_slice %arg9[%dma_wait3A_37, %dma_wait3A_38] : memref<10000x128xf32, #tpu.memory_space<vmem_shared>> -> memref<16x128xf32, #tpu.memory_space<vmem_shared>>
          %dma_wait3A_40 = arith.constant 0 : i32
          %dma_wait3A_41 = arith.constant 0 : i32
          %dma_wait3A_42 = tpu.memref_slice %arg6[%dma_wait3A_40, %dma_wait3A_41] : memref<624x128xf32, #tpu.memory_space<hbm>> -> memref<16x128xf32, #tpu.memory_space<hbm>>
          tpu.wait_dma2 semaphore(%run_scoped3A : memref<!tpu.dma_semaphore, #tpu.memory_space<semaphore_mem>>) src(%dma_wait3A_42 : memref<16x128xf32, #tpu.memory_space<hbm>>) dst(%dma_wait3A_39 : memref<16x128xf32, #tpu.memory_space<vmem_shared>>)
          tpu.yield
        }) : () -> ()
      } else {
      }
      %barrier3A = arith.constant 0 : index
      tpu.barrier barrier_id(%barrier3A)
      %scan3A = arith.constant 0 : i32
      %scan3A_15 = arith.constant 0 : i32
      %scan3A_16 = arith.constant 78 : i32
      %scan3A_17 = arith.addi %scan3A_15, %scan3A_16 : i32
      %scan3A_18 = arith.constant 1 : i32
      scf.for %scan3A_31 = %scan3A_15 to %scan3A_17 step %scan3A_18  : i32 {
        %mul3A_32 = arith.constant 128 : i32
        %mul3A_33 = arith.muli %scan3A_31, %mul3A_32 : i32
        %add3A_34 = arith.addi %mul3A_2, %mul3A_33 : i32
        "tpu.region"() ({
          %run_scoped3A = tpu.sem_alloc : memref<!tpu.dma_semaphore, #tpu.memory_space<semaphore_mem>>
          %dma_start3A_41 = tpu.memref_slice %arg4[%add3A_34] : memref<160000xi32, #tpu.memory_space<hbm>> -> memref<128xi32, #tpu.memory_space<hbm>>
          %dma_start3A_42 = tpu.memref_slice %arg4[%add3A_34] : memref<160000xi32, #tpu.memory_space<hbm>> -> memref<128xi32, #tpu.memory_space<hbm>>
          tpu.enqueue_dma source(%dma_start3A_42 : memref<128xi32, #tpu.memory_space<hbm>>) target(%arg10 : memref<128xi32, #tpu.memory_space<vmem>>) target_semaphore(%run_scoped3A : memref<!tpu.dma_semaphore, #tpu.memory_space<semaphore_mem>>)
          %dma_wait3A_43 = tpu.memref_slice %arg4[%add3A_34] : memref<160000xi32, #tpu.memory_space<hbm>> -> memref<128xi32, #tpu.memory_space<hbm>>
          %dma_wait3A_44 = tpu.memref_slice %arg4[%add3A_34] : memref<160000xi32, #tpu.memory_space<hbm>> -> memref<128xi32, #tpu.memory_space<hbm>>
          tpu.wait_dma2 semaphore(%run_scoped3A : memref<!tpu.dma_semaphore, #tpu.memory_space<semaphore_mem>>) src(%dma_wait3A_44 : memref<128xi32, #tpu.memory_space<hbm>>) dst(%arg10 : memref<128xi32, #tpu.memory_space<vmem>>)
          tpu.yield
        }) : () -> ()
        "tpu.region"() ({
          %run_scoped3A = tpu.sem_alloc : memref<!tpu.dma_semaphore, #tpu.memory_space<semaphore_mem>>
          %dma_start3A_41 = tpu.memref_slice %arg5[%add3A_34] : memref<160000xi32, #tpu.memory_space<hbm>> -> memref<128xi32, #tpu.memory_space<hbm>>
          %dma_start3A_42 = tpu.memref_slice %arg5[%add3A_34] : memref<160000xi32, #tpu.memory_space<hbm>> -> memref<128xi32, #tpu.memory_space<hbm>>
          tpu.enqueue_dma source(%dma_start3A_42 : memref<128xi32, #tpu.memory_space<hbm>>) target(%arg11 : memref<128xi32, #tpu.memory_space<vmem>>) target_semaphore(%run_scoped3A : memref<!tpu.dma_semaphore, #tpu.memory_space<semaphore_mem>>)
          %dma_wait3A_43 = tpu.memref_slice %arg5[%add3A_34] : memref<160000xi32, #tpu.memory_space<hbm>> -> memref<128xi32, #tpu.memory_space<hbm>>
          %dma_wait3A_44 = tpu.memref_slice %arg5[%add3A_34] : memref<160000xi32, #tpu.memory_space<hbm>> -> memref<128xi32, #tpu.memory_space<hbm>>
          tpu.wait_dma2 semaphore(%run_scoped3A : memref<!tpu.dma_semaphore, #tpu.memory_space<semaphore_mem>>) src(%dma_wait3A_44 : memref<128xi32, #tpu.memory_space<hbm>>) dst(%arg11 : memref<128xi32, #tpu.memory_space<vmem>>)
          tpu.yield
        }) : () -> ()
        %dma_start3A_35 = arith.constant 0 : i32
        %dma_start3A_36 = arith.constant 0 : i32
        %dma_start3A_37 = tpu.memref_slice %arg3[%dma_start3A_35, %dma_start3A_36] : memref<10000x128xf32, #tpu.memory_space<hbm>> -> memref<10000x128xf32, #tpu.memory_space<hbm>>
        tpu.enqueue_indirect_dma source(%dma_start3A_37 : memref<10000x128xf32, #tpu.memory_space<hbm>>) target(%arg12 : memref<128x128xf32, #tpu.memory_space<vmem>>) offsets(%arg10 : memref<128xi32, #tpu.memory_space<vmem>>) semaphore(%arg16 : memref<!tpu.dma_semaphore, #tpu.memory_space<semaphore_mem>>)
        %dma_wait3A_38 = arith.constant 0 : i32
        %dma_wait3A_39 = arith.constant 0 : i32
        %dma_wait3A_40 = tpu.memref_slice %arg3[%dma_wait3A_38, %dma_wait3A_39] : memref<10000x128xf32, #tpu.memory_space<hbm>> -> memref<10000x128xf32, #tpu.memory_space<hbm>>
        tpu.wait_indirect_dma semaphore(%arg16 : memref<!tpu.dma_semaphore, #tpu.memory_space<semaphore_mem>>) src(%dma_wait3A_40 : memref<10000x128xf32, #tpu.memory_space<hbm>>) dst(%arg12 : memref<128x128xf32, #tpu.memory_space<vmem>>)
        "tpu.region"() ({
          %run_scoped3A = tpu.sem_alloc : memref<!tpu.dma_semaphore, #tpu.memory_space<semaphore_mem>>
          %dma_start3A_41 = arith.constant 0 : i32
          %dma_start3A_42 = arith.constant 0 : i32
          %dma_start3A_43 = tpu.memref_slice %arg9[%dma_start3A_41, %dma_start3A_42] : memref<10000x128xf32, #tpu.memory_space<vmem_shared>> -> memref<10000x128xf32, #tpu.memory_space<vmem_shared>>
          tpu.enqueue_indirect_dma source(%arg12 : memref<128x128xf32, #tpu.memory_space<vmem>>) target(%dma_start3A_43 : memref<10000x128xf32, #tpu.memory_space<vmem_shared>>) offsets(%arg11 : memref<128xi32, #tpu.memory_space<vmem>>) semaphore(%run_scoped3A : memref<!tpu.dma_semaphore, #tpu.memory_space<semaphore_mem>>) {add = true}
          %dma_wait3A_44 = arith.constant 0 : i32
          %dma_wait3A_45 = arith.constant 0 : i32
          %dma_wait3A_46 = tpu.memref_slice %arg9[%dma_wait3A_44, %dma_wait3A_45] : memref<10000x128xf32, #tpu.memory_space<vmem_shared>> -> memref<10000x128xf32, #tpu.memory_space<vmem_shared>>
          tpu.wait_indirect_dma semaphore(%run_scoped3A : memref<!tpu.dma_semaphore, #tpu.memory_space<semaphore_mem>>) src(%arg12 : memref<128x128xf32, #tpu.memory_space<vmem>>) dst(%dma_wait3A_46 : memref<10000x128xf32, #tpu.memory_space<vmem_shared>>)
          tpu.yield
        }) : () -> ()
      }
      %scan3A_19 = arith.constant 78 : i32
      %add3A = arith.constant 9984 : i32
      %add3A_20 = arith.addi %mul3A_2, %add3A : i32
      "tpu.region"() ({
        %run_scoped3A = tpu.sem_alloc : memref<!tpu.dma_semaphore, #tpu.memory_space<semaphore_mem>>
        %dma_start3A_31 = tpu.memref_slice %arg4[%add3A_20] : memref<160000xi32, #tpu.memory_space<hbm>> -> memref<16xi32, #tpu.memory_space<hbm>>
        %dma_start3A_32 = tpu.memref_slice %arg4[%add3A_20] : memref<160000xi32, #tpu.memory_space<hbm>> -> memref<16xi32, #tpu.memory_space<hbm>>
        tpu.enqueue_dma source(%dma_start3A_32 : memref<16xi32, #tpu.memory_space<hbm>>) target(%arg13 : memref<16xi32, #tpu.memory_space<vmem>>) target_semaphore(%run_scoped3A : memref<!tpu.dma_semaphore, #tpu.memory_space<semaphore_mem>>)
        %dma_wait3A_33 = tpu.memref_slice %arg4[%add3A_20] : memref<160000xi32, #tpu.memory_space<hbm>> -> memref<16xi32, #tpu.memory_space<hbm>>
        %dma_wait3A_34 = tpu.memref_slice %arg4[%add3A_20] : memref<160000xi32, #tpu.memory_space<hbm>> -> memref<16xi32, #tpu.memory_space<hbm>>
        tpu.wait_dma2 semaphore(%run_scoped3A : memref<!tpu.dma_semaphore, #tpu.memory_space<semaphore_mem>>) src(%dma_wait3A_34 : memref<16xi32, #tpu.memory_space<hbm>>) dst(%arg13 : memref<16xi32, #tpu.memory_space<vmem>>)
        tpu.yield
      }) : () -> ()
      "tpu.region"() ({
        %run_scoped3A = tpu.sem_alloc : memref<!tpu.dma_semaphore, #tpu.memory_space<semaphore_mem>>
        %dma_start3A_31 = tpu.memref_slice %arg5[%add3A_20] : memref<160000xi32, #tpu.memory_space<hbm>> -> memref<16xi32, #tpu.memory_space<hbm>>
        %dma_start3A_32 = tpu.memref_slice %arg5[%add3A_20] : memref<160000xi32, #tpu.memory_space<hbm>> -> memref<16xi32, #tpu.memory_space<hbm>>
        tpu.enqueue_dma source(%dma_start3A_32 : memref<16xi32, #tpu.memory_space<hbm>>) target(%arg14 : memref<16xi32, #tpu.memory_space<vmem>>) target_semaphore(%run_scoped3A : memref<!tpu.dma_semaphore, #tpu.memory_space<semaphore_mem>>)
        %dma_wait3A_33 = tpu.memref_slice %arg5[%add3A_20] : memref<160000xi32, #tpu.memory_space<hbm>> -> memref<16xi32, #tpu.memory_space<hbm>>
        %dma_wait3A_34 = tpu.memref_slice %arg5[%add3A_20] : memref<160000xi32, #tpu.memory_space<hbm>> -> memref<16xi32, #tpu.memory_space<hbm>>
        tpu.wait_dma2 semaphore(%run_scoped3A : memref<!tpu.dma_semaphore, #tpu.memory_space<semaphore_mem>>) src(%dma_wait3A_34 : memref<16xi32, #tpu.memory_space<hbm>>) dst(%arg14 : memref<16xi32, #tpu.memory_space<vmem>>)
        tpu.yield
      }) : () -> ()
      %dma_start3A = arith.constant 0 : i32
      %dma_start3A_21 = arith.constant 0 : i32
      %dma_start3A_22 = tpu.memref_slice %arg3[%dma_start3A, %dma_start3A_21] : memref<10000x128xf32, #tpu.memory_space<hbm>> -> memref<10000x128xf32, #tpu.memory_space<hbm>>
      tpu.enqueue_indirect_dma source(%dma_start3A_22 : memref<10000x128xf32, #tpu.memory_space<hbm>>) target(%arg15 : memref<16x128xf32, #tpu.memory_space<vmem>>) offsets(%arg13 : memref<16xi32, #tpu.memory_space<vmem>>) semaphore(%arg16 : memref<!tpu.dma_semaphore, #tpu.memory_space<semaphore_mem>>)
      %dma_wait3A = arith.constant 0 : i32
      %dma_wait3A_23 = arith.constant 0 : i32
      %dma_wait3A_24 = tpu.memref_slice %arg3[%dma_wait3A, %dma_wait3A_23] : memref<10000x128xf32, #tpu.memory_space<hbm>> -> memref<10000x128xf32, #tpu.memory_space<hbm>>
      tpu.wait_indirect_dma semaphore(%arg16 : memref<!tpu.dma_semaphore, #tpu.memory_space<semaphore_mem>>) src(%dma_wait3A_24 : memref<10000x128xf32, #tpu.memory_space<hbm>>) dst(%arg15 : memref<16x128xf32, #tpu.memory_space<vmem>>)
      "tpu.region"() ({
        %run_scoped3A = tpu.sem_alloc : memref<!tpu.dma_semaphore, #tpu.memory_space<semaphore_mem>>
        %dma_start3A_31 = arith.constant 0 : i32
        %dma_start3A_32 = arith.constant 0 : i32
        %dma_start3A_33 = tpu.memref_slice %arg9[%dma_start3A_31, %dma_start3A_32] : memref<10000x128xf32, #tpu.memory_space<vmem_shared>> -> memref<10000x128xf32, #tpu.memory_space<vmem_shared>>
        tpu.enqueue_indirect_dma source(%arg15 : memref<16x128xf32, #tpu.memory_space<vmem>>) target(%dma_start3A_33 : memref<10000x128xf32, #tpu.memory_space<vmem_shared>>) offsets(%arg14 : memref<16xi32, #tpu.memory_space<vmem>>) semaphore(%run_scoped3A : memref<!tpu.dma_semaphore, #tpu.memory_space<semaphore_mem>>) {add = true}
        %dma_wait3A_34 = arith.constant 0 : i32
        %dma_wait3A_35 = arith.constant 0 : i32
        %dma_wait3A_36 = tpu.memref_slice %arg9[%dma_wait3A_34, %dma_wait3A_35] : memref<10000x128xf32, #tpu.memory_space<vmem_shared>> -> memref<10000x128xf32, #tpu.memory_space<vmem_shared>>
        tpu.wait_indirect_dma semaphore(%run_scoped3A : memref<!tpu.dma_semaphore, #tpu.memory_space<semaphore_mem>>) src(%arg15 : memref<16x128xf32, #tpu.memory_space<vmem>>) dst(%dma_wait3A_36 : memref<10000x128xf32, #tpu.memory_space<vmem_shared>>)
        tpu.yield
      }) : () -> ()
      %barrier3A_25 = arith.constant 0 : index
      tpu.barrier barrier_id(%barrier3A_25)
      "tpu.region"() ({
        %run_scoped3A = tpu.sem_alloc : memref<!tpu.dma_semaphore, #tpu.memory_space<semaphore_mem>>
        %dma_start3A_31 = arith.constant 0 : i32
        %dma_start3A_32 = tpu.memref_slice %arg8[%mul3A_0, %dma_start3A_31] : memref<10000x128xf32, #tpu.memory_space<hbm>> -> memref<624x128xf32, #tpu.memory_space<hbm>>
        %dma_start3A_33 = arith.constant 0 : i32
        %dma_start3A_34 = tpu.memref_slice %arg9[%mul3A_0, %dma_start3A_33] : memref<10000x128xf32, #tpu.memory_space<vmem_shared>> -> memref<624x128xf32, #tpu.memory_space<vmem_shared>>
        tpu.enqueue_dma source(%dma_start3A_34 : memref<624x128xf32, #tpu.memory_space<vmem_shared>>) target(%dma_start3A_32 : memref<624x128xf32, #tpu.memory_space<hbm>>) target_semaphore(%run_scoped3A : memref<!tpu.dma_semaphore, #tpu.memory_space<semaphore_mem>>)
        %dma_wait3A_35 = arith.constant 0 : i32
        %dma_wait3A_36 = tpu.memref_slice %arg8[%mul3A_0, %dma_wait3A_35] : memref<10000x128xf32, #tpu.memory_space<hbm>> -> memref<624x128xf32, #tpu.memory_space<hbm>>
        %dma_wait3A_37 = arith.constant 0 : i32
        %dma_wait3A_38 = tpu.memref_slice %arg9[%mul3A_0, %dma_wait3A_37] : memref<10000x128xf32, #tpu.memory_space<vmem_shared>> -> memref<624x128xf32, #tpu.memory_space<vmem_shared>>
        tpu.wait_dma2 semaphore(%run_scoped3A : memref<!tpu.dma_semaphore, #tpu.memory_space<semaphore_mem>>) src(%dma_wait3A_38 : memref<624x128xf32, #tpu.memory_space<vmem_shared>>) dst(%dma_wait3A_36 : memref<624x128xf32, #tpu.memory_space<hbm>>)
        tpu.yield
      }) : () -> ()
      %eq3A_26 = arith.constant 15 : i32
      %eq3A_27 = arith.cmpi eq, %arg1, %eq3A_26 : i32
      %convert_element_type3A_28 = arith.extui %eq3A_27 : i1 to i32
      %cond3A_29 = arith.constant 0 : i32
      %cond3A_30 = arith.cmpi ne, %convert_element_type3A_28, %cond3A_29 : i32
      scf.if %cond3A_30 {
        "tpu.region"() ({
          %run_scoped3A = tpu.sem_alloc : memref<!tpu.dma_semaphore, #tpu.memory_space<semaphore_mem>>
          %dma_start3A_31 = arith.constant 9984 : i32
          %dma_start3A_32 = arith.constant 0 : i32
          %dma_start3A_33 = tpu.memref_slice %arg8[%dma_start3A_31, %dma_start3A_32] : memref<10000x128xf32, #tpu.memory_space<hbm>> -> memref<16x128xf32, #tpu.memory_space<hbm>>
          %dma_start3A_34 = arith.constant 9984 : i32
          %dma_start3A_35 = arith.constant 0 : i32
          %dma_start3A_36 = tpu.memref_slice %arg9[%dma_start3A_34, %dma_start3A_35] : memref<10000x128xf32, #tpu.memory_space<vmem_shared>> -> memref<16x128xf32, #tpu.memory_space<vmem_shared>>
          tpu.enqueue_dma source(%dma_start3A_36 : memref<16x128xf32, #tpu.memory_space<vmem_shared>>) target(%dma_start3A_33 : memref<16x128xf32, #tpu.memory_space<hbm>>) target_semaphore(%run_scoped3A : memref<!tpu.dma_semaphore, #tpu.memory_space<semaphore_mem>>)
          %dma_wait3A_37 = arith.constant 9984 : i32
          %dma_wait3A_38 = arith.constant 0 : i32
          %dma_wait3A_39 = tpu.memref_slice %arg8[%dma_wait3A_37, %dma_wait3A_38] : memref<10000x128xf32, #tpu.memory_space<hbm>> -> memref<16x128xf32, #tpu.memory_space<hbm>>
          %dma_wait3A_40 = arith.constant 9984 : i32
          %dma_wait3A_41 = arith.constant 0 : i32
          %dma_wait3A_42 = tpu.memref_slice %arg9[%dma_wait3A_40, %dma_wait3A_41] : memref<10000x128xf32, #tpu.memory_space<vmem_shared>> -> memref<16x128xf32, #tpu.memory_space<vmem_shared>>
          tpu.wait_dma2 semaphore(%run_scoped3A : memref<!tpu.dma_semaphore, #tpu.memory_space<semaphore_mem>>) src(%dma_wait3A_42 : memref<16x128xf32, #tpu.memory_space<vmem_shared>>) dst(%dma_wait3A_39 : memref<16x128xf32, #tpu.memory_space<hbm>>)
          tpu.yield
        }) : () -> ()
      } else {
      }
    } else {
    }
    return
  }
}

#map = affine_map<(d0, d1) -> (0, 0)>
#map1 = affine_map<(d0, d1) -> (0)>
module attributes {stable_mosaic.version = 14 : i64} {
  func.func @sc_spmm(%arg0: i32, %arg1: i32, %arg2: memref<10000x128xf32, #tpu.memory_space<hbm>>, %arg3: memref<10000x128xf32, #tpu.memory_space<hbm>>, %arg4: memref<160000xi32, #tpu.memory_space<hbm>>, %arg5: memref<160000xi32, #tpu.memory_space<hbm>>, %arg6: memref<624x128xf32, #tpu.memory_space<hbm>>, %arg7: memref<10000x128xf32, #tpu.memory_space<hbm>>, %arg8: memref<10000x128xf32, #tpu.memory_space<hbm>>, %arg9: memref<10000x128xf32, #tpu.memory_space<vmem_shared>>, %arg10: memref<128xi32, #tpu.memory_space<vmem>>, %arg11: memref<128xi32, #tpu.memory_space<vmem>>, %arg12: memref<128x128xf32, #tpu.memory_space<vmem>>, %arg13: memref<16xi32, #tpu.memory_space<vmem>>, %arg14: memref<16xi32, #tpu.memory_space<vmem>>, %arg15: memref<16x128xf32, #tpu.memory_space<vmem>>, %arg16: memref<!tpu.dma_semaphore, #tpu.memory_space<semaphore_mem>>) attributes {dimension_semantics = [#tpu.dimension_semantics<core_parallel>, #tpu.dimension_semantics<subcore_parallel>], iteration_bounds = array<i64: 2, 16>, scalar_prefetch = 0 : i64, scratch_operands = 8 : i64, tpu.core_type = #tpu.core_type<sc_vector_subcore>, window_params = [{transform_indices = #map}, {transform_indices = #map}, {transform_indices = #map1}, {transform_indices = #map1}, {transform_indices = #map}, {transform_indices = #map}, {transform_indices = #map}]} {
    %mul3A = arith.constant 624 : i32
    %mul3A_0 = arith.muli %arg1, %mul3A : i32
    %mul3A_1 = arith.constant 10000 : i32
    %mul3A_2 = arith.muli %arg1, %mul3A_1 : i32
    %eq3A = arith.constant 0 : i32
    %eq3A_3 = arith.cmpi eq, %arg0, %eq3A : i32
    %convert_element_type3A = arith.extui %eq3A_3 : i1 to i32
    %cond3A = arith.constant 0 : i32
    %cond3A_4 = arith.cmpi ne, %convert_element_type3A, %cond3A : i32
    scf.if %cond3A_4 {
      "tpu.region"() ({
        %run_scoped3A = tpu.sem_alloc : memref<!tpu.dma_semaphore, #tpu.memory_space<semaphore_mem>>
        %dma_start3A_31 = arith.constant 0 : i32
        %dma_start3A_32 = tpu.memref_slice %arg9[%mul3A_0, %dma_start3A_31] : memref<10000x128xf32, #tpu.memory_space<vmem_shared>> -> memref<624x128xf32, #tpu.memory_space<vmem_shared>>
        %dma_start3A_33 = arith.constant 0 : i32
        %dma_start3A_34 = arith.constant 0 : i32
        %dma_start3A_35 = tpu.memref_slice %arg6[%dma_start3A_33, %dma_start3A_34] : memref<624x128xf32, #tpu.memory_space<hbm>> -> memref<624x128xf32, #tpu.memory_space<hbm>>
        tpu.enqueue_dma source(%dma_start3A_35 : memref<624x128xf32, #tpu.memory_space<hbm>>) target(%dma_start3A_32 : memref<624x128xf32, #tpu.memory_space<vmem_shared>>) target_semaphore(%run_scoped3A : memref<!tpu.dma_semaphore, #tpu.memory_space<semaphore_mem>>)
        %dma_wait3A_36 = arith.constant 0 : i32
        %dma_wait3A_37 = tpu.memref_slice %arg9[%mul3A_0, %dma_wait3A_36] : memref<10000x128xf32, #tpu.memory_space<vmem_shared>> -> memref<624x128xf32, #tpu.memory_space<vmem_shared>>
        %dma_wait3A_38 = arith.constant 0 : i32
        %dma_wait3A_39 = arith.constant 0 : i32
        %dma_wait3A_40 = tpu.memref_slice %arg6[%dma_wait3A_38, %dma_wait3A_39] : memref<624x128xf32, #tpu.memory_space<hbm>> -> memref<624x128xf32, #tpu.memory_space<hbm>>
        tpu.wait_dma2 semaphore(%run_scoped3A : memref<!tpu.dma_semaphore, #tpu.memory_space<semaphore_mem>>) src(%dma_wait3A_40 : memref<624x128xf32, #tpu.memory_space<hbm>>) dst(%dma_wait3A_37 : memref<624x128xf32, #tpu.memory_space<vmem_shared>>)
        tpu.yield
      }) : () -> ()
      %eq3A_10 = arith.constant 15 : i32
      %eq3A_11 = arith.cmpi eq, %arg1, %eq3A_10 : i32
      %convert_element_type3A_12 = arith.extui %eq3A_11 : i1 to i32
      %cond3A_13 = arith.constant 0 : i32
      %cond3A_14 = arith.cmpi ne, %convert_element_type3A_12, %cond3A_13 : i32
      scf.if %cond3A_14 {
        "tpu.region"() ({
          %run_scoped3A = tpu.sem_alloc : memref<!tpu.dma_semaphore, #tpu.memory_space<semaphore_mem>>
          %dma_start3A_31 = arith.constant 9984 : i32
          %dma_start3A_32 = arith.constant 0 : i32
          %dma_start3A_33 = tpu.memref_slice %arg9[%dma_start3A_31, %dma_start3A_32] : memref<10000x128xf32, #tpu.memory_space<vmem_shared>> -> memref<16x128xf32, #tpu.memory_space<vmem_shared>>
          %dma_start3A_34 = arith.constant 0 : i32
          %dma_start3A_35 = arith.constant 0 : i32
          %dma_start3A_36 = tpu.memref_slice %arg6[%dma_start3A_34, %dma_start3A_35] : memref<624x128xf32, #tpu.memory_space<hbm>> -> memref<16x128xf32, #tpu.memory_space<hbm>>
          tpu.enqueue_dma source(%dma_start3A_36 : memref<16x128xf32, #tpu.memory_space<hbm>>) target(%dma_start3A_33 : memref<16x128xf32, #tpu.memory_space<vmem_shared>>) target_semaphore(%run_scoped3A : memref<!tpu.dma_semaphore, #tpu.memory_space<semaphore_mem>>)
          %dma_wait3A_37 = arith.constant 9984 : i32
          %dma_wait3A_38 = arith.constant 0 : i32
          %dma_wait3A_39 = tpu.memref_slice %arg9[%dma_wait3A_37, %dma_wait3A_38] : memref<10000x128xf32, #tpu.memory_space<vmem_shared>> -> memref<16x128xf32, #tpu.memory_space<vmem_shared>>
          %dma_wait3A_40 = arith.constant 0 : i32
          %dma_wait3A_41 = arith.constant 0 : i32
          %dma_wait3A_42 = tpu.memref_slice %arg6[%dma_wait3A_40, %dma_wait3A_41] : memref<624x128xf32, #tpu.memory_space<hbm>> -> memref<16x128xf32, #tpu.memory_space<hbm>>
          tpu.wait_dma2 semaphore(%run_scoped3A : memref<!tpu.dma_semaphore, #tpu.memory_space<semaphore_mem>>) src(%dma_wait3A_42 : memref<16x128xf32, #tpu.memory_space<hbm>>) dst(%dma_wait3A_39 : memref<16x128xf32, #tpu.memory_space<vmem_shared>>)
          tpu.yield
        }) : () -> ()
      } else {
      }
      %barrier3A = arith.constant 0 : index
      tpu.barrier barrier_id(%barrier3A)
      %scan3A = arith.constant 0 : i32
      %scan3A_15 = arith.constant 0 : i32
      %scan3A_16 = arith.constant 78 : i32
      %scan3A_17 = arith.addi %scan3A_15, %scan3A_16 : i32
      %scan3A_18 = arith.constant 1 : i32
      scf.for %scan3A_31 = %scan3A_15 to %scan3A_17 step %scan3A_18  : i32 {
        %mul3A_32 = arith.constant 128 : i32
        %mul3A_33 = arith.muli %scan3A_31, %mul3A_32 : i32
        %add3A_34 = arith.addi %mul3A_2, %mul3A_33 : i32
        "tpu.region"() ({
          %run_scoped3A = tpu.sem_alloc : memref<!tpu.dma_semaphore, #tpu.memory_space<semaphore_mem>>
          %dma_start3A_41 = tpu.memref_slice %arg4[%add3A_34] : memref<160000xi32, #tpu.memory_space<hbm>> -> memref<128xi32, #tpu.memory_space<hbm>>
          %dma_start3A_42 = tpu.memref_slice %arg4[%add3A_34] : memref<160000xi32, #tpu.memory_space<hbm>> -> memref<128xi32, #tpu.memory_space<hbm>>
          tpu.enqueue_dma source(%dma_start3A_42 : memref<128xi32, #tpu.memory_space<hbm>>) target(%arg10 : memref<128xi32, #tpu.memory_space<vmem>>) target_semaphore(%run_scoped3A : memref<!tpu.dma_semaphore, #tpu.memory_space<semaphore_mem>>)
          %dma_wait3A_43 = tpu.memref_slice %arg4[%add3A_34] : memref<160000xi32, #tpu.memory_space<hbm>> -> memref<128xi32, #tpu.memory_space<hbm>>
          %dma_wait3A_44 = tpu.memref_slice %arg4[%add3A_34] : memref<160000xi32, #tpu.memory_space<hbm>> -> memref<128xi32, #tpu.memory_space<hbm>>
          tpu.wait_dma2 semaphore(%run_scoped3A : memref<!tpu.dma_semaphore, #tpu.memory_space<semaphore_mem>>) src(%dma_wait3A_44 : memref<128xi32, #tpu.memory_space<hbm>>) dst(%arg10 : memref<128xi32, #tpu.memory_space<vmem>>)
          tpu.yield
        }) : () -> ()
        "tpu.region"() ({
          %run_scoped3A = tpu.sem_alloc : memref<!tpu.dma_semaphore, #tpu.memory_space<semaphore_mem>>
          %dma_start3A_41 = tpu.memref_slice %arg5[%add3A_34] : memref<160000xi32, #tpu.memory_space<hbm>> -> memref<128xi32, #tpu.memory_space<hbm>>
          %dma_start3A_42 = tpu.memref_slice %arg5[%add3A_34] : memref<160000xi32, #tpu.memory_space<hbm>> -> memref<128xi32, #tpu.memory_space<hbm>>
          tpu.enqueue_dma source(%dma_start3A_42 : memref<128xi32, #tpu.memory_space<hbm>>) target(%arg11 : memref<128xi32, #tpu.memory_space<vmem>>) target_semaphore(%run_scoped3A : memref<!tpu.dma_semaphore, #tpu.memory_space<semaphore_mem>>)
          %dma_wait3A_43 = tpu.memref_slice %arg5[%add3A_34] : memref<160000xi32, #tpu.memory_space<hbm>> -> memref<128xi32, #tpu.memory_space<hbm>>
          %dma_wait3A_44 = tpu.memref_slice %arg5[%add3A_34] : memref<160000xi32, #tpu.memory_space<hbm>> -> memref<128xi32, #tpu.memory_space<hbm>>
          tpu.wait_dma2 semaphore(%run_scoped3A : memref<!tpu.dma_semaphore, #tpu.memory_space<semaphore_mem>>) src(%dma_wait3A_44 : memref<128xi32, #tpu.memory_space<hbm>>) dst(%arg11 : memref<128xi32, #tpu.memory_space<vmem>>)
          tpu.yield
        }) : () -> ()
        %dma_start3A_35 = arith.constant 0 : i32
        %dma_start3A_36 = arith.constant 0 : i32
        %dma_start3A_37 = tpu.memref_slice %arg2[%dma_start3A_35, %dma_start3A_36] : memref<10000x128xf32, #tpu.memory_space<hbm>> -> memref<10000x128xf32, #tpu.memory_space<hbm>>
        tpu.enqueue_indirect_dma source(%dma_start3A_37 : memref<10000x128xf32, #tpu.memory_space<hbm>>) target(%arg12 : memref<128x128xf32, #tpu.memory_space<vmem>>) offsets(%arg10 : memref<128xi32, #tpu.memory_space<vmem>>) semaphore(%arg16 : memref<!tpu.dma_semaphore, #tpu.memory_space<semaphore_mem>>)
        %dma_wait3A_38 = arith.constant 0 : i32
        %dma_wait3A_39 = arith.constant 0 : i32
        %dma_wait3A_40 = tpu.memref_slice %arg2[%dma_wait3A_38, %dma_wait3A_39] : memref<10000x128xf32, #tpu.memory_space<hbm>> -> memref<10000x128xf32, #tpu.memory_space<hbm>>
        tpu.wait_indirect_dma semaphore(%arg16 : memref<!tpu.dma_semaphore, #tpu.memory_space<semaphore_mem>>) src(%dma_wait3A_40 : memref<10000x128xf32, #tpu.memory_space<hbm>>) dst(%arg12 : memref<128x128xf32, #tpu.memory_space<vmem>>)
        "tpu.region"() ({
          %run_scoped3A = tpu.sem_alloc : memref<!tpu.dma_semaphore, #tpu.memory_space<semaphore_mem>>
          %dma_start3A_41 = arith.constant 0 : i32
          %dma_start3A_42 = arith.constant 0 : i32
          %dma_start3A_43 = tpu.memref_slice %arg9[%dma_start3A_41, %dma_start3A_42] : memref<10000x128xf32, #tpu.memory_space<vmem_shared>> -> memref<10000x128xf32, #tpu.memory_space<vmem_shared>>
          tpu.enqueue_indirect_dma source(%arg12 : memref<128x128xf32, #tpu.memory_space<vmem>>) target(%dma_start3A_43 : memref<10000x128xf32, #tpu.memory_space<vmem_shared>>) offsets(%arg11 : memref<128xi32, #tpu.memory_space<vmem>>) semaphore(%run_scoped3A : memref<!tpu.dma_semaphore, #tpu.memory_space<semaphore_mem>>) {add = true}
          %dma_wait3A_44 = arith.constant 0 : i32
          %dma_wait3A_45 = arith.constant 0 : i32
          %dma_wait3A_46 = tpu.memref_slice %arg9[%dma_wait3A_44, %dma_wait3A_45] : memref<10000x128xf32, #tpu.memory_space<vmem_shared>> -> memref<10000x128xf32, #tpu.memory_space<vmem_shared>>
          tpu.wait_indirect_dma semaphore(%run_scoped3A : memref<!tpu.dma_semaphore, #tpu.memory_space<semaphore_mem>>) src(%arg12 : memref<128x128xf32, #tpu.memory_space<vmem>>) dst(%dma_wait3A_46 : memref<10000x128xf32, #tpu.memory_space<vmem_shared>>)
          tpu.yield
        }) : () -> ()
      }
      %scan3A_19 = arith.constant 78 : i32
      %add3A = arith.constant 9984 : i32
      %add3A_20 = arith.addi %mul3A_2, %add3A : i32
      "tpu.region"() ({
        %run_scoped3A = tpu.sem_alloc : memref<!tpu.dma_semaphore, #tpu.memory_space<semaphore_mem>>
        %dma_start3A_31 = tpu.memref_slice %arg4[%add3A_20] : memref<160000xi32, #tpu.memory_space<hbm>> -> memref<16xi32, #tpu.memory_space<hbm>>
        %dma_start3A_32 = tpu.memref_slice %arg4[%add3A_20] : memref<160000xi32, #tpu.memory_space<hbm>> -> memref<16xi32, #tpu.memory_space<hbm>>
        tpu.enqueue_dma source(%dma_start3A_32 : memref<16xi32, #tpu.memory_space<hbm>>) target(%arg13 : memref<16xi32, #tpu.memory_space<vmem>>) target_semaphore(%run_scoped3A : memref<!tpu.dma_semaphore, #tpu.memory_space<semaphore_mem>>)
        %dma_wait3A_33 = tpu.memref_slice %arg4[%add3A_20] : memref<160000xi32, #tpu.memory_space<hbm>> -> memref<16xi32, #tpu.memory_space<hbm>>
        %dma_wait3A_34 = tpu.memref_slice %arg4[%add3A_20] : memref<160000xi32, #tpu.memory_space<hbm>> -> memref<16xi32, #tpu.memory_space<hbm>>
        tpu.wait_dma2 semaphore(%run_scoped3A : memref<!tpu.dma_semaphore, #tpu.memory_space<semaphore_mem>>) src(%dma_wait3A_34 : memref<16xi32, #tpu.memory_space<hbm>>) dst(%arg13 : memref<16xi32, #tpu.memory_space<vmem>>)
        tpu.yield
      }) : () -> ()
      "tpu.region"() ({
        %run_scoped3A = tpu.sem_alloc : memref<!tpu.dma_semaphore, #tpu.memory_space<semaphore_mem>>
        %dma_start3A_31 = tpu.memref_slice %arg5[%add3A_20] : memref<160000xi32, #tpu.memory_space<hbm>> -> memref<16xi32, #tpu.memory_space<hbm>>
        %dma_start3A_32 = tpu.memref_slice %arg5[%add3A_20] : memref<160000xi32, #tpu.memory_space<hbm>> -> memref<16xi32, #tpu.memory_space<hbm>>
        tpu.enqueue_dma source(%dma_start3A_32 : memref<16xi32, #tpu.memory_space<hbm>>) target(%arg14 : memref<16xi32, #tpu.memory_space<vmem>>) target_semaphore(%run_scoped3A : memref<!tpu.dma_semaphore, #tpu.memory_space<semaphore_mem>>)
        %dma_wait3A_33 = tpu.memref_slice %arg5[%add3A_20] : memref<160000xi32, #tpu.memory_space<hbm>> -> memref<16xi32, #tpu.memory_space<hbm>>
        %dma_wait3A_34 = tpu.memref_slice %arg5[%add3A_20] : memref<160000xi32, #tpu.memory_space<hbm>> -> memref<16xi32, #tpu.memory_space<hbm>>
        tpu.wait_dma2 semaphore(%run_scoped3A : memref<!tpu.dma_semaphore, #tpu.memory_space<semaphore_mem>>) src(%dma_wait3A_34 : memref<16xi32, #tpu.memory_space<hbm>>) dst(%arg14 : memref<16xi32, #tpu.memory_space<vmem>>)
        tpu.yield
      }) : () -> ()
      %dma_start3A = arith.constant 0 : i32
      %dma_start3A_21 = arith.constant 0 : i32
      %dma_start3A_22 = tpu.memref_slice %arg2[%dma_start3A, %dma_start3A_21] : memref<10000x128xf32, #tpu.memory_space<hbm>> -> memref<10000x128xf32, #tpu.memory_space<hbm>>
      tpu.enqueue_indirect_dma source(%dma_start3A_22 : memref<10000x128xf32, #tpu.memory_space<hbm>>) target(%arg15 : memref<16x128xf32, #tpu.memory_space<vmem>>) offsets(%arg13 : memref<16xi32, #tpu.memory_space<vmem>>) semaphore(%arg16 : memref<!tpu.dma_semaphore, #tpu.memory_space<semaphore_mem>>)
      %dma_wait3A = arith.constant 0 : i32
      %dma_wait3A_23 = arith.constant 0 : i32
      %dma_wait3A_24 = tpu.memref_slice %arg2[%dma_wait3A, %dma_wait3A_23] : memref<10000x128xf32, #tpu.memory_space<hbm>> -> memref<10000x128xf32, #tpu.memory_space<hbm>>
      tpu.wait_indirect_dma semaphore(%arg16 : memref<!tpu.dma_semaphore, #tpu.memory_space<semaphore_mem>>) src(%dma_wait3A_24 : memref<10000x128xf32, #tpu.memory_space<hbm>>) dst(%arg15 : memref<16x128xf32, #tpu.memory_space<vmem>>)
      "tpu.region"() ({
        %run_scoped3A = tpu.sem_alloc : memref<!tpu.dma_semaphore, #tpu.memory_space<semaphore_mem>>
        %dma_start3A_31 = arith.constant 0 : i32
        %dma_start3A_32 = arith.constant 0 : i32
        %dma_start3A_33 = tpu.memref_slice %arg9[%dma_start3A_31, %dma_start3A_32] : memref<10000x128xf32, #tpu.memory_space<vmem_shared>> -> memref<10000x128xf32, #tpu.memory_space<vmem_shared>>
        tpu.enqueue_indirect_dma source(%arg15 : memref<16x128xf32, #tpu.memory_space<vmem>>) target(%dma_start3A_33 : memref<10000x128xf32, #tpu.memory_space<vmem_shared>>) offsets(%arg14 : memref<16xi32, #tpu.memory_space<vmem>>) semaphore(%run_scoped3A : memref<!tpu.dma_semaphore, #tpu.memory_space<semaphore_mem>>) {add = true}
        %dma_wait3A_34 = arith.constant 0 : i32
        %dma_wait3A_35 = arith.constant 0 : i32
        %dma_wait3A_36 = tpu.memref_slice %arg9[%dma_wait3A_34, %dma_wait3A_35] : memref<10000x128xf32, #tpu.memory_space<vmem_shared>> -> memref<10000x128xf32, #tpu.memory_space<vmem_shared>>
        tpu.wait_indirect_dma semaphore(%run_scoped3A : memref<!tpu.dma_semaphore, #tpu.memory_space<semaphore_mem>>) src(%arg15 : memref<16x128xf32, #tpu.memory_space<vmem>>) dst(%dma_wait3A_36 : memref<10000x128xf32, #tpu.memory_space<vmem_shared>>)
        tpu.yield
      }) : () -> ()
      %barrier3A_25 = arith.constant 0 : index
      tpu.barrier barrier_id(%barrier3A_25)
      "tpu.region"() ({
        %run_scoped3A = tpu.sem_alloc : memref<!tpu.dma_semaphore, #tpu.memory_space<semaphore_mem>>
        %dma_start3A_31 = arith.constant 0 : i32
        %dma_start3A_32 = tpu.memref_slice %arg7[%mul3A_0, %dma_start3A_31] : memref<10000x128xf32, #tpu.memory_space<hbm>> -> memref<624x128xf32, #tpu.memory_space<hbm>>
        %dma_start3A_33 = arith.constant 0 : i32
        %dma_start3A_34 = tpu.memref_slice %arg9[%mul3A_0, %dma_start3A_33] : memref<10000x128xf32, #tpu.memory_space<vmem_shared>> -> memref<624x128xf32, #tpu.memory_space<vmem_shared>>
        tpu.enqueue_dma source(%dma_start3A_34 : memref<624x128xf32, #tpu.memory_space<vmem_shared>>) target(%dma_start3A_32 : memref<624x128xf32, #tpu.memory_space<hbm>>) target_semaphore(%run_scoped3A : memref<!tpu.dma_semaphore, #tpu.memory_space<semaphore_mem>>)
        %dma_wait3A_35 = arith.constant 0 : i32
        %dma_wait3A_36 = tpu.memref_slice %arg7[%mul3A_0, %dma_wait3A_35] : memref<10000x128xf32, #tpu.memory_space<hbm>> -> memref<624x128xf32, #tpu.memory_space<hbm>>
        %dma_wait3A_37 = arith.constant 0 : i32
        %dma_wait3A_38 = tpu.memref_slice %arg9[%mul3A_0, %dma_wait3A_37] : memref<10000x128xf32, #tpu.memory_space<vmem_shared>> -> memref<624x128xf32, #tpu.memory_space<vmem_shared>>
        tpu.wait_dma2 semaphore(%run_scoped3A : memref<!tpu.dma_semaphore, #tpu.memory_space<semaphore_mem>>) src(%dma_wait3A_38 : memref<624x128xf32, #tpu.memory_space<vmem_shared>>) dst(%dma_wait3A_36 : memref<624x128xf32, #tpu.memory_space<hbm>>)
        tpu.yield
      }) : () -> ()
      %eq3A_26 = arith.constant 15 : i32
      %eq3A_27 = arith.cmpi eq, %arg1, %eq3A_26 : i32
      %convert_element_type3A_28 = arith.extui %eq3A_27 : i1 to i32
      %cond3A_29 = arith.constant 0 : i32
      %cond3A_30 = arith.cmpi ne, %convert_element_type3A_28, %cond3A_29 : i32
      scf.if %cond3A_30 {
        "tpu.region"() ({
          %run_scoped3A = tpu.sem_alloc : memref<!tpu.dma_semaphore, #tpu.memory_space<semaphore_mem>>
          %dma_start3A_31 = arith.constant 9984 : i32
          %dma_start3A_32 = arith.constant 0 : i32
          %dma_start3A_33 = tpu.memref_slice %arg7[%dma_start3A_31, %dma_start3A_32] : memref<10000x128xf32, #tpu.memory_space<hbm>> -> memref<16x128xf32, #tpu.memory_space<hbm>>
          %dma_start3A_34 = arith.constant 9984 : i32
          %dma_start3A_35 = arith.constant 0 : i32
          %dma_start3A_36 = tpu.memref_slice %arg9[%dma_start3A_34, %dma_start3A_35] : memref<10000x128xf32, #tpu.memory_space<vmem_shared>> -> memref<16x128xf32, #tpu.memory_space<vmem_shared>>
          tpu.enqueue_dma source(%dma_start3A_36 : memref<16x128xf32, #tpu.memory_space<vmem_shared>>) target(%dma_start3A_33 : memref<16x128xf32, #tpu.memory_space<hbm>>) target_semaphore(%run_scoped3A : memref<!tpu.dma_semaphore, #tpu.memory_space<semaphore_mem>>)
          %dma_wait3A_37 = arith.constant 9984 : i32
          %dma_wait3A_38 = arith.constant 0 : i32
          %dma_wait3A_39 = tpu.memref_slice %arg7[%dma_wait3A_37, %dma_wait3A_38] : memref<10000x128xf32, #tpu.memory_space<hbm>> -> memref<16x128xf32, #tpu.memory_space<hbm>>
          %dma_wait3A_40 = arith.constant 9984 : i32
          %dma_wait3A_41 = arith.constant 0 : i32
          %dma_wait3A_42 = tpu.memref_slice %arg9[%dma_wait3A_40, %dma_wait3A_41] : memref<10000x128xf32, #tpu.memory_space<vmem_shared>> -> memref<16x128xf32, #tpu.memory_space<vmem_shared>>
          tpu.wait_dma2 semaphore(%run_scoped3A : memref<!tpu.dma_semaphore, #tpu.memory_space<semaphore_mem>>) src(%dma_wait3A_42 : memref<16x128xf32, #tpu.memory_space<vmem_shared>>) dst(%dma_wait3A_39 : memref<16x128xf32, #tpu.memory_space<hbm>>)
          tpu.yield
        }) : () -> ()
      } else {
      }
    } else {
    }
    %eq3A_5 = arith.constant 1 : i32
    %eq3A_6 = arith.cmpi eq, %arg0, %eq3A_5 : i32
    %convert_element_type3A_7 = arith.extui %eq3A_6 : i1 to i32
    %cond3A_8 = arith.constant 0 : i32
    %cond3A_9 = arith.cmpi ne, %convert_element_type3A_7, %cond3A_8 : i32
    scf.if %cond3A_9 {
      "tpu.region"() ({
        %run_scoped3A = tpu.sem_alloc : memref<!tpu.dma_semaphore, #tpu.memory_space<semaphore_mem>>
        %dma_start3A_31 = arith.constant 0 : i32
        %dma_start3A_32 = tpu.memref_slice %arg9[%mul3A_0, %dma_start3A_31] : memref<10000x128xf32, #tpu.memory_space<vmem_shared>> -> memref<624x128xf32, #tpu.memory_space<vmem_shared>>
        %dma_start3A_33 = arith.constant 0 : i32
        %dma_start3A_34 = arith.constant 0 : i32
        %dma_start3A_35 = tpu.memref_slice %arg6[%dma_start3A_33, %dma_start3A_34] : memref<624x128xf32, #tpu.memory_space<hbm>> -> memref<624x128xf32, #tpu.memory_space<hbm>>
        tpu.enqueue_dma source(%dma_start3A_35 : memref<624x128xf32, #tpu.memory_space<hbm>>) target(%dma_start3A_32 : memref<624x128xf32, #tpu.memory_space<vmem_shared>>) target_semaphore(%run_scoped3A : memref<!tpu.dma_semaphore, #tpu.memory_space<semaphore_mem>>)
        %dma_wait3A_36 = arith.constant 0 : i32
        %dma_wait3A_37 = tpu.memref_slice %arg9[%mul3A_0, %dma_wait3A_36] : memref<10000x128xf32, #tpu.memory_space<vmem_shared>> -> memref<624x128xf32, #tpu.memory_space<vmem_shared>>
        %dma_wait3A_38 = arith.constant 0 : i32
        %dma_wait3A_39 = arith.constant 0 : i32
        %dma_wait3A_40 = tpu.memref_slice %arg6[%dma_wait3A_38, %dma_wait3A_39] : memref<624x128xf32, #tpu.memory_space<hbm>> -> memref<624x128xf32, #tpu.memory_space<hbm>>
        tpu.wait_dma2 semaphore(%run_scoped3A : memref<!tpu.dma_semaphore, #tpu.memory_space<semaphore_mem>>) src(%dma_wait3A_40 : memref<624x128xf32, #tpu.memory_space<hbm>>) dst(%dma_wait3A_37 : memref<624x128xf32, #tpu.memory_space<vmem_shared>>)
        tpu.yield
      }) : () -> ()
      %eq3A_10 = arith.constant 15 : i32
      %eq3A_11 = arith.cmpi eq, %arg1, %eq3A_10 : i32
      %convert_element_type3A_12 = arith.extui %eq3A_11 : i1 to i32
      %cond3A_13 = arith.constant 0 : i32
      %cond3A_14 = arith.cmpi ne, %convert_element_type3A_12, %cond3A_13 : i32
      scf.if %cond3A_14 {
        "tpu.region"() ({
          %run_scoped3A = tpu.sem_alloc : memref<!tpu.dma_semaphore, #tpu.memory_space<semaphore_mem>>
          %dma_start3A_31 = arith.constant 9984 : i32
          %dma_start3A_32 = arith.constant 0 : i32
          %dma_start3A_33 = tpu.memref_slice %arg9[%dma_start3A_31, %dma_start3A_32] : memref<10000x128xf32, #tpu.memory_space<vmem_shared>> -> memref<16x128xf32, #tpu.memory_space<vmem_shared>>
          %dma_start3A_34 = arith.constant 0 : i32
          %dma_start3A_35 = arith.constant 0 : i32
          %dma_start3A_36 = tpu.memref_slice %arg6[%dma_start3A_34, %dma_start3A_35] : memref<624x128xf32, #tpu.memory_space<hbm>> -> memref<16x128xf32, #tpu.memory_space<hbm>>
          tpu.enqueue_dma source(%dma_start3A_36 : memref<16x128xf32, #tpu.memory_space<hbm>>) target(%dma_start3A_33 : memref<16x128xf32, #tpu.memory_space<vmem_shared>>) target_semaphore(%run_scoped3A : memref<!tpu.dma_semaphore, #tpu.memory_space<semaphore_mem>>)
          %dma_wait3A_37 = arith.constant 9984 : i32
          %dma_wait3A_38 = arith.constant 0 : i32
          %dma_wait3A_39 = tpu.memref_slice %arg9[%dma_wait3A_37, %dma_wait3A_38] : memref<10000x128xf32, #tpu.memory_space<vmem_shared>> -> memref<16x128xf32, #tpu.memory_space<vmem_shared>>
          %dma_wait3A_40 = arith.constant 0 : i32
          %dma_wait3A_41 = arith.constant 0 : i32
          %dma_wait3A_42 = tpu.memref_slice %arg6[%dma_wait3A_40, %dma_wait3A_41] : memref<624x128xf32, #tpu.memory_space<hbm>> -> memref<16x128xf32, #tpu.memory_space<hbm>>
          tpu.wait_dma2 semaphore(%run_scoped3A : memref<!tpu.dma_semaphore, #tpu.memory_space<semaphore_mem>>) src(%dma_wait3A_42 : memref<16x128xf32, #tpu.memory_space<hbm>>) dst(%dma_wait3A_39 : memref<16x128xf32, #tpu.memory_space<vmem_shared>>)
          tpu.yield
        }) : () -> ()
      } else {
      }
      %barrier3A = arith.constant 0 : index
      tpu.barrier barrier_id(%barrier3A)
      %scan3A = arith.constant 0 : i32
      %scan3A_15 = arith.constant 0 : i32
      %scan3A_16 = arith.constant 78 : i32
      %scan3A_17 = arith.addi %scan3A_15, %scan3A_16 : i32
      %scan3A_18 = arith.constant 1 : i32
      scf.for %scan3A_31 = %scan3A_15 to %scan3A_17 step %scan3A_18  : i32 {
        %mul3A_32 = arith.constant 128 : i32
        %mul3A_33 = arith.muli %scan3A_31, %mul3A_32 : i32
        %add3A_34 = arith.addi %mul3A_2, %mul3A_33 : i32
        "tpu.region"() ({
          %run_scoped3A = tpu.sem_alloc : memref<!tpu.dma_semaphore, #tpu.memory_space<semaphore_mem>>
          %dma_start3A_41 = tpu.memref_slice %arg4[%add3A_34] : memref<160000xi32, #tpu.memory_space<hbm>> -> memref<128xi32, #tpu.memory_space<hbm>>
          %dma_start3A_42 = tpu.memref_slice %arg4[%add3A_34] : memref<160000xi32, #tpu.memory_space<hbm>> -> memref<128xi32, #tpu.memory_space<hbm>>
          tpu.enqueue_dma source(%dma_start3A_42 : memref<128xi32, #tpu.memory_space<hbm>>) target(%arg10 : memref<128xi32, #tpu.memory_space<vmem>>) target_semaphore(%run_scoped3A : memref<!tpu.dma_semaphore, #tpu.memory_space<semaphore_mem>>)
          %dma_wait3A_43 = tpu.memref_slice %arg4[%add3A_34] : memref<160000xi32, #tpu.memory_space<hbm>> -> memref<128xi32, #tpu.memory_space<hbm>>
          %dma_wait3A_44 = tpu.memref_slice %arg4[%add3A_34] : memref<160000xi32, #tpu.memory_space<hbm>> -> memref<128xi32, #tpu.memory_space<hbm>>
          tpu.wait_dma2 semaphore(%run_scoped3A : memref<!tpu.dma_semaphore, #tpu.memory_space<semaphore_mem>>) src(%dma_wait3A_44 : memref<128xi32, #tpu.memory_space<hbm>>) dst(%arg10 : memref<128xi32, #tpu.memory_space<vmem>>)
          tpu.yield
        }) : () -> ()
        "tpu.region"() ({
          %run_scoped3A = tpu.sem_alloc : memref<!tpu.dma_semaphore, #tpu.memory_space<semaphore_mem>>
          %dma_start3A_41 = tpu.memref_slice %arg5[%add3A_34] : memref<160000xi32, #tpu.memory_space<hbm>> -> memref<128xi32, #tpu.memory_space<hbm>>
          %dma_start3A_42 = tpu.memref_slice %arg5[%add3A_34] : memref<160000xi32, #tpu.memory_space<hbm>> -> memref<128xi32, #tpu.memory_space<hbm>>
          tpu.enqueue_dma source(%dma_start3A_42 : memref<128xi32, #tpu.memory_space<hbm>>) target(%arg11 : memref<128xi32, #tpu.memory_space<vmem>>) target_semaphore(%run_scoped3A : memref<!tpu.dma_semaphore, #tpu.memory_space<semaphore_mem>>)
          %dma_wait3A_43 = tpu.memref_slice %arg5[%add3A_34] : memref<160000xi32, #tpu.memory_space<hbm>> -> memref<128xi32, #tpu.memory_space<hbm>>
          %dma_wait3A_44 = tpu.memref_slice %arg5[%add3A_34] : memref<160000xi32, #tpu.memory_space<hbm>> -> memref<128xi32, #tpu.memory_space<hbm>>
          tpu.wait_dma2 semaphore(%run_scoped3A : memref<!tpu.dma_semaphore, #tpu.memory_space<semaphore_mem>>) src(%dma_wait3A_44 : memref<128xi32, #tpu.memory_space<hbm>>) dst(%arg11 : memref<128xi32, #tpu.memory_space<vmem>>)
          tpu.yield
        }) : () -> ()
        %dma_start3A_35 = arith.constant 0 : i32
        %dma_start3A_36 = arith.constant 0 : i32
        %dma_start3A_37 = tpu.memref_slice %arg3[%dma_start3A_35, %dma_start3A_36] : memref<10000x128xf32, #tpu.memory_space<hbm>> -> memref<10000x128xf32, #tpu.memory_space<hbm>>
        tpu.enqueue_indirect_dma source(%dma_start3A_37 : memref<10000x128xf32, #tpu.memory_space<hbm>>) target(%arg12 : memref<128x128xf32, #tpu.memory_space<vmem>>) offsets(%arg10 : memref<128xi32, #tpu.memory_space<vmem>>) semaphore(%arg16 : memref<!tpu.dma_semaphore, #tpu.memory_space<semaphore_mem>>)
        %dma_wait3A_38 = arith.constant 0 : i32
        %dma_wait3A_39 = arith.constant 0 : i32
        %dma_wait3A_40 = tpu.memref_slice %arg3[%dma_wait3A_38, %dma_wait3A_39] : memref<10000x128xf32, #tpu.memory_space<hbm>> -> memref<10000x128xf32, #tpu.memory_space<hbm>>
        tpu.wait_indirect_dma semaphore(%arg16 : memref<!tpu.dma_semaphore, #tpu.memory_space<semaphore_mem>>) src(%dma_wait3A_40 : memref<10000x128xf32, #tpu.memory_space<hbm>>) dst(%arg12 : memref<128x128xf32, #tpu.memory_space<vmem>>)
        "tpu.region"() ({
          %run_scoped3A = tpu.sem_alloc : memref<!tpu.dma_semaphore, #tpu.memory_space<semaphore_mem>>
          %dma_start3A_41 = arith.constant 0 : i32
          %dma_start3A_42 = arith.constant 0 : i32
          %dma_start3A_43 = tpu.memref_slice %arg9[%dma_start3A_41, %dma_start3A_42] : memref<10000x128xf32, #tpu.memory_space<vmem_shared>> -> memref<10000x128xf32, #tpu.memory_space<vmem_shared>>
          tpu.enqueue_indirect_dma source(%arg12 : memref<128x128xf32, #tpu.memory_space<vmem>>) target(%dma_start3A_43 : memref<10000x128xf32, #tpu.memory_space<vmem_shared>>) offsets(%arg11 : memref<128xi32, #tpu.memory_space<vmem>>) semaphore(%run_scoped3A : memref<!tpu.dma_semaphore, #tpu.memory_space<semaphore_mem>>) {add = true}
          %dma_wait3A_44 = arith.constant 0 : i32
          %dma_wait3A_45 = arith.constant 0 : i32
          %dma_wait3A_46 = tpu.memref_slice %arg9[%dma_wait3A_44, %dma_wait3A_45] : memref<10000x128xf32, #tpu.memory_space<vmem_shared>> -> memref<10000x128xf32, #tpu.memory_space<vmem_shared>>
          tpu.wait_indirect_dma semaphore(%run_scoped3A : memref<!tpu.dma_semaphore, #tpu.memory_space<semaphore_mem>>) src(%arg12 : memref<128x128xf32, #tpu.memory_space<vmem>>) dst(%dma_wait3A_46 : memref<10000x128xf32, #tpu.memory_space<vmem_shared>>)
          tpu.yield
        }) : () -> ()
      }
      %scan3A_19 = arith.constant 78 : i32
      %add3A = arith.constant 9984 : i32
      %add3A_20 = arith.addi %mul3A_2, %add3A : i32
      "tpu.region"() ({
        %run_scoped3A = tpu.sem_alloc : memref<!tpu.dma_semaphore, #tpu.memory_space<semaphore_mem>>
        %dma_start3A_31 = tpu.memref_slice %arg4[%add3A_20] : memref<160000xi32, #tpu.memory_space<hbm>> -> memref<16xi32, #tpu.memory_space<hbm>>
        %dma_start3A_32 = tpu.memref_slice %arg4[%add3A_20] : memref<160000xi32, #tpu.memory_space<hbm>> -> memref<16xi32, #tpu.memory_space<hbm>>
        tpu.enqueue_dma source(%dma_start3A_32 : memref<16xi32, #tpu.memory_space<hbm>>) target(%arg13 : memref<16xi32, #tpu.memory_space<vmem>>) target_semaphore(%run_scoped3A : memref<!tpu.dma_semaphore, #tpu.memory_space<semaphore_mem>>)
        %dma_wait3A_33 = tpu.memref_slice %arg4[%add3A_20] : memref<160000xi32, #tpu.memory_space<hbm>> -> memref<16xi32, #tpu.memory_space<hbm>>
        %dma_wait3A_34 = tpu.memref_slice %arg4[%add3A_20] : memref<160000xi32, #tpu.memory_space<hbm>> -> memref<16xi32, #tpu.memory_space<hbm>>
        tpu.wait_dma2 semaphore(%run_scoped3A : memref<!tpu.dma_semaphore, #tpu.memory_space<semaphore_mem>>) src(%dma_wait3A_34 : memref<16xi32, #tpu.memory_space<hbm>>) dst(%arg13 : memref<16xi32, #tpu.memory_space<vmem>>)
        tpu.yield
      }) : () -> ()
      "tpu.region"() ({
        %run_scoped3A = tpu.sem_alloc : memref<!tpu.dma_semaphore, #tpu.memory_space<semaphore_mem>>
        %dma_start3A_31 = tpu.memref_slice %arg5[%add3A_20] : memref<160000xi32, #tpu.memory_space<hbm>> -> memref<16xi32, #tpu.memory_space<hbm>>
        %dma_start3A_32 = tpu.memref_slice %arg5[%add3A_20] : memref<160000xi32, #tpu.memory_space<hbm>> -> memref<16xi32, #tpu.memory_space<hbm>>
        tpu.enqueue_dma source(%dma_start3A_32 : memref<16xi32, #tpu.memory_space<hbm>>) target(%arg14 : memref<16xi32, #tpu.memory_space<vmem>>) target_semaphore(%run_scoped3A : memref<!tpu.dma_semaphore, #tpu.memory_space<semaphore_mem>>)
        %dma_wait3A_33 = tpu.memref_slice %arg5[%add3A_20] : memref<160000xi32, #tpu.memory_space<hbm>> -> memref<16xi32, #tpu.memory_space<hbm>>
        %dma_wait3A_34 = tpu.memref_slice %arg5[%add3A_20] : memref<160000xi32, #tpu.memory_space<hbm>> -> memref<16xi32, #tpu.memory_space<hbm>>
        tpu.wait_dma2 semaphore(%run_scoped3A : memref<!tpu.dma_semaphore, #tpu.memory_space<semaphore_mem>>) src(%dma_wait3A_34 : memref<16xi32, #tpu.memory_space<hbm>>) dst(%arg14 : memref<16xi32, #tpu.memory_space<vmem>>)
        tpu.yield
      }) : () -> ()
      %dma_start3A = arith.constant 0 : i32
      %dma_start3A_21 = arith.constant 0 : i32
      %dma_start3A_22 = tpu.memref_slice %arg3[%dma_start3A, %dma_start3A_21] : memref<10000x128xf32, #tpu.memory_space<hbm>> -> memref<10000x128xf32, #tpu.memory_space<hbm>>
      tpu.enqueue_indirect_dma source(%dma_start3A_22 : memref<10000x128xf32, #tpu.memory_space<hbm>>) target(%arg15 : memref<16x128xf32, #tpu.memory_space<vmem>>) offsets(%arg13 : memref<16xi32, #tpu.memory_space<vmem>>) semaphore(%arg16 : memref<!tpu.dma_semaphore, #tpu.memory_space<semaphore_mem>>)
      %dma_wait3A = arith.constant 0 : i32
      %dma_wait3A_23 = arith.constant 0 : i32
      %dma_wait3A_24 = tpu.memref_slice %arg3[%dma_wait3A, %dma_wait3A_23] : memref<10000x128xf32, #tpu.memory_space<hbm>> -> memref<10000x128xf32, #tpu.memory_space<hbm>>
      tpu.wait_indirect_dma semaphore(%arg16 : memref<!tpu.dma_semaphore, #tpu.memory_space<semaphore_mem>>) src(%dma_wait3A_24 : memref<10000x128xf32, #tpu.memory_space<hbm>>) dst(%arg15 : memref<16x128xf32, #tpu.memory_space<vmem>>)
      "tpu.region"() ({
        %run_scoped3A = tpu.sem_alloc : memref<!tpu.dma_semaphore, #tpu.memory_space<semaphore_mem>>
        %dma_start3A_31 = arith.constant 0 : i32
        %dma_start3A_32 = arith.constant 0 : i32
        %dma_start3A_33 = tpu.memref_slice %arg9[%dma_start3A_31, %dma_start3A_32] : memref<10000x128xf32, #tpu.memory_space<vmem_shared>> -> memref<10000x128xf32, #tpu.memory_space<vmem_shared>>
        tpu.enqueue_indirect_dma source(%arg15 : memref<16x128xf32, #tpu.memory_space<vmem>>) target(%dma_start3A_33 : memref<10000x128xf32, #tpu.memory_space<vmem_shared>>) offsets(%arg14 : memref<16xi32, #tpu.memory_space<vmem>>) semaphore(%run_scoped3A : memref<!tpu.dma_semaphore, #tpu.memory_space<semaphore_mem>>) {add = true}
        %dma_wait3A_34 = arith.constant 0 : i32
        %dma_wait3A_35 = arith.constant 0 : i32
        %dma_wait3A_36 = tpu.memref_slice %arg9[%dma_wait3A_34, %dma_wait3A_35] : memref<10000x128xf32, #tpu.memory_space<vmem_shared>> -> memref<10000x128xf32, #tpu.memory_space<vmem_shared>>
        tpu.wait_indirect_dma semaphore(%run_scoped3A : memref<!tpu.dma_semaphore, #tpu.memory_space<semaphore_mem>>) src(%arg15 : memref<16x128xf32, #tpu.memory_space<vmem>>) dst(%dma_wait3A_36 : memref<10000x128xf32, #tpu.memory_space<vmem_shared>>)
        tpu.yield
      }) : () -> ()
      %barrier3A_25 = arith.constant 0 : index
      tpu.barrier barrier_id(%barrier3A_25)
      "tpu.region"() ({
        %run_scoped3A = tpu.sem_alloc : memref<!tpu.dma_semaphore, #tpu.memory_space<semaphore_mem>>
        %dma_start3A_31 = arith.constant 0 : i32
        %dma_start3A_32 = tpu.memref_slice %arg8[%mul3A_0, %dma_start3A_31] : memref<10000x128xf32, #tpu.memory_space<hbm>> -> memref<624x128xf32, #tpu.memory_space<hbm>>
        %dma_start3A_33 = arith.constant 0 : i32
        %dma_start3A_34 = tpu.memref_slice %arg9[%mul3A_0, %dma_start3A_33] : memref<10000x128xf32, #tpu.memory_space<vmem_shared>> -> memref<624x128xf32, #tpu.memory_space<vmem_shared>>
        tpu.enqueue_dma source(%dma_start3A_34 : memref<624x128xf32, #tpu.memory_space<vmem_shared>>) target(%dma_start3A_32 : memref<624x128xf32, #tpu.memory_space<hbm>>) target_semaphore(%run_scoped3A : memref<!tpu.dma_semaphore, #tpu.memory_space<semaphore_mem>>)
        %dma_wait3A_35 = arith.constant 0 : i32
        %dma_wait3A_36 = tpu.memref_slice %arg8[%mul3A_0, %dma_wait3A_35] : memref<10000x128xf32, #tpu.memory_space<hbm>> -> memref<624x128xf32, #tpu.memory_space<hbm>>
        %dma_wait3A_37 = arith.constant 0 : i32
        %dma_wait3A_38 = tpu.memref_slice %arg9[%mul3A_0, %dma_wait3A_37] : memref<10000x128xf32, #tpu.memory_space<vmem_shared>> -> memref<624x128xf32, #tpu.memory_space<vmem_shared>>
        tpu.wait_dma2 semaphore(%run_scoped3A : memref<!tpu.dma_semaphore, #tpu.memory_space<semaphore_mem>>) src(%dma_wait3A_38 : memref<624x128xf32, #tpu.memory_space<vmem_shared>>) dst(%dma_wait3A_36 : memref<624x128xf32, #tpu.memory_space<hbm>>)
        tpu.yield
      }) : () -> ()
      %eq3A_26 = arith.constant 15 : i32
      %eq3A_27 = arith.cmpi eq, %arg1, %eq3A_26 : i32
      %convert_element_type3A_28 = arith.extui %eq3A_27 : i1 to i32
      %cond3A_29 = arith.constant 0 : i32
      %cond3A_30 = arith.cmpi ne, %convert_element_type3A_28, %cond3A_29 : i32
      scf.if %cond3A_30 {
        "tpu.region"() ({
          %run_scoped3A = tpu.sem_alloc : memref<!tpu.dma_semaphore, #tpu.memory_space<semaphore_mem>>
          %dma_start3A_31 = arith.constant 9984 : i32
          %dma_start3A_32 = arith.constant 0 : i32
          %dma_start3A_33 = tpu.memref_slice %arg8[%dma_start3A_31, %dma_start3A_32] : memref<10000x128xf32, #tpu.memory_space<hbm>> -> memref<16x128xf32, #tpu.memory_space<hbm>>
          %dma_start3A_34 = arith.constant 9984 : i32
          %dma_start3A_35 = arith.constant 0 : i32
          %dma_start3A_36 = tpu.memref_slice %arg9[%dma_start3A_34, %dma_start3A_35] : memref<10000x128xf32, #tpu.memory_space<vmem_shared>> -> memref<16x128xf32, #tpu.memory_space<vmem_shared>>
          tpu.enqueue_dma source(%dma_start3A_36 : memref<16x128xf32, #tpu.memory_space<vmem_shared>>) target(%dma_start3A_33 : memref<16x128xf32, #tpu.memory_space<hbm>>) target_semaphore(%run_scoped3A : memref<!tpu.dma_semaphore, #tpu.memory_space<semaphore_mem>>)
          %dma_wait3A_37 = arith.constant 9984 : i32
          %dma_wait3A_38 = arith.constant 0 : i32
          %dma_wait3A_39 = tpu.memref_slice %arg8[%dma_wait3A_37, %dma_wait3A_38] : memref<10000x128xf32, #tpu.memory_space<hbm>> -> memref<16x128xf32, #tpu.memory_space<hbm>>
          %dma_wait3A_40 = arith.constant 9984 : i32
          %dma_wait3A_41 = arith.constant 0 : i32
          %dma_wait3A_42 = tpu.memref_slice %arg9[%dma_wait3A_40, %dma_wait3A_41] : memref<10000x128xf32, #tpu.memory_space<vmem_shared>> -> memref<16x128xf32, #tpu.memory_space<vmem_shared>>
          tpu.wait_dma2 semaphore(%run_scoped3A : memref<!tpu.dma_semaphore, #tpu.memory_space<semaphore_mem>>) src(%dma_wait3A_42 : memref<16x128xf32, #tpu.memory_space<vmem_shared>>) dst(%dma_wait3A_39 : memref<16x128xf32, #tpu.memory_space<hbm>>)
          tpu.yield
        }) : () -> ()
      } else {
      }
    } else {
    }
    return
  }
}

module attributes {stable_mosaic.version = 14 : i64} {
  func.func @tc_embed(%arg0: i32, %arg1: memref<400x1xf32, #tpu.memory_space<vmem>>, %arg2: memref<400x1xf32, #tpu.memory_space<vmem>>, %arg3: memref<8x256xf32, #tpu.memory_space<vmem>>, %arg4: memref<8x256xf32, #tpu.memory_space<vmem>>, %arg5: memref<400x128xf32, #tpu.memory_space<vmem>>, %arg6: memref<400x128xf32, #tpu.memory_space<vmem>>) attributes {dimension_semantics = [#tpu.dimension_semantics<arbitrary>], iteration_bounds = array<i64: 25>, scalar_prefetch = 0 : i64, scratch_operands = 0 : i64, tpu.core_type = #tpu.core_type<tc>, window_params = [{transform_indices = @transform_0, window_bounds = array<i64: 400, 1>}, {transform_indices = @transform_1, window_bounds = array<i64: 400, 1>}, {pipeline_mode = #tpu.pipeline_mode<synchronous>, transform_indices = @transform_2, window_bounds = array<i64: 8, 256>}, {pipeline_mode = #tpu.pipeline_mode<synchronous>, transform_indices = @transform_3, window_bounds = array<i64: 8, 256>}, {transform_indices = @transform_4, window_bounds = array<i64: 400, 128>}, {transform_indices = @transform_5, window_bounds = array<i64: 400, 128>}]} {
    %broadcast_in_dim3A = arith.constant 0.000000e+00 : f32
    %broadcast_in_dim3A_0 = vector.broadcast %broadcast_in_dim3A : f32 to vector<400x256xf32>
    %get3A = arith.constant 0 : index
    %get3A_1 = arith.constant 0 : index
    %get3A_2 = vector.load %arg1[%get3A, %get3A_1] : memref<400x1xf32, #tpu.memory_space<vmem>>, vector<400x1xf32>
    %eq3A = arith.constant 0.000000e+00 : f32
    %eq3A_3 = vector.broadcast %eq3A : f32 to vector<400x1xf32>
    %eq3A_4 = arith.cmpf oeq, %get3A_2, %eq3A_3 : vector<400x1xf32>
    %convert_element_type3A = arith.extui %eq3A_4 : vector<400x1xi1> to vector<400x1xi32>
    %convert_element_type3A_5 = arith.sitofp %convert_element_type3A : vector<400x1xi32> to vector<400x1xf32>
    %get3A_6 = arith.constant 0 : index
    %get3A_7 = arith.constant 0 : index
    %get3A_8 = vector.load %arg3[%get3A_6, %get3A_7] : memref<8x256xf32, #tpu.memory_space<vmem>>, vector<1x256xf32>
    %mul3A = vector.broadcast %convert_element_type3A_5 : vector<400x1xf32> to vector<400x256xf32>
    %mul3A_9 = vector.broadcast %get3A_8 : vector<1x256xf32> to vector<400x256xf32>
    %mul3A_10 = arith.mulf %mul3A, %mul3A_9 : vector<400x256xf32>
    %add3A = arith.addf %broadcast_in_dim3A_0, %mul3A_10 : vector<400x256xf32>
    %get3A_11 = arith.constant 0 : index
    %get3A_12 = arith.constant 0 : index
    %get3A_13 = vector.load %arg1[%get3A_11, %get3A_12] : memref<400x1xf32, #tpu.memory_space<vmem>>, vector<400x1xf32>
    %eq3A_14 = arith.constant 1.000000e+00 : f32
    %eq3A_15 = vector.broadcast %eq3A_14 : f32 to vector<400x1xf32>
    %eq3A_16 = arith.cmpf oeq, %get3A_13, %eq3A_15 : vector<400x1xf32>
    %convert_element_type3A_17 = arith.extui %eq3A_16 : vector<400x1xi1> to vector<400x1xi32>
    %convert_element_type3A_18 = arith.sitofp %convert_element_type3A_17 : vector<400x1xi32> to vector<400x1xf32>
    %get3A_19 = arith.constant 1 : index
    %get3A_20 = arith.constant 0 : index
    %get3A_21 = vector.load %arg3[%get3A_19, %get3A_20] : memref<8x256xf32, #tpu.memory_space<vmem>>, vector<1x256xf32>
    %mul3A_22 = vector.broadcast %convert_element_type3A_18 : vector<400x1xf32> to vector<400x256xf32>
    %mul3A_23 = vector.broadcast %get3A_21 : vector<1x256xf32> to vector<400x256xf32>
    %mul3A_24 = arith.mulf %mul3A_22, %mul3A_23 : vector<400x256xf32>
    %add3A_25 = arith.addf %add3A, %mul3A_24 : vector<400x256xf32>
    %get3A_26 = arith.constant 0 : index
    %get3A_27 = arith.constant 0 : index
    %get3A_28 = vector.load %arg1[%get3A_26, %get3A_27] : memref<400x1xf32, #tpu.memory_space<vmem>>, vector<400x1xf32>
    %eq3A_29 = arith.constant 2.000000e+00 : f32
    %eq3A_30 = vector.broadcast %eq3A_29 : f32 to vector<400x1xf32>
    %eq3A_31 = arith.cmpf oeq, %get3A_28, %eq3A_30 : vector<400x1xf32>
    %convert_element_type3A_32 = arith.extui %eq3A_31 : vector<400x1xi1> to vector<400x1xi32>
    %convert_element_type3A_33 = arith.sitofp %convert_element_type3A_32 : vector<400x1xi32> to vector<400x1xf32>
    %get3A_34 = arith.constant 2 : index
    %get3A_35 = arith.constant 0 : index
    %get3A_36 = vector.load %arg3[%get3A_34, %get3A_35] : memref<8x256xf32, #tpu.memory_space<vmem>>, vector<1x256xf32>
    %mul3A_37 = vector.broadcast %convert_element_type3A_33 : vector<400x1xf32> to vector<400x256xf32>
    %mul3A_38 = vector.broadcast %get3A_36 : vector<1x256xf32> to vector<400x256xf32>
    %mul3A_39 = arith.mulf %mul3A_37, %mul3A_38 : vector<400x256xf32>
    %add3A_40 = arith.addf %add3A_25, %mul3A_39 : vector<400x256xf32>
    %get3A_41 = arith.constant 0 : index
    %get3A_42 = arith.constant 0 : index
    %get3A_43 = vector.load %arg2[%get3A_41, %get3A_42] : memref<400x1xf32, #tpu.memory_space<vmem>>, vector<400x1xf32>
    %eq3A_44 = arith.constant 0.000000e+00 : f32
    %eq3A_45 = vector.broadcast %eq3A_44 : f32 to vector<400x1xf32>
    %eq3A_46 = arith.cmpf oeq, %get3A_43, %eq3A_45 : vector<400x1xf32>
    %convert_element_type3A_47 = arith.extui %eq3A_46 : vector<400x1xi1> to vector<400x1xi32>
    %convert_element_type3A_48 = arith.sitofp %convert_element_type3A_47 : vector<400x1xi32> to vector<400x1xf32>
    %get3A_49 = arith.constant 0 : index
    %get3A_50 = arith.constant 0 : index
    %get3A_51 = vector.load %arg4[%get3A_49, %get3A_50] : memref<8x256xf32, #tpu.memory_space<vmem>>, vector<1x256xf32>
    %mul3A_52 = vector.broadcast %convert_element_type3A_48 : vector<400x1xf32> to vector<400x256xf32>
    %mul3A_53 = vector.broadcast %get3A_51 : vector<1x256xf32> to vector<400x256xf32>
    %mul3A_54 = arith.mulf %mul3A_52, %mul3A_53 : vector<400x256xf32>
    %add3A_55 = arith.addf %add3A_40, %mul3A_54 : vector<400x256xf32>
    %get3A_56 = arith.constant 0 : index
    %get3A_57 = arith.constant 0 : index
    %get3A_58 = vector.load %arg2[%get3A_56, %get3A_57] : memref<400x1xf32, #tpu.memory_space<vmem>>, vector<400x1xf32>
    %eq3A_59 = arith.constant 1.000000e+00 : f32
    %eq3A_60 = vector.broadcast %eq3A_59 : f32 to vector<400x1xf32>
    %eq3A_61 = arith.cmpf oeq, %get3A_58, %eq3A_60 : vector<400x1xf32>
    %convert_element_type3A_62 = arith.extui %eq3A_61 : vector<400x1xi1> to vector<400x1xi32>
    %convert_element_type3A_63 = arith.sitofp %convert_element_type3A_62 : vector<400x1xi32> to vector<400x1xf32>
    %get3A_64 = arith.constant 1 : index
    %get3A_65 = arith.constant 0 : index
    %get3A_66 = vector.load %arg4[%get3A_64, %get3A_65] : memref<8x256xf32, #tpu.memory_space<vmem>>, vector<1x256xf32>
    %mul3A_67 = vector.broadcast %convert_element_type3A_63 : vector<400x1xf32> to vector<400x256xf32>
    %mul3A_68 = vector.broadcast %get3A_66 : vector<1x256xf32> to vector<400x256xf32>
    %mul3A_69 = arith.mulf %mul3A_67, %mul3A_68 : vector<400x256xf32>
    %add3A_70 = arith.addf %add3A_55, %mul3A_69 : vector<400x256xf32>
    %get3A_71 = arith.constant 0 : index
    %get3A_72 = arith.constant 0 : index
    %get3A_73 = vector.load %arg2[%get3A_71, %get3A_72] : memref<400x1xf32, #tpu.memory_space<vmem>>, vector<400x1xf32>
    %eq3A_74 = arith.constant 2.000000e+00 : f32
    %eq3A_75 = vector.broadcast %eq3A_74 : f32 to vector<400x1xf32>
    %eq3A_76 = arith.cmpf oeq, %get3A_73, %eq3A_75 : vector<400x1xf32>
    %convert_element_type3A_77 = arith.extui %eq3A_76 : vector<400x1xi1> to vector<400x1xi32>
    %convert_element_type3A_78 = arith.sitofp %convert_element_type3A_77 : vector<400x1xi32> to vector<400x1xf32>
    %get3A_79 = arith.constant 2 : index
    %get3A_80 = arith.constant 0 : index
    %get3A_81 = vector.load %arg4[%get3A_79, %get3A_80] : memref<8x256xf32, #tpu.memory_space<vmem>>, vector<1x256xf32>
    %mul3A_82 = vector.broadcast %convert_element_type3A_78 : vector<400x1xf32> to vector<400x256xf32>
    %mul3A_83 = vector.broadcast %get3A_81 : vector<1x256xf32> to vector<400x256xf32>
    %mul3A_84 = arith.mulf %mul3A_82, %mul3A_83 : vector<400x256xf32>
    %add3A_85 = arith.addf %add3A_70, %mul3A_84 : vector<400x256xf32>
    %slice3A = vector.extract_strided_slice %add3A_85 {offsets = [0, 0], sizes = [400, 128], strides = [1, 1]} : vector<400x256xf32> to vector<400x128xf32>
    %swap3A = arith.constant 0 : index
    %swap3A_86 = arith.constant 0 : index
    %swap3A_87 = vector.load %arg5[%swap3A, %swap3A_86] : memref<400x128xf32, #tpu.memory_space<vmem>>, vector<400x128xf32>
    tpu.vector_store %arg5[%swap3A, %swap3A_86], %slice3A {strides = array<i32>} : memref<400x128xf32, #tpu.memory_space<vmem>>, vector<400x128xf32>,
    %slice3A_88 = vector.extract_strided_slice %add3A_85 {offsets = [0, 128], sizes = [400, 128], strides = [1, 1]} : vector<400x256xf32> to vector<400x128xf32>
    %swap3A_89 = arith.constant 0 : index
    %swap3A_90 = arith.constant 0 : index
    %swap3A_91 = vector.load %arg6[%swap3A_89, %swap3A_90] : memref<400x128xf32, #tpu.memory_space<vmem>>, vector<400x128xf32>
    tpu.vector_store %arg6[%swap3A_89, %swap3A_90], %slice3A_88 {strides = array<i32>} : memref<400x128xf32, #tpu.memory_space<vmem>>, vector<400x128xf32>,
    return
  }
  func.func @transform_0(%arg0: i32) -> (i32, i32) {
    %c0_i32 = arith.constant 0 : i32
    %c0_i32_0 = arith.constant 0 : i32
    return %arg0, %c0_i32 : i32, i32
  }
  func.func @transform_1(%arg0: i32) -> (i32, i32) {
    %c0_i32 = arith.constant 0 : i32
    %c0_i32_0 = arith.constant 0 : i32
    return %arg0, %c0_i32 : i32, i32
  }
  func.func @transform_2(%arg0: i32) -> (i32, i32) {
    %c0_i32 = arith.constant 0 : i32
    %c0_i32_0 = arith.constant 0 : i32
    %c0_i32_1 = arith.constant 0 : i32
    return %c0_i32, %c0_i32_0 : i32, i32
  }
  func.func @transform_3(%arg0: i32) -> (i32, i32) {
    %c0_i32 = arith.constant 0 : i32
    %c0_i32_0 = arith.constant 0 : i32
    %c0_i32_1 = arith.constant 0 : i32
    return %c0_i32, %c0_i32_0 : i32, i32
  }
  func.func @transform_4(%arg0: i32) -> (i32, i32) {
    %c0_i32 = arith.constant 0 : i32
    %c0_i32_0 = arith.constant 0 : i32
    return %arg0, %c0_i32 : i32, i32
  }
  func.func @transform_5(%arg0: i32) -> (i32, i32) {
    %c0_i32 = arith.constant 0 : i32
    %c0_i32_0 = arith.constant 0 : i32
    return %arg0, %c0_i32 : i32, i32
  }
}

module attributes {stable_mosaic.version = 14 : i64} {
  func.func @tc_layer_a(%arg0: i32, %arg1: memref<400x128xf32, #tpu.memory_space<vmem>>, %arg2: memref<400x128xf32, #tpu.memory_space<vmem>>, %arg3: memref<400x128xf32, #tpu.memory_space<vmem>>, %arg4: memref<400x128xf32, #tpu.memory_space<vmem>>, %arg5: memref<400x128xf32, #tpu.memory_space<vmem>>, %arg6: memref<400x128xf32, #tpu.memory_space<vmem>>, %arg7: memref<128x256xf32, #tpu.memory_space<vmem>>, %arg8: memref<256x512xf32, #tpu.memory_space<vmem>>, %arg9: memref<1x512xf32, #tpu.memory_space<vmem>>, %arg10: memref<512x256xf32, #tpu.memory_space<vmem>>, %arg11: memref<1x256xf32, #tpu.memory_space<vmem>>, %arg12: memref<400x256xf32, #tpu.memory_space<vmem>>, %arg13: memref<2x256xf32, #tpu.memory_space<vmem>>, %arg14: memref<2x256xf32, #tpu.memory_space<vmem>>) attributes {dimension_semantics = [#tpu.dimension_semantics<arbitrary>], iteration_bounds = array<i64: 25>, scalar_prefetch = 0 : i64, scratch_operands = 1 : i64, tpu.core_type = #tpu.core_type<tc>, window_params = [{transform_indices = @transform_0, window_bounds = array<i64: 400, 128>}, {transform_indices = @transform_1, window_bounds = array<i64: 400, 128>}, {transform_indices = @transform_2, window_bounds = array<i64: 400, 128>}, {transform_indices = @transform_3, window_bounds = array<i64: 400, 128>}, {transform_indices = @transform_4, window_bounds = array<i64: 400, 128>}, {transform_indices = @transform_5, window_bounds = array<i64: 400, 128>}, {pipeline_mode = #tpu.pipeline_mode<synchronous>, transform_indices = @transform_6, window_bounds = array<i64: 128, 256>}, {pipeline_mode = #tpu.pipeline_mode<synchronous>, transform_indices = @transform_7, window_bounds = array<i64: 256, 512>}, {pipeline_mode = #tpu.pipeline_mode<synchronous>, transform_indices = @transform_8, window_bounds = array<i64: 1, 512>}, {pipeline_mode = #tpu.pipeline_mode<synchronous>, transform_indices = @transform_9, window_bounds = array<i64: 512, 256>}, {pipeline_mode = #tpu.pipeline_mode<synchronous>, transform_indices = @transform_10, window_bounds = array<i64: 1, 256>}, {transform_indices = @transform_11, window_bounds = array<i64: 400, 256>}, {pipeline_mode = #tpu.pipeline_mode<synchronous>, transform_indices = @transform_12, window_bounds = array<i64: 2, 256>}]} {
    %get3A = arith.constant 0 : index
    %get3A_0 = arith.constant 0 : index
    %get3A_1 = vector.load %arg5[%get3A, %get3A_0] : memref<400x128xf32, #tpu.memory_space<vmem>>, vector<400x128xf32>
    %get3A_2 = arith.constant 0 : index
    %get3A_3 = arith.constant 0 : index
    %get3A_4 = vector.load %arg6[%get3A_2, %get3A_3] : memref<400x128xf32, #tpu.memory_space<vmem>>, vector<400x128xf32>
    %add3A = arith.addf %get3A_1, %get3A_4 : vector<400x128xf32>
    %get3A_5 = arith.constant 0 : index
    %get3A_6 = arith.constant 0 : index
    %get3A_7 = vector.load %arg7[%get3A_5, %get3A_6] : memref<128x256xf32, #tpu.memory_space<vmem>>, vector<128x256xf32>
    %dot_general3A = arith.constant dense<0.000000e+00> : vector<400x256xf32>
    %dot_general3A_8 = tpu.matmul %add3A, %get3A_7, %dot_general3A {dimension_numbers = #tpu.dot_dimension_numbers<[1], [0], [0], [1], [0, 0, 1, 1], [], []>, precision = #tpu.contract_precision<fp32>, transpose_lhs_hint = false} : vector<400x128xf32>, vector<128x256xf32>, vector<400x256xf32> -> vector<400x256xf32>
    %get3A_9 = arith.constant 9 : index
    %get3A_10 = arith.constant 0 : index
    %get3A_11 = vector.load %arg7[%get3A_9, %get3A_10] : memref<128x256xf32, #tpu.memory_space<vmem>>, vector<1x256xf32>
    %add3A_12 = vector.broadcast %get3A_11 : vector<1x256xf32> to vector<400x256xf32>
    %add3A_13 = arith.addf %dot_general3A_8, %add3A_12 : vector<400x256xf32>
    %get3A_14 = arith.constant 0 : index
    %get3A_15 = arith.constant 0 : index
    %get3A_16 = vector.load %arg1[%get3A_14, %get3A_15] : memref<400x128xf32, #tpu.memory_space<vmem>>, vector<400x128xf32>
    %get3A_17 = arith.constant 0 : index
    %get3A_18 = arith.constant 0 : index
    %get3A_19 = vector.load %arg3[%get3A_17, %get3A_18] : memref<400x128xf32, #tpu.memory_space<vmem>>, vector<400x128xf32>
    %add3A_20 = arith.addf %get3A_16, %get3A_19 : vector<400x128xf32>
    %get3A_21 = arith.constant 0 : index
    %get3A_22 = arith.constant 0 : index
    %get3A_23 = vector.load %arg2[%get3A_21, %get3A_22] : memref<400x128xf32, #tpu.memory_space<vmem>>, vector<400x128xf32>
    %get3A_24 = arith.constant 0 : index
    %get3A_25 = arith.constant 0 : index
    %get3A_26 = vector.load %arg4[%get3A_24, %get3A_25] : memref<400x128xf32, #tpu.memory_space<vmem>>, vector<400x128xf32>
    %add3A_27 = arith.addf %get3A_23, %get3A_26 : vector<400x128xf32>
    %concatenate3A = tpu.concatenate %add3A_20, %add3A_27 in 1 : vector<400x128xf32>, vector<400x128xf32> -> vector<400x256xf32>
    %add3A_28 = arith.addf %add3A_13, %concatenate3A : vector<400x256xf32>
    %get3A_29 = arith.constant 0 : index
    %get3A_30 = arith.constant 0 : index
    %get3A_31 = vector.load %arg8[%get3A_29, %get3A_30] : memref<256x512xf32, #tpu.memory_space<vmem>>, vector<256x512xf32>
    %dot_general3A_32 = arith.constant dense<0.000000e+00> : vector<400x512xf32>
    %dot_general3A_33 = tpu.matmul %add3A_28, %get3A_31, %dot_general3A_32 {dimension_numbers = #tpu.dot_dimension_numbers<[1], [0], [0], [1], [0, 0, 1, 1], [], []>, transpose_lhs_hint = false} : vector<400x256xf32>, vector<256x512xf32>, vector<400x512xf32> -> vector<400x512xf32>
    %get3A_34 = arith.constant 0 : index
    %get3A_35 = arith.constant 0 : index
    %get3A_36 = vector.load %arg9[%get3A_34, %get3A_35] : memref<1x512xf32, #tpu.memory_space<vmem>>, vector<1x512xf32>
    %add3A_37 = vector.broadcast %get3A_36 : vector<1x512xf32> to vector<400x512xf32>
    %add3A_38 = arith.addf %dot_general3A_33, %add3A_37 : vector<400x512xf32>
    %max3A = arith.constant 0.000000e+00 : f32
    %max3A_39 = vector.broadcast %max3A : f32 to vector<400x512xf32>
    %max3A_40 = arith.maximumf %add3A_38, %max3A_39 : vector<400x512xf32>
    %get3A_41 = arith.constant 0 : index
    %get3A_42 = arith.constant 0 : index
    %get3A_43 = vector.load %arg10[%get3A_41, %get3A_42] : memref<512x256xf32, #tpu.memory_space<vmem>>, vector<512x256xf32>
    %dot_general3A_44 = arith.constant dense<0.000000e+00> : vector<400x256xf32>
    %dot_general3A_45 = tpu.matmul %max3A_40, %get3A_43, %dot_general3A_44 {dimension_numbers = #tpu.dot_dimension_numbers<[1], [0], [0], [1], [0, 0, 1, 1], [], []>, transpose_lhs_hint = false} : vector<400x512xf32>, vector<512x256xf32>, vector<400x256xf32> -> vector<400x256xf32>
    %get3A_46 = arith.constant 0 : index
    %get3A_47 = arith.constant 0 : index
    %get3A_48 = vector.load %arg11[%get3A_46, %get3A_47] : memref<1x256xf32, #tpu.memory_space<vmem>>, vector<1x256xf32>
    %add3A_49 = vector.broadcast %get3A_48 : vector<1x256xf32> to vector<400x256xf32>
    %add3A_50 = arith.addf %dot_general3A_45, %add3A_49 : vector<400x256xf32>
    %swap3A = arith.constant 0 : index
    %swap3A_51 = arith.constant 0 : index
    %swap3A_52 = vector.load %arg12[%swap3A, %swap3A_51] : memref<400x256xf32, #tpu.memory_space<vmem>>, vector<400x256xf32>
    tpu.vector_store %arg12[%swap3A, %swap3A_51], %add3A_50 {strides = array<i32>} : memref<400x256xf32, #tpu.memory_space<vmem>>, vector<400x256xf32>,
    %reduce_sum3A = arith.constant dense<0.000000e+00> : vector<256xf32>
    %reduce_sum3A_53 = vector.multi_reduction <add>, %add3A_50, %reduce_sum3A [0] : vector<400x256xf32> to vector<256xf32>
    %broadcast_in_dim3A = vector.shape_cast %reduce_sum3A_53 : vector<256xf32> to vector<1x256xf32>
    %mul3A = arith.mulf %add3A_50, %add3A_50 : vector<400x256xf32>
    %reduce_sum3A_54 = arith.constant dense<0.000000e+00> : vector<256xf32>
    %reduce_sum3A_55 = vector.multi_reduction <add>, %mul3A, %reduce_sum3A_54 [0] : vector<400x256xf32> to vector<256xf32>
    %broadcast_in_dim3A_56 = vector.shape_cast %reduce_sum3A_55 : vector<256xf32> to vector<1x256xf32>
    %eq3A = arith.constant 0 : i32
    %eq3A_57 = arith.cmpi eq, %arg0, %eq3A : i32
    %convert_element_type3A = arith.extui %eq3A_57 : i1 to i32
    %cond3A = arith.constant 0 : i32
    %cond3A_58 = arith.cmpi ne, %convert_element_type3A, %cond3A : i32
    scf.if %cond3A_58 {
      %swap3A_69 = arith.constant 0 : index
      %swap3A_70 = arith.constant 0 : index
      %swap3A_71 = vector.load %arg14[%swap3A_69, %swap3A_70] : memref<2x256xf32, #tpu.memory_space<vmem>>, vector<1x256xf32>
      tpu.vector_store %arg14[%swap3A_69, %swap3A_70], %broadcast_in_dim3A {strides = array<i32>} : memref<2x256xf32, #tpu.memory_space<vmem>>, vector<1x256xf32>,
      %swap3A_72 = arith.constant 1 : index
      %swap3A_73 = arith.constant 0 : index
      %swap3A_74 = vector.load %arg14[%swap3A_72, %swap3A_73] : memref<2x256xf32, #tpu.memory_space<vmem>>, vector<1x256xf32>
      tpu.vector_store %arg14[%swap3A_72, %swap3A_73], %broadcast_in_dim3A_56 {strides = array<i32>} : memref<2x256xf32, #tpu.memory_space<vmem>>, vector<1x256xf32>,
    } else {
    }
    %gt3A = arith.constant 0 : i32
    %gt3A_59 = arith.cmpi sgt, %arg0, %gt3A : i32
    %convert_element_type3A_60 = arith.extui %gt3A_59 : i1 to i32
    %cond3A_61 = arith.constant 0 : i32
    %cond3A_62 = arith.cmpi ne, %convert_element_type3A_60, %cond3A_61 : i32
    scf.if %cond3A_62 {
      %get3A_69 = arith.constant 0 : index
      %get3A_70 = arith.constant 0 : index
      %get3A_71 = vector.load %arg14[%get3A_69, %get3A_70] : memref<2x256xf32, #tpu.memory_space<vmem>>, vector<1x256xf32>
      %add3A_72 = arith.addf %get3A_71, %broadcast_in_dim3A : vector<1x256xf32>
      %swap3A_73 = arith.constant 0 : index
      %swap3A_74 = arith.constant 0 : index
      %swap3A_75 = vector.load %arg14[%swap3A_73, %swap3A_74] : memref<2x256xf32, #tpu.memory_space<vmem>>, vector<1x256xf32>
      tpu.vector_store %arg14[%swap3A_73, %swap3A_74], %add3A_72 {strides = array<i32>} : memref<2x256xf32, #tpu.memory_space<vmem>>, vector<1x256xf32>,
      %get3A_76 = arith.constant 1 : index
      %get3A_77 = arith.constant 0 : index
      %get3A_78 = vector.load %arg14[%get3A_76, %get3A_77] : memref<2x256xf32, #tpu.memory_space<vmem>>, vector<1x256xf32>
      %add3A_79 = arith.addf %get3A_78, %broadcast_in_dim3A_56 : vector<1x256xf32>
      %swap3A_80 = arith.constant 1 : index
      %swap3A_81 = arith.constant 0 : index
      %swap3A_82 = vector.load %arg14[%swap3A_80, %swap3A_81] : memref<2x256xf32, #tpu.memory_space<vmem>>, vector<1x256xf32>
      tpu.vector_store %arg14[%swap3A_80, %swap3A_81], %add3A_79 {strides = array<i32>} : memref<2x256xf32, #tpu.memory_space<vmem>>, vector<1x256xf32>,
    } else {
    }
    %get3A_63 = arith.constant 0 : index
    %get3A_64 = arith.constant 0 : index
    %get3A_65 = vector.load %arg14[%get3A_63, %get3A_64] : memref<2x256xf32, #tpu.memory_space<vmem>>, vector<2x256xf32>
    %swap3A_66 = arith.constant 0 : index
    %swap3A_67 = arith.constant 0 : index
    %swap3A_68 = vector.load %arg13[%swap3A_66, %swap3A_67] : memref<2x256xf32, #tpu.memory_space<vmem>>, vector<2x256xf32>
    tpu.vector_store %arg13[%swap3A_66, %swap3A_67], %get3A_65 {strides = array<i32>} : memref<2x256xf32, #tpu.memory_space<vmem>>, vector<2x256xf32>,
    return
  }
  func.func @transform_0(%arg0: i32) -> (i32, i32) {
    %c0_i32 = arith.constant 0 : i32
    %c0_i32_0 = arith.constant 0 : i32
    return %arg0, %c0_i32 : i32, i32
  }
  func.func @transform_1(%arg0: i32) -> (i32, i32) {
    %c0_i32 = arith.constant 0 : i32
    %c0_i32_0 = arith.constant 0 : i32
    return %arg0, %c0_i32 : i32, i32
  }
  func.func @transform_2(%arg0: i32) -> (i32, i32) {
    %c0_i32 = arith.constant 0 : i32
    %c0_i32_0 = arith.constant 0 : i32
    return %arg0, %c0_i32 : i32, i32
  }
  func.func @transform_3(%arg0: i32) -> (i32, i32) {
    %c0_i32 = arith.constant 0 : i32
    %c0_i32_0 = arith.constant 0 : i32
    return %arg0, %c0_i32 : i32, i32
  }
  func.func @transform_4(%arg0: i32) -> (i32, i32) {
    %c0_i32 = arith.constant 0 : i32
    %c0_i32_0 = arith.constant 0 : i32
    return %arg0, %c0_i32 : i32, i32
  }
  func.func @transform_5(%arg0: i32) -> (i32, i32) {
    %c0_i32 = arith.constant 0 : i32
    %c0_i32_0 = arith.constant 0 : i32
    return %arg0, %c0_i32 : i32, i32
  }
  func.func @transform_6(%arg0: i32) -> (i32, i32) {
    %c0_i32 = arith.constant 0 : i32
    %c0_i32_0 = arith.constant 0 : i32
    %c0_i32_1 = arith.constant 0 : i32
    return %c0_i32, %c0_i32_0 : i32, i32
  }
  func.func @transform_7(%arg0: i32) -> (i32, i32) {
    %c0_i32 = arith.constant 0 : i32
    %c0_i32_0 = arith.constant 0 : i32
    %c0_i32_1 = arith.constant 0 : i32
    return %c0_i32, %c0_i32_0 : i32, i32
  }
  func.func @transform_8(%arg0: i32) -> (i32, i32) {
    %c0_i32 = arith.constant 0 : i32
    %c0_i32_0 = arith.constant 0 : i32
    %c0_i32_1 = arith.constant 0 : i32
    return %c0_i32, %c0_i32_0 : i32, i32
  }
  func.func @transform_9(%arg0: i32) -> (i32, i32) {
    %c0_i32 = arith.constant 0 : i32
    %c0_i32_0 = arith.constant 0 : i32
    %c0_i32_1 = arith.constant 0 : i32
    return %c0_i32, %c0_i32_0 : i32, i32
  }
  func.func @transform_10(%arg0: i32) -> (i32, i32) {
    %c0_i32 = arith.constant 0 : i32
    %c0_i32_0 = arith.constant 0 : i32
    %c0_i32_1 = arith.constant 0 : i32
    return %c0_i32, %c0_i32_0 : i32, i32
  }
  func.func @transform_11(%arg0: i32) -> (i32, i32) {
    %c0_i32 = arith.constant 0 : i32
    %c0_i32_0 = arith.constant 0 : i32
    return %arg0, %c0_i32 : i32, i32
  }
  func.func @transform_12(%arg0: i32) -> (i32, i32) {
    %c0_i32 = arith.constant 0 : i32
    %c0_i32_0 = arith.constant 0 : i32
    %c0_i32_1 = arith.constant 0 : i32
    return %c0_i32, %c0_i32_0 : i32, i32
  }
}

module attributes {stable_mosaic.version = 14 : i64} {
  func.func @tc_layer_b(%arg0: i32, %arg1: memref<400x256xf32, #tpu.memory_space<vmem>>, %arg2: memref<2x256xf32, #tpu.memory_space<vmem>>, %arg3: memref<1x256xf32, #tpu.memory_space<vmem>>, %arg4: memref<1x256xf32, #tpu.memory_space<vmem>>, %arg5: memref<400x128xf32, #tpu.memory_space<vmem>>, %arg6: memref<400x128xf32, #tpu.memory_space<vmem>>) attributes {dimension_semantics = [#tpu.dimension_semantics<arbitrary>], iteration_bounds = array<i64: 25>, scalar_prefetch = 0 : i64, scratch_operands = 0 : i64, tpu.core_type = #tpu.core_type<tc>, window_params = [{transform_indices = @transform_0, window_bounds = array<i64: 400, 256>}, {pipeline_mode = #tpu.pipeline_mode<synchronous>, transform_indices = @transform_1, window_bounds = array<i64: 2, 256>}, {pipeline_mode = #tpu.pipeline_mode<synchronous>, transform_indices = @transform_2, window_bounds = array<i64: 1, 256>}, {pipeline_mode = #tpu.pipeline_mode<synchronous>, transform_indices = @transform_3, window_bounds = array<i64: 1, 256>}, {transform_indices = @transform_4, window_bounds = array<i64: 400, 128>}, {transform_indices = @transform_5, window_bounds = array<i64: 400, 128>}]} {
    %get3A = arith.constant 0 : index
    %get3A_0 = arith.constant 0 : index
    %get3A_1 = vector.load %arg2[%get3A, %get3A_0] : memref<2x256xf32, #tpu.memory_space<vmem>>, vector<2x256xf32>
    %slice3A = vector.extract_strided_slice %get3A_1 {offsets = [0, 0], sizes = [1, 256], strides = [1, 1]} : vector<2x256xf32> to vector<1x256xf32>
    %mul3A = arith.constant 9.99999974E-5 : f32
    %mul3A_2 = vector.broadcast %mul3A : f32 to vector<1x256xf32>
    %mul3A_3 = arith.mulf %slice3A, %mul3A_2 : vector<1x256xf32>
    %slice3A_4 = vector.extract_strided_slice %get3A_1 {offsets = [1, 0], sizes = [1, 256], strides = [1, 1]} : vector<2x256xf32> to vector<1x256xf32>
    %mul3A_5 = arith.constant 9.99999974E-5 : f32
    %mul3A_6 = vector.broadcast %mul3A_5 : f32 to vector<1x256xf32>
    %mul3A_7 = arith.mulf %slice3A_4, %mul3A_6 : vector<1x256xf32>
    %mul3A_8 = arith.mulf %mul3A_3, %mul3A_3 : vector<1x256xf32>
    %sub3A = arith.subf %mul3A_7, %mul3A_8 : vector<1x256xf32>
    %get3A_9 = arith.constant 0 : index
    %get3A_10 = arith.constant 0 : index
    %get3A_11 = vector.load %arg1[%get3A_9, %get3A_10] : memref<400x256xf32, #tpu.memory_space<vmem>>, vector<400x256xf32>
    %sub3A_12 = vector.broadcast %mul3A_3 : vector<1x256xf32> to vector<400x256xf32>
    %sub3A_13 = arith.subf %get3A_11, %sub3A_12 : vector<400x256xf32>
    %add3A = arith.constant 9.99999974E-6 : f32
    %add3A_14 = vector.broadcast %add3A : f32 to vector<1x256xf32>
    %add3A_15 = arith.addf %sub3A, %add3A_14 : vector<1x256xf32>
    %sqrt3A = math.sqrt %add3A_15 : vector<1x256xf32>
    %div3A = vector.broadcast %sqrt3A : vector<1x256xf32> to vector<400x256xf32>
    %div3A_16 = arith.divf %sub3A_13, %div3A : vector<400x256xf32>
    %get3A_17 = arith.constant 0 : index
    %get3A_18 = arith.constant 0 : index
    %get3A_19 = vector.load %arg3[%get3A_17, %get3A_18] : memref<1x256xf32, #tpu.memory_space<vmem>>, vector<1x256xf32>
    %mul3A_20 = vector.broadcast %get3A_19 : vector<1x256xf32> to vector<400x256xf32>
    %mul3A_21 = arith.mulf %div3A_16, %mul3A_20 : vector<400x256xf32>
    %get3A_22 = arith.constant 0 : index
    %get3A_23 = arith.constant 0 : index
    %get3A_24 = vector.load %arg4[%get3A_22, %get3A_23] : memref<1x256xf32, #tpu.memory_space<vmem>>, vector<1x256xf32>
    %add3A_25 = vector.broadcast %get3A_24 : vector<1x256xf32> to vector<400x256xf32>
    %add3A_26 = arith.addf %mul3A_21, %add3A_25 : vector<400x256xf32>
    %max3A = arith.constant 0.000000e+00 : f32
    %max3A_27 = vector.broadcast %max3A : f32 to vector<400x256xf32>
    %max3A_28 = arith.maximumf %add3A_26, %max3A_27 : vector<400x256xf32>
    %slice3A_29 = vector.extract_strided_slice %max3A_28 {offsets = [0, 0], sizes = [400, 128], strides = [1, 1]} : vector<400x256xf32> to vector<400x128xf32>
    %swap3A = arith.constant 0 : index
    %swap3A_30 = arith.constant 0 : index
    %swap3A_31 = vector.load %arg5[%swap3A, %swap3A_30] : memref<400x128xf32, #tpu.memory_space<vmem>>, vector<400x128xf32>
    tpu.vector_store %arg5[%swap3A, %swap3A_30], %slice3A_29 {strides = array<i32>} : memref<400x128xf32, #tpu.memory_space<vmem>>, vector<400x128xf32>,
    %slice3A_32 = vector.extract_strided_slice %max3A_28 {offsets = [0, 128], sizes = [400, 128], strides = [1, 1]} : vector<400x256xf32> to vector<400x128xf32>
    %swap3A_33 = arith.constant 0 : index
    %swap3A_34 = arith.constant 0 : index
    %swap3A_35 = vector.load %arg6[%swap3A_33, %swap3A_34] : memref<400x128xf32, #tpu.memory_space<vmem>>, vector<400x128xf32>
    tpu.vector_store %arg6[%swap3A_33, %swap3A_34], %slice3A_32 {strides = array<i32>} : memref<400x128xf32, #tpu.memory_space<vmem>>, vector<400x128xf32>,
    return
  }
  func.func @transform_0(%arg0: i32) -> (i32, i32) {
    %c0_i32 = arith.constant 0 : i32
    %c0_i32_0 = arith.constant 0 : i32
    return %arg0, %c0_i32 : i32, i32
  }
  func.func @transform_1(%arg0: i32) -> (i32, i32) {
    %c0_i32 = arith.constant 0 : i32
    %c0_i32_0 = arith.constant 0 : i32
    %c0_i32_1 = arith.constant 0 : i32
    return %c0_i32, %c0_i32_0 : i32, i32
  }
  func.func @transform_2(%arg0: i32) -> (i32, i32) {
    %c0_i32 = arith.constant 0 : i32
    %c0_i32_0 = arith.constant 0 : i32
    %c0_i32_1 = arith.constant 0 : i32
    return %c0_i32, %c0_i32_0 : i32, i32
  }
  func.func @transform_3(%arg0: i32) -> (i32, i32) {
    %c0_i32 = arith.constant 0 : i32
    %c0_i32_0 = arith.constant 0 : i32
    %c0_i32_1 = arith.constant 0 : i32
    return %c0_i32, %c0_i32_0 : i32, i32
  }
  func.func @transform_4(%arg0: i32) -> (i32, i32) {
    %c0_i32 = arith.constant 0 : i32
    %c0_i32_0 = arith.constant 0 : i32
    return %arg0, %c0_i32 : i32, i32
  }
  func.func @transform_5(%arg0: i32) -> (i32, i32) {
    %c0_i32 = arith.constant 0 : i32
    %c0_i32_0 = arith.constant 0 : i32
    return %arg0, %c0_i32 : i32, i32
  }
}

module attributes {stable_mosaic.version = 14 : i64} {
  func.func @tc_final(%arg0: i32, %arg1: memref<400x256xf32, #tpu.memory_space<vmem>>, %arg2: memref<2x256xf32, #tpu.memory_space<vmem>>, %arg3: memref<1x256xf32, #tpu.memory_space<vmem>>, %arg4: memref<1x256xf32, #tpu.memory_space<vmem>>, %arg5: memref<400x1xf32, #tpu.memory_space<vmem>>, %arg6: memref<256x1xf32, #tpu.memory_space<vmem>>, %arg7: memref<1x1xf32, #tpu.memory_space<vmem>>, %arg8: memref<400x256xf32, #tpu.memory_space<vmem>>, %arg9: memref<64x1xf32, #tpu.memory_space<vmem>>, %arg10: memref<64x256xf32, #tpu.memory_space<vmem>>, %arg11: memref<64x1xf32, #tpu.memory_space<vmem>>) attributes {dimension_semantics = [#tpu.dimension_semantics<arbitrary>], iteration_bounds = array<i64: 25>, scalar_prefetch = 0 : i64, scratch_operands = 2 : i64, tpu.core_type = #tpu.core_type<tc>, window_params = [{transform_indices = @transform_0, window_bounds = array<i64: 400, 256>}, {pipeline_mode = #tpu.pipeline_mode<synchronous>, transform_indices = @transform_1, window_bounds = array<i64: 2, 256>}, {pipeline_mode = #tpu.pipeline_mode<synchronous>, transform_indices = @transform_2, window_bounds = array<i64: 1, 256>}, {pipeline_mode = #tpu.pipeline_mode<synchronous>, transform_indices = @transform_3, window_bounds = array<i64: 1, 256>}, {transform_indices = @transform_4, window_bounds = array<i64: 400, 1>}, {pipeline_mode = #tpu.pipeline_mode<synchronous>, transform_indices = @transform_5, window_bounds = array<i64: 256, 1>}, {pipeline_mode = #tpu.pipeline_mode<synchronous>, transform_indices = @transform_6, window_bounds = array<i64: 1, 1>}, {transform_indices = @transform_7, window_bounds = array<i64: 400, 256>}, {pipeline_mode = #tpu.pipeline_mode<synchronous>, transform_indices = @transform_8, window_bounds = array<i64: 64, 1>}]} {
    %get3A = arith.constant 0 : index
    %get3A_0 = arith.constant 0 : index
    %get3A_1 = vector.load %arg2[%get3A, %get3A_0] : memref<2x256xf32, #tpu.memory_space<vmem>>, vector<2x256xf32>
    %slice3A = vector.extract_strided_slice %get3A_1 {offsets = [0, 0], sizes = [1, 256], strides = [1, 1]} : vector<2x256xf32> to vector<1x256xf32>
    %mul3A = arith.constant 9.99999974E-5 : f32
    %mul3A_2 = vector.broadcast %mul3A : f32 to vector<1x256xf32>
    %mul3A_3 = arith.mulf %slice3A, %mul3A_2 : vector<1x256xf32>
    %slice3A_4 = vector.extract_strided_slice %get3A_1 {offsets = [1, 0], sizes = [1, 256], strides = [1, 1]} : vector<2x256xf32> to vector<1x256xf32>
    %mul3A_5 = arith.constant 9.99999974E-5 : f32
    %mul3A_6 = vector.broadcast %mul3A_5 : f32 to vector<1x256xf32>
    %mul3A_7 = arith.mulf %slice3A_4, %mul3A_6 : vector<1x256xf32>
    %mul3A_8 = arith.mulf %mul3A_3, %mul3A_3 : vector<1x256xf32>
    %sub3A = arith.subf %mul3A_7, %mul3A_8 : vector<1x256xf32>
    %get3A_9 = arith.constant 0 : index
    %get3A_10 = arith.constant 0 : index
    %get3A_11 = vector.load %arg1[%get3A_9, %get3A_10] : memref<400x256xf32, #tpu.memory_space<vmem>>, vector<400x256xf32>
    %sub3A_12 = vector.broadcast %mul3A_3 : vector<1x256xf32> to vector<400x256xf32>
    %sub3A_13 = arith.subf %get3A_11, %sub3A_12 : vector<400x256xf32>
    %add3A = arith.constant 9.99999974E-6 : f32
    %add3A_14 = vector.broadcast %add3A : f32 to vector<1x256xf32>
    %add3A_15 = arith.addf %sub3A, %add3A_14 : vector<1x256xf32>
    %sqrt3A = math.sqrt %add3A_15 : vector<1x256xf32>
    %div3A = vector.broadcast %sqrt3A : vector<1x256xf32> to vector<400x256xf32>
    %div3A_16 = arith.divf %sub3A_13, %div3A : vector<400x256xf32>
    %get3A_17 = arith.constant 0 : index
    %get3A_18 = arith.constant 0 : index
    %get3A_19 = vector.load %arg3[%get3A_17, %get3A_18] : memref<1x256xf32, #tpu.memory_space<vmem>>, vector<1x256xf32>
    %mul3A_20 = vector.broadcast %get3A_19 : vector<1x256xf32> to vector<400x256xf32>
    %mul3A_21 = arith.mulf %div3A_16, %mul3A_20 : vector<400x256xf32>
    %get3A_22 = arith.constant 0 : index
    %get3A_23 = arith.constant 0 : index
    %get3A_24 = vector.load %arg4[%get3A_22, %get3A_23] : memref<1x256xf32, #tpu.memory_space<vmem>>, vector<1x256xf32>
    %add3A_25 = vector.broadcast %get3A_24 : vector<1x256xf32> to vector<400x256xf32>
    %add3A_26 = arith.addf %mul3A_21, %add3A_25 : vector<400x256xf32>
    %swap3A = arith.constant 0 : index
    %swap3A_27 = arith.constant 0 : index
    %swap3A_28 = vector.load %arg8[%swap3A, %swap3A_27] : memref<400x256xf32, #tpu.memory_space<vmem>>, vector<400x256xf32>
    tpu.vector_store %arg8[%swap3A, %swap3A_27], %add3A_26 {strides = array<i32>} : memref<400x256xf32, #tpu.memory_space<vmem>>, vector<400x256xf32>,
    %iota3A = tpu.iota {dimensions = array<i32: 1>} : vector<400x64xi32>
    %convert_element_type3A = arith.sitofp %iota3A : vector<400x64xi32> to vector<400x64xf32>
    %get3A_29 = arith.constant 0 : index
    %get3A_30 = arith.constant 0 : index
    %get3A_31 = vector.load %arg5[%get3A_29, %get3A_30] : memref<400x1xf32, #tpu.memory_space<vmem>>, vector<400x1xf32>
    %eq3A = vector.broadcast %get3A_31 : vector<400x1xf32> to vector<400x64xf32>
    %eq3A_32 = arith.cmpf oeq, %eq3A, %convert_element_type3A : vector<400x64xf32>
    %convert_element_type3A_33 = arith.extui %eq3A_32 : vector<400x64xi1> to vector<400x64xi32>
    %convert_element_type3A_34 = arith.sitofp %convert_element_type3A_33 : vector<400x64xi32> to vector<400x64xf32>
    %dot_general3A = arith.constant dense<0.000000e+00> : vector<64x256xf32>
    %dot_general3A_35 = tpu.matmul %convert_element_type3A_34, %add3A_26, %dot_general3A {dimension_numbers = #tpu.dot_dimension_numbers<[0], [0], [1], [1], [0, 1, 1, 1], [], []>, precision = #tpu.contract_precision<fp32>, transpose_lhs_hint = false} : vector<400x64xf32>, vector<400x256xf32>, vector<64x256xf32> -> vector<64x256xf32>
    %broadcast_in_dim3A = arith.constant 1.000000e+00 : f32
    %broadcast_in_dim3A_36 = vector.broadcast %broadcast_in_dim3A : f32 to vector<400x1xf32>
    %dot_general3A_37 = arith.constant dense<0.000000e+00> : vector<64x1xf32>
    %dot_general3A_38 = tpu.matmul %convert_element_type3A_34, %broadcast_in_dim3A_36, %dot_general3A_37 {dimension_numbers = #tpu.dot_dimension_numbers<[0], [0], [1], [1], [0, 1, 1, 1], [], []>, precision = #tpu.contract_precision<fp32>, transpose_lhs_hint = false} : vector<400x64xf32>, vector<400x1xf32>, vector<64x1xf32> -> vector<64x1xf32>
    %eq3A_39 = arith.constant 0 : i32
    %eq3A_40 = arith.cmpi eq, %arg0, %eq3A_39 : i32
    %convert_element_type3A_41 = arith.extui %eq3A_40 : i1 to i32
    %cond3A = arith.constant 0 : i32
    %cond3A_42 = arith.cmpi ne, %convert_element_type3A_41, %cond3A : i32
    scf.if %cond3A_42 {
      %swap3A_52 = arith.constant 0 : index
      %swap3A_53 = arith.constant 0 : index
      %swap3A_54 = vector.load %arg10[%swap3A_52, %swap3A_53] : memref<64x256xf32, #tpu.memory_space<vmem>>, vector<64x256xf32>
      tpu.vector_store %arg10[%swap3A_52, %swap3A_53], %dot_general3A_35 {strides = array<i32>} : memref<64x256xf32, #tpu.memory_space<vmem>>, vector<64x256xf32>,
      %swap3A_55 = arith.constant 0 : index
      %swap3A_56 = arith.constant 0 : index
      %swap3A_57 = vector.load %arg11[%swap3A_55, %swap3A_56] : memref<64x1xf32, #tpu.memory_space<vmem>>, vector<64x1xf32>
      tpu.vector_store %arg11[%swap3A_55, %swap3A_56], %dot_general3A_38 {strides = array<i32>} : memref<64x1xf32, #tpu.memory_space<vmem>>, vector<64x1xf32>,
    } else {
    }
    %gt3A = arith.constant 0 : i32
    %gt3A_43 = arith.cmpi sgt, %arg0, %gt3A : i32
    %convert_element_type3A_44 = arith.extui %gt3A_43 : i1 to i32
    %cond3A_45 = arith.constant 0 : i32
    %cond3A_46 = arith.cmpi ne, %convert_element_type3A_44, %cond3A_45 : i32
    scf.if %cond3A_46 {
      %get3A_52 = arith.constant 0 : index
      %get3A_53 = arith.constant 0 : index
      %get3A_54 = vector.load %arg10[%get3A_52, %get3A_53] : memref<64x256xf32, #tpu.memory_space<vmem>>, vector<64x256xf32>
      %add3A_55 = arith.addf %get3A_54, %dot_general3A_35 : vector<64x256xf32>
      %swap3A_56 = arith.constant 0 : index
      %swap3A_57 = arith.constant 0 : index
      %swap3A_58 = vector.load %arg10[%swap3A_56, %swap3A_57] : memref<64x256xf32, #tpu.memory_space<vmem>>, vector<64x256xf32>
      tpu.vector_store %arg10[%swap3A_56, %swap3A_57], %add3A_55 {strides = array<i32>} : memref<64x256xf32, #tpu.memory_space<vmem>>, vector<64x256xf32>,
      %get3A_59 = arith.constant 0 : index
      %get3A_60 = arith.constant 0 : index
      %get3A_61 = vector.load %arg11[%get3A_59, %get3A_60] : memref<64x1xf32, #tpu.memory_space<vmem>>, vector<64x1xf32>
      %add3A_62 = arith.addf %get3A_61, %dot_general3A_38 : vector<64x1xf32>
      %swap3A_63 = arith.constant 0 : index
      %swap3A_64 = arith.constant 0 : index
      %swap3A_65 = vector.load %arg11[%swap3A_63, %swap3A_64] : memref<64x1xf32, #tpu.memory_space<vmem>>, vector<64x1xf32>
      tpu.vector_store %arg11[%swap3A_63, %swap3A_64], %add3A_62 {strides = array<i32>} : memref<64x1xf32, #tpu.memory_space<vmem>>, vector<64x1xf32>,
    } else {
    }
    %eq3A_47 = arith.constant 24 : i32
    %eq3A_48 = arith.cmpi eq, %arg0, %eq3A_47 : i32
    %convert_element_type3A_49 = arith.extui %eq3A_48 : i1 to i32
    %cond3A_50 = arith.constant 0 : i32
    %cond3A_51 = arith.cmpi ne, %convert_element_type3A_49, %cond3A_50 : i32
    scf.if %cond3A_51 {
      %get3A_52 = arith.constant 0 : index
      %get3A_53 = arith.constant 0 : index
      %get3A_54 = vector.load %arg10[%get3A_52, %get3A_53] : memref<64x256xf32, #tpu.memory_space<vmem>>, vector<64x256xf32>
      %get3A_55 = arith.constant 0 : index
      %get3A_56 = arith.constant 0 : index
      %get3A_57 = vector.load %arg11[%get3A_55, %get3A_56] : memref<64x1xf32, #tpu.memory_space<vmem>>, vector<64x1xf32>
      %max3A = arith.constant 1.000000e+00 : f32
      %max3A_58 = vector.broadcast %max3A : f32 to vector<64x1xf32>
      %max3A_59 = arith.maximumf %get3A_57, %max3A_58 : vector<64x1xf32>
      %div3A_60 = vector.broadcast %max3A_59 : vector<64x1xf32> to vector<64x256xf32>
      %div3A_61 = arith.divf %get3A_54, %div3A_60 : vector<64x256xf32>
      %get3A_62 = arith.constant 0 : index
      %get3A_63 = arith.constant 0 : index
      %get3A_64 = vector.load %arg6[%get3A_62, %get3A_63] : memref<256x1xf32, #tpu.memory_space<vmem>>, vector<256x1xf32>
      %dot_general3A_65 = arith.constant dense<0.000000e+00> : vector<64x1xf32>
      %dot_general3A_66 = tpu.matmul %div3A_61, %get3A_64, %dot_general3A_65 {dimension_numbers = #tpu.dot_dimension_numbers<[1], [0], [0], [1], [0, 0, 1, 1], [], []>, precision = #tpu.contract_precision<fp32>, transpose_lhs_hint = false} : vector<64x256xf32>, vector<256x1xf32>, vector<64x1xf32> -> vector<64x1xf32>
      %get3A_67 = arith.constant 0 : index
      %get3A_68 = arith.constant 0 : index
      %get3A_69 = vector.load %arg7[%get3A_67, %get3A_68] : memref<1x1xf32, #tpu.memory_space<vmem>>, vector<1x1xf32>
      %add3A_70 = vector.broadcast %get3A_69 : vector<1x1xf32> to vector<64x1xf32>
      %add3A_71 = arith.addf %dot_general3A_66, %add3A_70 : vector<64x1xf32>
      %swap3A_72 = arith.constant 0 : index
      %swap3A_73 = arith.constant 0 : index
      %swap3A_74 = vector.load %arg9[%swap3A_72, %swap3A_73] : memref<64x1xf32, #tpu.memory_space<vmem>>, vector<64x1xf32>
      tpu.vector_store %arg9[%swap3A_72, %swap3A_73], %add3A_71 {strides = array<i32>} : memref<64x1xf32, #tpu.memory_space<vmem>>, vector<64x1xf32>,
    } else {
    }
    return
  }
  func.func @transform_0(%arg0: i32) -> (i32, i32) {
    %c0_i32 = arith.constant 0 : i32
    %c0_i32_0 = arith.constant 0 : i32
    return %arg0, %c0_i32 : i32, i32
  }
  func.func @transform_1(%arg0: i32) -> (i32, i32) {
    %c0_i32 = arith.constant 0 : i32
    %c0_i32_0 = arith.constant 0 : i32
    %c0_i32_1 = arith.constant 0 : i32
    return %c0_i32, %c0_i32_0 : i32, i32
  }
  func.func @transform_2(%arg0: i32) -> (i32, i32) {
    %c0_i32 = arith.constant 0 : i32
    %c0_i32_0 = arith.constant 0 : i32
    %c0_i32_1 = arith.constant 0 : i32
    return %c0_i32, %c0_i32_0 : i32, i32
  }
  func.func @transform_3(%arg0: i32) -> (i32, i32) {
    %c0_i32 = arith.constant 0 : i32
    %c0_i32_0 = arith.constant 0 : i32
    %c0_i32_1 = arith.constant 0 : i32
    return %c0_i32, %c0_i32_0 : i32, i32
  }
  func.func @transform_4(%arg0: i32) -> (i32, i32) {
    %c0_i32 = arith.constant 0 : i32
    %c0_i32_0 = arith.constant 0 : i32
    return %arg0, %c0_i32 : i32, i32
  }
  func.func @transform_5(%arg0: i32) -> (i32, i32) {
    %c0_i32 = arith.constant 0 : i32
    %c0_i32_0 = arith.constant 0 : i32
    %c0_i32_1 = arith.constant 0 : i32
    return %c0_i32, %c0_i32_0 : i32, i32
  }
  func.func @transform_6(%arg0: i32) -> (i32, i32) {
    %c0_i32 = arith.constant 0 : i32
    %c0_i32_0 = arith.constant 0 : i32
    %c0_i32_1 = arith.constant 0 : i32
    return %c0_i32, %c0_i32_0 : i32, i32
  }
  func.func @transform_7(%arg0: i32) -> (i32, i32) {
    %c0_i32 = arith.constant 0 : i32
    %c0_i32_0 = arith.constant 0 : i32
    return %arg0, %c0_i32 : i32, i32
  }
  func.func @transform_8(%arg0: i32) -> (i32, i32) {
    %c0_i32 = arith.constant 0 : i32
    %c0_i32_0 = arith.constant 0 : i32
    %c0_i32_1 = arith.constant 0 : i32
    return %c0_i32, %c0_i32_0 : i32, i32
  }
}

</mosaic_0001>

<sc_bundles>
// kernel: sc_counts.3.cloned.1.call-start
scs
__scs_entry_jumppad:
0x0: {  	(pc) =	sbr.rel $0x88, $3  }
0x1: {  	(tag) =	ssettag $0x0;
	lr =	simm.s32 $0x1  }
0x2: {  	[smem:$0x3F71] =	sst lr;
	_ =	strace $0xD0000000  }
0x3: {  	_ = 	snop  }
0x4: {  	_ = 	snop  }
0x5: {  	_ = 	snop  }
0x6: {  	_ = 	snop  }
0x7: {  	_ = 	snop  }
__scs_overlays_trampoline_lowered:
0x8: {  	[smem:$0x3F80] =	sst s0  }
0x9: {  	[smem:$0x3F81] =	sst s1  }
0xa: {  	[smem:$0x3F82] =	sst s2  }
0xb: {  	[smem:$0x3F83] =	sst s3  }
0xc: {  	[smem:$0x3F84] =	sst s4  }
0xd: {  	[smem:$0x3F85] =	sst s5  }
0xe: {  	[smem:$0x3F86] =	sst s6  }
0xf: {  	[smem:$0x3F87] =	sst s7  }
0x10: {  	[smem:$0x3F88] =	sst s8  }
0x11: {  	[smem:$0x3F89] =	sst s9;
	s0 =	simm.s32 @!p0 $0x0  }
0x12: {  	s1 =	sld [smem:$0x3F6F];
	s0 =	simm.s32 @p0 $0x1  }
0x13: {  	[smem:$0x3F8A] =	sst s0;
	s0 =	simm.s32 @!p1 $0x0  }
0x14: {  	s2 =	sld [smem:$0x3F6E];
	s0 =	simm.s32 @p1 $0x1  }
0x15: {  	[smem:$0x3F8B] =	sst s0;
	s0 =	simm.s32 @!p2 $0x0  }
0x16: {  	s3 =	sld [smem:$0x3FDB];
	s0 =	simm.s32 @p2 $0x1  }
0x17: {  	s4 =	simm.s32 $0x1BF5;
	[smem:$0x3F8D] =	sst s0  }
0x18: {  	s0 =	sld [smem:$0x3F70];
	_ =	swait.ge [sflag:s4], $0x0  }
0x19: {  	s7 =	sld [smem:$0x3F71]  }
0x1a: {  	s8 =	sadd.s32 $0xFFFFE003, lr  }
0x1b: {  	s9 =	sadd.s32 $0xFFFFFEF7, lr;
	s5 =	simm.s32 $0xFFFFFFFF;
	p2 =	slt.u32 s8, $0xFFFFF086  }
0x1c: {  	p1 =	slt.u32 s9, $0xF7A;
	s5 =	simm.s32 @!p2 $0x0  }
0x1d: {  	s5 =	simm.s32 @p1 $0x1;
	p0 =	seq.s32 s7, s2  }
0x1e: {  	s7 =	smul.u32 @!p0 $0xF7A, s2;
	p2 =	seq.s32 @!p0 s5, $0x0  }
0x1f: {  	s9 =	smul.u32 $0xF7A, s1;
	s8 =	simm.s32 @!p0 $0x1BF5;
	p2 =	por !p2, p0  }
0x20: {  	[sflag:s8] =	ssyncset.s32 @!p0 $0xFFFFF086;
	s6 =	sadd.s32 @!p0 s3, s7;
	s7 =	simm.s32 @!p0 $0x108  }
0x21: {  	s3 =	sadd.s32 s3, s9;
	s6 =	sadd.s32 @!p0 $0x88, s6;
	s7 =	simm.s32 @p2 $0x1082  }
0x22: {  	[simem:s7], [sflag:s8] =	dma.local @!p0 [hbm:s6], $0xF7A  }
0x23: {  	s9 =	sor.u32 $0xD0000000, s2;
	s6 =	simm.s32 $0x108;
	_ =	swait.ge @!p0 [sflag:s8], $0x0  }
0x24: {  	s3 =	sadd.s32 $0x88, s3;
	s6 =	simm.s32 @!p1 $0x1082;
	[sflag:s4] =	ssyncset.s32 $0xFFFFF086  }
0x25: {  	[simem:s6], [sflag:s4] =	dma.local [hbm:s3], $0xF7A  }
0x26: {  	[smem:$0x3F71] =	sst s1;
	(tag) =	ssettag s2;
	_ =	strace s9  }
0x27: {  	s1 =	sld [smem:$0x3F81]  }
0x28: {  	s2 =	sld [smem:$0x3F82]  }
0x29: {  	s4 =	sld [smem:$0x3F84]  }
0x2a: {  	p0 =	seq.s32 s5, $0x0;
	s5 =	sld [smem:$0x3F85]  }
0x2b: {  	s6 =	sld [smem:$0x3F86]  }
0x2c: {  	s7 =	sld [smem:$0x3F87]  }
0x2d: {  	s3 =	simm.s32 $0x108;
	s8 =	sld [smem:$0x3F88]  }
0x2e: {  	s3 =	simm.s32 @!p0 $0x1082;
	s9 =	sld [smem:$0x3F89]  }
0x2f: {  	lr =	sadd.s32 s0, s3;
	s0 =	sld [smem:$0x3F80]  }
0x30: {  	s3 =	sld [smem:$0x3F83]  }
0x31: {  	[smem:$0x3F8C] =	sst s10  }
0x32: {  	s10 =	sld [smem:$0x3F8A];
	_ =	sdelay $0x3  }
0x33: {  	p0 =	seq.s32 s10, $0x1;
	s10 =	sld [smem:$0x3F8C];
	_ =	sdelay $0x3  }
0x34: {  	[smem:$0x3F8C] =	sst s10  }
0x35: {  	s10 =	sld [smem:$0x3F8B];
	_ =	sdelay $0x3  }
0x36: {  	p1 =	seq.s32 s10, $0x1;
	s10 =	sld [smem:$0x3F8C];
	_ =	sdelay $0x3  }
0x37: {  	[smem:$0x3F8C] =	sst s10  }
0x38: {  	s10 =	sld [smem:$0x3F8D]  }
0x39: {  	_ = 	snop;
	(pc) =	sbr.ind lr, $3  }
0x3a: {  	_ = 	snop  }
0x3b: {  	_ = 	snop  }
0x3c: {  	p2 =	seq.s32 s10, $0x1;
	s10 =	sld [smem:$0x3F8C]  }
0x3d: {  	_ =	shalt  }
0x3e: {  	_ =	shalt  }
0x3f: {  	_ =	shalt  }
0x40: {  	_ =	shalt  }
0x41: {  	_ =	shalt  }
0x42: {  	_ =	shalt  }
0x43: {  	_ =	shalt  }
0x44: {  	_ =	shalt  }
0x45: {  	_ =	shalt  }
0x46: {  	_ =	shalt  }
0x47: {  	_ =	shalt  }
0x48: {  	_ =	shalt  }
0x49: {  	_ =	shalt  }
0x4a: {  	_ =	shalt  }
0x4b: {  	_ =	shalt  }
0x4c: {  	_ =	shalt  }
0x4d: {  	_ =	shalt  }
0x4e: {  	_ =	shalt  }
0x4f: {  	_ =	shalt  }
0x50: {  	_ =	shalt  }
0x51: {  	_ =	shalt  }
0x52: {  	_ =	shalt  }
0x53: {  	_ =	shalt  }
0x54: {  	_ =	shalt  }
0x55: {  	_ =	shalt  }
0x56: {  	_ =	shalt  }
0x57: {  	_ =	shalt  }
0x58: {  	_ =	shalt  }
0x59: {  	_ =	shalt  }
0x5a: {  	_ =	shalt  }
0x5b: {  	_ =	shalt  }
0x5c: {  	_ =	shalt  }
0x5d: {  	_ =	shalt  }
0x5e: {  	_ =	shalt  }
0x5f: {  	_ =	shalt  }
0x60: {  	_ =	shalt  }
0x61: {  	_ =	shalt  }
0x62: {  	_ =	shalt  }
0x63: {  	_ =	shalt  }
0x64: {  	_ =	shalt  }
0x65: {  	_ =	shalt  }
0x66: {  	_ =	shalt  }
0x67: {  	_ =	shalt  }
0x68: {  	_ =	shalt  }
0x69: {  	_ =	shalt  }
0x6a: {  	_ =	shalt  }
0x6b: {  	_ =	shalt  }
0x6c: {  	_ =	shalt  }
0x6d: {  	_ =	shalt  }
0x6e: {  	_ =	shalt  }
0x6f: {  	_ =	shalt  }
0x70: {  	_ =	shalt  }
0x71: {  	_ =	shalt  }
0x72: {  	_ =	shalt  }
0x73: {  	_ =	shalt  }
0x74: {  	_ =	shalt  }
0x75: {  	_ =	shalt  }
0x76: {  	_ =	shalt  }
0x77: {  	_ =	shalt  }
0x78: {  	_ =	shalt  }
0x79: {  	_ =	shalt  }
0x7a: {  	_ =	shalt  }
0x7b: {  	_ =	shalt  }
0x7c: {  	_ =	shalt  }
0x7d: {  	_ =	shalt  }
0x7e: {  	_ =	shalt  }
0x7f: {  	_ =	shalt  }
0x80: {  	_ =	shalt  }
0x81: {  	_ =	shalt  }
0x82: {  	_ =	shalt  }
0x83: {  	_ =	shalt  }
0x84: {  	_ =	shalt  }
0x85: {  	_ =	shalt  }
0x86: {  	_ =	shalt  }
0x87: {  	_ =	shalt  }
.Lfunc_end0:
.L_simem_size_0:
called_computation_lowered:
.L_overlay_start_0:
0x88: {  	s2 =	sld [smem:$0x3FD9]  }
0x89: {  	s3 =	sld [smem:$0x3FFE];
	_ =	sdelay $0x1  }
0x8a: {  	s1 =	srdreg.scid  }
0x8b: {  	s0 =	sand.u32 $0x1, s1  }
0x8c: {  	s17 =	sshll.u32 s0, $0xA;
	s2 =	sadd.s32 s3, s2  }
0x8d: {  	s2 =	sadd.s32 s2, s17  }
0x8e: {  	[smem:$0x3F98] =	sst s2  }
0x8f: {  	_ = 	snop  }
0x90: {  	(tm) =	ssettm $0x1  }
0x91: {  	s18 =	sld [smem:$0x3FFB];
	_ =	sdelay $0x3  }
0x92: {  	_ =	strace s18  }
0x93: {  	s2 =	sld [smem:$0x3FFC];
	_ =	sdelay $0x3  }
0x94: {  	_ =	strace s2  }
0x95: {  	s2 =	sld [smem:$0x3FFD];
	_ =	sdelay $0x3  }
0x96: {  	_ =	strace s2  }
0x97: {  	_ =	strace $0x8FFFFFFF  }
0x98: {  	s19 =	sld [smem:$0x3FDB];
	_ =	sdelay $0x1  }
0x99: {  	s20 =	simm.s32 $_scs_section_size  }
0x9a: {  	s4 =	simm.s32 $_size__tile_overlayer_lowered;
	s5 =	simm.s32 $_tile_overlayer_lowered  }
0x9b: {  	s6 =	simm.s32 $0x1BFF;
	s21 =	sshll.u32 s5, $0x1;
	s3 =	sadd.s32 s20, s19  }
0x9c: {  	s22 =	simm.s32 $0x0;
	s4 =	sshll.u32 s4, $0x1;
	s5 =	sadd.s32 s21, s3  }
0x9d: {  	[timem:s22], [sflag:s6] =	dma.local [hbm:s5], s4  }
0x9e: {  	_ =	swait.ge [sflag:s6], s4  }
0x9f: {  	s4 =	ssub.s32 $0x0, s4;
	[sflag:s6] =	ssyncset.done $0x0  }
0xa0: {  	[sflag:s6] =	ssyncadd.s32 s4;
	_ =	sdelay $0x1  }
0xa1: {  	s23 =	simm.s32 $0x1B8B  }
0xa2: {  	_ =	swait.ge [sflag:s23], $0x1  }
0xa3: {  	[sflag:s23] =	ssyncset.done $0x0  }
0xa4: {  	[sflag:s23] =	ssyncadd.s32 $0xFFFFFFFF  }
0xa5: {  	s4 =	sld [smem:$0x0]  }
0xa6: {  	s5 =	sand.u32 $0xFFFFFFFE, s1  }
0xa7: {  	p0 =	sne.s32 s1, s5  }
0xa8: {  	s5 =	sshll.u32 @p0 s5, $0xE  }
0xa9: {  	s5 =	sadd.s32 @p0 $0x11B8D, s5;
	s6 =	sshll.u32 @p0 s4, $0x11  }
0xaa: {  	s5 =	sor.u32 @p0 s6, s5  }
0xab: {  	[sflag:s5] =	ssyncadd.remote.s32 @p0 $0x1;
	_ =	sdelay $0x1  }
0xac: {  	s5 =	simm.s32 @p0 $0x1B8D  }
0xad: {  	_ =	swait.eq @p0 [sflag:s5], $0x1  }
0xae: {  	[sflag:s5] =	ssyncadd.s32 @p0 $0xFFFFFFFF  }
0xaf: {  	s6 =	sshll.u32 @!p0 s1, $0xE  }
0xb0: {  	s6 =	sor.u32 @!p0 $0x4000, s6;
	s5 =	simm.s32 @!p0 $0x1B8D  }
0xb1: {  	s4 =	sshll.u32 @!p0 s4, $0x11;
	s6 =	sadd.s32 @!p0 $0x11B8D, s6;
	_ =	swait.eq @!p0 [sflag:s5], $0x1  }
0xb2: {  	s4 =	sor.u32 @!p0 s4, s6;
	[sflag:s5] =	ssyncadd.s32 @!p0 $0xFFFFFFFF  }
0xb3: {  	s25 =	simm.s32 $0x1B8E;
	s24 =	sld [smem:$0x3FFE];
	[sflag:s4] =	ssyncadd.remote.s32 @!p0 $0x1  }
0xb4: {  	s26 =	simm.s32 $execute0_lowered;
	[smem:$0x3FD2] =	sst s25  }
0xb5: {  	s5 =	sshll.u32 s26, $0x1;
	_ =	strace $0x80000049;
	[dreg:$0x1] =	wrdreg $0xFFFFFFFF  }
0xb6: {  	s28 =	simm.s32 $_size_execute0_lowered;
	s3 =	sadd.s32 s3, s5;
	[dreg:$0x0] =	wrdreg $0x0  }
0xb7: {  	s5 =	sshll.u32 s28, $0x1;
	[dreg:$0x2] =	wrdreg s3  }
0xb8: {  	[dreg:$0x3] =	wrdreg s5  }
0xb9: {  	[dreg:$0x4] =	wrdreg $0xC0  }
0xba: {  	_ =	task [dreg:s22], $0x5FFFF  }
0xbb: {  	[dreg:$0x1] =	wrdreg $0xFFFFFFFF  }
0xbc: {  	[dreg:$0x0] =	wrdreg $0x60  }
0xbd: {  	[dreg:$0x2] =	wrdreg s24  }
0xbe: {  	[dreg:$0x3] =	wrdreg $0x0  }
0xbf: {  	[dreg:$0x4] =	wrdreg $0x9  }
0xc0: {  	_ =	task.clear_ibuf [dreg:s22], $0x5FFFF;
	_ =	strace $0x90000049  }
0xc1: {  	s29 =	simm.s32 $0x9;
	_ =	strace $0x8000004B  }
0xc2: {  	_ =	swait.ge [sflag:s29], $0x1  }
0xc3: {  	[sflag:s29] =	ssyncadd.s32 $0xFFFFFFFF  }
0xc4: {  	_ =	strace $0x9000004B  }
0xc5: {  	_ =	sfence  }
0xc6: {  	s30 =	sld [smem:$0x0];
	_ =	sdelay $0x2  }
0xc7: {  	s31 =	sshll.u32 s1, $0xD;
	s1 =	sshrl.u32 s1, $0x2  }
0xc8: {  	s4 =	sand.u32 $0x4000, s31;
	s1 =	sadd.s32 s1, s30  }
0xc9: {  	s0 =	sor.u32 s4, s0;
	s1 =	sshll.u32 s1, $0x11  }
0xca: {  	s0 =	sor.u32 s1, s0  }
0xcb: {  	s0 =	sadd.s32 $0x8F2B, s0  }
0xcc: {  	[sflag:s0] =	ssyncadd.remote.s32 $0x1  }
0xcd: {  	_ =	sfence.sel $0xFFFF  }
0xce: {  	[dreg:$0x0] =	wrdreg $0xFFFFFFFF;
	(pc) =	sbr.abs _section_cstart, $3  }
0xcf: {  	[dreg:$0x1] =	wrdreg $0xFFFFFFFF  }
0xd0: {  	_ =	task.clear_ibuf [dreg:s22], $0x2FFFF;
	_ =	strace $0x9FFFFFFF  }
0xd1: {  	(tm) =	ssettm $0x7FFFFFFF  }
tec
execute0_lowered:
.L_overlay_start_1:
0x0: {  	(tag) =	ssettag $0x1  }
0x1: {  	s0 =	rddreg [dreg:$0x0]  }
0x2: {  	s1 =	rddreg [dreg:$0x1]  }
0x3: {  	s2 =	simm.s32 $0x0;
	s3 =	srdreg.scid;
	s20 =	simm.s32 $0x13880  }
0x4: {  	s21 =	simm.s32 $0x13900;
	s22 =	simm.s32 $0x80;
	s23 =	simm.s32 $0x13980  }
0x5: {  	s28 =	simm.s32 $0x8;
	s29 =	simm.s32 $0x17A80;
	s30 =	simm.s32 $0x0  }
0x6: {  	[smem:$0x7FF] =	sst s2;
	s12 =	sand.u32 $0x1, s3;
	s16 =	sadd.s32 $0x92000, s0  }
0x7: {  	s3 =	stileid.u32;
	s15 =	sadd.s32 $0x10000, s0;
	s4 =	sadd.s32 $0x91E00, s0  }
0x8: {  	s5 =	sadd.s32 $0x41200, s0;
	s6 =	sadd.s32 $0x97000, s0;
	s8 =	smul.u32 $0x13880, s12  }
0x9: {  	s7 =	sadd.s32 $0xBE200, s0;
	_ =	strace $0x8000004A;
	s9 =	smul.u32 $0x1388, s3  }
0xa: {  	s10 =	ssub.s32 $0x2, s12;
	s11 =	smul.u32 $0x4E000, s3;
	s26 =	sshll.u32 s3, $0x6  }
0xb: {  	s13 =	smul.u32 $0x2700, s3;
	p0 =	seq.s32 s12, $0x1;
	[dreg:$0x3] =	wrdreg s6  }
0xc: {  	s12 =	smov.u32 s7;
	p1 =	sne.s32 s3, $0xF;
	s24 =	sshrl.u32 s10, $0x1  }
0xd: {  	p2 =	seq.s32 s3, $0xF;
	s0 =	ssub.s32 s10, s24;
	s8 =	sadd.s32 s9, s8  }
0xe: {  	s25 =	sshrl.u32 s11, $0x2;
	s9 =	sadd.s32 $0x138000, s1;
	s6 =	sadd.s32 s6, s13  }
0xf: {  	s13 =	sadd.s32 s7, s13;
	s24 =	simm.s32 $0x1;
	s17 =	sadd.s32 s25, s1  }
.Ltmp0:
0x10: {  	s18 =	sshrl.u32 s8, $0x3;
	s8 =	sor.u32 $0x1C02, s26;
	(pc) =	sbr.rel .LBB2_1-.Ltmp0, $4  }
0x11: {  	[dreg:$0x4] =	wrdreg s6;
	s14 =	smax.u32 s0, $0x1;
	s19 =	sshrl.u32 @!p1 s9, $0x3  }
0x12: {  	s25 =	simm.s32 $0x17980;
	s26 =	simm.s32 $0x17A00;
	s31 =	sadd.s32 $0x270, s18  }
0x13: {  	s17 =	sshrl.u32 s17, $0x3;
	s10 =	sadd.s32 s16, s31;
	s11 =	sadd.s32 s15, s31  }
0x14: {  	s15 =	sadd.s32 s18, s15;
	s16 =	sadd.s32 s18, s16;
	s18 =	simm.s32 $0x2  }
.LBB2_6:
0x15: {  	s0 =	sadd.s32 $0x27000, s0;
	s3 =	sshrl.u32 s9, $0x3  }
0x16: {  	[hbm:s0], [sflag:s8] =	dma.local [spmem:s3], $0x100  }
0x17: {  	_ =	swait.ge [sflag:s18], $0x100  }
0x18: {  	[sflag:s18] =	ssyncset.done $0x0  }
0x19: {  	[sflag:s18] =	ssyncadd.s32 $0xFFFFFF00  }
.LBB2_7:
0x1a: {  	s30 =	sadd.s32 $0x1, s30  }
0x1b: {  	p3 =	sne.s32 s30, s14  }
.Ltmp1:
0x1c: {  	_ = 	snop;
	(pc) =	sbr.rel @!p3 .LBB2_8-.Ltmp1, $1  }
0x1d: {  	_ =	sdelay $0x3  }
.LBB2_1:
0x1e: {  	[spmem:s17], [sflag:s8] =	dma.local [hbm:s5], $0x2700  }
0x1f: {  	_ =	swait.ge [sflag:s18], $0x2700  }
0x20: {  	[sflag:s18] =	ssyncset.done $0x0  }
0x21: {  	s0 =	simm.s32 @!p1 $0x2;
	[sflag:s18] =	ssyncadd.s32 $0xFFFFD900  }
0x22: {  	[spmem:s19], [sflag:s8] =	dma.local @!p1 [hbm:s5], $0x100  }
0x23: {  	_ =	swait.ge @!p1 [sflag:s0], $0x100  }
0x24: {  	[sflag:s0] =	ssyncset.done @!p1 $0x0  }
0x25: {  	[sflag:s0] =	ssyncadd.s32 @!p1 $0xFFFFFF00  }
0x26: {  	s6 =	sadd.s32 $0x0, s16;
	[bflag:$0x0] =	sbarrier.arrive $0xFFFF  }
0x27: {  	[tilespmem:s20], [sflag:$0x2] =	stream.linear.gather [hbm4b:s6+s2], $0x80, $0x38;
	[tilespmem:$0x17E80] =	vst v63  }
0x28: {  	_ =	swait.ge [sflag:s18], $0x80  }
0x29: {  	[sflag:s18] =	ssyncset.done $0x0  }
0x2a: {  	s7 =	sadd.s32 $0x0, s15;
	[sflag:s18] =	ssyncadd.s32 $0xFFFFFF80  }
0x2b: {  	[tilespmem:s21], [sflag:$0x2] =	stream.linear.gather [hbm4b:s7+s2], $0x80, $0x38;
	[tilespmem:$0x17E80] =	vst v63  }
0x2c: {  	_ =	swait.ge [sflag:s18], $0x80  }
0x2d: {  	[sflag:s18] =	ssyncset.done $0x0  }
0x2e: {  	[sflag:s18] =	ssyncadd.s32 $0xFFFFFF80  }
0x2f: {  	[tilespmem:s23], [sflag:$0x1] =	stream.indirect.gather [hbm4b:s4+s22], $0x80, s20, s22, $0xb8;
	[tilespmem:$0x17E80] =	vst v63  }
0x30: {  	_ =	swait.ge [sflag:s24], $0x4000  }
0x31: {  	[sflag:s24] =	ssyncset.done $0x0  }
0x32: {  	[sflag:s24] =	ssyncadd.s32 $0xFFFFC000  }
0x33: {  	[spmem:s1] =	stream.indirect.scatter.add.f32 [tilespmem:s23], [sflag:$0x2], $0x80, s21, s22, $0xb8;
	[tilespmem:$0x17E80] =	vst v63  }
0x34: {  	_ =	swait.ge [sflag:s18], $0x4000  }
0x35: {  	s31 =	simm.s32 $0x10;
	s0 =	simm.s32 $0x20;
	[sflag:s18] =	ssyncset.done $0x0  }
.LBB2_2:
0x36: {  	s3 =	sadd.s32 s31, s16  }
0x37: {  	[sflag:s18] =	ssyncadd.s32 $0xFFFFC000;
	s6 =	smov.u32 s0;
	s7 =	sadd.s32 $0x10, s0  }
0x38: {  	[tilespmem:s20], [sflag:$0x2] =	stream.linear.gather [hbm4b:s3+s2], $0x80, $0x38;
	[tilespmem:$0x17E80] =	vst v63  }
0x39: {  	p3 =	sne.s32 s0, $0x260;
	_ =	swait.ge [sflag:s18], $0x80  }
0x3a: {  	[sflag:s18] =	ssyncset.done $0x0  }
0x3b: {  	s0 =	sadd.s32 s31, s15;
	s31 =	smov.u32 s6;
	[sflag:s18] =	ssyncadd.s32 $0xFFFFFF80  }
0x3c: {  	[tilespmem:s21], [sflag:$0x2] =	stream.linear.gather [hbm4b:s0+s2], $0x80, $0x38;
	[tilespmem:$0x17E80] =	vst v63  }
0x3d: {  	_ =	swait.ge [sflag:s18], $0x80  }
0x3e: {  	[sflag:s18] =	ssyncset.done $0x0  }
0x3f: {  	[sflag:s18] =	ssyncadd.s32 $0xFFFFFF80  }
0x40: {  	[tilespmem:s23], [sflag:$0x1] =	stream.indirect.gather [hbm4b:s4+s22], $0x80, s20, s22, $0xb8;
	[tilespmem:$0x17E80] =	vst v63  }
0x41: {  	_ =	swait.ge [sflag:s24], $0x4000  }
.Ltmp2:
0x42: {  	[sflag:s24] =	ssyncset.done $0x0;
	(pc) =	sbr.rel @p3 .LBB2_2-.Ltmp2, $4  }
0x43: {  	[sflag:s24] =	ssyncadd.s32 $0xFFFFC000  }
0x44: {  	[spmem:s1] =	stream.indirect.scatter.add.f32 [tilespmem:s23], [sflag:$0x2], $0x80, s21, s22, $0xb8;
	[tilespmem:$0x17E80] =	vst v63  }
0x45: {  	_ =	swait.ge [sflag:s18], $0x4000  }
0x46: {  	s0 =	smov.u32 s7;
	[sflag:s18] =	ssyncset.done $0x0  }
0x47: {  	s0 =	sadd.s32 s31, s16;
	[sflag:s18] =	ssyncadd.s32 $0xFFFFC000  }
0x48: {  	[tilespmem:s20], [sflag:$0x2] =	stream.linear.gather [hbm4b:s0+s2], $0x80, $0x38;
	[tilespmem:$0x17E80] =	vst v63  }
0x49: {  	_ =	swait.ge [sflag:s18], $0x80  }
0x4a: {  	[sflag:s18] =	ssyncset.done $0x0  }
0x4b: {  	s31 =	sadd.s32 s31, s15;
	[sflag:s18] =	ssyncadd.s32 $0xFFFFFF80  }
0x4c: {  	[tilespmem:s21], [sflag:$0x2] =	stream.linear.gather [hbm4b:s31+s2], $0x80, $0x38;
	[tilespmem:$0x17E80] =	vst v63  }
0x4d: {  	_ =	swait.ge [sflag:s18], $0x80  }
0x4e: {  	[sflag:s18] =	ssyncset.done $0x0  }
0x4f: {  	[sflag:s18] =	ssyncadd.s32 $0xFFFFFF80  }
0x50: {  	[tilespmem:s23], [sflag:$0x1] =	stream.indirect.gather [hbm4b:s4+s22], $0x80, s20, s22, $0xb8;
	[tilespmem:$0x17E80] =	vst v63  }
0x51: {  	_ =	swait.ge [sflag:s24], $0x4000  }
0x52: {  	[sflag:s24] =	ssyncset.done $0x0  }
0x53: {  	[sflag:s24] =	ssyncadd.s32 $0xFFFFC000  }
0x54: {  	[spmem:s1] =	stream.indirect.scatter.add.f32 [tilespmem:s23], [sflag:$0x2], $0x80, s21, s22, $0xb8;
	[tilespmem:$0x17E80] =	vst v63  }
0x55: {  	_ =	swait.ge [sflag:s18], $0x4000  }
0x56: {  	[sflag:s18] =	ssyncset.done $0x0  }
0x57: {  	[sflag:s18] =	ssyncadd.s32 $0xFFFFC000  }
0x58: {  	[tilespmem:s25], [sflag:$0x2] =	stream.linear.gather [hbm4b:s10+s2], $0x8, $0x38;
	[tilespmem:$0x17E80] =	vst v63  }
0x59: {  	_ =	swait.ge [sflag:s18], $0x8  }
0x5a: {  	[sflag:s18] =	ssyncset.done $0x0  }
0x5b: {  	[sflag:s18] =	ssyncadd.s32 $0xFFFFFFF8  }
0x5c: {  	[tilespmem:s26], [sflag:$0x2] =	stream.linear.gather [hbm4b:s11+s2], $0x8, $0x38;
	[tilespmem:$0x17E80] =	vst v63  }
0x5d: {  	_ =	swait.ge [sflag:s18], $0x8  }
0x5e: {  	[sflag:s18] =	ssyncset.done $0x0  }
0x5f: {  	[sflag:s18] =	ssyncadd.s32 $0xFFFFFFF8  }
0x60: {  	[tilespmem:s29], [sflag:$0x1] =	stream.indirect.gather [hbm4b:s4+s28], $0x80, s25, s28, $0xb8;
	[tilespmem:$0x17E80] =	vst v63  }
0x61: {  	_ =	swait.ge [sflag:s24], $0x400  }
0x62: {  	[sflag:s24] =	ssyncset.done $0x0  }
0x63: {  	[sflag:s24] =	ssyncadd.s32 $0xFFFFFC00  }
0x64: {  	[spmem:s1] =	stream.indirect.scatter.add.f32 [tilespmem:s29], [sflag:$0x2], $0x80, s26, s28, $0xb8;
	[tilespmem:$0x17E80] =	vst v63  }
.Ltmp3:
0x65: {  	_ =	swait.ge [sflag:s18], $0x400;
	(pc) =	sbr.rel @!p0 .LBB2_4-.Ltmp3, $3  }
0x66: {  	[sflag:s18] =	ssyncset.done $0x0  }
0x67: {  	[sflag:s18] =	ssyncadd.s32 $0xFFFFFC00  }
0x68: {  	[bflag:$0x0] =	sbarrier.arrive $0xFFFF;
	_ =	sdelay $0x1  }
0x69: {  	[hbm:s13], [sflag:s8] =	dma.local [spmem:s17], $0x2700  }
.Ltmp4:
0x6a: {  	_ = 	snop;
	(pc) =	sbr.rel @p1 .LBB2_7-.Ltmp4, $4  }
.Ltmp5:
0x6b: {  	_ = 	snop;
	(pc) =	sbr.rel @!p1 .LBB2_6-.Ltmp5, $4  }
0x6c: {  	_ =	swait.ge [sflag:s18], $0x2700  }
0x6d: {  	[sflag:s18] =	ssyncset.done $0x0  }
0x6e: {  	s0 =	smov.u32 s12;
	[sflag:s18] =	ssyncadd.s32 $0xFFFFD900  }
0x6f: {  	_ = 	snop  }
.LBB2_4:
0x70: {  	s0 =	rddreg [dreg:$0x4]  }
0x71: {  	[hbm:s0], [sflag:s8] =	dma.local [spmem:s17], $0x2700  }
.Ltmp6:
0x72: {  	_ = 	snop;
	(pc) =	sbr.rel @p2 .LBB2_6-.Ltmp6, $4  }
.Ltmp7:
0x73: {  	_ = 	snop;
	(pc) =	sbr.rel @!p2 .LBB2_7-.Ltmp7, $4  }
0x74: {  	_ =	swait.ge [sflag:s18], $0x2700  }
0x75: {  	[sflag:s18] =	ssyncset.done $0x0  }
0x76: {  	s0 =	rddreg [dreg:$0x3];
	[sflag:s18] =	ssyncadd.s32 $0xFFFFD900  }
0x77: {  	_ = 	snop  }
.LBB2_8:
0x78: {  	_ =	sfence.sel $0x180000  }
0x79: {  	[bflag:$0x0] =	sbarrier.arrive $0xFFFF  }
0x7a: {  	_ =	strace $0x9000004A  }
0x7b: {  	s0 =	stileid.u32;
	[bflag:$0x2] =	sbarrier.arrive $0xFFFF  }
0x7c: {  	p0 =	sne.s32 s0, $0x0;
	s0 =	rddreg [dreg:$0x2]  }
0x7d: {  	s0 =	sadd.s32 @!p0 $0x100000, s0  }
0x7e: {  	[sflag:s0] =	ssyncadd.tile.s32 @!p0 $0x1;
	_ =	shalt  }
.Lfunc_end2:
_tile_overlayer_lowered:
.L_overlay_start_2:
0x7f: {  	(tag) =	ssettag $0x2  }
0x80: {  	s0 =	rddreg [dreg:$0x0];
	s2 =	stileid.u32  }
0x81: {  	s1 =	rddreg [dreg:$0x1];
	p0 =	sne.s32 s2, $0x0  }
0x82: {  	s3 =	rddreg [dreg:$0x2];
	[bflag:$0x3] =	sbarrier.arrive $0xFFFF;
	s2 =	simm.s32 @!p0 $0x1C02  }
0x83: {  	[timem:s3], [sflag:s2] =	dma.local @!p0 [hbm:s0], s1  }
0x84: {  	s0 =	simm.s32 @!p0 $0x2  }
0x85: {  	_ =	swait.ge @!p0 [sflag:s0], s1  }
0x86: {  	s1 =	ssub.s32 @!p0 $0x0, s1;
	[sflag:s0] =	ssyncset.done @!p0 $0x0  }
0x87: {  	[sflag:s0] =	ssyncadd.s32 @!p0 s1  }
0x88: {  	[bflag:$0x3] =	sbarrier.arrive $0xFFFF  }
0x89: {  	_ =	shalt  }

// kernel: sc_spmm.10.cloned.1.call-start
scs
__scs_entry_jumppad:
0x0: {  	(pc) =	sbr.rel $0x88, $3  }
0x1: {  	(tag) =	ssettag $0x0;
	lr =	simm.s32 $0x1  }
0x2: {  	[smem:$0x3F71] =	sst lr;
	_ =	strace $0xD0000000  }
0x3: {  	_ = 	snop  }
0x4: {  	_ = 	snop  }
0x5: {  	_ = 	snop  }
0x6: {  	_ = 	snop  }
0x7: {  	_ = 	snop  }
__scs_overlays_trampoline_lowered:
0x8: {  	[smem:$0x3F80] =	sst s0  }
0x9: {  	[smem:$0x3F81] =	sst s1  }
0xa: {  	[smem:$0x3F82] =	sst s2  }
0xb: {  	[smem:$0x3F83] =	sst s3  }
0xc: {  	[smem:$0x3F84] =	sst s4  }
0xd: {  	[smem:$0x3F85] =	sst s5  }
0xe: {  	[smem:$0x3F86] =	sst s6  }
0xf: {  	[smem:$0x3F87] =	sst s7  }
0x10: {  	[smem:$0x3F88] =	sst s8  }
0x11: {  	[smem:$0x3F89] =	sst s9;
	s0 =	simm.s32 @!p0 $0x0  }
0x12: {  	s1 =	sld [smem:$0x3F6F];
	s0 =	simm.s32 @p0 $0x1  }
0x13: {  	[smem:$0x3F8A] =	sst s0;
	s0 =	simm.s32 @!p1 $0x0  }
0x14: {  	s2 =	sld [smem:$0x3F6E];
	s0 =	simm.s32 @p1 $0x1  }
0x15: {  	[smem:$0x3F8B] =	sst s0;
	s0 =	simm.s32 @!p2 $0x0  }
0x16: {  	s3 =	sld [smem:$0x3FDB];
	s0 =	simm.s32 @p2 $0x1  }
0x17: {  	s4 =	simm.s32 $0x1BF5;
	[smem:$0x3F8D] =	sst s0  }
0x18: {  	s0 =	sld [smem:$0x3F70];
	_ =	swait.ge [sflag:s4], $0x0  }
0x19: {  	s7 =	sld [smem:$0x3F71]  }
0x1a: {  	s8 =	sadd.s32 $0xFFFFE003, lr  }
0x1b: {  	s9 =	sadd.s32 $0xFFFFFEF7, lr;
	s5 =	simm.s32 $0xFFFFFFFF;
	p2 =	slt.u32 s8, $0xFFFFF086  }
0x1c: {  	p1 =	slt.u32 s9, $0xF7A;
	s5 =	simm.s32 @!p2 $0x0  }
0x1d: {  	s5 =	simm.s32 @p1 $0x1;
	p0 =	seq.s32 s7, s2  }
0x1e: {  	s7 =	smul.u32 @!p0 $0xF7A, s2;
	p2 =	seq.s32 @!p0 s5, $0x0  }
0x1f: {  	s9 =	smul.u32 $0xF7A, s1;
	s8 =	simm.s32 @!p0 $0x1BF5;
	p2 =	por !p2, p0  }
0x20: {  	[sflag:s8] =	ssyncset.s32 @!p0 $0xFFFFF086;
	s6 =	sadd.s32 @!p0 s3, s7;
	s7 =	simm.s32 @!p0 $0x108  }
0x21: {  	s3 =	sadd.s32 s3, s9;
	s6 =	sadd.s32 @!p0 $0x88, s6;
	s7 =	simm.s32 @p2 $0x1082  }
0x22: {  	[simem:s7], [sflag:s8] =	dma.local @!p0 [hbm:s6], $0xF7A  }
0x23: {  	s9 =	sor.u32 $0xD0000000, s2;
	s6 =	simm.s32 $0x108;
	_ =	swait.ge @!p0 [sflag:s8], $0x0  }
0x24: {  	s3 =	sadd.s32 $0x88, s3;
	s6 =	simm.s32 @!p1 $0x1082;
	[sflag:s4] =	ssyncset.s32 $0xFFFFF086  }
0x25: {  	[simem:s6], [sflag:s4] =	dma.local [hbm:s3], $0xF7A  }
0x26: {  	[smem:$0x3F71] =	sst s1;
	(tag) =	ssettag s2;
	_ =	strace s9  }
0x27: {  	s1 =	sld [smem:$0x3F81]  }
0x28: {  	s2 =	sld [smem:$0x3F82]  }
0x29: {  	s4 =	sld [smem:$0x3F84]  }
0x2a: {  	p0 =	seq.s32 s5, $0x0;
	s5 =	sld [smem:$0x3F85]  }
0x2b: {  	s6 =	sld [smem:$0x3F86]  }
0x2c: {  	s7 =	sld [smem:$0x3F87]  }
0x2d: {  	s3 =	simm.s32 $0x108;
	s8 =	sld [smem:$0x3F88]  }
0x2e: {  	s3 =	simm.s32 @!p0 $0x1082;
	s9 =	sld [smem:$0x3F89]  }
0x2f: {  	lr =	sadd.s32 s0, s3;
	s0 =	sld [smem:$0x3F80]  }
0x30: {  	s3 =	sld [smem:$0x3F83]  }
0x31: {  	[smem:$0x3F8C] =	sst s10  }
0x32: {  	s10 =	sld [smem:$0x3F8A];
	_ =	sdelay $0x3  }
0x33: {  	p0 =	seq.s32 s10, $0x1;
	s10 =	sld [smem:$0x3F8C];
	_ =	sdelay $0x3  }
0x34: {  	[smem:$0x3F8C] =	sst s10  }
0x35: {  	s10 =	sld [smem:$0x3F8B];
	_ =	sdelay $0x3  }
0x36: {  	p1 =	seq.s32 s10, $0x1;
	s10 =	sld [smem:$0x3F8C];
	_ =	sdelay $0x3  }
0x37: {  	[smem:$0x3F8C] =	sst s10  }
0x38: {  	s10 =	sld [smem:$0x3F8D]  }
0x39: {  	_ = 	snop;
	(pc) =	sbr.ind lr, $3  }
0x3a: {  	_ = 	snop  }
0x3b: {  	_ = 	snop  }
0x3c: {  	p2 =	seq.s32 s10, $0x1;
	s10 =	sld [smem:$0x3F8C]  }
0x3d: {  	_ =	shalt  }
0x3e: {  	_ =	shalt  }
0x3f: {  	_ =	shalt  }
0x40: {  	_ =	shalt  }
0x41: {  	_ =	shalt  }
0x42: {  	_ =	shalt  }
0x43: {  	_ =	shalt  }
0x44: {  	_ =	shalt  }
0x45: {  	_ =	shalt  }
0x46: {  	_ =	shalt  }
0x47: {  	_ =	shalt  }
0x48: {  	_ =	shalt  }
0x49: {  	_ =	shalt  }
0x4a: {  	_ =	shalt  }
0x4b: {  	_ =	shalt  }
0x4c: {  	_ =	shalt  }
0x4d: {  	_ =	shalt  }
0x4e: {  	_ =	shalt  }
0x4f: {  	_ =	shalt  }
0x50: {  	_ =	shalt  }
0x51: {  	_ =	shalt  }
0x52: {  	_ =	shalt  }
0x53: {  	_ =	shalt  }
0x54: {  	_ =	shalt  }
0x55: {  	_ =	shalt  }
0x56: {  	_ =	shalt  }
0x57: {  	_ =	shalt  }
0x58: {  	_ =	shalt  }
0x59: {  	_ =	shalt  }
0x5a: {  	_ =	shalt  }
0x5b: {  	_ =	shalt  }
0x5c: {  	_ =	shalt  }
0x5d: {  	_ =	shalt  }
0x5e: {  	_ =	shalt  }
0x5f: {  	_ =	shalt  }
0x60: {  	_ =	shalt  }
0x61: {  	_ =	shalt  }
0x62: {  	_ =	shalt  }
0x63: {  	_ =	shalt  }
0x64: {  	_ =	shalt  }
0x65: {  	_ =	shalt  }
0x66: {  	_ =	shalt  }
0x67: {  	_ =	shalt  }
0x68: {  	_ =	shalt  }
0x69: {  	_ =	shalt  }
0x6a: {  	_ =	shalt  }
0x6b: {  	_ =	shalt  }
0x6c: {  	_ =	shalt  }
0x6d: {  	_ =	shalt  }
0x6e: {  	_ =	shalt  }
0x6f: {  	_ =	shalt  }
0x70: {  	_ =	shalt  }
0x71: {  	_ =	shalt  }
0x72: {  	_ =	shalt  }
0x73: {  	_ =	shalt  }
0x74: {  	_ =	shalt  }
0x75: {  	_ =	shalt  }
0x76: {  	_ =	shalt  }
0x77: {  	_ =	shalt  }
0x78: {  	_ =	shalt  }
0x79: {  	_ =	shalt  }
0x7a: {  	_ =	shalt  }
0x7b: {  	_ =	shalt  }
0x7c: {  	_ =	shalt  }
0x7d: {  	_ =	shalt  }
0x7e: {  	_ =	shalt  }
0x7f: {  	_ =	shalt  }
0x80: {  	_ =	shalt  }
0x81: {  	_ =	shalt  }
0x82: {  	_ =	shalt  }
0x83: {  	_ =	shalt  }
0x84: {  	_ =	shalt  }
0x85: {  	_ =	shalt  }
0x86: {  	_ =	shalt  }
0x87: {  	_ =	shalt  }
.Lfunc_end0:
.L_simem_size_0:
called_computation.2_lowered:
.L_overlay_start_0:
0x88: {  	s2 =	sld [smem:$0x3FD9]  }
0x89: {  	s3 =	sld [smem:$0x3FFE];
	_ =	sdelay $0x1  }
0x8a: {  	s1 =	srdreg.scid  }
0x8b: {  	s0 =	sand.u32 $0x1, s1  }
0x8c: {  	s14 =	sshll.u32 s0, $0xA;
	s2 =	sadd.s32 s3, s2  }
0x8d: {  	s2 =	sadd.s32 s2, s14  }
0x8e: {  	[smem:$0x3F98] =	sst s2  }
0x8f: {  	_ = 	snop  }
0x90: {  	s2 =	sld [smem:$0x3FD0];
	_ =	sdelay $0x2  }
0x91: {  	s15 =	simm.s32 $0xB;
	s4 =	simm.s32 $0x10  }
0x92: {  	[smem:s4], [sflag:s15] =	dma.local [hbm:s2], $0x1  }
0x93: {  	_ =	swait.eq [sflag:s15], $0x1  }
0x94: {  	[sflag:s15] =	ssyncset.done $0x0  }
0x95: {  	[sflag:s15] =	ssyncadd.s32 $0xFFFFFFFF  }
0x96: {  	s16 =	sld [smem:$0x11];
	(tm) =	ssettm $0x1  }
0x97: {  	s17 =	sld [smem:$0x3FFB];
	_ =	sdelay $0x3  }
0x98: {  	_ =	strace s17  }
0x99: {  	s3 =	sld [smem:$0x3FFC];
	_ =	sdelay $0x3  }
0x9a: {  	_ =	strace s3  }
0x9b: {  	s3 =	sld [smem:$0x3FFD];
	_ =	sdelay $0x3  }
0x9c: {  	_ =	strace s3  }
0x9d: {  	_ =	strace $0x8FFFFFFF  }
0x9e: {  	s18 =	sld [smem:$0x3FDB];
	_ =	sdelay $0x1  }
0x9f: {  	s19 =	simm.s32 $_scs_section_size  }
0xa0: {  	s5 =	simm.s32 $_size__tile_overlayer_lowered;
	s6 =	simm.s32 $_tile_overlayer_lowered  }
0xa1: {  	s22 =	simm.s32 $0x1BFF;
	s21 =	sshll.u32 s6, $0x1;
	s3 =	sadd.s32 s19, s18  }
0xa2: {  	s7 =	simm.s32 $0x0;
	s20 =	sshll.u32 s5, $0x1;
	s5 =	sadd.s32 s21, s3  }
0xa3: {  	[timem:s7], [sflag:s22] =	dma.local [hbm:s5], s20  }
0xa4: {  	_ =	swait.ge [sflag:s22], s20  }
0xa5: {  	s4 =	ssub.s32 $0x0, s20;
	[sflag:s22] =	ssyncset.done $0x0  }
0xa6: {  	[sflag:s22] =	ssyncadd.s32 s4;
	_ =	sdelay $0x1  }
0xa7: {  	s23 =	simm.s32 $0x1B8B  }
0xa8: {  	_ =	swait.ge [sflag:s23], $0x1  }
0xa9: {  	[sflag:s23] =	ssyncset.done $0x0  }
0xaa: {  	s25 =	simm.s32 $0x1B8E;
	s24 =	sld [smem:$0x3FFE];
	[sflag:s23] =	ssyncadd.s32 $0xFFFFFFFF  }
0xab: {  	s26 =	simm.s32 $execute0_lowered;
	[smem:$0x3FD2] =	sst s25  }
0xac: {  	s5 =	sshll.u32 s26, $0x1;
	_ =	strace $0x8000004C;
	[dreg:$0x1] =	wrdreg $0xFFFFFFFF  }
0xad: {  	s28 =	simm.s32 $_size_execute0_lowered;
	s3 =	sadd.s32 s3, s5;
	[dreg:$0x0] =	wrdreg $0x0  }
0xae: {  	s5 =	sshll.u32 s28, $0x1;
	[dreg:$0x2] =	wrdreg s3  }
0xaf: {  	[dreg:$0x3] =	wrdreg s5  }
0xb0: {  	[dreg:$0x4] =	wrdreg $0xC0  }
0xb1: {  	_ =	task [dreg:s7], $0x5FFFF  }
0xb2: {  	[dreg:$0x1] =	wrdreg $0xFFFFFFFF  }
0xb3: {  	[dreg:$0x0] =	wrdreg $0x60  }
0xb4: {  	[dreg:$0x2] =	wrdreg s16  }
0xb5: {  	[dreg:$0x3] =	wrdreg s24  }
0xb6: {  	[dreg:$0x4] =	wrdreg $0x0  }
0xb7: {  	[dreg:$0x5] =	wrdreg $0x9  }
0xb8: {  	_ =	task.clear_ibuf [dreg:s7], $0x6FFFF;
	_ =	strace $0x9000004C  }
0xb9: {  	s29 =	simm.s32 $0x9;
	_ =	strace $0x8000004E  }
0xba: {  	_ =	swait.ge [sflag:s29], $0x1  }
0xbb: {  	[sflag:s29] =	ssyncadd.s32 $0xFFFFFFFF  }
0xbc: {  	_ =	strace $0x9000004E  }
0xbd: {  	_ =	sfence  }
0xbe: {  	s30 =	sld [smem:$0x0];
	_ =	sdelay $0x2  }
0xbf: {  	s31 =	sshll.u32 s1, $0xD;
	s1 =	sshrl.u32 s1, $0x2  }
0xc0: {  	s3 =	sand.u32 $0x4000, s31;
	s1 =	sadd.s32 s1, s30  }
0xc1: {  	s0 =	sor.u32 s3, s0;
	s1 =	sshll.u32 s1, $0x11  }
0xc2: {  	s0 =	sor.u32 s1, s0  }
0xc3: {  	s0 =	sadd.s32 $0x8F2B, s0  }
0xc4: {  	[sflag:s0] =	ssyncadd.remote.s32 $0x1  }
0xc5: {  	_ =	sfence.sel $0xFFFF  }
0xc6: {  	[dreg:$0x0] =	wrdreg $0xFFFFFFFF;
	(pc) =	sbr.abs _section_cstart, $3  }
0xc7: {  	[dreg:$0x1] =	wrdreg $0xFFFFFFFF  }
0xc8: {  	_ =	task.clear_ibuf [dreg:s7], $0x2FFFF;
	_ =	strace $0x9FFFFFFF  }
0xc9: {  	(tm) =	ssettm $0x7FFFFFFF  }
tec
execute0_lowered:
.L_overlay_start_1:
0x0: {  	(tag) =	ssettag $0x1  }
0x1: {  	s1 =	rddreg [dreg:$0x0]  }
0x2: {  	s0 =	rddreg [dreg:$0x1]  }
0x3: {  	s2 =	rddreg [dreg:$0x2];
	s3 =	simm.s32 $0x0;
	s7 =	srdreg.scid  }
0x4: {  	s26 =	stileid.u32;
	s19 =	simm.s32 $0x2;
	s28 =	simm.s32 $0x17A00  }
0x5: {  	s29 =	simm.s32 $0x10;
	s30 =	simm.s32 $0x17A80;
	s31 =	simm.s32 $0x0  }
0x6: {  	[smem:$0x7FF] =	sst s3;
	s4 =	sadd.s32 $0x1A000, s0;
	s11 =	smul.u32 $0x2710, s26  }
0x7: {  	s5 =	sadd.s32 $0x15000, s0;
	s16 =	sadd.s32 $0x10000, s0;
	s12 =	smul.u32 $0x4E000, s26  }
0x8: {  	s6 =	sadd.s32 $0x41200, s0;
	s9 =	sand.u32 $0x1, s7;
	s13 =	smul.u32 $0x2700, s26  }
0x9: {  	s20 =	sadd.s32 $0x43A00, s0;
	s8 =	sadd.s32 $0x6AC00, s0;
	s17 =	smul.u32 $0x4E2, s26  }
0xa: {  	s25 =	sshll.u32 s26, $0x6;
	p1 =	sne.s32 s26, $0xF;
	p2 =	seq.s32 s26, $0xF  }
0xb: {  	s26 =	simm.s32 $0x17980;
	_ =	strace $0x8000004D;
	s10 =	ssub.s32 $0x2, s9  }
0xc: {  	p0 =	seq.s32 s9, $0x1;
	s9 =	sadd.s32 $0x138000, s2;
	[dreg:$0x4] =	wrdreg s20  }
0xd: {  	s15 =	sor.u32 $0x1C02, s25;
	s25 =	simm.s32 $0x1;
	s21 =	sshrl.u32 s10, $0x1  }
0xe: {  	s22 =	sshrl.u32 s11, $0x3;
	s23 =	sshrl.u32 s12, $0x2;
	s7 =	sadd.s32 s20, s13  }
0xf: {  	s24 =	sadd.s32 s8, s13;
	s20 =	sshrl.u32 @!p1 s9, $0x3;
	s0 =	ssub.s32 s10, s21  }
.Ltmp0:
0x10: {  	s11 =	sadd.s32 $0x4E0, s22;
	[dreg:$0x5] =	wrdreg s7;
	(pc) =	sbr.rel .LBB2_1-.Ltmp0, $4  }
0x11: {  	s18 =	sadd.s32 s23, s2;
	[dreg:$0x6] =	wrdreg s24;
	s21 =	simm.s32 $0x13880  }
0x12: {  	s22 =	simm.s32 $0x13900;
	s23 =	simm.s32 $0x80;
	s24 =	simm.s32 $0x13980  }
0x13: {  	s10 =	sadd.s32 s5, s11;
	s11 =	sadd.s32 s16, s11;
	s14 =	smax.u32 s0, $0x1  }
0x14: {  	s16 =	sadd.s32 s17, s16;
	s17 =	sadd.s32 s17, s5;
	s18 =	sshrl.u32 s18, $0x3  }
.LBB2_8:
0x15: {  	s0 =	sadd.s32 $0x27000, s0;
	s5 =	sshrl.u32 s9, $0x3  }
0x16: {  	[hbm:s0], [sflag:s15] =	dma.local [spmem:s5], $0x100  }
0x17: {  	_ =	swait.ge [sflag:s19], $0x100  }
0x18: {  	[sflag:s19] =	ssyncset.done $0x0  }
0x19: {  	[sflag:s19] =	ssyncadd.s32 $0xFFFFFF00  }
.LBB2_9:
0x1a: {  	s31 =	sadd.s32 $0x1, s31  }
0x1b: {  	p3 =	sne.s32 s31, s14  }
.Ltmp1:
0x1c: {  	_ = 	snop;
	(pc) =	sbr.rel @!p3 .LBB2_10-.Ltmp1, $1  }
0x1d: {  	_ =	sdelay $0x3  }
.LBB2_1:
.Ltmp2:
0x1e: {  	(pc) =	sbr.rel @!p0 .LBB2_2-.Ltmp2, $4  }
0x1f: {  	[spmem:s18], [sflag:s15] =	dma.local [hbm:s6], $0x2700  }
0x20: {  	_ =	swait.ge [sflag:s19], $0x2700  }
0x21: {  	[sflag:s19] =	ssyncset.done $0x0  }
0x22: {  	[sflag:s19] =	ssyncadd.s32 $0xFFFFD900  }
0x23: {  	[spmem:s20], [sflag:s15] =	dma.local @!p1 [hbm:s6], $0x100  }
0x24: {  	s0 =	simm.s32 @!p1 $0x2  }
0x25: {  	_ =	swait.ge @!p1 [sflag:s0], $0x100  }
0x26: {  	[sflag:s0] =	ssyncset.done @!p1 $0x0  }
0x27: {  	[sflag:s0] =	ssyncadd.s32 @!p1 $0xFFFFFF00  }
0x28: {  	s12 =	sadd.s32 $0x0, s17;
	[bflag:$0x0] =	sbarrier.arrive $0xFFFF  }
0x29: {  	[tilespmem:s21], [sflag:$0x2] =	stream.linear.gather [hbm4b:s12+s3], $0x80, $0x38;
	[tilespmem:$0x18280] =	vst v63  }
0x2a: {  	_ =	swait.ge [sflag:s19], $0x80  }
0x2b: {  	[sflag:s19] =	ssyncset.done $0x0  }
0x2c: {  	s13 =	sadd.s32 $0x0, s16;
	[sflag:s19] =	ssyncadd.s32 $0xFFFFFF80  }
0x2d: {  	[tilespmem:s22], [sflag:$0x2] =	stream.linear.gather [hbm4b:s13+s3], $0x80, $0x38;
	[tilespmem:$0x18280] =	vst v63  }
0x2e: {  	_ =	swait.ge [sflag:s19], $0x80  }
0x2f: {  	[sflag:s19] =	ssyncset.done $0x0  }
0x30: {  	[sflag:s19] =	ssyncadd.s32 $0xFFFFFF80  }
0x31: {  	[tilespmem:s24], [sflag:$0x1] =	stream.indirect.gather [hbm4b:s4+s23], $0x80, s21, s23, $0xb8;
	[tilespmem:$0x18280] =	vst v63  }
0x32: {  	_ =	swait.ge [sflag:s25], $0x4000  }
0x33: {  	[sflag:s25] =	ssyncset.done $0x0  }
0x34: {  	[sflag:s25] =	ssyncadd.s32 $0xFFFFC000  }
0x35: {  	[spmem:s2] =	stream.indirect.scatter.add.f32 [tilespmem:s24], [sflag:$0x2], $0x80, s22, s23, $0xb8;
	[tilespmem:$0x18280] =	vst v63  }
0x36: {  	_ =	swait.ge [sflag:s19], $0x4000  }
0x37: {  	s5 =	simm.s32 $0x20;
	s0 =	simm.s32 $0x10;
	[sflag:s19] =	ssyncset.done $0x0  }
.LBB2_6:
0x38: {  	s7 =	sadd.s32 s0, s17  }
0x39: {  	[sflag:s19] =	ssyncadd.s32 $0xFFFFC000;
	s12 =	smov.u32 s5;
	s13 =	sadd.s32 $0x10, s5  }
0x3a: {  	[tilespmem:s21], [sflag:$0x2] =	stream.linear.gather [hbm4b:s7+s3], $0x80, $0x38;
	[tilespmem:$0x18280] =	vst v63  }
0x3b: {  	p3 =	sne.s32 s5, $0x4D0;
	_ =	swait.ge [sflag:s19], $0x80  }
0x3c: {  	[sflag:s19] =	ssyncset.done $0x0  }
0x3d: {  	s5 =	sadd.s32 s0, s16;
	s0 =	smov.u32 s12;
	[sflag:s19] =	ssyncadd.s32 $0xFFFFFF80  }
0x3e: {  	[tilespmem:s22], [sflag:$0x2] =	stream.linear.gather [hbm4b:s5+s3], $0x80, $0x38;
	[tilespmem:$0x18280] =	vst v63  }
0x3f: {  	_ =	swait.ge [sflag:s19], $0x80  }
0x40: {  	[sflag:s19] =	ssyncset.done $0x0  }
0x41: {  	[sflag:s19] =	ssyncadd.s32 $0xFFFFFF80  }
0x42: {  	[tilespmem:s24], [sflag:$0x1] =	stream.indirect.gather [hbm4b:s4+s23], $0x80, s21, s23, $0xb8;
	[tilespmem:$0x18280] =	vst v63  }
0x43: {  	_ =	swait.ge [sflag:s25], $0x4000  }
.Ltmp3:
0x44: {  	[sflag:s25] =	ssyncset.done $0x0;
	(pc) =	sbr.rel @p3 .LBB2_6-.Ltmp3, $4  }
0x45: {  	[sflag:s25] =	ssyncadd.s32 $0xFFFFC000  }
0x46: {  	[spmem:s2] =	stream.indirect.scatter.add.f32 [tilespmem:s24], [sflag:$0x2], $0x80, s22, s23, $0xb8;
	[tilespmem:$0x18280] =	vst v63  }
0x47: {  	_ =	swait.ge [sflag:s19], $0x4000  }
0x48: {  	s5 =	smov.u32 s13;
	[sflag:s19] =	ssyncset.done $0x0  }
0x49: {  	s5 =	sadd.s32 s0, s17;
	[sflag:s19] =	ssyncadd.s32 $0xFFFFC000  }
0x4a: {  	[tilespmem:s21], [sflag:$0x2] =	stream.linear.gather [hbm4b:s5+s3], $0x80, $0x38;
	[tilespmem:$0x18280] =	vst v63  }
0x4b: {  	_ =	swait.ge [sflag:s19], $0x80  }
0x4c: {  	[sflag:s19] =	ssyncset.done $0x0  }
0x4d: {  	s12 =	sadd.s32 s0, s16;
	[sflag:s19] =	ssyncadd.s32 $0xFFFFFF80  }
0x4e: {  	[tilespmem:s22], [sflag:$0x2] =	stream.linear.gather [hbm4b:s12+s3], $0x80, $0x38;
	[tilespmem:$0x18280] =	vst v63  }
0x4f: {  	_ =	swait.ge [sflag:s19], $0x80  }
0x50: {  	[sflag:s19] =	ssyncset.done $0x0  }
0x51: {  	[sflag:s19] =	ssyncadd.s32 $0xFFFFFF80  }
0x52: {  	[tilespmem:s24], [sflag:$0x1] =	stream.indirect.gather [hbm4b:s4+s23], $0x80, s21, s23, $0xb8;
	[tilespmem:$0x18280] =	vst v63  }
0x53: {  	_ =	swait.ge [sflag:s25], $0x4000  }
0x54: {  	[sflag:s25] =	ssyncset.done $0x0  }
0x55: {  	[sflag:s25] =	ssyncadd.s32 $0xFFFFC000  }
0x56: {  	[spmem:s2] =	stream.indirect.scatter.add.f32 [tilespmem:s24], [sflag:$0x2], $0x80, s22, s23, $0xb8;
	[tilespmem:$0x18280] =	vst v63  }
0x57: {  	_ =	swait.ge [sflag:s19], $0x4000  }
0x58: {  	[sflag:s19] =	ssyncset.done $0x0  }
0x59: {  	[sflag:s19] =	ssyncadd.s32 $0xFFFFC000  }
0x5a: {  	[tilespmem:s26], [sflag:$0x2] =	stream.linear.gather [hbm4b:s10+s3], $0x10, $0x38;
	[tilespmem:$0x18280] =	vst v63  }
0x5b: {  	_ =	swait.ge [sflag:s19], $0x10  }
0x5c: {  	[sflag:s19] =	ssyncset.done $0x0  }
0x5d: {  	[sflag:s19] =	ssyncadd.s32 $0xFFFFFFF0  }
0x5e: {  	[tilespmem:s28], [sflag:$0x2] =	stream.linear.gather [hbm4b:s11+s3], $0x10, $0x38;
	[tilespmem:$0x18280] =	vst v63  }
0x5f: {  	_ =	swait.ge [sflag:s19], $0x10  }
0x60: {  	[sflag:s19] =	ssyncset.done $0x0  }
0x61: {  	[sflag:s19] =	ssyncadd.s32 $0xFFFFFFF0  }
0x62: {  	[tilespmem:s30], [sflag:$0x1] =	stream.indirect.gather [hbm4b:s4+s29], $0x80, s26, s29, $0xb8;
	[tilespmem:$0x18280] =	vst v63  }
0x63: {  	_ =	swait.ge [sflag:s25], $0x800  }
0x64: {  	[sflag:s25] =	ssyncset.done $0x0  }
0x65: {  	[sflag:s25] =	ssyncadd.s32 $0xFFFFF800  }
0x66: {  	[spmem:s2] =	stream.indirect.scatter.add.f32 [tilespmem:s30], [sflag:$0x2], $0x80, s28, s29, $0xb8;
	[tilespmem:$0x18280] =	vst v63  }
0x67: {  	_ =	swait.ge [sflag:s19], $0x800  }
0x68: {  	[sflag:s19] =	ssyncset.done $0x0  }
0x69: {  	[sflag:s19] =	ssyncadd.s32 $0xFFFFF800  }
0x6a: {  	[bflag:$0x0] =	sbarrier.arrive $0xFFFF  }
0x6b: {  	s13 =	rddreg [dreg:$0x6]  }
0x6c: {  	[hbm:s13], [sflag:s15] =	dma.local [spmem:s18], $0x2700  }
.Ltmp4:
0x6d: {  	_ = 	snop;
	(pc) =	sbr.rel @p1 .LBB2_9-.Ltmp4, $4  }
.Ltmp5:
0x6e: {  	_ = 	snop;
	(pc) =	sbr.rel @!p1 .LBB2_8-.Ltmp5, $4  }
0x6f: {  	_ =	swait.ge [sflag:s19], $0x2700  }
0x70: {  	[sflag:s19] =	ssyncset.done $0x0  }
0x71: {  	s0 =	smov.u32 s8;
	[sflag:s19] =	ssyncadd.s32 $0xFFFFD900  }
0x72: {  	_ = 	snop  }
.LBB2_2:
0x73: {  	[spmem:s20], [sflag:s15] =	dma.local @!p1 [hbm:s6], $0x100  }
0x74: {  	s0 =	simm.s32 @!p1 $0x2  }
0x75: {  	_ =	swait.ge @!p1 [sflag:s0], $0x100  }
0x76: {  	[sflag:s0] =	ssyncset.done @!p1 $0x0  }
0x77: {  	[sflag:s0] =	ssyncadd.s32 @!p1 $0xFFFFFF00  }
0x78: {  	s12 =	sadd.s32 $0x0, s17;
	[bflag:$0x0] =	sbarrier.arrive $0xFFFF  }
0x79: {  	[tilespmem:s21], [sflag:$0x2] =	stream.linear.gather [hbm4b:s12+s3], $0x80, $0x38;
	[tilespmem:$0x18280] =	vst v63  }
0x7a: {  	_ =	swait.ge [sflag:s19], $0x80  }
0x7b: {  	[sflag:s19] =	ssyncset.done $0x0  }
0x7c: {  	s13 =	sadd.s32 $0x0, s16;
	[sflag:s19] =	ssyncadd.s32 $0xFFFFFF80  }
0x7d: {  	[tilespmem:s22], [sflag:$0x2] =	stream.linear.gather [hbm4b:s13+s3], $0x80, $0x38;
	[tilespmem:$0x18280] =	vst v63  }
0x7e: {  	_ =	swait.ge [sflag:s19], $0x80  }
0x7f: {  	[sflag:s19] =	ssyncset.done $0x0  }
0x80: {  	[sflag:s19] =	ssyncadd.s32 $0xFFFFFF80  }
0x81: {  	[tilespmem:s24], [sflag:$0x1] =	stream.indirect.gather [hbm4b:s1+s23], $0x80, s21, s23, $0xb8;
	[tilespmem:$0x18280] =	vst v63  }
0x82: {  	_ =	swait.ge [sflag:s25], $0x4000  }
0x83: {  	[sflag:s25] =	ssyncset.done $0x0  }
0x84: {  	[sflag:s25] =	ssyncadd.s32 $0xFFFFC000  }
0x85: {  	[spmem:s2] =	stream.indirect.scatter.add.f32 [tilespmem:s24], [sflag:$0x2], $0x80, s22, s23, $0xb8;
	[tilespmem:$0x18280] =	vst v63  }
0x86: {  	_ =	swait.ge [sflag:s19], $0x4000  }
0x87: {  	s5 =	simm.s32 $0x20;
	s0 =	simm.s32 $0x10;
	[sflag:s19] =	ssyncset.done $0x0  }
.LBB2_3:
0x88: {  	s12 =	sadd.s32 s0, s17  }
0x89: {  	[sflag:s19] =	ssyncadd.s32 $0xFFFFC000;
	s13 =	smov.u32 s5;
	s7 =	sadd.s32 $0x10, s5  }
0x8a: {  	[tilespmem:s21], [sflag:$0x2] =	stream.linear.gather [hbm4b:s12+s3], $0x80, $0x38;
	[tilespmem:$0x18280] =	vst v63  }
0x8b: {  	p3 =	sne.s32 s5, $0x4D0;
	_ =	swait.ge [sflag:s19], $0x80  }
0x8c: {  	[sflag:s19] =	ssyncset.done $0x0  }
0x8d: {  	s5 =	sadd.s32 s0, s16;
	s0 =	smov.u32 s13;
	[sflag:s19] =	ssyncadd.s32 $0xFFFFFF80  }
0x8e: {  	[tilespmem:s22], [sflag:$0x2] =	stream.linear.gather [hbm4b:s5+s3], $0x80, $0x38;
	[tilespmem:$0x18280] =	vst v63  }
0x8f: {  	_ =	swait.ge [sflag:s19], $0x80  }
0x90: {  	[sflag:s19] =	ssyncset.done $0x0  }
0x91: {  	[sflag:s19] =	ssyncadd.s32 $0xFFFFFF80  }
0x92: {  	[tilespmem:s24], [sflag:$0x1] =	stream.indirect.gather [hbm4b:s1+s23], $0x80, s21, s23, $0xb8;
	[tilespmem:$0x18280] =	vst v63  }
0x93: {  	_ =	swait.ge [sflag:s25], $0x4000  }
.Ltmp6:
0x94: {  	[sflag:s25] =	ssyncset.done $0x0;
	(pc) =	sbr.rel @p3 .LBB2_3-.Ltmp6, $4  }
0x95: {  	[sflag:s25] =	ssyncadd.s32 $0xFFFFC000  }
0x96: {  	[spmem:s2] =	stream.indirect.scatter.add.f32 [tilespmem:s24], [sflag:$0x2], $0x80, s22, s23, $0xb8;
	[tilespmem:$0x18280] =	vst v63  }
0x97: {  	_ =	swait.ge [sflag:s19], $0x4000  }
0x98: {  	s5 =	smov.u32 s7;
	[sflag:s19] =	ssyncset.done $0x0  }
0x99: {  	s5 =	sadd.s32 s0, s17;
	[sflag:s19] =	ssyncadd.s32 $0xFFFFC000  }
0x9a: {  	[tilespmem:s21], [sflag:$0x2] =	stream.linear.gather [hbm4b:s5+s3], $0x80, $0x38;
	[tilespmem:$0x18280] =	vst v63  }
0x9b: {  	_ =	swait.ge [sflag:s19], $0x80  }
0x9c: {  	[sflag:s19] =	ssyncset.done $0x0  }
0x9d: {  	s12 =	sadd.s32 s0, s16;
	[sflag:s19] =	ssyncadd.s32 $0xFFFFFF80  }
0x9e: {  	[tilespmem:s22], [sflag:$0x2] =	stream.linear.gather [hbm4b:s12+s3], $0x80, $0x38;
	[tilespmem:$0x18280] =	vst v63  }
0x9f: {  	_ =	swait.ge [sflag:s19], $0x80  }
0xa0: {  	[sflag:s19] =	ssyncset.done $0x0  }
0xa1: {  	[sflag:s19] =	ssyncadd.s32 $0xFFFFFF80  }
0xa2: {  	[tilespmem:s24], [sflag:$0x1] =	stream.indirect.gather [hbm4b:s1+s23], $0x80, s21, s23, $0xb8;
	[tilespmem:$0x18280] =	vst v63  }
0xa3: {  	_ =	swait.ge [sflag:s25], $0x4000  }
0xa4: {  	[sflag:s25] =	ssyncset.done $0x0  }
0xa5: {  	[sflag:s25] =	ssyncadd.s32 $0xFFFFC000  }
0xa6: {  	[spmem:s2] =	stream.indirect.scatter.add.f32 [tilespmem:s24], [sflag:$0x2], $0x80, s22, s23, $0xb8;
	[tilespmem:$0x18280] =	vst v63  }
0xa7: {  	_ =	swait.ge [sflag:s19], $0x4000  }
0xa8: {  	[sflag:s19] =	ssyncset.done $0x0  }
0xa9: {  	[sflag:s19] =	ssyncadd.s32 $0xFFFFC000  }
0xaa: {  	[tilespmem:s26], [sflag:$0x2] =	stream.linear.gather [hbm4b:s10+s3], $0x10, $0x38;
	[tilespmem:$0x18280] =	vst v63  }
0xab: {  	_ =	swait.ge [sflag:s19], $0x10  }
0xac: {  	[sflag:s19] =	ssyncset.done $0x0  }
0xad: {  	[sflag:s19] =	ssyncadd.s32 $0xFFFFFFF0  }
0xae: {  	[tilespmem:s28], [sflag:$0x2] =	stream.linear.gather [hbm4b:s11+s3], $0x10, $0x38;
	[tilespmem:$0x18280] =	vst v63  }
0xaf: {  	_ =	swait.ge [sflag:s19], $0x10  }
0xb0: {  	[sflag:s19] =	ssyncset.done $0x0  }
0xb1: {  	[sflag:s19] =	ssyncadd.s32 $0xFFFFFFF0  }
0xb2: {  	[tilespmem:s30], [sflag:$0x1] =	stream.indirect.gather [hbm4b:s1+s29], $0x80, s26, s29, $0xb8;
	[tilespmem:$0x18280] =	vst v63  }
0xb3: {  	_ =	swait.ge [sflag:s25], $0x800  }
0xb4: {  	[sflag:s25] =	ssyncset.done $0x0  }
0xb5: {  	[sflag:s25] =	ssyncadd.s32 $0xFFFFF800  }
0xb6: {  	[spmem:s2] =	stream.indirect.scatter.add.f32 [tilespmem:s30], [sflag:$0x2], $0x80, s28, s29, $0xb8;
	[tilespmem:$0x18280] =	vst v63  }
0xb7: {  	_ =	swait.ge [sflag:s19], $0x800  }
0xb8: {  	[sflag:s19] =	ssyncset.done $0x0  }
0xb9: {  	[sflag:s19] =	ssyncadd.s32 $0xFFFFF800  }
0xba: {  	[bflag:$0x0] =	sbarrier.arrive $0xFFFF  }
0xbb: {  	s13 =	rddreg [dreg:$0x5]  }
0xbc: {  	[hbm:s13], [sflag:s15] =	dma.local [spmem:s18], $0x2700  }
.Ltmp7:
0xbd: {  	_ = 	snop;
	(pc) =	sbr.rel @p2 .LBB2_8-.Ltmp7, $4  }
.Ltmp8:
0xbe: {  	_ = 	snop;
	(pc) =	sbr.rel @!p2 .LBB2_9-.Ltmp8, $4  }
0xbf: {  	_ =	swait.ge [sflag:s19], $0x2700  }
0xc0: {  	[sflag:s19] =	ssyncset.done $0x0  }
0xc1: {  	s0 =	rddreg [dreg:$0x4];
	[sflag:s19] =	ssyncadd.s32 $0xFFFFD900  }
0xc2: {  	_ = 	snop  }
.LBB2_10:
0xc3: {  	_ =	sfence.sel $0x180000  }
0xc4: {  	[bflag:$0x0] =	sbarrier.arrive $0xFFFF  }
0xc5: {  	_ =	strace $0x9000004D  }
0xc6: {  	s0 =	stileid.u32;
	[bflag:$0x2] =	sbarrier.arrive $0xFFFF  }
0xc7: {  	p0 =	sne.s32 s0, $0x0;
	s0 =	rddreg [dreg:$0x3]  }
0xc8: {  	s0 =	sadd.s32 @!p0 $0x100000, s0  }
0xc9: {  	[sflag:s0] =	ssyncadd.tile.s32 @!p0 $0x1;
	_ =	shalt  }
.Lfunc_end2:
_tile_overlayer_lowered:
.L_overlay_start_2:
0xca: {  	(tag) =	ssettag $0x2  }
0xcb: {  	s0 =	rddreg [dreg:$0x0];
	s2 =	stileid.u32  }
0xcc: {  	s1 =	rddreg [dreg:$0x1];
	p0 =	sne.s32 s2, $0x0  }
0xcd: {  	s3 =	rddreg [dreg:$0x2];
	[bflag:$0x3] =	sbarrier.arrive $0xFFFF;
	s2 =	simm.s32 @!p0 $0x1C02  }
0xce: {  	[timem:s3], [sflag:s2] =	dma.local @!p0 [hbm:s0], s1  }
0xcf: {  	s0 =	simm.s32 @!p0 $0x2  }
0xd0: {  	_ =	swait.ge @!p0 [sflag:s0], s1  }
0xd1: {  	s1 =	ssub.s32 @!p0 $0x0, s1;
	[sflag:s0] =	ssyncset.done @!p0 $0x0  }
0xd2: {  	[sflag:s0] =	ssyncadd.s32 @!p0 s1  }
0xd3: {  	[bflag:$0x3] =	sbarrier.arrive $0xFFFF  }
0xd4: {  	_ =	shalt  }

// kernel: sc_spmm.13.cloned.1.call-start
scs
__scs_entry_jumppad:
0x0: {  	(pc) =	sbr.rel $0x88, $3  }
0x1: {  	(tag) =	ssettag $0x0;
	lr =	simm.s32 $0x1  }
0x2: {  	[smem:$0x3F71] =	sst lr;
	_ =	strace $0xD0000000  }
0x3: {  	_ = 	snop  }
0x4: {  	_ = 	snop  }
0x5: {  	_ = 	snop  }
0x6: {  	_ = 	snop  }
0x7: {  	_ = 	snop  }
__scs_overlays_trampoline_lowered:
0x8: {  	[smem:$0x3F80] =	sst s0  }
0x9: {  	[smem:$0x3F81] =	sst s1  }
0xa: {  	[smem:$0x3F82] =	sst s2  }
0xb: {  	[smem:$0x3F83] =	sst s3  }
0xc: {  	[smem:$0x3F84] =	sst s4  }
0xd: {  	[smem:$0x3F85] =	sst s5  }
0xe: {  	[smem:$0x3F86] =	sst s6  }
0xf: {  	[smem:$0x3F87] =	sst s7  }
0x10: {  	[smem:$0x3F88] =	sst s8  }
0x11: {  	[smem:$0x3F89] =	sst s9;
	s0 =	simm.s32 @!p0 $0x0  }
0x12: {  	s1 =	sld [smem:$0x3F6F];
	s0 =	simm.s32 @p0 $0x1  }
0x13: {  	[smem:$0x3F8A] =	sst s0;
	s0 =	simm.s32 @!p1 $0x0  }
0x14: {  	s2 =	sld [smem:$0x3F6E];
	s0 =	simm.s32 @p1 $0x1  }
0x15: {  	[smem:$0x3F8B] =	sst s0;
	s0 =	simm.s32 @!p2 $0x0  }
0x16: {  	s3 =	sld [smem:$0x3FDB];
	s0 =	simm.s32 @p2 $0x1  }
0x17: {  	s4 =	simm.s32 $0x1BF5;
	[smem:$0x3F8D] =	sst s0  }
0x18: {  	s0 =	sld [smem:$0x3F70];
	_ =	swait.ge [sflag:s4], $0x0  }
0x19: {  	s7 =	sld [smem:$0x3F71]  }
0x1a: {  	s8 =	sadd.s32 $0xFFFFE003, lr  }
0x1b: {  	s9 =	sadd.s32 $0xFFFFFEF7, lr;
	s5 =	simm.s32 $0xFFFFFFFF;
	p2 =	slt.u32 s8, $0xFFFFF086  }
0x1c: {  	p1 =	slt.u32 s9, $0xF7A;
	s5 =	simm.s32 @!p2 $0x0  }
0x1d: {  	s5 =	simm.s32 @p1 $0x1;
	p0 =	seq.s32 s7, s2  }
0x1e: {  	s7 =	smul.u32 @!p0 $0xF7A, s2;
	p2 =	seq.s32 @!p0 s5, $0x0  }
0x1f: {  	s9 =	smul.u32 $0xF7A, s1;
	s8 =	simm.s32 @!p0 $0x1BF5;
	p2 =	por !p2, p0  }
0x20: {  	[sflag:s8] =	ssyncset.s32 @!p0 $0xFFFFF086;
	s6 =	sadd.s32 @!p0 s3, s7;
	s7 =	simm.s32 @!p0 $0x108  }
0x21: {  	s3 =	sadd.s32 s3, s9;
	s6 =	sadd.s32 @!p0 $0x88, s6;
	s7 =	simm.s32 @p2 $0x1082  }
0x22: {  	[simem:s7], [sflag:s8] =	dma.local @!p0 [hbm:s6], $0xF7A  }
0x23: {  	s9 =	sor.u32 $0xD0000000, s2;
	s6 =	simm.s32 $0x108;
	_ =	swait.ge @!p0 [sflag:s8], $0x0  }
0x24: {  	s3 =	sadd.s32 $0x88, s3;
	s6 =	simm.s32 @!p1 $0x1082;
	[sflag:s4] =	ssyncset.s32 $0xFFFFF086  }
0x25: {  	[simem:s6], [sflag:s4] =	dma.local [hbm:s3], $0xF7A  }
0x26: {  	[smem:$0x3F71] =	sst s1;
	(tag) =	ssettag s2;
	_ =	strace s9  }
0x27: {  	s1 =	sld [smem:$0x3F81]  }
0x28: {  	s2 =	sld [smem:$0x3F82]  }
0x29: {  	s4 =	sld [smem:$0x3F84]  }
0x2a: {  	p0 =	seq.s32 s5, $0x0;
	s5 =	sld [smem:$0x3F85]  }
0x2b: {  	s6 =	sld [smem:$0x3F86]  }
0x2c: {  	s7 =	sld [smem:$0x3F87]  }
0x2d: {  	s3 =	simm.s32 $0x108;
	s8 =	sld [smem:$0x3F88]  }
0x2e: {  	s3 =	simm.s32 @!p0 $0x1082;
	s9 =	sld [smem:$0x3F89]  }
0x2f: {  	lr =	sadd.s32 s0, s3;
	s0 =	sld [smem:$0x3F80]  }
0x30: {  	s3 =	sld [smem:$0x3F83]  }
0x31: {  	[smem:$0x3F8C] =	sst s10  }
0x32: {  	s10 =	sld [smem:$0x3F8A];
	_ =	sdelay $0x3  }
0x33: {  	p0 =	seq.s32 s10, $0x1;
	s10 =	sld [smem:$0x3F8C];
	_ =	sdelay $0x3  }
0x34: {  	[smem:$0x3F8C] =	sst s10  }
0x35: {  	s10 =	sld [smem:$0x3F8B];
	_ =	sdelay $0x3  }
0x36: {  	p1 =	seq.s32 s10, $0x1;
	s10 =	sld [smem:$0x3F8C];
	_ =	sdelay $0x3  }
0x37: {  	[smem:$0x3F8C] =	sst s10  }
0x38: {  	s10 =	sld [smem:$0x3F8D]  }
0x39: {  	_ = 	snop;
	(pc) =	sbr.ind lr, $3  }
0x3a: {  	_ = 	snop  }
0x3b: {  	_ = 	snop  }
0x3c: {  	p2 =	seq.s32 s10, $0x1;
	s10 =	sld [smem:$0x3F8C]  }
0x3d: {  	_ =	shalt  }
0x3e: {  	_ =	shalt  }
0x3f: {  	_ =	shalt  }
0x40: {  	_ =	shalt  }
0x41: {  	_ =	shalt  }
0x42: {  	_ =	shalt  }
0x43: {  	_ =	shalt  }
0x44: {  	_ =	shalt  }
0x45: {  	_ =	shalt  }
0x46: {  	_ =	shalt  }
0x47: {  	_ =	shalt  }
0x48: {  	_ =	shalt  }
0x49: {  	_ =	shalt  }
0x4a: {  	_ =	shalt  }
0x4b: {  	_ =	shalt  }
0x4c: {  	_ =	shalt  }
0x4d: {  	_ =	shalt  }
0x4e: {  	_ =	shalt  }
0x4f: {  	_ =	shalt  }
0x50: {  	_ =	shalt  }
0x51: {  	_ =	shalt  }
0x52: {  	_ =	shalt  }
0x53: {  	_ =	shalt  }
0x54: {  	_ =	shalt  }
0x55: {  	_ =	shalt  }
0x56: {  	_ =	shalt  }
0x57: {  	_ =	shalt  }
0x58: {  	_ =	shalt  }
0x59: {  	_ =	shalt  }
0x5a: {  	_ =	shalt  }
0x5b: {  	_ =	shalt  }
0x5c: {  	_ =	shalt  }
0x5d: {  	_ =	shalt  }
0x5e: {  	_ =	shalt  }
0x5f: {  	_ =	shalt  }
0x60: {  	_ =	shalt  }
0x61: {  	_ =	shalt  }
0x62: {  	_ =	shalt  }
0x63: {  	_ =	shalt  }
0x64: {  	_ =	shalt  }
0x65: {  	_ =	shalt  }
0x66: {  	_ =	shalt  }
0x67: {  	_ =	shalt  }
0x68: {  	_ =	shalt  }
0x69: {  	_ =	shalt  }
0x6a: {  	_ =	shalt  }
0x6b: {  	_ =	shalt  }
0x6c: {  	_ =	shalt  }
0x6d: {  	_ =	shalt  }
0x6e: {  	_ =	shalt  }
0x6f: {  	_ =	shalt  }
0x70: {  	_ =	shalt  }
0x71: {  	_ =	shalt  }
0x72: {  	_ =	shalt  }
0x73: {  	_ =	shalt  }
0x74: {  	_ =	shalt  }
0x75: {  	_ =	shalt  }
0x76: {  	_ =	shalt  }
0x77: {  	_ =	shalt  }
0x78: {  	_ =	shalt  }
0x79: {  	_ =	shalt  }
0x7a: {  	_ =	shalt  }
0x7b: {  	_ =	shalt  }
0x7c: {  	_ =	shalt  }
0x7d: {  	_ =	shalt  }
0x7e: {  	_ =	shalt  }
0x7f: {  	_ =	shalt  }
0x80: {  	_ =	shalt  }
0x81: {  	_ =	shalt  }
0x82: {  	_ =	shalt  }
0x83: {  	_ =	shalt  }
0x84: {  	_ =	shalt  }
0x85: {  	_ =	shalt  }
0x86: {  	_ =	shalt  }
0x87: {  	_ =	shalt  }
.Lfunc_end0:
.L_simem_size_0:
called_computation.3_lowered:
.L_overlay_start_0:
0x88: {  	s2 =	sld [smem:$0x3FD9]  }
0x89: {  	s3 =	sld [smem:$0x3FFE];
	_ =	sdelay $0x1  }
0x8a: {  	s1 =	srdreg.scid  }
0x8b: {  	s0 =	sand.u32 $0x1, s1  }
0x8c: {  	s14 =	sshll.u32 s0, $0xA;
	s2 =	sadd.s32 s3, s2  }
0x8d: {  	s2 =	sadd.s32 s2, s14  }
0x8e: {  	[smem:$0x3F98] =	sst s2  }
0x8f: {  	_ = 	snop  }
0x90: {  	s2 =	sld [smem:$0x3FD0];
	_ =	sdelay $0x2  }
0x91: {  	s15 =	simm.s32 $0xB;
	s4 =	simm.s32 $0x10  }
0x92: {  	[smem:s4], [sflag:s15] =	dma.local [hbm:s2], $0x1  }
0x93: {  	_ =	swait.eq [sflag:s15], $0x1  }
0x94: {  	[sflag:s15] =	ssyncset.done $0x0  }
0x95: {  	[sflag:s15] =	ssyncadd.s32 $0xFFFFFFFF  }
0x96: {  	s16 =	sld [smem:$0x11];
	(tm) =	ssettm $0x1  }
0x97: {  	s17 =	sld [smem:$0x3FFB];
	_ =	sdelay $0x3  }
0x98: {  	_ =	strace s17  }
0x99: {  	s3 =	sld [smem:$0x3FFC];
	_ =	sdelay $0x3  }
0x9a: {  	_ =	strace s3  }
0x9b: {  	s3 =	sld [smem:$0x3FFD];
	_ =	sdelay $0x3  }
0x9c: {  	_ =	strace s3  }
0x9d: {  	_ =	strace $0x8FFFFFFF  }
0x9e: {  	s18 =	sld [smem:$0x3FDB];
	_ =	sdelay $0x1  }
0x9f: {  	s19 =	simm.s32 $_scs_section_size  }
0xa0: {  	s5 =	simm.s32 $_size__tile_overlayer_lowered;
	s6 =	simm.s32 $_tile_overlayer_lowered  }
0xa1: {  	s22 =	simm.s32 $0x1BFF;
	s21 =	sshll.u32 s6, $0x1;
	s3 =	sadd.s32 s19, s18  }
0xa2: {  	s7 =	simm.s32 $0x0;
	s20 =	sshll.u32 s5, $0x1;
	s5 =	sadd.s32 s21, s3  }
0xa3: {  	[timem:s7], [sflag:s22] =	dma.local [hbm:s5], s20  }
0xa4: {  	_ =	swait.ge [sflag:s22], s20  }
0xa5: {  	s4 =	ssub.s32 $0x0, s20;
	[sflag:s22] =	ssyncset.done $0x0  }
0xa6: {  	[sflag:s22] =	ssyncadd.s32 s4;
	_ =	sdelay $0x1  }
0xa7: {  	s23 =	simm.s32 $0x1B8B  }
0xa8: {  	_ =	swait.ge [sflag:s23], $0x1  }
0xa9: {  	[sflag:s23] =	ssyncset.done $0x0  }
0xaa: {  	s25 =	simm.s32 $0x1B8E;
	s24 =	sld [smem:$0x3FFE];
	[sflag:s23] =	ssyncadd.s32 $0xFFFFFFFF  }
0xab: {  	s26 =	simm.s32 $execute0_lowered;
	[smem:$0x3FD2] =	sst s25  }
0xac: {  	s5 =	sshll.u32 s26, $0x1;
	_ =	strace $0x8000004F;
	[dreg:$0x1] =	wrdreg $0xFFFFFFFF  }
0xad: {  	s28 =	simm.s32 $_size_execute0_lowered;
	s3 =	sadd.s32 s3, s5;
	[dreg:$0x0] =	wrdreg $0x0  }
0xae: {  	s5 =	sshll.u32 s28, $0x1;
	[dreg:$0x2] =	wrdreg s3  }
0xaf: {  	[dreg:$0x3] =	wrdreg s5  }
0xb0: {  	[dreg:$0x4] =	wrdreg $0xC0  }
0xb1: {  	_ =	task [dreg:s7], $0x5FFFF  }
0xb2: {  	[dreg:$0x1] =	wrdreg $0xFFFFFFFF  }
0xb3: {  	[dreg:$0x0] =	wrdreg $0x60  }
0xb4: {  	[dreg:$0x2] =	wrdreg s16  }
0xb5: {  	[dreg:$0x3] =	wrdreg s24  }
0xb6: {  	[dreg:$0x4] =	wrdreg $0x0  }
0xb7: {  	[dreg:$0x5] =	wrdreg $0x9  }
0xb8: {  	_ =	task.clear_ibuf [dreg:s7], $0x6FFFF;
	_ =	strace $0x9000004F  }
0xb9: {  	s29 =	simm.s32 $0x9;
	_ =	strace $0x80000051  }
0xba: {  	_ =	swait.ge [sflag:s29], $0x1  }
0xbb: {  	[sflag:s29] =	ssyncadd.s32 $0xFFFFFFFF  }
0xbc: {  	_ =	strace $0x90000051  }
0xbd: {  	_ =	sfence  }
0xbe: {  	s30 =	sld [smem:$0x0];
	_ =	sdelay $0x2  }
0xbf: {  	s31 =	sshll.u32 s1, $0xD;
	s1 =	sshrl.u32 s1, $0x2  }
0xc0: {  	s3 =	sand.u32 $0x4000, s31;
	s1 =	sadd.s32 s1, s30  }
0xc1: {  	s0 =	sor.u32 s3, s0;
	s1 =	sshll.u32 s1, $0x11  }
0xc2: {  	s0 =	sor.u32 s1, s0  }
0xc3: {  	s0 =	sadd.s32 $0x8F2B, s0  }
0xc4: {  	[sflag:s0] =	ssyncadd.remote.s32 $0x1  }
0xc5: {  	_ =	sfence.sel $0xFFFF  }
0xc6: {  	[dreg:$0x0] =	wrdreg $0xFFFFFFFF;
	(pc) =	sbr.abs _section_cstart, $3  }
0xc7: {  	[dreg:$0x1] =	wrdreg $0xFFFFFFFF  }
0xc8: {  	_ =	task.clear_ibuf [dreg:s7], $0x2FFFF;
	_ =	strace $0x9FFFFFFF  }
0xc9: {  	(tm) =	ssettm $0x7FFFFFFF  }
tec
execute0_lowered:
.L_overlay_start_1:
0x0: {  	(tag) =	ssettag $0x1  }
0x1: {  	s1 =	rddreg [dreg:$0x0]  }
0x2: {  	s0 =	rddreg [dreg:$0x1]  }
0x3: {  	s2 =	rddreg [dreg:$0x2];
	s3 =	simm.s32 $0x0;
	s7 =	srdreg.scid  }
0x4: {  	s26 =	stileid.u32;
	s19 =	simm.s32 $0x2;
	s28 =	simm.s32 $0x17A00  }
0x5: {  	s29 =	simm.s32 $0x10;
	s30 =	simm.s32 $0x17A80;
	s31 =	simm.s32 $0x0  }
0x6: {  	[smem:$0x7FF] =	sst s3;
	s4 =	sadd.s32 $0x1A000, s0;
	s11 =	smul.u32 $0x2710, s26  }
0x7: {  	s5 =	sadd.s32 $0x15000, s0;
	s16 =	sadd.s32 $0x10000, s0;
	s12 =	smul.u32 $0x4E000, s26  }
0x8: {  	s6 =	sadd.s32 $0x41200, s0;
	s9 =	sand.u32 $0x1, s7;
	s13 =	smul.u32 $0x2700, s26  }
0x9: {  	s20 =	sadd.s32 $0x43A00, s0;
	s8 =	sadd.s32 $0x6AC00, s0;
	s17 =	smul.u32 $0x4E2, s26  }
0xa: {  	s25 =	sshll.u32 s26, $0x6;
	p1 =	sne.s32 s26, $0xF;
	p2 =	seq.s32 s26, $0xF  }
0xb: {  	s26 =	simm.s32 $0x17980;
	_ =	strace $0x80000050;
	s10 =	ssub.s32 $0x2, s9  }
0xc: {  	p0 =	seq.s32 s9, $0x1;
	s9 =	sadd.s32 $0x138000, s2;
	[dreg:$0x4] =	wrdreg s20  }
0xd: {  	s15 =	sor.u32 $0x1C02, s25;
	s25 =	simm.s32 $0x1;
	s21 =	sshrl.u32 s10, $0x1  }
0xe: {  	s22 =	sshrl.u32 s11, $0x3;
	s23 =	sshrl.u32 s12, $0x2;
	s7 =	sadd.s32 s20, s13  }
0xf: {  	s24 =	sadd.s32 s8, s13;
	s20 =	sshrl.u32 @!p1 s9, $0x3;
	s0 =	ssub.s32 s10, s21  }
.Ltmp0:
0x10: {  	s11 =	sadd.s32 $0x4E0, s22;
	[dreg:$0x5] =	wrdreg s7;
	(pc) =	sbr.rel .LBB2_1-.Ltmp0, $4  }
0x11: {  	s18 =	sadd.s32 s23, s2;
	[dreg:$0x6] =	wrdreg s24;
	s21 =	simm.s32 $0x13880  }
0x12: {  	s22 =	simm.s32 $0x13900;
	s23 =	simm.s32 $0x80;
	s24 =	simm.s32 $0x13980  }
0x13: {  	s10 =	sadd.s32 s5, s11;
	s11 =	sadd.s32 s16, s11;
	s14 =	smax.u32 s0, $0x1  }
0x14: {  	s16 =	sadd.s32 s17, s16;
	s17 =	sadd.s32 s17, s5;
	s18 =	sshrl.u32 s18, $0x3  }
.LBB2_8:
0x15: {  	s0 =	sadd.s32 $0x27000, s0;
	s5 =	sshrl.u32 s9, $0x3  }
0x16: {  	[hbm:s0], [sflag:s15] =	dma.local [spmem:s5], $0x100  }
0x17: {  	_ =	swait.ge [sflag:s19], $0x100  }
0x18: {  	[sflag:s19] =	ssyncset.done $0x0  }
0x19: {  	[sflag:s19] =	ssyncadd.s32 $0xFFFFFF00  }
.LBB2_9:
0x1a: {  	s31 =	sadd.s32 $0x1, s31  }
0x1b: {  	p3 =	sne.s32 s31, s14  }
.Ltmp1:
0x1c: {  	_ = 	snop;
	(pc) =	sbr.rel @!p3 .LBB2_10-.Ltmp1, $1  }
0x1d: {  	_ =	sdelay $0x3  }
.LBB2_1:
.Ltmp2:
0x1e: {  	(pc) =	sbr.rel @!p0 .LBB2_2-.Ltmp2, $4  }
0x1f: {  	[spmem:s18], [sflag:s15] =	dma.local [hbm:s6], $0x2700  }
0x20: {  	_ =	swait.ge [sflag:s19], $0x2700  }
0x21: {  	[sflag:s19] =	ssyncset.done $0x0  }
0x22: {  	[sflag:s19] =	ssyncadd.s32 $0xFFFFD900  }
0x23: {  	[spmem:s20], [sflag:s15] =	dma.local @!p1 [hbm:s6], $0x100  }
0x24: {  	s0 =	simm.s32 @!p1 $0x2  }
0x25: {  	_ =	swait.ge @!p1 [sflag:s0], $0x100  }
0x26: {  	[sflag:s0] =	ssyncset.done @!p1 $0x0  }
0x27: {  	[sflag:s0] =	ssyncadd.s32 @!p1 $0xFFFFFF00  }
0x28: {  	s12 =	sadd.s32 $0x0, s17;
	[bflag:$0x0] =	sbarrier.arrive $0xFFFF  }
0x29: {  	[tilespmem:s21], [sflag:$0x2] =	stream.linear.gather [hbm4b:s12+s3], $0x80, $0x38;
	[tilespmem:$0x18280] =	vst v63  }
0x2a: {  	_ =	swait.ge [sflag:s19], $0x80  }
0x2b: {  	[sflag:s19] =	ssyncset.done $0x0  }
0x2c: {  	s13 =	sadd.s32 $0x0, s16;
	[sflag:s19] =	ssyncadd.s32 $0xFFFFFF80  }
0x2d: {  	[tilespmem:s22], [sflag:$0x2] =	stream.linear.gather [hbm4b:s13+s3], $0x80, $0x38;
	[tilespmem:$0x18280] =	vst v63  }
0x2e: {  	_ =	swait.ge [sflag:s19], $0x80  }
0x2f: {  	[sflag:s19] =	ssyncset.done $0x0  }
0x30: {  	[sflag:s19] =	ssyncadd.s32 $0xFFFFFF80  }
0x31: {  	[tilespmem:s24], [sflag:$0x1] =	stream.indirect.gather [hbm4b:s4+s23], $0x80, s21, s23, $0xb8;
	[tilespmem:$0x18280] =	vst v63  }
0x32: {  	_ =	swait.ge [sflag:s25], $0x4000  }
0x33: {  	[sflag:s25] =	ssyncset.done $0x0  }
0x34: {  	[sflag:s25] =	ssyncadd.s32 $0xFFFFC000  }
0x35: {  	[spmem:s2] =	stream.indirect.scatter.add.f32 [tilespmem:s24], [sflag:$0x2], $0x80, s22, s23, $0xb8;
	[tilespmem:$0x18280] =	vst v63  }
0x36: {  	_ =	swait.ge [sflag:s19], $0x4000  }
0x37: {  	s5 =	simm.s32 $0x20;
	s0 =	simm.s32 $0x10;
	[sflag:s19] =	ssyncset.done $0x0  }
.LBB2_6:
0x38: {  	s7 =	sadd.s32 s0, s17  }
0x39: {  	[sflag:s19] =	ssyncadd.s32 $0xFFFFC000;
	s12 =	smov.u32 s5;
	s13 =	sadd.s32 $0x10, s5  }
0x3a: {  	[tilespmem:s21], [sflag:$0x2] =	stream.linear.gather [hbm4b:s7+s3], $0x80, $0x38;
	[tilespmem:$0x18280] =	vst v63  }
0x3b: {  	p3 =	sne.s32 s5, $0x4D0;
	_ =	swait.ge [sflag:s19], $0x80  }
0x3c: {  	[sflag:s19] =	ssyncset.done $0x0  }
0x3d: {  	s5 =	sadd.s32 s0, s16;
	s0 =	smov.u32 s12;
	[sflag:s19] =	ssyncadd.s32 $0xFFFFFF80  }
0x3e: {  	[tilespmem:s22], [sflag:$0x2] =	stream.linear.gather [hbm4b:s5+s3], $0x80, $0x38;
	[tilespmem:$0x18280] =	vst v63  }
0x3f: {  	_ =	swait.ge [sflag:s19], $0x80  }
0x40: {  	[sflag:s19] =	ssyncset.done $0x0  }
0x41: {  	[sflag:s19] =	ssyncadd.s32 $0xFFFFFF80  }
0x42: {  	[tilespmem:s24], [sflag:$0x1] =	stream.indirect.gather [hbm4b:s4+s23], $0x80, s21, s23, $0xb8;
	[tilespmem:$0x18280] =	vst v63  }
0x43: {  	_ =	swait.ge [sflag:s25], $0x4000  }
.Ltmp3:
0x44: {  	[sflag:s25] =	ssyncset.done $0x0;
	(pc) =	sbr.rel @p3 .LBB2_6-.Ltmp3, $4  }
0x45: {  	[sflag:s25] =	ssyncadd.s32 $0xFFFFC000  }
0x46: {  	[spmem:s2] =	stream.indirect.scatter.add.f32 [tilespmem:s24], [sflag:$0x2], $0x80, s22, s23, $0xb8;
	[tilespmem:$0x18280] =	vst v63  }
0x47: {  	_ =	swait.ge [sflag:s19], $0x4000  }
0x48: {  	s5 =	smov.u32 s13;
	[sflag:s19] =	ssyncset.done $0x0  }
0x49: {  	s5 =	sadd.s32 s0, s17;
	[sflag:s19] =	ssyncadd.s32 $0xFFFFC000  }
0x4a: {  	[tilespmem:s21], [sflag:$0x2] =	stream.linear.gather [hbm4b:s5+s3], $0x80, $0x38;
	[tilespmem:$0x18280] =	vst v63  }
0x4b: {  	_ =	swait.ge [sflag:s19], $0x80  }
0x4c: {  	[sflag:s19] =	ssyncset.done $0x0  }
0x4d: {  	s12 =	sadd.s32 s0, s16;
	[sflag:s19] =	ssyncadd.s32 $0xFFFFFF80  }
0x4e: {  	[tilespmem:s22], [sflag:$0x2] =	stream.linear.gather [hbm4b:s12+s3], $0x80, $0x38;
	[tilespmem:$0x18280] =	vst v63  }
0x4f: {  	_ =	swait.ge [sflag:s19], $0x80  }
0x50: {  	[sflag:s19] =	ssyncset.done $0x0  }
0x51: {  	[sflag:s19] =	ssyncadd.s32 $0xFFFFFF80  }
0x52: {  	[tilespmem:s24], [sflag:$0x1] =	stream.indirect.gather [hbm4b:s4+s23], $0x80, s21, s23, $0xb8;
	[tilespmem:$0x18280] =	vst v63  }
0x53: {  	_ =	swait.ge [sflag:s25], $0x4000  }
0x54: {  	[sflag:s25] =	ssyncset.done $0x0  }
0x55: {  	[sflag:s25] =	ssyncadd.s32 $0xFFFFC000  }
0x56: {  	[spmem:s2] =	stream.indirect.scatter.add.f32 [tilespmem:s24], [sflag:$0x2], $0x80, s22, s23, $0xb8;
	[tilespmem:$0x18280] =	vst v63  }
0x57: {  	_ =	swait.ge [sflag:s19], $0x4000  }
0x58: {  	[sflag:s19] =	ssyncset.done $0x0  }
0x59: {  	[sflag:s19] =	ssyncadd.s32 $0xFFFFC000  }
0x5a: {  	[tilespmem:s26], [sflag:$0x2] =	stream.linear.gather [hbm4b:s10+s3], $0x10, $0x38;
	[tilespmem:$0x18280] =	vst v63  }
0x5b: {  	_ =	swait.ge [sflag:s19], $0x10  }
0x5c: {  	[sflag:s19] =	ssyncset.done $0x0  }
0x5d: {  	[sflag:s19] =	ssyncadd.s32 $0xFFFFFFF0  }
0x5e: {  	[tilespmem:s28], [sflag:$0x2] =	stream.linear.gather [hbm4b:s11+s3], $0x10, $0x38;
	[tilespmem:$0x18280] =	vst v63  }
0x5f: {  	_ =	swait.ge [sflag:s19], $0x10  }
0x60: {  	[sflag:s19] =	ssyncset.done $0x0  }
0x61: {  	[sflag:s19] =	ssyncadd.s32 $0xFFFFFFF0  }
0x62: {  	[tilespmem:s30], [sflag:$0x1] =	stream.indirect.gather [hbm4b:s4+s29], $0x80, s26, s29, $0xb8;
	[tilespmem:$0x18280] =	vst v63  }
0x63: {  	_ =	swait.ge [sflag:s25], $0x800  }
0x64: {  	[sflag:s25] =	ssyncset.done $0x0  }
0x65: {  	[sflag:s25] =	ssyncadd.s32 $0xFFFFF800  }
0x66: {  	[spmem:s2] =	stream.indirect.scatter.add.f32 [tilespmem:s30], [sflag:$0x2], $0x80, s28, s29, $0xb8;
	[tilespmem:$0x18280] =	vst v63  }
0x67: {  	_ =	swait.ge [sflag:s19], $0x800  }
0x68: {  	[sflag:s19] =	ssyncset.done $0x0  }
0x69: {  	[sflag:s19] =	ssyncadd.s32 $0xFFFFF800  }
0x6a: {  	[bflag:$0x0] =	sbarrier.arrive $0xFFFF  }
0x6b: {  	s13 =	rddreg [dreg:$0x6]  }
0x6c: {  	[hbm:s13], [sflag:s15] =	dma.local [spmem:s18], $0x2700  }
.Ltmp4:
0x6d: {  	_ = 	snop;
	(pc) =	sbr.rel @p1 .LBB2_9-.Ltmp4, $4  }
.Ltmp5:
0x6e: {  	_ = 	snop;
	(pc) =	sbr.rel @!p1 .LBB2_8-.Ltmp5, $4  }
0x6f: {  	_ =	swait.ge [sflag:s19], $0x2700  }
0x70: {  	[sflag:s19] =	ssyncset.done $0x0  }
0x71: {  	s0 =	smov.u32 s8;
	[sflag:s19] =	ssyncadd.s32 $0xFFFFD900  }
0x72: {  	_ = 	snop  }
.LBB2_2:
0x73: {  	[spmem:s20], [sflag:s15] =	dma.local @!p1 [hbm:s6], $0x100  }
0x74: {  	s0 =	simm.s32 @!p1 $0x2  }
0x75: {  	_ =	swait.ge @!p1 [sflag:s0], $0x100  }
0x76: {  	[sflag:s0] =	ssyncset.done @!p1 $0x0  }
0x77: {  	[sflag:s0] =	ssyncadd.s32 @!p1 $0xFFFFFF00  }
0x78: {  	s12 =	sadd.s32 $0x0, s17;
	[bflag:$0x0] =	sbarrier.arrive $0xFFFF  }
0x79: {  	[tilespmem:s21], [sflag:$0x2] =	stream.linear.gather [hbm4b:s12+s3], $0x80, $0x38;
	[tilespmem:$0x18280] =	vst v63  }
0x7a: {  	_ =	swait.ge [sflag:s19], $0x80  }
0x7b: {  	[sflag:s19] =	ssyncset.done $0x0  }
0x7c: {  	s13 =	sadd.s32 $0x0, s16;
	[sflag:s19] =	ssyncadd.s32 $0xFFFFFF80  }
0x7d: {  	[tilespmem:s22], [sflag:$0x2] =	stream.linear.gather [hbm4b:s13+s3], $0x80, $0x38;
	[tilespmem:$0x18280] =	vst v63  }
0x7e: {  	_ =	swait.ge [sflag:s19], $0x80  }
0x7f: {  	[sflag:s19] =	ssyncset.done $0x0  }
0x80: {  	[sflag:s19] =	ssyncadd.s32 $0xFFFFFF80  }
0x81: {  	[tilespmem:s24], [sflag:$0x1] =	stream.indirect.gather [hbm4b:s1+s23], $0x80, s21, s23, $0xb8;
	[tilespmem:$0x18280] =	vst v63  }
0x82: {  	_ =	swait.ge [sflag:s25], $0x4000  }
0x83: {  	[sflag:s25] =	ssyncset.done $0x0  }
0x84: {  	[sflag:s25] =	ssyncadd.s32 $0xFFFFC000  }
0x85: {  	[spmem:s2] =	stream.indirect.scatter.add.f32 [tilespmem:s24], [sflag:$0x2], $0x80, s22, s23, $0xb8;
	[tilespmem:$0x18280] =	vst v63  }
0x86: {  	_ =	swait.ge [sflag:s19], $0x4000  }
0x87: {  	s5 =	simm.s32 $0x20;
	s0 =	simm.s32 $0x10;
	[sflag:s19] =	ssyncset.done $0x0  }
.LBB2_3:
0x88: {  	s12 =	sadd.s32 s0, s17  }
0x89: {  	[sflag:s19] =	ssyncadd.s32 $0xFFFFC000;
	s13 =	smov.u32 s5;
	s7 =	sadd.s32 $0x10, s5  }
0x8a: {  	[tilespmem:s21], [sflag:$0x2] =	stream.linear.gather [hbm4b:s12+s3], $0x80, $0x38;
	[tilespmem:$0x18280] =	vst v63  }
0x8b: {  	p3 =	sne.s32 s5, $0x4D0;
	_ =	swait.ge [sflag:s19], $0x80  }
0x8c: {  	[sflag:s19] =	ssyncset.done $0x0  }
0x8d: {  	s5 =	sadd.s32 s0, s16;
	s0 =	smov.u32 s13;
	[sflag:s19] =	ssyncadd.s32 $0xFFFFFF80  }
0x8e: {  	[tilespmem:s22], [sflag:$0x2] =	stream.linear.gather [hbm4b:s5+s3], $0x80, $0x38;
	[tilespmem:$0x18280] =	vst v63  }
0x8f: {  	_ =	swait.ge [sflag:s19], $0x80  }
0x90: {  	[sflag:s19] =	ssyncset.done $0x0  }
0x91: {  	[sflag:s19] =	ssyncadd.s32 $0xFFFFFF80  }
0x92: {  	[tilespmem:s24], [sflag:$0x1] =	stream.indirect.gather [hbm4b:s1+s23], $0x80, s21, s23, $0xb8;
	[tilespmem:$0x18280] =	vst v63  }
0x93: {  	_ =	swait.ge [sflag:s25], $0x4000  }
.Ltmp6:
0x94: {  	[sflag:s25] =	ssyncset.done $0x0;
	(pc) =	sbr.rel @p3 .LBB2_3-.Ltmp6, $4  }
0x95: {  	[sflag:s25] =	ssyncadd.s32 $0xFFFFC000  }
0x96: {  	[spmem:s2] =	stream.indirect.scatter.add.f32 [tilespmem:s24], [sflag:$0x2], $0x80, s22, s23, $0xb8;
	[tilespmem:$0x18280] =	vst v63  }
0x97: {  	_ =	swait.ge [sflag:s19], $0x4000  }
0x98: {  	s5 =	smov.u32 s7;
	[sflag:s19] =	ssyncset.done $0x0  }
0x99: {  	s5 =	sadd.s32 s0, s17;
	[sflag:s19] =	ssyncadd.s32 $0xFFFFC000  }
0x9a: {  	[tilespmem:s21], [sflag:$0x2] =	stream.linear.gather [hbm4b:s5+s3], $0x80, $0x38;
	[tilespmem:$0x18280] =	vst v63  }
0x9b: {  	_ =	swait.ge [sflag:s19], $0x80  }
0x9c: {  	[sflag:s19] =	ssyncset.done $0x0  }
0x9d: {  	s12 =	sadd.s32 s0, s16;
	[sflag:s19] =	ssyncadd.s32 $0xFFFFFF80  }
0x9e: {  	[tilespmem:s22], [sflag:$0x2] =	stream.linear.gather [hbm4b:s12+s3], $0x80, $0x38;
	[tilespmem:$0x18280] =	vst v63  }
0x9f: {  	_ =	swait.ge [sflag:s19], $0x80  }
0xa0: {  	[sflag:s19] =	ssyncset.done $0x0  }
0xa1: {  	[sflag:s19] =	ssyncadd.s32 $0xFFFFFF80  }
0xa2: {  	[tilespmem:s24], [sflag:$0x1] =	stream.indirect.gather [hbm4b:s1+s23], $0x80, s21, s23, $0xb8;
	[tilespmem:$0x18280] =	vst v63  }
0xa3: {  	_ =	swait.ge [sflag:s25], $0x4000  }
0xa4: {  	[sflag:s25] =	ssyncset.done $0x0  }
0xa5: {  	[sflag:s25] =	ssyncadd.s32 $0xFFFFC000  }
0xa6: {  	[spmem:s2] =	stream.indirect.scatter.add.f32 [tilespmem:s24], [sflag:$0x2], $0x80, s22, s23, $0xb8;
	[tilespmem:$0x18280] =	vst v63  }
0xa7: {  	_ =	swait.ge [sflag:s19], $0x4000  }
0xa8: {  	[sflag:s19] =	ssyncset.done $0x0  }
0xa9: {  	[sflag:s19] =	ssyncadd.s32 $0xFFFFC000  }
0xaa: {  	[tilespmem:s26], [sflag:$0x2] =	stream.linear.gather [hbm4b:s10+s3], $0x10, $0x38;
	[tilespmem:$0x18280] =	vst v63  }
0xab: {  	_ =	swait.ge [sflag:s19], $0x10  }
0xac: {  	[sflag:s19] =	ssyncset.done $0x0  }
0xad: {  	[sflag:s19] =	ssyncadd.s32 $0xFFFFFFF0  }
0xae: {  	[tilespmem:s28], [sflag:$0x2] =	stream.linear.gather [hbm4b:s11+s3], $0x10, $0x38;
	[tilespmem:$0x18280] =	vst v63  }
0xaf: {  	_ =	swait.ge [sflag:s19], $0x10  }
0xb0: {  	[sflag:s19] =	ssyncset.done $0x0  }
0xb1: {  	[sflag:s19] =	ssyncadd.s32 $0xFFFFFFF0  }
0xb2: {  	[tilespmem:s30], [sflag:$0x1] =	stream.indirect.gather [hbm4b:s1+s29], $0x80, s26, s29, $0xb8;
	[tilespmem:$0x18280] =	vst v63  }
0xb3: {  	_ =	swait.ge [sflag:s25], $0x800  }
0xb4: {  	[sflag:s25] =	ssyncset.done $0x0  }
0xb5: {  	[sflag:s25] =	ssyncadd.s32 $0xFFFFF800  }
0xb6: {  	[spmem:s2] =	stream.indirect.scatter.add.f32 [tilespmem:s30], [sflag:$0x2], $0x80, s28, s29, $0xb8;
	[tilespmem:$0x18280] =	vst v63  }
0xb7: {  	_ =	swait.ge [sflag:s19], $0x800  }
0xb8: {  	[sflag:s19] =	ssyncset.done $0x0  }
0xb9: {  	[sflag:s19] =	ssyncadd.s32 $0xFFFFF800  }
0xba: {  	[bflag:$0x0] =	sbarrier.arrive $0xFFFF  }
0xbb: {  	s13 =	rddreg [dreg:$0x5]  }
0xbc: {  	[hbm:s13], [sflag:s15] =	dma.local [spmem:s18], $0x2700  }
.Ltmp7:
0xbd: {  	_ = 	snop;
	(pc) =	sbr.rel @p2 .LBB2_8-.Ltmp7, $4  }
.Ltmp8:
0xbe: {  	_ = 	snop;
	(pc) =	sbr.rel @!p2 .LBB2_9-.Ltmp8, $4  }
0xbf: {  	_ =	swait.ge [sflag:s19], $0x2700  }
0xc0: {  	[sflag:s19] =	ssyncset.done $0x0  }
0xc1: {  	s0 =	rddreg [dreg:$0x4];
	[sflag:s19] =	ssyncadd.s32 $0xFFFFD900  }
0xc2: {  	_ = 	snop  }
.LBB2_10:
0xc3: {  	_ =	sfence.sel $0x180000  }
0xc4: {  	[bflag:$0x0] =	sbarrier.arrive $0xFFFF  }
0xc5: {  	_ =	strace $0x90000050  }
0xc6: {  	s0 =	stileid.u32;
	[bflag:$0x2] =	sbarrier.arrive $0xFFFF  }
0xc7: {  	p0 =	sne.s32 s0, $0x0;
	s0 =	rddreg [dreg:$0x3]  }
0xc8: {  	s0 =	sadd.s32 @!p0 $0x100000, s0  }
0xc9: {  	[sflag:s0] =	ssyncadd.tile.s32 @!p0 $0x1;
	_ =	shalt  }
.Lfunc_end2:
_tile_overlayer_lowered:
.L_overlay_start_2:
0xca: {  	(tag) =	ssettag $0x2  }
0xcb: {  	s0 =	rddreg [dreg:$0x0];
	s2 =	stileid.u32  }
0xcc: {  	s1 =	rddreg [dreg:$0x1];
	p0 =	sne.s32 s2, $0x0  }
0xcd: {  	s3 =	rddreg [dreg:$0x2];
	[bflag:$0x3] =	sbarrier.arrive $0xFFFF;
	s2 =	simm.s32 @!p0 $0x1C02  }
0xce: {  	[timem:s3], [sflag:s2] =	dma.local @!p0 [hbm:s0], s1  }
0xcf: {  	s0 =	simm.s32 @!p0 $0x2  }
0xd0: {  	_ =	swait.ge @!p0 [sflag:s0], s1  }
0xd1: {  	s1 =	ssub.s32 @!p0 $0x0, s1;
	[sflag:s0] =	ssyncset.done @!p0 $0x0  }
0xd2: {  	[sflag:s0] =	ssyncadd.s32 @!p0 s1  }
0xd3: {  	[bflag:$0x3] =	sbarrier.arrive $0xFFFF  }
0xd4: {  	_ =	shalt  }

// kernel: sc_spmm.16.cloned.1.call-start
scs
__scs_entry_jumppad:
0x0: {  	(pc) =	sbr.rel $0x88, $3  }
0x1: {  	(tag) =	ssettag $0x0;
	lr =	simm.s32 $0x1  }
0x2: {  	[smem:$0x3F71] =	sst lr;
	_ =	strace $0xD0000000  }
0x3: {  	_ = 	snop  }
0x4: {  	_ = 	snop  }
0x5: {  	_ = 	snop  }
0x6: {  	_ = 	snop  }
0x7: {  	_ = 	snop  }
__scs_overlays_trampoline_lowered:
0x8: {  	[smem:$0x3F80] =	sst s0  }
0x9: {  	[smem:$0x3F81] =	sst s1  }
0xa: {  	[smem:$0x3F82] =	sst s2  }
0xb: {  	[smem:$0x3F83] =	sst s3  }
0xc: {  	[smem:$0x3F84] =	sst s4  }
0xd: {  	[smem:$0x3F85] =	sst s5  }
0xe: {  	[smem:$0x3F86] =	sst s6  }
0xf: {  	[smem:$0x3F87] =	sst s7  }
0x10: {  	[smem:$0x3F88] =	sst s8  }
0x11: {  	[smem:$0x3F89] =	sst s9;
	s0 =	simm.s32 @!p0 $0x0  }
0x12: {  	s1 =	sld [smem:$0x3F6F];
	s0 =	simm.s32 @p0 $0x1  }
0x13: {  	[smem:$0x3F8A] =	sst s0;
	s0 =	simm.s32 @!p1 $0x0  }
0x14: {  	s2 =	sld [smem:$0x3F6E];
	s0 =	simm.s32 @p1 $0x1  }
0x15: {  	[smem:$0x3F8B] =	sst s0;
	s0 =	simm.s32 @!p2 $0x0  }
0x16: {  	s3 =	sld [smem:$0x3FDB];
	s0 =	simm.s32 @p2 $0x1  }
0x17: {  	s4 =	simm.s32 $0x1BF5;
	[smem:$0x3F8D] =	sst s0  }
0x18: {  	s0 =	sld [smem:$0x3F70];
	_ =	swait.ge [sflag:s4], $0x0  }
0x19: {  	s7 =	sld [smem:$0x3F71]  }
0x1a: {  	s8 =	sadd.s32 $0xFFFFE003, lr  }
0x1b: {  	s9 =	sadd.s32 $0xFFFFFEF7, lr;
	s5 =	simm.s32 $0xFFFFFFFF;
	p2 =	slt.u32 s8, $0xFFFFF086  }
0x1c: {  	p1 =	slt.u32 s9, $0xF7A;
	s5 =	simm.s32 @!p2 $0x0  }
0x1d: {  	s5 =	simm.s32 @p1 $0x1;
	p0 =	seq.s32 s7, s2  }
0x1e: {  	s7 =	smul.u32 @!p0 $0xF7A, s2;
	p2 =	seq.s32 @!p0 s5, $0x0  }
0x1f: {  	s9 =	smul.u32 $0xF7A, s1;
	s8 =	simm.s32 @!p0 $0x1BF5;
	p2 =	por !p2, p0  }
0x20: {  	[sflag:s8] =	ssyncset.s32 @!p0 $0xFFFFF086;
	s6 =	sadd.s32 @!p0 s3, s7;
	s7 =	simm.s32 @!p0 $0x108  }
0x21: {  	s3 =	sadd.s32 s3, s9;
	s6 =	sadd.s32 @!p0 $0x88, s6;
	s7 =	simm.s32 @p2 $0x1082  }
0x22: {  	[simem:s7], [sflag:s8] =	dma.local @!p0 [hbm:s6], $0xF7A  }
0x23: {  	s9 =	sor.u32 $0xD0000000, s2;
	s6 =	simm.s32 $0x108;
	_ =	swait.ge @!p0 [sflag:s8], $0x0  }
0x24: {  	s3 =	sadd.s32 $0x88, s3;
	s6 =	simm.s32 @!p1 $0x1082;
	[sflag:s4] =	ssyncset.s32 $0xFFFFF086  }
0x25: {  	[simem:s6], [sflag:s4] =	dma.local [hbm:s3], $0xF7A  }
0x26: {  	[smem:$0x3F71] =	sst s1;
	(tag) =	ssettag s2;
	_ =	strace s9  }
0x27: {  	s1 =	sld [smem:$0x3F81]  }
0x28: {  	s2 =	sld [smem:$0x3F82]  }
0x29: {  	s4 =	sld [smem:$0x3F84]  }
0x2a: {  	p0 =	seq.s32 s5, $0x0;
	s5 =	sld [smem:$0x3F85]  }
0x2b: {  	s6 =	sld [smem:$0x3F86]  }
0x2c: {  	s7 =	sld [smem:$0x3F87]  }
0x2d: {  	s3 =	simm.s32 $0x108;
	s8 =	sld [smem:$0x3F88]  }
0x2e: {  	s3 =	simm.s32 @!p0 $0x1082;
	s9 =	sld [smem:$0x3F89]  }
0x2f: {  	lr =	sadd.s32 s0, s3;
	s0 =	sld [smem:$0x3F80]  }
0x30: {  	s3 =	sld [smem:$0x3F83]  }
0x31: {  	[smem:$0x3F8C] =	sst s10  }
0x32: {  	s10 =	sld [smem:$0x3F8A];
	_ =	sdelay $0x3  }
0x33: {  	p0 =	seq.s32 s10, $0x1;
	s10 =	sld [smem:$0x3F8C];
	_ =	sdelay $0x3  }
0x34: {  	[smem:$0x3F8C] =	sst s10  }
0x35: {  	s10 =	sld [smem:$0x3F8B];
	_ =	sdelay $0x3  }
0x36: {  	p1 =	seq.s32 s10, $0x1;
	s10 =	sld [smem:$0x3F8C];
	_ =	sdelay $0x3  }
0x37: {  	[smem:$0x3F8C] =	sst s10  }
0x38: {  	s10 =	sld [smem:$0x3F8D]  }
0x39: {  	_ = 	snop;
	(pc) =	sbr.ind lr, $3  }
0x3a: {  	_ = 	snop  }
0x3b: {  	_ = 	snop  }
0x3c: {  	p2 =	seq.s32 s10, $0x1;
	s10 =	sld [smem:$0x3F8C]  }
0x3d: {  	_ =	shalt  }
0x3e: {  	_ =	shalt  }
0x3f: {  	_ =	shalt  }
0x40: {  	_ =	shalt  }
0x41: {  	_ =	shalt  }
0x42: {  	_ =	shalt  }
0x43: {  	_ =	shalt  }
0x44: {  	_ =	shalt  }
0x45: {  	_ =	shalt  }
0x46: {  	_ =	shalt  }
0x47: {  	_ =	shalt  }
0x48: {  	_ =	shalt  }
0x49: {  	_ =	shalt  }
0x4a: {  	_ =	shalt  }
0x4b: {  	_ =	shalt  }
0x4c: {  	_ =	shalt  }
0x4d: {  	_ =	shalt  }
0x4e: {  	_ =	shalt  }
0x4f: {  	_ =	shalt  }
0x50: {  	_ =	shalt  }
0x51: {  	_ =	shalt  }
0x52: {  	_ =	shalt  }
0x53: {  	_ =	shalt  }
0x54: {  	_ =	shalt  }
0x55: {  	_ =	shalt  }
0x56: {  	_ =	shalt  }
0x57: {  	_ =	shalt  }
0x58: {  	_ =	shalt  }
0x59: {  	_ =	shalt  }
0x5a: {  	_ =	shalt  }
0x5b: {  	_ =	shalt  }
0x5c: {  	_ =	shalt  }
0x5d: {  	_ =	shalt  }
0x5e: {  	_ =	shalt  }
0x5f: {  	_ =	shalt  }
0x60: {  	_ =	shalt  }
0x61: {  	_ =	shalt  }
0x62: {  	_ =	shalt  }
0x63: {  	_ =	shalt  }
0x64: {  	_ =	shalt  }
0x65: {  	_ =	shalt  }
0x66: {  	_ =	shalt  }
0x67: {  	_ =	shalt  }
0x68: {  	_ =	shalt  }
0x69: {  	_ =	shalt  }
0x6a: {  	_ =	shalt  }
0x6b: {  	_ =	shalt  }
0x6c: {  	_ =	shalt  }
0x6d: {  	_ =	shalt  }
0x6e: {  	_ =	shalt  }
0x6f: {  	_ =	shalt  }
0x70: {  	_ =	shalt  }
0x71: {  	_ =	shalt  }
0x72: {  	_ =	shalt  }
0x73: {  	_ =	shalt  }
0x74: {  	_ =	shalt  }
0x75: {  	_ =	shalt  }
0x76: {  	_ =	shalt  }
0x77: {  	_ =	shalt  }
0x78: {  	_ =	shalt  }
0x79: {  	_ =	shalt  }
0x7a: {  	_ =	shalt  }
0x7b: {  	_ =	shalt  }
0x7c: {  	_ =	shalt  }
0x7d: {  	_ =	shalt  }
0x7e: {  	_ =	shalt  }
0x7f: {  	_ =	shalt  }
0x80: {  	_ =	shalt  }
0x81: {  	_ =	shalt  }
0x82: {  	_ =	shalt  }
0x83: {  	_ =	shalt  }
0x84: {  	_ =	shalt  }
0x85: {  	_ =	shalt  }
0x86: {  	_ =	shalt  }
0x87: {  	_ =	shalt  }
.Lfunc_end0:
.L_simem_size_0:
called_computation.4_lowered:
.L_overlay_start_0:
0x88: {  	s2 =	sld [smem:$0x3FD9]  }
0x89: {  	s3 =	sld [smem:$0x3FFE];
	_ =	sdelay $0x1  }
0x8a: {  	s1 =	srdreg.scid  }
0x8b: {  	s0 =	sand.u32 $0x1, s1  }
0x8c: {  	s14 =	sshll.u32 s0, $0xA;
	s2 =	sadd.s32 s3, s2  }
0x8d: {  	s2 =	sadd.s32 s2, s14  }
0x8e: {  	[smem:$0x3F98] =	sst s2  }
0x8f: {  	_ = 	snop  }
0x90: {  	s2 =	sld [smem:$0x3FD0];
	_ =	sdelay $0x2  }
0x91: {  	s15 =	simm.s32 $0xB;
	s4 =	simm.s32 $0x10  }
0x92: {  	[smem:s4], [sflag:s15] =	dma.local [hbm:s2], $0x1  }
0x93: {  	_ =	swait.eq [sflag:s15], $0x1  }
0x94: {  	[sflag:s15] =	ssyncset.done $0x0  }
0x95: {  	[sflag:s15] =	ssyncadd.s32 $0xFFFFFFFF  }
0x96: {  	s16 =	sld [smem:$0x11];
	(tm) =	ssettm $0x1  }
0x97: {  	s17 =	sld [smem:$0x3FFB];
	_ =	sdelay $0x3  }
0x98: {  	_ =	strace s17  }
0x99: {  	s3 =	sld [smem:$0x3FFC];
	_ =	sdelay $0x3  }
0x9a: {  	_ =	strace s3  }
0x9b: {  	s3 =	sld [smem:$0x3FFD];
	_ =	sdelay $0x3  }
0x9c: {  	_ =	strace s3  }
0x9d: {  	_ =	strace $0x8FFFFFFF  }
0x9e: {  	s18 =	sld [smem:$0x3FDB];
	_ =	sdelay $0x1  }
0x9f: {  	s19 =	simm.s32 $_scs_section_size  }
0xa0: {  	s5 =	simm.s32 $_size__tile_overlayer_lowered;
	s6 =	simm.s32 $_tile_overlayer_lowered  }
0xa1: {  	s22 =	simm.s32 $0x1BFF;
	s21 =	sshll.u32 s6, $0x1;
	s3 =	sadd.s32 s19, s18  }
0xa2: {  	s7 =	simm.s32 $0x0;
	s20 =	sshll.u32 s5, $0x1;
	s5 =	sadd.s32 s21, s3  }
0xa3: {  	[timem:s7], [sflag:s22] =	dma.local [hbm:s5], s20  }
0xa4: {  	_ =	swait.ge [sflag:s22], s20  }
0xa5: {  	s4 =	ssub.s32 $0x0, s20;
	[sflag:s22] =	ssyncset.done $0x0  }
0xa6: {  	[sflag:s22] =	ssyncadd.s32 s4;
	_ =	sdelay $0x1  }
0xa7: {  	s23 =	simm.s32 $0x1B8B  }
0xa8: {  	_ =	swait.ge [sflag:s23], $0x1  }
0xa9: {  	[sflag:s23] =	ssyncset.done $0x0  }
0xaa: {  	s25 =	simm.s32 $0x1B8E;
	s24 =	sld [smem:$0x3FFE];
	[sflag:s23] =	ssyncadd.s32 $0xFFFFFFFF  }
0xab: {  	s26 =	simm.s32 $execute0_lowered;
	[smem:$0x3FD2] =	sst s25  }
0xac: {  	s5 =	sshll.u32 s26, $0x1;
	_ =	strace $0x80000052;
	[dreg:$0x1] =	wrdreg $0xFFFFFFFF  }
0xad: {  	s28 =	simm.s32 $_size_execute0_lowered;
	s3 =	sadd.s32 s3, s5;
	[dreg:$0x0] =	wrdreg $0x0  }
0xae: {  	s5 =	sshll.u32 s28, $0x1;
	[dreg:$0x2] =	wrdreg s3  }
0xaf: {  	[dreg:$0x3] =	wrdreg s5  }
0xb0: {  	[dreg:$0x4] =	wrdreg $0xC0  }
0xb1: {  	_ =	task [dreg:s7], $0x5FFFF  }
0xb2: {  	[dreg:$0x1] =	wrdreg $0xFFFFFFFF  }
0xb3: {  	[dreg:$0x0] =	wrdreg $0x60  }
0xb4: {  	[dreg:$0x2] =	wrdreg s16  }
0xb5: {  	[dreg:$0x3] =	wrdreg s24  }
0xb6: {  	[dreg:$0x4] =	wrdreg $0x0  }
0xb7: {  	[dreg:$0x5] =	wrdreg $0x9  }
0xb8: {  	_ =	task.clear_ibuf [dreg:s7], $0x6FFFF;
	_ =	strace $0x90000052  }
0xb9: {  	s29 =	simm.s32 $0x9;
	_ =	strace $0x80000054  }
0xba: {  	_ =	swait.ge [sflag:s29], $0x1  }
0xbb: {  	[sflag:s29] =	ssyncadd.s32 $0xFFFFFFFF  }
0xbc: {  	_ =	strace $0x90000054  }
0xbd: {  	_ =	sfence  }
0xbe: {  	s30 =	sld [smem:$0x0];
	_ =	sdelay $0x2  }
0xbf: {  	s31 =	sshll.u32 s1, $0xD;
	s1 =	sshrl.u32 s1, $0x2  }
0xc0: {  	s3 =	sand.u32 $0x4000, s31;
	s1 =	sadd.s32 s1, s30  }
0xc1: {  	s0 =	sor.u32 s3, s0;
	s1 =	sshll.u32 s1, $0x11  }
0xc2: {  	s0 =	sor.u32 s1, s0  }
0xc3: {  	s0 =	sadd.s32 $0x8F2B, s0  }
0xc4: {  	[sflag:s0] =	ssyncadd.remote.s32 $0x1  }
0xc5: {  	_ =	sfence.sel $0xFFFF  }
0xc6: {  	[dreg:$0x0] =	wrdreg $0xFFFFFFFF;
	(pc) =	sbr.abs _section_cstart, $3  }
0xc7: {  	[dreg:$0x1] =	wrdreg $0xFFFFFFFF  }
0xc8: {  	_ =	task.clear_ibuf [dreg:s7], $0x2FFFF;
	_ =	strace $0x9FFFFFFF  }
0xc9: {  	(tm) =	ssettm $0x7FFFFFFF  }
tec
execute0_lowered:
.L_overlay_start_1:
0x0: {  	(tag) =	ssettag $0x1  }
0x1: {  	s1 =	rddreg [dreg:$0x0]  }
0x2: {  	s0 =	rddreg [dreg:$0x1]  }
0x3: {  	s2 =	rddreg [dreg:$0x2];
	s3 =	simm.s32 $0x0;
	s7 =	srdreg.scid  }
0x4: {  	s26 =	stileid.u32;
	s19 =	simm.s32 $0x2;
	s28 =	simm.s32 $0x17A00  }
0x5: {  	s29 =	simm.s32 $0x10;
	s30 =	simm.s32 $0x17A80;
	s31 =	simm.s32 $0x0  }
0x6: {  	[smem:$0x7FF] =	sst s3;
	s4 =	sadd.s32 $0x1A000, s0;
	s11 =	smul.u32 $0x2710, s26  }
0x7: {  	s5 =	sadd.s32 $0x15000, s0;
	s16 =	sadd.s32 $0x10000, s0;
	s12 =	smul.u32 $0x4E000, s26  }
0x8: {  	s6 =	sadd.s32 $0x41200, s0;
	s9 =	sand.u32 $0x1, s7;
	s13 =	smul.u32 $0x2700, s26  }
0x9: {  	s20 =	sadd.s32 $0x43A00, s0;
	s8 =	sadd.s32 $0x6AC00, s0;
	s17 =	smul.u32 $0x4E2, s26  }
0xa: {  	s25 =	sshll.u32 s26, $0x6;
	p1 =	sne.s32 s26, $0xF;
	p2 =	seq.s32 s26, $0xF  }
0xb: {  	s26 =	simm.s32 $0x17980;
	_ =	strace $0x80000053;
	s10 =	ssub.s32 $0x2, s9  }
0xc: {  	p0 =	seq.s32 s9, $0x1;
	s9 =	sadd.s32 $0x138000, s2;
	[dreg:$0x4] =	wrdreg s20  }
0xd: {  	s15 =	sor.u32 $0x1C02, s25;
	s25 =	simm.s32 $0x1;
	s21 =	sshrl.u32 s10, $0x1  }
0xe: {  	s22 =	sshrl.u32 s11, $0x3;
	s23 =	sshrl.u32 s12, $0x2;
	s7 =	sadd.s32 s20, s13  }
0xf: {  	s24 =	sadd.s32 s8, s13;
	s20 =	sshrl.u32 @!p1 s9, $0x3;
	s0 =	ssub.s32 s10, s21  }
.Ltmp0:
0x10: {  	s11 =	sadd.s32 $0x4E0, s22;
	[dreg:$0x5] =	wrdreg s7;
	(pc) =	sbr.rel .LBB2_1-.Ltmp0, $4  }
0x11: {  	s18 =	sadd.s32 s23, s2;
	[dreg:$0x6] =	wrdreg s24;
	s21 =	simm.s32 $0x13880  }
0x12: {  	s22 =	simm.s32 $0x13900;
	s23 =	simm.s32 $0x80;
	s24 =	simm.s32 $0x13980  }
0x13: {  	s10 =	sadd.s32 s5, s11;
	s11 =	sadd.s32 s16, s11;
	s14 =	smax.u32 s0, $0x1  }
0x14: {  	s16 =	sadd.s32 s17, s16;
	s17 =	sadd.s32 s17, s5;
	s18 =	sshrl.u32 s18, $0x3  }
.LBB2_8:
0x15: {  	s0 =	sadd.s32 $0x27000, s0;
	s5 =	sshrl.u32 s9, $0x3  }
0x16: {  	[hbm:s0], [sflag:s15] =	dma.local [spmem:s5], $0x100  }
0x17: {  	_ =	swait.ge [sflag:s19], $0x100  }
0x18: {  	[sflag:s19] =	ssyncset.done $0x0  }
0x19: {  	[sflag:s19] =	ssyncadd.s32 $0xFFFFFF00  }
.LBB2_9:
0x1a: {  	s31 =	sadd.s32 $0x1, s31  }
0x1b: {  	p3 =	sne.s32 s31, s14  }
.Ltmp1:
0x1c: {  	_ = 	snop;
	(pc) =	sbr.rel @!p3 .LBB2_10-.Ltmp1, $1  }
0x1d: {  	_ =	sdelay $0x3  }
.LBB2_1:
.Ltmp2:
0x1e: {  	(pc) =	sbr.rel @!p0 .LBB2_2-.Ltmp2, $4  }
0x1f: {  	[spmem:s18], [sflag:s15] =	dma.local [hbm:s6], $0x2700  }
0x20: {  	_ =	swait.ge [sflag:s19], $0x2700  }
0x21: {  	[sflag:s19] =	ssyncset.done $0x0  }
0x22: {  	[sflag:s19] =	ssyncadd.s32 $0xFFFFD900  }
0x23: {  	[spmem:s20], [sflag:s15] =	dma.local @!p1 [hbm:s6], $0x100  }
0x24: {  	s0 =	simm.s32 @!p1 $0x2  }
0x25: {  	_ =	swait.ge @!p1 [sflag:s0], $0x100  }
0x26: {  	[sflag:s0] =	ssyncset.done @!p1 $0x0  }
0x27: {  	[sflag:s0] =	ssyncadd.s32 @!p1 $0xFFFFFF00  }
0x28: {  	s12 =	sadd.s32 $0x0, s17;
	[bflag:$0x0] =	sbarrier.arrive $0xFFFF  }
0x29: {  	[tilespmem:s21], [sflag:$0x2] =	stream.linear.gather [hbm4b:s12+s3], $0x80, $0x38;
	[tilespmem:$0x18280] =	vst v63  }
0x2a: {  	_ =	swait.ge [sflag:s19], $0x80  }
0x2b: {  	[sflag:s19] =	ssyncset.done $0x0  }
0x2c: {  	s13 =	sadd.s32 $0x0, s16;
	[sflag:s19] =	ssyncadd.s32 $0xFFFFFF80  }
0x2d: {  	[tilespmem:s22], [sflag:$0x2] =	stream.linear.gather [hbm4b:s13+s3], $0x80, $0x38;
	[tilespmem:$0x18280] =	vst v63  }
0x2e: {  	_ =	swait.ge [sflag:s19], $0x80  }
0x2f: {  	[sflag:s19] =	ssyncset.done $0x0  }
0x30: {  	[sflag:s19] =	ssyncadd.s32 $0xFFFFFF80  }
0x31: {  	[tilespmem:s24], [sflag:$0x1] =	stream.indirect.gather [hbm4b:s4+s23], $0x80, s21, s23, $0xb8;
	[tilespmem:$0x18280] =	vst v63  }
0x32: {  	_ =	swait.ge [sflag:s25], $0x4000  }
0x33: {  	[sflag:s25] =	ssyncset.done $0x0  }
0x34: {  	[sflag:s25] =	ssyncadd.s32 $0xFFFFC000  }
0x35: {  	[spmem:s2] =	stream.indirect.scatter.add.f32 [tilespmem:s24], [sflag:$0x2], $0x80, s22, s23, $0xb8;
	[tilespmem:$0x18280] =	vst v63  }
0x36: {  	_ =	swait.ge [sflag:s19], $0x4000  }
0x37: {  	s5 =	simm.s32 $0x20;
	s0 =	simm.s32 $0x10;
	[sflag:s19] =	ssyncset.done $0x0  }
.LBB2_6:
0x38: {  	s7 =	sadd.s32 s0, s17  }
0x39: {  	[sflag:s19] =	ssyncadd.s32 $0xFFFFC000;
	s12 =	smov.u32 s5;
	s13 =	sadd.s32 $0x10, s5  }
0x3a: {  	[tilespmem:s21], [sflag:$0x2] =	stream.linear.gather [hbm4b:s7+s3], $0x80, $0x38;
	[tilespmem:$0x18280] =	vst v63  }
0x3b: {  	p3 =	sne.s32 s5, $0x4D0;
	_ =	swait.ge [sflag:s19], $0x80  }
0x3c: {  	[sflag:s19] =	ssyncset.done $0x0  }
0x3d: {  	s5 =	sadd.s32 s0, s16;
	s0 =	smov.u32 s12;
	[sflag:s19] =	ssyncadd.s32 $0xFFFFFF80  }
0x3e: {  	[tilespmem:s22], [sflag:$0x2] =	stream.linear.gather [hbm4b:s5+s3], $0x80, $0x38;
	[tilespmem:$0x18280] =	vst v63  }
0x3f: {  	_ =	swait.ge [sflag:s19], $0x80  }
0x40: {  	[sflag:s19] =	ssyncset.done $0x0  }
0x41: {  	[sflag:s19] =	ssyncadd.s32 $0xFFFFFF80  }
0x42: {  	[tilespmem:s24], [sflag:$0x1] =	stream.indirect.gather [hbm4b:s4+s23], $0x80, s21, s23, $0xb8;
	[tilespmem:$0x18280] =	vst v63  }
0x43: {  	_ =	swait.ge [sflag:s25], $0x4000  }
.Ltmp3:
0x44: {  	[sflag:s25] =	ssyncset.done $0x0;
	(pc) =	sbr.rel @p3 .LBB2_6-.Ltmp3, $4  }
0x45: {  	[sflag:s25] =	ssyncadd.s32 $0xFFFFC000  }
0x46: {  	[spmem:s2] =	stream.indirect.scatter.add.f32 [tilespmem:s24], [sflag:$0x2], $0x80, s22, s23, $0xb8;
	[tilespmem:$0x18280] =	vst v63  }
0x47: {  	_ =	swait.ge [sflag:s19], $0x4000  }
0x48: {  	s5 =	smov.u32 s13;
	[sflag:s19] =	ssyncset.done $0x0  }
0x49: {  	s5 =	sadd.s32 s0, s17;
	[sflag:s19] =	ssyncadd.s32 $0xFFFFC000  }
0x4a: {  	[tilespmem:s21], [sflag:$0x2] =	stream.linear.gather [hbm4b:s5+s3], $0x80, $0x38;
	[tilespmem:$0x18280] =	vst v63  }
0x4b: {  	_ =	swait.ge [sflag:s19], $0x80  }
0x4c: {  	[sflag:s19] =	ssyncset.done $0x0  }
0x4d: {  	s12 =	sadd.s32 s0, s16;
	[sflag:s19] =	ssyncadd.s32 $0xFFFFFF80  }
0x4e: {  	[tilespmem:s22], [sflag:$0x2] =	stream.linear.gather [hbm4b:s12+s3], $0x80, $0x38;
	[tilespmem:$0x18280] =	vst v63  }
0x4f: {  	_ =	swait.ge [sflag:s19], $0x80  }
0x50: {  	[sflag:s19] =	ssyncset.done $0x0  }
0x51: {  	[sflag:s19] =	ssyncadd.s32 $0xFFFFFF80  }
0x52: {  	[tilespmem:s24], [sflag:$0x1] =	stream.indirect.gather [hbm4b:s4+s23], $0x80, s21, s23, $0xb8;
	[tilespmem:$0x18280] =	vst v63  }
0x53: {  	_ =	swait.ge [sflag:s25], $0x4000  }
0x54: {  	[sflag:s25] =	ssyncset.done $0x0  }
0x55: {  	[sflag:s25] =	ssyncadd.s32 $0xFFFFC000  }
0x56: {  	[spmem:s2] =	stream.indirect.scatter.add.f32 [tilespmem:s24], [sflag:$0x2], $0x80, s22, s23, $0xb8;
	[tilespmem:$0x18280] =	vst v63  }
0x57: {  	_ =	swait.ge [sflag:s19], $0x4000  }
0x58: {  	[sflag:s19] =	ssyncset.done $0x0  }
0x59: {  	[sflag:s19] =	ssyncadd.s32 $0xFFFFC000  }
0x5a: {  	[tilespmem:s26], [sflag:$0x2] =	stream.linear.gather [hbm4b:s10+s3], $0x10, $0x38;
	[tilespmem:$0x18280] =	vst v63  }
0x5b: {  	_ =	swait.ge [sflag:s19], $0x10  }
0x5c: {  	[sflag:s19] =	ssyncset.done $0x0  }
0x5d: {  	[sflag:s19] =	ssyncadd.s32 $0xFFFFFFF0  }
0x5e: {  	[tilespmem:s28], [sflag:$0x2] =	stream.linear.gather [hbm4b:s11+s3], $0x10, $0x38;
	[tilespmem:$0x18280] =	vst v63  }
0x5f: {  	_ =	swait.ge [sflag:s19], $0x10  }
0x60: {  	[sflag:s19] =	ssyncset.done $0x0  }
0x61: {  	[sflag:s19] =	ssyncadd.s32 $0xFFFFFFF0  }
0x62: {  	[tilespmem:s30], [sflag:$0x1] =	stream.indirect.gather [hbm4b:s4+s29], $0x80, s26, s29, $0xb8;
	[tilespmem:$0x18280] =	vst v63  }
0x63: {  	_ =	swait.ge [sflag:s25], $0x800  }
0x64: {  	[sflag:s25] =	ssyncset.done $0x0  }
0x65: {  	[sflag:s25] =	ssyncadd.s32 $0xFFFFF800  }
0x66: {  	[spmem:s2] =	stream.indirect.scatter.add.f32 [tilespmem:s30], [sflag:$0x2], $0x80, s28, s29, $0xb8;
	[tilespmem:$0x18280] =	vst v63  }
0x67: {  	_ =	swait.ge [sflag:s19], $0x800  }
0x68: {  	[sflag:s19] =	ssyncset.done $0x0  }
0x69: {  	[sflag:s19] =	ssyncadd.s32 $0xFFFFF800  }
0x6a: {  	[bflag:$0x0] =	sbarrier.arrive $0xFFFF  }
0x6b: {  	s13 =	rddreg [dreg:$0x6]  }
0x6c: {  	[hbm:s13], [sflag:s15] =	dma.local [spmem:s18], $0x2700  }
.Ltmp4:
0x6d: {  	_ = 	snop;
	(pc) =	sbr.rel @p1 .LBB2_9-.Ltmp4, $4  }
.Ltmp5:
0x6e: {  	_ = 	snop;
	(pc) =	sbr.rel @!p1 .LBB2_8-.Ltmp5, $4  }
0x6f: {  	_ =	swait.ge [sflag:s19], $0x2700  }
0x70: {  	[sflag:s19] =	ssyncset.done $0x0  }
0x71: {  	s0 =	smov.u32 s8;
	[sflag:s19] =	ssyncadd.s32 $0xFFFFD900  }
0x72: {  	_ = 	snop  }
.LBB2_2:
0x73: {  	[spmem:s20], [sflag:s15] =	dma.local @!p1 [hbm:s6], $0x100  }
0x74: {  	s0 =	simm.s32 @!p1 $0x2  }
0x75: {  	_ =	swait.ge @!p1 [sflag:s0], $0x100  }
0x76: {  	[sflag:s0] =	ssyncset.done @!p1 $0x0  }
0x77: {  	[sflag:s0] =	ssyncadd.s32 @!p1 $0xFFFFFF00  }
0x78: {  	s12 =	sadd.s32 $0x0, s17;
	[bflag:$0x0] =	sbarrier.arrive $0xFFFF  }
0x79: {  	[tilespmem:s21], [sflag:$0x2] =	stream.linear.gather [hbm4b:s12+s3], $0x80, $0x38;
	[tilespmem:$0x18280] =	vst v63  }
0x7a: {  	_ =	swait.ge [sflag:s19], $0x80  }
0x7b: {  	[sflag:s19] =	ssyncset.done $0x0  }
0x7c: {  	s13 =	sadd.s32 $0x0, s16;
	[sflag:s19] =	ssyncadd.s32 $0xFFFFFF80  }
0x7d: {  	[tilespmem:s22], [sflag:$0x2] =	stream.linear.gather [hbm4b:s13+s3], $0x80, $0x38;
	[tilespmem:$0x18280] =	vst v63  }
0x7e: {  	_ =	swait.ge [sflag:s19], $0x80  }
0x7f: {  	[sflag:s19] =	ssyncset.done $0x0  }
0x80: {  	[sflag:s19] =	ssyncadd.s32 $0xFFFFFF80  }
0x81: {  	[tilespmem:s24], [sflag:$0x1] =	stream.indirect.gather [hbm4b:s1+s23], $0x80, s21, s23, $0xb8;
	[tilespmem:$0x18280] =	vst v63  }
0x82: {  	_ =	swait.ge [sflag:s25], $0x4000  }
0x83: {  	[sflag:s25] =	ssyncset.done $0x0  }
0x84: {  	[sflag:s25] =	ssyncadd.s32 $0xFFFFC000  }
0x85: {  	[spmem:s2] =	stream.indirect.scatter.add.f32 [tilespmem:s24], [sflag:$0x2], $0x80, s22, s23, $0xb8;
	[tilespmem:$0x18280] =	vst v63  }
0x86: {  	_ =	swait.ge [sflag:s19], $0x4000  }
0x87: {  	s5 =	simm.s32 $0x20;
	s0 =	simm.s32 $0x10;
	[sflag:s19] =	ssyncset.done $0x0  }
.LBB2_3:
0x88: {  	s12 =	sadd.s32 s0, s17  }
0x89: {  	[sflag:s19] =	ssyncadd.s32 $0xFFFFC000;
	s13 =	smov.u32 s5;
	s7 =	sadd.s32 $0x10, s5  }
0x8a: {  	[tilespmem:s21], [sflag:$0x2] =	stream.linear.gather [hbm4b:s12+s3], $0x80, $0x38;
	[tilespmem:$0x18280] =	vst v63  }
0x8b: {  	p3 =	sne.s32 s5, $0x4D0;
	_ =	swait.ge [sflag:s19], $0x80  }
0x8c: {  	[sflag:s19] =	ssyncset.done $0x0  }
0x8d: {  	s5 =	sadd.s32 s0, s16;
	s0 =	smov.u32 s13;
	[sflag:s19] =	ssyncadd.s32 $0xFFFFFF80  }
0x8e: {  	[tilespmem:s22], [sflag:$0x2] =	stream.linear.gather [hbm4b:s5+s3], $0x80, $0x38;
	[tilespmem:$0x18280] =	vst v63  }
0x8f: {  	_ =	swait.ge [sflag:s19], $0x80  }
0x90: {  	[sflag:s19] =	ssyncset.done $0x0  }
0x91: {  	[sflag:s19] =	ssyncadd.s32 $0xFFFFFF80  }
0x92: {  	[tilespmem:s24], [sflag:$0x1] =	stream.indirect.gather [hbm4b:s1+s23], $0x80, s21, s23, $0xb8;
	[tilespmem:$0x18280] =	vst v63  }
0x93: {  	_ =	swait.ge [sflag:s25], $0x4000  }
.Ltmp6:
0x94: {  	[sflag:s25] =	ssyncset.done $0x0;
	(pc) =	sbr.rel @p3 .LBB2_3-.Ltmp6, $4  }
0x95: {  	[sflag:s25] =	ssyncadd.s32 $0xFFFFC000  }
0x96: {  	[spmem:s2] =	stream.indirect.scatter.add.f32 [tilespmem:s24], [sflag:$0x2], $0x80, s22, s23, $0xb8;
	[tilespmem:$0x18280] =	vst v63  }
0x97: {  	_ =	swait.ge [sflag:s19], $0x4000  }
0x98: {  	s5 =	smov.u32 s7;
	[sflag:s19] =	ssyncset.done $0x0  }
0x99: {  	s5 =	sadd.s32 s0, s17;
	[sflag:s19] =	ssyncadd.s32 $0xFFFFC000  }
0x9a: {  	[tilespmem:s21], [sflag:$0x2] =	stream.linear.gather [hbm4b:s5+s3], $0x80, $0x38;
	[tilespmem:$0x18280] =	vst v63  }
0x9b: {  	_ =	swait.ge [sflag:s19], $0x80  }
0x9c: {  	[sflag:s19] =	ssyncset.done $0x0  }
0x9d: {  	s12 =	sadd.s32 s0, s16;
	[sflag:s19] =	ssyncadd.s32 $0xFFFFFF80  }
0x9e: {  	[tilespmem:s22], [sflag:$0x2] =	stream.linear.gather [hbm4b:s12+s3], $0x80, $0x38;
	[tilespmem:$0x18280] =	vst v63  }
0x9f: {  	_ =	swait.ge [sflag:s19], $0x80  }
0xa0: {  	[sflag:s19] =	ssyncset.done $0x0  }
0xa1: {  	[sflag:s19] =	ssyncadd.s32 $0xFFFFFF80  }
0xa2: {  	[tilespmem:s24], [sflag:$0x1] =	stream.indirect.gather [hbm4b:s1+s23], $0x80, s21, s23, $0xb8;
	[tilespmem:$0x18280] =	vst v63  }
0xa3: {  	_ =	swait.ge [sflag:s25], $0x4000  }
0xa4: {  	[sflag:s25] =	ssyncset.done $0x0  }
0xa5: {  	[sflag:s25] =	ssyncadd.s32 $0xFFFFC000  }
0xa6: {  	[spmem:s2] =	stream.indirect.scatter.add.f32 [tilespmem:s24], [sflag:$0x2], $0x80, s22, s23, $0xb8;
	[tilespmem:$0x18280] =	vst v63  }
0xa7: {  	_ =	swait.ge [sflag:s19], $0x4000  }
0xa8: {  	[sflag:s19] =	ssyncset.done $0x0  }
0xa9: {  	[sflag:s19] =	ssyncadd.s32 $0xFFFFC000  }
0xaa: {  	[tilespmem:s26], [sflag:$0x2] =	stream.linear.gather [hbm4b:s10+s3], $0x10, $0x38;
	[tilespmem:$0x18280] =	vst v63  }
0xab: {  	_ =	swait.ge [sflag:s19], $0x10  }
0xac: {  	[sflag:s19] =	ssyncset.done $0x0  }
0xad: {  	[sflag:s19] =	ssyncadd.s32 $0xFFFFFFF0  }
0xae: {  	[tilespmem:s28], [sflag:$0x2] =	stream.linear.gather [hbm4b:s11+s3], $0x10, $0x38;
	[tilespmem:$0x18280] =	vst v63  }
0xaf: {  	_ =	swait.ge [sflag:s19], $0x10  }
0xb0: {  	[sflag:s19] =	ssyncset.done $0x0  }
0xb1: {  	[sflag:s19] =	ssyncadd.s32 $0xFFFFFFF0  }
0xb2: {  	[tilespmem:s30], [sflag:$0x1] =	stream.indirect.gather [hbm4b:s1+s29], $0x80, s26, s29, $0xb8;
	[tilespmem:$0x18280] =	vst v63  }
0xb3: {  	_ =	swait.ge [sflag:s25], $0x800  }
0xb4: {  	[sflag:s25] =	ssyncset.done $0x0  }
0xb5: {  	[sflag:s25] =	ssyncadd.s32 $0xFFFFF800  }
0xb6: {  	[spmem:s2] =	stream.indirect.scatter.add.f32 [tilespmem:s30], [sflag:$0x2], $0x80, s28, s29, $0xb8;
	[tilespmem:$0x18280] =	vst v63  }
0xb7: {  	_ =	swait.ge [sflag:s19], $0x800  }
0xb8: {  	[sflag:s19] =	ssyncset.done $0x0  }
0xb9: {  	[sflag:s19] =	ssyncadd.s32 $0xFFFFF800  }
0xba: {  	[bflag:$0x0] =	sbarrier.arrive $0xFFFF  }
0xbb: {  	s13 =	rddreg [dreg:$0x5]  }
0xbc: {  	[hbm:s13], [sflag:s15] =	dma.local [spmem:s18], $0x2700  }
.Ltmp7:
0xbd: {  	_ = 	snop;
	(pc) =	sbr.rel @p2 .LBB2_8-.Ltmp7, $4  }
.Ltmp8:
0xbe: {  	_ = 	snop;
	(pc) =	sbr.rel @!p2 .LBB2_9-.Ltmp8, $4  }
0xbf: {  	_ =	swait.ge [sflag:s19], $0x2700  }
0xc0: {  	[sflag:s19] =	ssyncset.done $0x0  }
0xc1: {  	s0 =	rddreg [dreg:$0x4];
	[sflag:s19] =	ssyncadd.s32 $0xFFFFD900  }
0xc2: {  	_ = 	snop  }
.LBB2_10:
0xc3: {  	_ =	sfence.sel $0x180000  }
0xc4: {  	[bflag:$0x0] =	sbarrier.arrive $0xFFFF  }
0xc5: {  	_ =	strace $0x90000053  }
0xc6: {  	s0 =	stileid.u32;
	[bflag:$0x2] =	sbarrier.arrive $0xFFFF  }
0xc7: {  	p0 =	sne.s32 s0, $0x0;
	s0 =	rddreg [dreg:$0x3]  }
0xc8: {  	s0 =	sadd.s32 @!p0 $0x100000, s0  }
0xc9: {  	[sflag:s0] =	ssyncadd.tile.s32 @!p0 $0x1;
	_ =	shalt  }
.Lfunc_end2:
_tile_overlayer_lowered:
.L_overlay_start_2:
0xca: {  	(tag) =	ssettag $0x2  }
0xcb: {  	s0 =	rddreg [dreg:$0x0];
	s2 =	stileid.u32  }
0xcc: {  	s1 =	rddreg [dreg:$0x1];
	p0 =	sne.s32 s2, $0x0  }
0xcd: {  	s3 =	rddreg [dreg:$0x2];
	[bflag:$0x3] =	sbarrier.arrive $0xFFFF;
	s2 =	simm.s32 @!p0 $0x1C02  }
0xce: {  	[timem:s3], [sflag:s2] =	dma.local @!p0 [hbm:s0], s1  }
0xcf: {  	s0 =	simm.s32 @!p0 $0x2  }
0xd0: {  	_ =	swait.ge @!p0 [sflag:s0], s1  }
0xd1: {  	s1 =	ssub.s32 @!p0 $0x0, s1;
	[sflag:s0] =	ssyncset.done @!p0 $0x0  }
0xd2: {  	[sflag:s0] =	ssyncadd.s32 @!p0 s1  }
0xd3: {  	[bflag:$0x3] =	sbarrier.arrive $0xFFFF  }
0xd4: {  	_ =	shalt  }

// kernel: sc_spmm.19.cloned.1.call-start
scs
__scs_entry_jumppad:
0x0: {  	(pc) =	sbr.rel $0x88, $3  }
0x1: {  	(tag) =	ssettag $0x0;
	lr =	simm.s32 $0x1  }
0x2: {  	[smem:$0x3F71] =	sst lr;
	_ =	strace $0xD0000000  }
0x3: {  	_ = 	snop  }
0x4: {  	_ = 	snop  }
0x5: {  	_ = 	snop  }
0x6: {  	_ = 	snop  }
0x7: {  	_ = 	snop  }
__scs_overlays_trampoline_lowered:
0x8: {  	[smem:$0x3F80] =	sst s0  }
0x9: {  	[smem:$0x3F81] =	sst s1  }
0xa: {  	[smem:$0x3F82] =	sst s2  }
0xb: {  	[smem:$0x3F83] =	sst s3  }
0xc: {  	[smem:$0x3F84] =	sst s4  }
0xd: {  	[smem:$0x3F85] =	sst s5  }
0xe: {  	[smem:$0x3F86] =	sst s6  }
0xf: {  	[smem:$0x3F87] =	sst s7  }
0x10: {  	[smem:$0x3F88] =	sst s8  }
0x11: {  	[smem:$0x3F89] =	sst s9;
	s0 =	simm.s32 @!p0 $0x0  }
0x12: {  	s1 =	sld [smem:$0x3F6F];
	s0 =	simm.s32 @p0 $0x1  }
0x13: {  	[smem:$0x3F8A] =	sst s0;
	s0 =	simm.s32 @!p1 $0x0  }
0x14: {  	s2 =	sld [smem:$0x3F6E];
	s0 =	simm.s32 @p1 $0x1  }
0x15: {  	[smem:$0x3F8B] =	sst s0;
	s0 =	simm.s32 @!p2 $0x0  }
0x16: {  	s3 =	sld [smem:$0x3FDB];
	s0 =	simm.s32 @p2 $0x1  }
0x17: {  	s4 =	simm.s32 $0x1BF5;
	[smem:$0x3F8D] =	sst s0  }
0x18: {  	s0 =	sld [smem:$0x3F70];
	_ =	swait.ge [sflag:s4], $0x0  }
0x19: {  	s7 =	sld [smem:$0x3F71]  }
0x1a: {  	s8 =	sadd.s32 $0xFFFFE003, lr  }
0x1b: {  	s9 =	sadd.s32 $0xFFFFFEF7, lr;
	s5 =	simm.s32 $0xFFFFFFFF;
	p2 =	slt.u32 s8, $0xFFFFF086  }
0x1c: {  	p1 =	slt.u32 s9, $0xF7A;
	s5 =	simm.s32 @!p2 $0x0  }
0x1d: {  	s5 =	simm.s32 @p1 $0x1;
	p0 =	seq.s32 s7, s2  }
0x1e: {  	s7 =	smul.u32 @!p0 $0xF7A, s2;
	p2 =	seq.s32 @!p0 s5, $0x0  }
0x1f: {  	s9 =	smul.u32 $0xF7A, s1;
	s8 =	simm.s32 @!p0 $0x1BF5;
	p2 =	por !p2, p0  }
0x20: {  	[sflag:s8] =	ssyncset.s32 @!p0 $0xFFFFF086;
	s6 =	sadd.s32 @!p0 s3, s7;
	s7 =	simm.s32 @!p0 $0x108  }
0x21: {  	s3 =	sadd.s32 s3, s9;
	s6 =	sadd.s32 @!p0 $0x88, s6;
	s7 =	simm.s32 @p2 $0x1082  }
0x22: {  	[simem:s7], [sflag:s8] =	dma.local @!p0 [hbm:s6], $0xF7A  }
0x23: {  	s9 =	sor.u32 $0xD0000000, s2;
	s6 =	simm.s32 $0x108;
	_ =	swait.ge @!p0 [sflag:s8], $0x0  }
0x24: {  	s3 =	sadd.s32 $0x88, s3;
	s6 =	simm.s32 @!p1 $0x1082;
	[sflag:s4] =	ssyncset.s32 $0xFFFFF086  }
0x25: {  	[simem:s6], [sflag:s4] =	dma.local [hbm:s3], $0xF7A  }
0x26: {  	[smem:$0x3F71] =	sst s1;
	(tag) =	ssettag s2;
	_ =	strace s9  }
0x27: {  	s1 =	sld [smem:$0x3F81]  }
0x28: {  	s2 =	sld [smem:$0x3F82]  }
0x29: {  	s4 =	sld [smem:$0x3F84]  }
0x2a: {  	p0 =	seq.s32 s5, $0x0;
	s5 =	sld [smem:$0x3F85]  }
0x2b: {  	s6 =	sld [smem:$0x3F86]  }
0x2c: {  	s7 =	sld [smem:$0x3F87]  }
0x2d: {  	s3 =	simm.s32 $0x108;
	s8 =	sld [smem:$0x3F88]  }
0x2e: {  	s3 =	simm.s32 @!p0 $0x1082;
	s9 =	sld [smem:$0x3F89]  }
0x2f: {  	lr =	sadd.s32 s0, s3;
	s0 =	sld [smem:$0x3F80]  }
0x30: {  	s3 =	sld [smem:$0x3F83]  }
0x31: {  	[smem:$0x3F8C] =	sst s10  }
0x32: {  	s10 =	sld [smem:$0x3F8A];
	_ =	sdelay $0x3  }
0x33: {  	p0 =	seq.s32 s10, $0x1;
	s10 =	sld [smem:$0x3F8C];
	_ =	sdelay $0x3  }
0x34: {  	[smem:$0x3F8C] =	sst s10  }
0x35: {  	s10 =	sld [smem:$0x3F8B];
	_ =	sdelay $0x3  }
0x36: {  	p1 =	seq.s32 s10, $0x1;
	s10 =	sld [smem:$0x3F8C];
	_ =	sdelay $0x3  }
0x37: {  	[smem:$0x3F8C] =	sst s10  }
0x38: {  	s10 =	sld [smem:$0x3F8D]  }
0x39: {  	_ = 	snop;
	(pc) =	sbr.ind lr, $3  }
0x3a: {  	_ = 	snop  }
0x3b: {  	_ = 	snop  }
0x3c: {  	p2 =	seq.s32 s10, $0x1;
	s10 =	sld [smem:$0x3F8C]  }
0x3d: {  	_ =	shalt  }
0x3e: {  	_ =	shalt  }
0x3f: {  	_ =	shalt  }
0x40: {  	_ =	shalt  }
0x41: {  	_ =	shalt  }
0x42: {  	_ =	shalt  }
0x43: {  	_ =	shalt  }
0x44: {  	_ =	shalt  }
0x45: {  	_ =	shalt  }
0x46: {  	_ =	shalt  }
0x47: {  	_ =	shalt  }
0x48: {  	_ =	shalt  }
0x49: {  	_ =	shalt  }
0x4a: {  	_ =	shalt  }
0x4b: {  	_ =	shalt  }
0x4c: {  	_ =	shalt  }
0x4d: {  	_ =	shalt  }
0x4e: {  	_ =	shalt  }
0x4f: {  	_ =	shalt  }
0x50: {  	_ =	shalt  }
0x51: {  	_ =	shalt  }
0x52: {  	_ =	shalt  }
0x53: {  	_ =	shalt  }
0x54: {  	_ =	shalt  }
0x55: {  	_ =	shalt  }
0x56: {  	_ =	shalt  }
0x57: {  	_ =	shalt  }
0x58: {  	_ =	shalt  }
0x59: {  	_ =	shalt  }
0x5a: {  	_ =	shalt  }
0x5b: {  	_ =	shalt  }
0x5c: {  	_ =	shalt  }
0x5d: {  	_ =	shalt  }
0x5e: {  	_ =	shalt  }
0x5f: {  	_ =	shalt  }
0x60: {  	_ =	shalt  }
0x61: {  	_ =	shalt  }
0x62: {  	_ =	shalt  }
0x63: {  	_ =	shalt  }
0x64: {  	_ =	shalt  }
0x65: {  	_ =	shalt  }
0x66: {  	_ =	shalt  }
0x67: {  	_ =	shalt  }
0x68: {  	_ =	shalt  }
0x69: {  	_ =	shalt  }
0x6a: {  	_ =	shalt  }
0x6b: {  	_ =	shalt  }
0x6c: {  	_ =	shalt  }
0x6d: {  	_ =	shalt  }
0x6e: {  	_ =	shalt  }
0x6f: {  	_ =	shalt  }
0x70: {  	_ =	shalt  }
0x71: {  	_ =	shalt  }
0x72: {  	_ =	shalt  }
0x73: {  	_ =	shalt  }
0x74: {  	_ =	shalt  }
0x75: {  	_ =	shalt  }
0x76: {  	_ =	shalt  }
0x77: {  	_ =	shalt  }
0x78: {  	_ =	shalt  }
0x79: {  	_ =	shalt  }
0x7a: {  	_ =	shalt  }
0x7b: {  	_ =	shalt  }
0x7c: {  	_ =	shalt  }
0x7d: {  	_ =	shalt  }
0x7e: {  	_ =	shalt  }
0x7f: {  	_ =	shalt  }
0x80: {  	_ =	shalt  }
0x81: {  	_ =	shalt  }
0x82: {  	_ =	shalt  }
0x83: {  	_ =	shalt  }
0x84: {  	_ =	shalt  }
0x85: {  	_ =	shalt  }
0x86: {  	_ =	shalt  }
0x87: {  	_ =	shalt  }
.Lfunc_end0:
.L_simem_size_0:
called_computation.5_lowered:
.L_overlay_start_0:
0x88: {  	s2 =	sld [smem:$0x3FD9]  }
0x89: {  	s3 =	sld [smem:$0x3FFE];
	_ =	sdelay $0x1  }
0x8a: {  	s1 =	srdreg.scid  }
0x8b: {  	s0 =	sand.u32 $0x1, s1  }
0x8c: {  	s14 =	sshll.u32 s0, $0xA;
	s2 =	sadd.s32 s3, s2  }
0x8d: {  	s2 =	sadd.s32 s2, s14  }
0x8e: {  	[smem:$0x3F98] =	sst s2  }
0x8f: {  	_ = 	snop  }
0x90: {  	s2 =	sld [smem:$0x3FD0];
	_ =	sdelay $0x2  }
0x91: {  	s15 =	simm.s32 $0xB;
	s4 =	simm.s32 $0x10  }
0x92: {  	[smem:s4], [sflag:s15] =	dma.local [hbm:s2], $0x1  }
0x93: {  	_ =	swait.eq [sflag:s15], $0x1  }
0x94: {  	[sflag:s15] =	ssyncset.done $0x0  }
0x95: {  	[sflag:s15] =	ssyncadd.s32 $0xFFFFFFFF  }
0x96: {  	s16 =	sld [smem:$0x11];
	(tm) =	ssettm $0x1  }
0x97: {  	s17 =	sld [smem:$0x3FFB];
	_ =	sdelay $0x3  }
0x98: {  	_ =	strace s17  }
0x99: {  	s3 =	sld [smem:$0x3FFC];
	_ =	sdelay $0x3  }
0x9a: {  	_ =	strace s3  }
0x9b: {  	s3 =	sld [smem:$0x3FFD];
	_ =	sdelay $0x3  }
0x9c: {  	_ =	strace s3  }
0x9d: {  	_ =	strace $0x8FFFFFFF  }
0x9e: {  	s18 =	sld [smem:$0x3FDB];
	_ =	sdelay $0x1  }
0x9f: {  	s19 =	simm.s32 $_scs_section_size  }
0xa0: {  	s5 =	simm.s32 $_size__tile_overlayer_lowered;
	s6 =	simm.s32 $_tile_overlayer_lowered  }
0xa1: {  	s22 =	simm.s32 $0x1BFF;
	s21 =	sshll.u32 s6, $0x1;
	s3 =	sadd.s32 s19, s18  }
0xa2: {  	s7 =	simm.s32 $0x0;
	s20 =	sshll.u32 s5, $0x1;
	s5 =	sadd.s32 s21, s3  }
0xa3: {  	[timem:s7], [sflag:s22] =	dma.local [hbm:s5], s20  }
0xa4: {  	_ =	swait.ge [sflag:s22], s20  }
0xa5: {  	s4 =	ssub.s32 $0x0, s20;
	[sflag:s22] =	ssyncset.done $0x0  }
0xa6: {  	[sflag:s22] =	ssyncadd.s32 s4;
	_ =	sdelay $0x1  }
0xa7: {  	s23 =	simm.s32 $0x1B8B  }
0xa8: {  	_ =	swait.ge [sflag:s23], $0x1  }
0xa9: {  	[sflag:s23] =	ssyncset.done $0x0  }
0xaa: {  	s25 =	simm.s32 $0x1B8E;
	s24 =	sld [smem:$0x3FFE];
	[sflag:s23] =	ssyncadd.s32 $0xFFFFFFFF  }
0xab: {  	s26 =	simm.s32 $execute0_lowered;
	[smem:$0x3FD2] =	sst s25  }
0xac: {  	s5 =	sshll.u32 s26, $0x1;
	_ =	strace $0x80000055;
	[dreg:$0x1] =	wrdreg $0xFFFFFFFF  }
0xad: {  	s28 =	simm.s32 $_size_execute0_lowered;
	s3 =	sadd.s32 s3, s5;
	[dreg:$0x0] =	wrdreg $0x0  }
0xae: {  	s5 =	sshll.u32 s28, $0x1;
	[dreg:$0x2] =	wrdreg s3  }
0xaf: {  	[dreg:$0x3] =	wrdreg s5  }
0xb0: {  	[dreg:$0x4] =	wrdreg $0xC0  }
0xb1: {  	_ =	task [dreg:s7], $0x5FFFF  }
0xb2: {  	[dreg:$0x1] =	wrdreg $0xFFFFFFFF  }
0xb3: {  	[dreg:$0x0] =	wrdreg $0x60  }
0xb4: {  	[dreg:$0x2] =	wrdreg s16  }
0xb5: {  	[dreg:$0x3] =	wrdreg s24  }
0xb6: {  	[dreg:$0x4] =	wrdreg $0x0  }
0xb7: {  	[dreg:$0x5] =	wrdreg $0x9  }
0xb8: {  	_ =	task.clear_ibuf [dreg:s7], $0x6FFFF;
	_ =	strace $0x90000055  }
0xb9: {  	s29 =	simm.s32 $0x9;
	_ =	strace $0x80000057  }
0xba: {  	_ =	swait.ge [sflag:s29], $0x1  }
0xbb: {  	[sflag:s29] =	ssyncadd.s32 $0xFFFFFFFF  }
0xbc: {  	_ =	strace $0x90000057  }
0xbd: {  	_ =	sfence  }
0xbe: {  	s30 =	sld [smem:$0x0];
	_ =	sdelay $0x2  }
0xbf: {  	s31 =	sshll.u32 s1, $0xD;
	s1 =	sshrl.u32 s1, $0x2  }
0xc0: {  	s3 =	sand.u32 $0x4000, s31;
	s1 =	sadd.s32 s1, s30  }
0xc1: {  	s0 =	sor.u32 s3, s0;
	s1 =	sshll.u32 s1, $0x11  }
0xc2: {  	s0 =	sor.u32 s1, s0  }
0xc3: {  	s0 =	sadd.s32 $0x8F2B, s0  }
0xc4: {  	[sflag:s0] =	ssyncadd.remote.s32 $0x1  }
0xc5: {  	_ =	sfence.sel $0xFFFF  }
0xc6: {  	[dreg:$0x0] =	wrdreg $0xFFFFFFFF;
	(pc) =	sbr.abs _section_cstart, $3  }
0xc7: {  	[dreg:$0x1] =	wrdreg $0xFFFFFFFF  }
0xc8: {  	_ =	task.clear_ibuf [dreg:s7], $0x2FFFF;
	_ =	strace $0x9FFFFFFF  }
0xc9: {  	(tm) =	ssettm $0x7FFFFFFF  }
tec
execute0_lowered:
.L_overlay_start_1:
0x0: {  	(tag) =	ssettag $0x1  }
0x1: {  	s1 =	rddreg [dreg:$0x0]  }
0x2: {  	s0 =	rddreg [dreg:$0x1]  }
0x3: {  	s2 =	rddreg [dreg:$0x2];
	s3 =	simm.s32 $0x0;
	s7 =	srdreg.scid  }
0x4: {  	s26 =	stileid.u32;
	s19 =	simm.s32 $0x2;
	s28 =	simm.s32 $0x17A00  }
0x5: {  	s29 =	simm.s32 $0x10;
	s30 =	simm.s32 $0x17A80;
	s31 =	simm.s32 $0x0  }
0x6: {  	[smem:$0x7FF] =	sst s3;
	s4 =	sadd.s32 $0x1A000, s0;
	s11 =	smul.u32 $0x2710, s26  }
0x7: {  	s5 =	sadd.s32 $0x15000, s0;
	s16 =	sadd.s32 $0x10000, s0;
	s12 =	smul.u32 $0x4E000, s26  }
0x8: {  	s6 =	sadd.s32 $0x41200, s0;
	s9 =	sand.u32 $0x1, s7;
	s13 =	smul.u32 $0x2700, s26  }
0x9: {  	s20 =	sadd.s32 $0x43A00, s0;
	s8 =	sadd.s32 $0x6AC00, s0;
	s17 =	smul.u32 $0x4E2, s26  }
0xa: {  	s25 =	sshll.u32 s26, $0x6;
	p1 =	sne.s32 s26, $0xF;
	p2 =	seq.s32 s26, $0xF  }
0xb: {  	s26 =	simm.s32 $0x17980;
	_ =	strace $0x80000056;
	s10 =	ssub.s32 $0x2, s9  }
0xc: {  	p0 =	seq.s32 s9, $0x1;
	s9 =	sadd.s32 $0x138000, s2;
	[dreg:$0x4] =	wrdreg s20  }
0xd: {  	s15 =	sor.u32 $0x1C02, s25;
	s25 =	simm.s32 $0x1;
	s21 =	sshrl.u32 s10, $0x1  }
0xe: {  	s22 =	sshrl.u32 s11, $0x3;
	s23 =	sshrl.u32 s12, $0x2;
	s7 =	sadd.s32 s20, s13  }
0xf: {  	s24 =	sadd.s32 s8, s13;
	s20 =	sshrl.u32 @!p1 s9, $0x3;
	s0 =	ssub.s32 s10, s21  }
.Ltmp0:
0x10: {  	s11 =	sadd.s32 $0x4E0, s22;
	[dreg:$0x5] =	wrdreg s7;
	(pc) =	sbr.rel .LBB2_1-.Ltmp0, $4  }
0x11: {  	s18 =	sadd.s32 s23, s2;
	[dreg:$0x6] =	wrdreg s24;
	s21 =	simm.s32 $0x13880  }
0x12: {  	s22 =	simm.s32 $0x13900;
	s23 =	simm.s32 $0x80;
	s24 =	simm.s32 $0x13980  }
0x13: {  	s10 =	sadd.s32 s5, s11;
	s11 =	sadd.s32 s16, s11;
	s14 =	smax.u32 s0, $0x1  }
0x14: {  	s16 =	sadd.s32 s17, s16;
	s17 =	sadd.s32 s17, s5;
	s18 =	sshrl.u32 s18, $0x3  }
.LBB2_8:
0x15: {  	s0 =	sadd.s32 $0x27000, s0;
	s5 =	sshrl.u32 s9, $0x3  }
0x16: {  	[hbm:s0], [sflag:s15] =	dma.local [spmem:s5], $0x100  }
0x17: {  	_ =	swait.ge [sflag:s19], $0x100  }
0x18: {  	[sflag:s19] =	ssyncset.done $0x0  }
0x19: {  	[sflag:s19] =	ssyncadd.s32 $0xFFFFFF00  }
.LBB2_9:
0x1a: {  	s31 =	sadd.s32 $0x1, s31  }
0x1b: {  	p3 =	sne.s32 s31, s14  }
.Ltmp1:
0x1c: {  	_ = 	snop;
	(pc) =	sbr.rel @!p3 .LBB2_10-.Ltmp1, $1  }
0x1d: {  	_ =	sdelay $0x3  }
.LBB2_1:
.Ltmp2:
0x1e: {  	(pc) =	sbr.rel @!p0 .LBB2_2-.Ltmp2, $4  }
0x1f: {  	[spmem:s18], [sflag:s15] =	dma.local [hbm:s6], $0x2700  }
0x20: {  	_ =	swait.ge [sflag:s19], $0x2700  }
0x21: {  	[sflag:s19] =	ssyncset.done $0x0  }
0x22: {  	[sflag:s19] =	ssyncadd.s32 $0xFFFFD900  }
0x23: {  	[spmem:s20], [sflag:s15] =	dma.local @!p1 [hbm:s6], $0x100  }
0x24: {  	s0 =	simm.s32 @!p1 $0x2  }
0x25: {  	_ =	swait.ge @!p1 [sflag:s0], $0x100  }
0x26: {  	[sflag:s0] =	ssyncset.done @!p1 $0x0  }
0x27: {  	[sflag:s0] =	ssyncadd.s32 @!p1 $0xFFFFFF00  }
0x28: {  	s12 =	sadd.s32 $0x0, s17;
	[bflag:$0x0] =	sbarrier.arrive $0xFFFF  }
0x29: {  	[tilespmem:s21], [sflag:$0x2] =	stream.linear.gather [hbm4b:s12+s3], $0x80, $0x38;
	[tilespmem:$0x18280] =	vst v63  }
0x2a: {  	_ =	swait.ge [sflag:s19], $0x80  }
0x2b: {  	[sflag:s19] =	ssyncset.done $0x0  }
0x2c: {  	s13 =	sadd.s32 $0x0, s16;
	[sflag:s19] =	ssyncadd.s32 $0xFFFFFF80  }
0x2d: {  	[tilespmem:s22], [sflag:$0x2] =	stream.linear.gather [hbm4b:s13+s3], $0x80, $0x38;
	[tilespmem:$0x18280] =	vst v63  }
0x2e: {  	_ =	swait.ge [sflag:s19], $0x80  }
0x2f: {  	[sflag:s19] =	ssyncset.done $0x0  }
0x30: {  	[sflag:s19] =	ssyncadd.s32 $0xFFFFFF80  }
0x31: {  	[tilespmem:s24], [sflag:$0x1] =	stream.indirect.gather [hbm4b:s4+s23], $0x80, s21, s23, $0xb8;
	[tilespmem:$0x18280] =	vst v63  }
0x32: {  	_ =	swait.ge [sflag:s25], $0x4000  }
0x33: {  	[sflag:s25] =	ssyncset.done $0x0  }
0x34: {  	[sflag:s25] =	ssyncadd.s32 $0xFFFFC000  }
0x35: {  	[spmem:s2] =	stream.indirect.scatter.add.f32 [tilespmem:s24], [sflag:$0x2], $0x80, s22, s23, $0xb8;
	[tilespmem:$0x18280] =	vst v63  }
0x36: {  	_ =	swait.ge [sflag:s19], $0x4000  }
0x37: {  	s5 =	simm.s32 $0x20;
	s0 =	simm.s32 $0x10;
	[sflag:s19] =	ssyncset.done $0x0  }
.LBB2_6:
0x38: {  	s7 =	sadd.s32 s0, s17  }
0x39: {  	[sflag:s19] =	ssyncadd.s32 $0xFFFFC000;
	s12 =	smov.u32 s5;
	s13 =	sadd.s32 $0x10, s5  }
0x3a: {  	[tilespmem:s21], [sflag:$0x2] =	stream.linear.gather [hbm4b:s7+s3], $0x80, $0x38;
	[tilespmem:$0x18280] =	vst v63  }
0x3b: {  	p3 =	sne.s32 s5, $0x4D0;
	_ =	swait.ge [sflag:s19], $0x80  }
0x3c: {  	[sflag:s19] =	ssyncset.done $0x0  }
0x3d: {  	s5 =	sadd.s32 s0, s16;
	s0 =	smov.u32 s12;
	[sflag:s19] =	ssyncadd.s32 $0xFFFFFF80  }
0x3e: {  	[tilespmem:s22], [sflag:$0x2] =	stream.linear.gather [hbm4b:s5+s3], $0x80, $0x38;
	[tilespmem:$0x18280] =	vst v63  }
0x3f: {  	_ =	swait.ge [sflag:s19], $0x80  }
0x40: {  	[sflag:s19] =	ssyncset.done $0x0  }
0x41: {  	[sflag:s19] =	ssyncadd.s32 $0xFFFFFF80  }
0x42: {  	[tilespmem:s24], [sflag:$0x1] =	stream.indirect.gather [hbm4b:s4+s23], $0x80, s21, s23, $0xb8;
	[tilespmem:$0x18280] =	vst v63  }
0x43: {  	_ =	swait.ge [sflag:s25], $0x4000  }
.Ltmp3:
0x44: {  	[sflag:s25] =	ssyncset.done $0x0;
	(pc) =	sbr.rel @p3 .LBB2_6-.Ltmp3, $4  }
0x45: {  	[sflag:s25] =	ssyncadd.s32 $0xFFFFC000  }
0x46: {  	[spmem:s2] =	stream.indirect.scatter.add.f32 [tilespmem:s24], [sflag:$0x2], $0x80, s22, s23, $0xb8;
	[tilespmem:$0x18280] =	vst v63  }
0x47: {  	_ =	swait.ge [sflag:s19], $0x4000  }
0x48: {  	s5 =	smov.u32 s13;
	[sflag:s19] =	ssyncset.done $0x0  }
0x49: {  	s5 =	sadd.s32 s0, s17;
	[sflag:s19] =	ssyncadd.s32 $0xFFFFC000  }
0x4a: {  	[tilespmem:s21], [sflag:$0x2] =	stream.linear.gather [hbm4b:s5+s3], $0x80, $0x38;
	[tilespmem:$0x18280] =	vst v63  }
0x4b: {  	_ =	swait.ge [sflag:s19], $0x80  }
0x4c: {  	[sflag:s19] =	ssyncset.done $0x0  }
0x4d: {  	s12 =	sadd.s32 s0, s16;
	[sflag:s19] =	ssyncadd.s32 $0xFFFFFF80  }
0x4e: {  	[tilespmem:s22], [sflag:$0x2] =	stream.linear.gather [hbm4b:s12+s3], $0x80, $0x38;
	[tilespmem:$0x18280] =	vst v63  }
0x4f: {  	_ =	swait.ge [sflag:s19], $0x80  }
0x50: {  	[sflag:s19] =	ssyncset.done $0x0  }
0x51: {  	[sflag:s19] =	ssyncadd.s32 $0xFFFFFF80  }
0x52: {  	[tilespmem:s24], [sflag:$0x1] =	stream.indirect.gather [hbm4b:s4+s23], $0x80, s21, s23, $0xb8;
	[tilespmem:$0x18280] =	vst v63  }
0x53: {  	_ =	swait.ge [sflag:s25], $0x4000  }
0x54: {  	[sflag:s25] =	ssyncset.done $0x0  }
0x55: {  	[sflag:s25] =	ssyncadd.s32 $0xFFFFC000  }
0x56: {  	[spmem:s2] =	stream.indirect.scatter.add.f32 [tilespmem:s24], [sflag:$0x2], $0x80, s22, s23, $0xb8;
	[tilespmem:$0x18280] =	vst v63  }
0x57: {  	_ =	swait.ge [sflag:s19], $0x4000  }
0x58: {  	[sflag:s19] =	ssyncset.done $0x0  }
0x59: {  	[sflag:s19] =	ssyncadd.s32 $0xFFFFC000  }
0x5a: {  	[tilespmem:s26], [sflag:$0x2] =	stream.linear.gather [hbm4b:s10+s3], $0x10, $0x38;
	[tilespmem:$0x18280] =	vst v63  }
0x5b: {  	_ =	swait.ge [sflag:s19], $0x10  }
0x5c: {  	[sflag:s19] =	ssyncset.done $0x0  }
0x5d: {  	[sflag:s19] =	ssyncadd.s32 $0xFFFFFFF0  }
0x5e: {  	[tilespmem:s28], [sflag:$0x2] =	stream.linear.gather [hbm4b:s11+s3], $0x10, $0x38;
	[tilespmem:$0x18280] =	vst v63  }
0x5f: {  	_ =	swait.ge [sflag:s19], $0x10  }
0x60: {  	[sflag:s19] =	ssyncset.done $0x0  }
0x61: {  	[sflag:s19] =	ssyncadd.s32 $0xFFFFFFF0  }
0x62: {  	[tilespmem:s30], [sflag:$0x1] =	stream.indirect.gather [hbm4b:s4+s29], $0x80, s26, s29, $0xb8;
	[tilespmem:$0x18280] =	vst v63  }
0x63: {  	_ =	swait.ge [sflag:s25], $0x800  }
0x64: {  	[sflag:s25] =	ssyncset.done $0x0  }
0x65: {  	[sflag:s25] =	ssyncadd.s32 $0xFFFFF800  }
0x66: {  	[spmem:s2] =	stream.indirect.scatter.add.f32 [tilespmem:s30], [sflag:$0x2], $0x80, s28, s29, $0xb8;
	[tilespmem:$0x18280] =	vst v63  }
0x67: {  	_ =	swait.ge [sflag:s19], $0x800  }
0x68: {  	[sflag:s19] =	ssyncset.done $0x0  }
0x69: {  	[sflag:s19] =	ssyncadd.s32 $0xFFFFF800  }
0x6a: {  	[bflag:$0x0] =	sbarrier.arrive $0xFFFF  }
0x6b: {  	s13 =	rddreg [dreg:$0x6]  }
0x6c: {  	[hbm:s13], [sflag:s15] =	dma.local [spmem:s18], $0x2700  }
.Ltmp4:
0x6d: {  	_ = 	snop;
	(pc) =	sbr.rel @p1 .LBB2_9-.Ltmp4, $4  }
.Ltmp5:
0x6e: {  	_ = 	snop;
	(pc) =	sbr.rel @!p1 .LBB2_8-.Ltmp5, $4  }
0x6f: {  	_ =	swait.ge [sflag:s19], $0x2700  }
0x70: {  	[sflag:s19] =	ssyncset.done $0x0  }
0x71: {  	s0 =	smov.u32 s8;
	[sflag:s19] =	ssyncadd.s32 $0xFFFFD900  }
0x72: {  	_ = 	snop  }
.LBB2_2:
0x73: {  	[spmem:s20], [sflag:s15] =	dma.local @!p1 [hbm:s6], $0x100  }
0x74: {  	s0 =	simm.s32 @!p1 $0x2  }
0x75: {  	_ =	swait.ge @!p1 [sflag:s0], $0x100  }
0x76: {  	[sflag:s0] =	ssyncset.done @!p1 $0x0  }
0x77: {  	[sflag:s0] =	ssyncadd.s32 @!p1 $0xFFFFFF00  }
0x78: {  	s12 =	sadd.s32 $0x0, s17;
	[bflag:$0x0] =	sbarrier.arrive $0xFFFF  }
0x79: {  	[tilespmem:s21], [sflag:$0x2] =	stream.linear.gather [hbm4b:s12+s3], $0x80, $0x38;
	[tilespmem:$0x18280] =	vst v63  }
0x7a: {  	_ =	swait.ge [sflag:s19], $0x80  }
0x7b: {  	[sflag:s19] =	ssyncset.done $0x0  }
0x7c: {  	s13 =	sadd.s32 $0x0, s16;
	[sflag:s19] =	ssyncadd.s32 $0xFFFFFF80  }
0x7d: {  	[tilespmem:s22], [sflag:$0x2] =	stream.linear.gather [hbm4b:s13+s3], $0x80, $0x38;
	[tilespmem:$0x18280] =	vst v63  }
0x7e: {  	_ =	swait.ge [sflag:s19], $0x80  }
0x7f: {  	[sflag:s19] =	ssyncset.done $0x0  }
0x80: {  	[sflag:s19] =	ssyncadd.s32 $0xFFFFFF80  }
0x81: {  	[tilespmem:s24], [sflag:$0x1] =	stream.indirect.gather [hbm4b:s1+s23], $0x80, s21, s23, $0xb8;
	[tilespmem:$0x18280] =	vst v63  }
0x82: {  	_ =	swait.ge [sflag:s25], $0x4000  }
0x83: {  	[sflag:s25] =	ssyncset.done $0x0  }
0x84: {  	[sflag:s25] =	ssyncadd.s32 $0xFFFFC000  }
0x85: {  	[spmem:s2] =	stream.indirect.scatter.add.f32 [tilespmem:s24], [sflag:$0x2], $0x80, s22, s23, $0xb8;
	[tilespmem:$0x18280] =	vst v63  }
0x86: {  	_ =	swait.ge [sflag:s19], $0x4000  }
0x87: {  	s5 =	simm.s32 $0x20;
	s0 =	simm.s32 $0x10;
	[sflag:s19] =	ssyncset.done $0x0  }
.LBB2_3:
0x88: {  	s12 =	sadd.s32 s0, s17  }
0x89: {  	[sflag:s19] =	ssyncadd.s32 $0xFFFFC000;
	s13 =	smov.u32 s5;
	s7 =	sadd.s32 $0x10, s5  }
0x8a: {  	[tilespmem:s21], [sflag:$0x2] =	stream.linear.gather [hbm4b:s12+s3], $0x80, $0x38;
	[tilespmem:$0x18280] =	vst v63  }
0x8b: {  	p3 =	sne.s32 s5, $0x4D0;
	_ =	swait.ge [sflag:s19], $0x80  }
0x8c: {  	[sflag:s19] =	ssyncset.done $0x0  }
0x8d: {  	s5 =	sadd.s32 s0, s16;
	s0 =	smov.u32 s13;
	[sflag:s19] =	ssyncadd.s32 $0xFFFFFF80  }
0x8e: {  	[tilespmem:s22], [sflag:$0x2] =	stream.linear.gather [hbm4b:s5+s3], $0x80, $0x38;
	[tilespmem:$0x18280] =	vst v63  }
0x8f: {  	_ =	swait.ge [sflag:s19], $0x80  }
0x90: {  	[sflag:s19] =	ssyncset.done $0x0  }
0x91: {  	[sflag:s19] =	ssyncadd.s32 $0xFFFFFF80  }
0x92: {  	[tilespmem:s24], [sflag:$0x1] =	stream.indirect.gather [hbm4b:s1+s23], $0x80, s21, s23, $0xb8;
	[tilespmem:$0x18280] =	vst v63  }
0x93: {  	_ =	swait.ge [sflag:s25], $0x4000  }
.Ltmp6:
0x94: {  	[sflag:s25] =	ssyncset.done $0x0;
	(pc) =	sbr.rel @p3 .LBB2_3-.Ltmp6, $4  }
0x95: {  	[sflag:s25] =	ssyncadd.s32 $0xFFFFC000  }
0x96: {  	[spmem:s2] =	stream.indirect.scatter.add.f32 [tilespmem:s24], [sflag:$0x2], $0x80, s22, s23, $0xb8;
	[tilespmem:$0x18280] =	vst v63  }
0x97: {  	_ =	swait.ge [sflag:s19], $0x4000  }
0x98: {  	s5 =	smov.u32 s7;
	[sflag:s19] =	ssyncset.done $0x0  }
0x99: {  	s5 =	sadd.s32 s0, s17;
	[sflag:s19] =	ssyncadd.s32 $0xFFFFC000  }
0x9a: {  	[tilespmem:s21], [sflag:$0x2] =	stream.linear.gather [hbm4b:s5+s3], $0x80, $0x38;
	[tilespmem:$0x18280] =	vst v63  }
0x9b: {  	_ =	swait.ge [sflag:s19], $0x80  }
0x9c: {  	[sflag:s19] =	ssyncset.done $0x0  }
0x9d: {  	s12 =	sadd.s32 s0, s16;
	[sflag:s19] =	ssyncadd.s32 $0xFFFFFF80  }
0x9e: {  	[tilespmem:s22], [sflag:$0x2] =	stream.linear.gather [hbm4b:s12+s3], $0x80, $0x38;
	[tilespmem:$0x18280] =	vst v63  }
0x9f: {  	_ =	swait.ge [sflag:s19], $0x80  }
0xa0: {  	[sflag:s19] =	ssyncset.done $0x0  }
0xa1: {  	[sflag:s19] =	ssyncadd.s32 $0xFFFFFF80  }
0xa2: {  	[tilespmem:s24], [sflag:$0x1] =	stream.indirect.gather [hbm4b:s1+s23], $0x80, s21, s23, $0xb8;
	[tilespmem:$0x18280] =	vst v63  }
0xa3: {  	_ =	swait.ge [sflag:s25], $0x4000  }
0xa4: {  	[sflag:s25] =	ssyncset.done $0x0  }
0xa5: {  	[sflag:s25] =	ssyncadd.s32 $0xFFFFC000  }
0xa6: {  	[spmem:s2] =	stream.indirect.scatter.add.f32 [tilespmem:s24], [sflag:$0x2], $0x80, s22, s23, $0xb8;
	[tilespmem:$0x18280] =	vst v63  }
0xa7: {  	_ =	swait.ge [sflag:s19], $0x4000  }
0xa8: {  	[sflag:s19] =	ssyncset.done $0x0  }
0xa9: {  	[sflag:s19] =	ssyncadd.s32 $0xFFFFC000  }
0xaa: {  	[tilespmem:s26], [sflag:$0x2] =	stream.linear.gather [hbm4b:s10+s3], $0x10, $0x38;
	[tilespmem:$0x18280] =	vst v63  }
0xab: {  	_ =	swait.ge [sflag:s19], $0x10  }
0xac: {  	[sflag:s19] =	ssyncset.done $0x0  }
0xad: {  	[sflag:s19] =	ssyncadd.s32 $0xFFFFFFF0  }
0xae: {  	[tilespmem:s28], [sflag:$0x2] =	stream.linear.gather [hbm4b:s11+s3], $0x10, $0x38;
	[tilespmem:$0x18280] =	vst v63  }
0xaf: {  	_ =	swait.ge [sflag:s19], $0x10  }
0xb0: {  	[sflag:s19] =	ssyncset.done $0x0  }
0xb1: {  	[sflag:s19] =	ssyncadd.s32 $0xFFFFFFF0  }
0xb2: {  	[tilespmem:s30], [sflag:$0x1] =	stream.indirect.gather [hbm4b:s1+s29], $0x80, s26, s29, $0xb8;
	[tilespmem:$0x18280] =	vst v63  }
0xb3: {  	_ =	swait.ge [sflag:s25], $0x800  }
0xb4: {  	[sflag:s25] =	ssyncset.done $0x0  }
0xb5: {  	[sflag:s25] =	ssyncadd.s32 $0xFFFFF800  }
0xb6: {  	[spmem:s2] =	stream.indirect.scatter.add.f32 [tilespmem:s30], [sflag:$0x2], $0x80, s28, s29, $0xb8;
	[tilespmem:$0x18280] =	vst v63  }
0xb7: {  	_ =	swait.ge [sflag:s19], $0x800  }
0xb8: {  	[sflag:s19] =	ssyncset.done $0x0  }
0xb9: {  	[sflag:s19] =	ssyncadd.s32 $0xFFFFF800  }
0xba: {  	[bflag:$0x0] =	sbarrier.arrive $0xFFFF  }
0xbb: {  	s13 =	rddreg [dreg:$0x5]  }
0xbc: {  	[hbm:s13], [sflag:s15] =	dma.local [spmem:s18], $0x2700  }
.Ltmp7:
0xbd: {  	_ = 	snop;
	(pc) =	sbr.rel @p2 .LBB2_8-.Ltmp7, $4  }
.Ltmp8:
0xbe: {  	_ = 	snop;
	(pc) =	sbr.rel @!p2 .LBB2_9-.Ltmp8, $4  }
0xbf: {  	_ =	swait.ge [sflag:s19], $0x2700  }
0xc0: {  	[sflag:s19] =	ssyncset.done $0x0  }
0xc1: {  	s0 =	rddreg [dreg:$0x4];
	[sflag:s19] =	ssyncadd.s32 $0xFFFFD900  }
0xc2: {  	_ = 	snop  }
.LBB2_10:
0xc3: {  	_ =	sfence.sel $0x180000  }
0xc4: {  	[bflag:$0x0] =	sbarrier.arrive $0xFFFF  }
0xc5: {  	_ =	strace $0x90000056  }
0xc6: {  	s0 =	stileid.u32;
	[bflag:$0x2] =	sbarrier.arrive $0xFFFF  }
0xc7: {  	p0 =	sne.s32 s0, $0x0;
	s0 =	rddreg [dreg:$0x3]  }
0xc8: {  	s0 =	sadd.s32 @!p0 $0x100000, s0  }
0xc9: {  	[sflag:s0] =	ssyncadd.tile.s32 @!p0 $0x1;
	_ =	shalt  }
.Lfunc_end2:
_tile_overlayer_lowered:
.L_overlay_start_2:
0xca: {  	(tag) =	ssettag $0x2  }
0xcb: {  	s0 =	rddreg [dreg:$0x0];
	s2 =	stileid.u32  }
0xcc: {  	s1 =	rddreg [dreg:$0x1];
	p0 =	sne.s32 s2, $0x0  }
0xcd: {  	s3 =	rddreg [dreg:$0x2];
	[bflag:$0x3] =	sbarrier.arrive $0xFFFF;
	s2 =	simm.s32 @!p0 $0x1C02  }
0xce: {  	[timem:s3], [sflag:s2] =	dma.local @!p0 [hbm:s0], s1  }
0xcf: {  	s0 =	simm.s32 @!p0 $0x2  }
0xd0: {  	_ =	swait.ge @!p0 [sflag:s0], s1  }
0xd1: {  	s1 =	ssub.s32 @!p0 $0x0, s1;
	[sflag:s0] =	ssyncset.done @!p0 $0x0  }
0xd2: {  	[sflag:s0] =	ssyncadd.s32 @!p0 s1  }
0xd3: {  	[bflag:$0x3] =	sbarrier.arrive $0xFFFF  }
0xd4: {  	_ =	shalt  }

// kernel: sc_spmm.7.cloned.1.call-start
scs
__scs_entry_jumppad:
0x0: {  	(pc) =	sbr.rel $0x88, $3  }
0x1: {  	(tag) =	ssettag $0x0;
	lr =	simm.s32 $0x1  }
0x2: {  	[smem:$0x3F71] =	sst lr;
	_ =	strace $0xD0000000  }
0x3: {  	_ = 	snop  }
0x4: {  	_ = 	snop  }
0x5: {  	_ = 	snop  }
0x6: {  	_ = 	snop  }
0x7: {  	_ = 	snop  }
__scs_overlays_trampoline_lowered:
0x8: {  	[smem:$0x3F80] =	sst s0  }
0x9: {  	[smem:$0x3F81] =	sst s1  }
0xa: {  	[smem:$0x3F82] =	sst s2  }
0xb: {  	[smem:$0x3F83] =	sst s3  }
0xc: {  	[smem:$0x3F84] =	sst s4  }
0xd: {  	[smem:$0x3F85] =	sst s5  }
0xe: {  	[smem:$0x3F86] =	sst s6  }
0xf: {  	[smem:$0x3F87] =	sst s7  }
0x10: {  	[smem:$0x3F88] =	sst s8  }
0x11: {  	[smem:$0x3F89] =	sst s9;
	s0 =	simm.s32 @!p0 $0x0  }
0x12: {  	s1 =	sld [smem:$0x3F6F];
	s0 =	simm.s32 @p0 $0x1  }
0x13: {  	[smem:$0x3F8A] =	sst s0;
	s0 =	simm.s32 @!p1 $0x0  }
0x14: {  	s2 =	sld [smem:$0x3F6E];
	s0 =	simm.s32 @p1 $0x1  }
0x15: {  	[smem:$0x3F8B] =	sst s0;
	s0 =	simm.s32 @!p2 $0x0  }
0x16: {  	s3 =	sld [smem:$0x3FDB];
	s0 =	simm.s32 @p2 $0x1  }
0x17: {  	s4 =	simm.s32 $0x1BF5;
	[smem:$0x3F8D] =	sst s0  }
0x18: {  	s0 =	sld [smem:$0x3F70];
	_ =	swait.ge [sflag:s4], $0x0  }
0x19: {  	s7 =	sld [smem:$0x3F71]  }
0x1a: {  	s8 =	sadd.s32 $0xFFFFE003, lr  }
0x1b: {  	s9 =	sadd.s32 $0xFFFFFEF7, lr;
	s5 =	simm.s32 $0xFFFFFFFF;
	p2 =	slt.u32 s8, $0xFFFFF086  }
0x1c: {  	p1 =	slt.u32 s9, $0xF7A;
	s5 =	simm.s32 @!p2 $0x0  }
0x1d: {  	s5 =	simm.s32 @p1 $0x1;
	p0 =	seq.s32 s7, s2  }
0x1e: {  	s7 =	smul.u32 @!p0 $0xF7A, s2;
	p2 =	seq.s32 @!p0 s5, $0x0  }
0x1f: {  	s9 =	smul.u32 $0xF7A, s1;
	s8 =	simm.s32 @!p0 $0x1BF5;
	p2 =	por !p2, p0  }
0x20: {  	[sflag:s8] =	ssyncset.s32 @!p0 $0xFFFFF086;
	s6 =	sadd.s32 @!p0 s3, s7;
	s7 =	simm.s32 @!p0 $0x108  }
0x21: {  	s3 =	sadd.s32 s3, s9;
	s6 =	sadd.s32 @!p0 $0x88, s6;
	s7 =	simm.s32 @p2 $0x1082  }
0x22: {  	[simem:s7], [sflag:s8] =	dma.local @!p0 [hbm:s6], $0xF7A  }
0x23: {  	s9 =	sor.u32 $0xD0000000, s2;
	s6 =	simm.s32 $0x108;
	_ =	swait.ge @!p0 [sflag:s8], $0x0  }
0x24: {  	s3 =	sadd.s32 $0x88, s3;
	s6 =	simm.s32 @!p1 $0x1082;
	[sflag:s4] =	ssyncset.s32 $0xFFFFF086  }
0x25: {  	[simem:s6], [sflag:s4] =	dma.local [hbm:s3], $0xF7A  }
0x26: {  	[smem:$0x3F71] =	sst s1;
	(tag) =	ssettag s2;
	_ =	strace s9  }
0x27: {  	s1 =	sld [smem:$0x3F81]  }
0x28: {  	s2 =	sld [smem:$0x3F82]  }
0x29: {  	s4 =	sld [smem:$0x3F84]  }
0x2a: {  	p0 =	seq.s32 s5, $0x0;
	s5 =	sld [smem:$0x3F85]  }
0x2b: {  	s6 =	sld [smem:$0x3F86]  }
0x2c: {  	s7 =	sld [smem:$0x3F87]  }
0x2d: {  	s3 =	simm.s32 $0x108;
	s8 =	sld [smem:$0x3F88]  }
0x2e: {  	s3 =	simm.s32 @!p0 $0x1082;
	s9 =	sld [smem:$0x3F89]  }
0x2f: {  	lr =	sadd.s32 s0, s3;
	s0 =	sld [smem:$0x3F80]  }
0x30: {  	s3 =	sld [smem:$0x3F83]  }
0x31: {  	[smem:$0x3F8C] =	sst s10  }
0x32: {  	s10 =	sld [smem:$0x3F8A];
	_ =	sdelay $0x3  }
0x33: {  	p0 =	seq.s32 s10, $0x1;
	s10 =	sld [smem:$0x3F8C];
	_ =	sdelay $0x3  }
0x34: {  	[smem:$0x3F8C] =	sst s10  }
0x35: {  	s10 =	sld [smem:$0x3F8B];
	_ =	sdelay $0x3  }
0x36: {  	p1 =	seq.s32 s10, $0x1;
	s10 =	sld [smem:$0x3F8C];
	_ =	sdelay $0x3  }
0x37: {  	[smem:$0x3F8C] =	sst s10  }
0x38: {  	s10 =	sld [smem:$0x3F8D]  }
0x39: {  	_ = 	snop;
	(pc) =	sbr.ind lr, $3  }
0x3a: {  	_ = 	snop  }
0x3b: {  	_ = 	snop  }
0x3c: {  	p2 =	seq.s32 s10, $0x1;
	s10 =	sld [smem:$0x3F8C]  }
0x3d: {  	_ =	shalt  }
0x3e: {  	_ =	shalt  }
0x3f: {  	_ =	shalt  }
0x40: {  	_ =	shalt  }
0x41: {  	_ =	shalt  }
0x42: {  	_ =	shalt  }
0x43: {  	_ =	shalt  }
0x44: {  	_ =	shalt  }
0x45: {  	_ =	shalt  }
0x46: {  	_ =	shalt  }
0x47: {  	_ =	shalt  }
0x48: {  	_ =	shalt  }
0x49: {  	_ =	shalt  }
0x4a: {  	_ =	shalt  }
0x4b: {  	_ =	shalt  }
0x4c: {  	_ =	shalt  }
0x4d: {  	_ =	shalt  }
0x4e: {  	_ =	shalt  }
0x4f: {  	_ =	shalt  }
0x50: {  	_ =	shalt  }
0x51: {  	_ =	shalt  }
0x52: {  	_ =	shalt  }
0x53: {  	_ =	shalt  }
0x54: {  	_ =	shalt  }
0x55: {  	_ =	shalt  }
0x56: {  	_ =	shalt  }
0x57: {  	_ =	shalt  }
0x58: {  	_ =	shalt  }
0x59: {  	_ =	shalt  }
0x5a: {  	_ =	shalt  }
0x5b: {  	_ =	shalt  }
0x5c: {  	_ =	shalt  }
0x5d: {  	_ =	shalt  }
0x5e: {  	_ =	shalt  }
0x5f: {  	_ =	shalt  }
0x60: {  	_ =	shalt  }
0x61: {  	_ =	shalt  }
0x62: {  	_ =	shalt  }
0x63: {  	_ =	shalt  }
0x64: {  	_ =	shalt  }
0x65: {  	_ =	shalt  }
0x66: {  	_ =	shalt  }
0x67: {  	_ =	shalt  }
0x68: {  	_ =	shalt  }
0x69: {  	_ =	shalt  }
0x6a: {  	_ =	shalt  }
0x6b: {  	_ =	shalt  }
0x6c: {  	_ =	shalt  }
0x6d: {  	_ =	shalt  }
0x6e: {  	_ =	shalt  }
0x6f: {  	_ =	shalt  }
0x70: {  	_ =	shalt  }
0x71: {  	_ =	shalt  }
0x72: {  	_ =	shalt  }
0x73: {  	_ =	shalt  }
0x74: {  	_ =	shalt  }
0x75: {  	_ =	shalt  }
0x76: {  	_ =	shalt  }
0x77: {  	_ =	shalt  }
0x78: {  	_ =	shalt  }
0x79: {  	_ =	shalt  }
0x7a: {  	_ =	shalt  }
0x7b: {  	_ =	shalt  }
0x7c: {  	_ =	shalt  }
0x7d: {  	_ =	shalt  }
0x7e: {  	_ =	shalt  }
0x7f: {  	_ =	shalt  }
0x80: {  	_ =	shalt  }
0x81: {  	_ =	shalt  }
0x82: {  	_ =	shalt  }
0x83: {  	_ =	shalt  }
0x84: {  	_ =	shalt  }
0x85: {  	_ =	shalt  }
0x86: {  	_ =	shalt  }
0x87: {  	_ =	shalt  }
.Lfunc_end0:
.L_simem_size_0:
called_computation.1_lowered:
.L_overlay_start_0:
0x88: {  	s2 =	sld [smem:$0x3FD9]  }
0x89: {  	s3 =	sld [smem:$0x3FFE];
	_ =	sdelay $0x1  }
0x8a: {  	s1 =	srdreg.scid  }
0x8b: {  	s0 =	sand.u32 $0x1, s1  }
0x8c: {  	s14 =	sshll.u32 s0, $0xA;
	s2 =	sadd.s32 s3, s2  }
0x8d: {  	s2 =	sadd.s32 s2, s14  }
0x8e: {  	[smem:$0x3F98] =	sst s2  }
0x8f: {  	_ = 	snop  }
0x90: {  	s2 =	sld [smem:$0x3FD0];
	_ =	sdelay $0x2  }
0x91: {  	s15 =	simm.s32 $0xB;
	s4 =	simm.s32 $0x10  }
0x92: {  	[smem:s4], [sflag:s15] =	dma.local [hbm:s2], $0x1  }
0x93: {  	_ =	swait.eq [sflag:s15], $0x1  }
0x94: {  	[sflag:s15] =	ssyncset.done $0x0  }
0x95: {  	[sflag:s15] =	ssyncadd.s32 $0xFFFFFFFF  }
0x96: {  	s16 =	sld [smem:$0x11];
	(tm) =	ssettm $0x1  }
0x97: {  	s17 =	sld [smem:$0x3FFB];
	_ =	sdelay $0x3  }
0x98: {  	_ =	strace s17  }
0x99: {  	s3 =	sld [smem:$0x3FFC];
	_ =	sdelay $0x3  }
0x9a: {  	_ =	strace s3  }
0x9b: {  	s3 =	sld [smem:$0x3FFD];
	_ =	sdelay $0x3  }
0x9c: {  	_ =	strace s3  }
0x9d: {  	_ =	strace $0x8FFFFFFF  }
0x9e: {  	s18 =	sld [smem:$0x3FDB];
	_ =	sdelay $0x1  }
0x9f: {  	s19 =	simm.s32 $_scs_section_size  }
0xa0: {  	s5 =	simm.s32 $_size__tile_overlayer_lowered;
	s6 =	simm.s32 $_tile_overlayer_lowered  }
0xa1: {  	s22 =	simm.s32 $0x1BFF;
	s21 =	sshll.u32 s6, $0x1;
	s3 =	sadd.s32 s19, s18  }
0xa2: {  	s7 =	simm.s32 $0x0;
	s20 =	sshll.u32 s5, $0x1;
	s5 =	sadd.s32 s21, s3  }
0xa3: {  	[timem:s7], [sflag:s22] =	dma.local [hbm:s5], s20  }
0xa4: {  	_ =	swait.ge [sflag:s22], s20  }
0xa5: {  	s4 =	ssub.s32 $0x0, s20;
	[sflag:s22] =	ssyncset.done $0x0  }
0xa6: {  	[sflag:s22] =	ssyncadd.s32 s4;
	_ =	sdelay $0x1  }
0xa7: {  	s23 =	simm.s32 $0x1B8B  }
0xa8: {  	_ =	swait.ge [sflag:s23], $0x1  }
0xa9: {  	[sflag:s23] =	ssyncset.done $0x0  }
0xaa: {  	s25 =	simm.s32 $0x1B8E;
	s24 =	sld [smem:$0x3FFE];
	[sflag:s23] =	ssyncadd.s32 $0xFFFFFFFF  }
0xab: {  	s26 =	simm.s32 $execute0_lowered;
	[smem:$0x3FD2] =	sst s25  }
0xac: {  	s5 =	sshll.u32 s26, $0x1;
	_ =	strace $0x80000046;
	[dreg:$0x1] =	wrdreg $0xFFFFFFFF  }
0xad: {  	s28 =	simm.s32 $_size_execute0_lowered;
	s3 =	sadd.s32 s3, s5;
	[dreg:$0x0] =	wrdreg $0x0  }
0xae: {  	s5 =	sshll.u32 s28, $0x1;
	[dreg:$0x2] =	wrdreg s3  }
0xaf: {  	[dreg:$0x3] =	wrdreg s5  }
0xb0: {  	[dreg:$0x4] =	wrdreg $0xC0  }
0xb1: {  	_ =	task [dreg:s7], $0x5FFFF  }
0xb2: {  	[dreg:$0x1] =	wrdreg $0xFFFFFFFF  }
0xb3: {  	[dreg:$0x0] =	wrdreg $0x60  }
0xb4: {  	[dreg:$0x2] =	wrdreg s16  }
0xb5: {  	[dreg:$0x3] =	wrdreg s24  }
0xb6: {  	[dreg:$0x4] =	wrdreg $0x0  }
0xb7: {  	[dreg:$0x5] =	wrdreg $0xA  }
0xb8: {  	_ =	task.clear_ibuf [dreg:s7], $0x6FFFF;
	_ =	strace $0x90000046  }
0xb9: {  	s29 =	simm.s32 $0xA;
	_ =	strace $0x80000048  }
0xba: {  	_ =	swait.ge [sflag:s29], $0x1  }
0xbb: {  	[sflag:s29] =	ssyncadd.s32 $0xFFFFFFFF  }
0xbc: {  	_ =	strace $0x90000048  }
0xbd: {  	_ =	sfence  }
0xbe: {  	s30 =	sld [smem:$0x0];
	_ =	sdelay $0x2  }
0xbf: {  	s31 =	sshll.u32 s1, $0xD;
	s1 =	sshrl.u32 s1, $0x2  }
0xc0: {  	s3 =	sand.u32 $0x4000, s31;
	s1 =	sadd.s32 s1, s30  }
0xc1: {  	s0 =	sor.u32 s3, s0;
	s1 =	sshll.u32 s1, $0x11  }
0xc2: {  	s0 =	sor.u32 s1, s0  }
0xc3: {  	s0 =	sadd.s32 $0x8F2B, s0  }
0xc4: {  	[sflag:s0] =	ssyncadd.remote.s32 $0x1  }
0xc5: {  	_ =	sfence.sel $0xFFFF  }
0xc6: {  	[dreg:$0x0] =	wrdreg $0xFFFFFFFF;
	(pc) =	sbr.abs _section_cstart, $3  }
0xc7: {  	[dreg:$0x1] =	wrdreg $0xFFFFFFFF  }
0xc8: {  	_ =	task.clear_ibuf [dreg:s7], $0x2FFFF;
	_ =	strace $0x9FFFFFFF  }
0xc9: {  	(tm) =	ssettm $0x7FFFFFFF  }
tec
execute0_lowered:
.L_overlay_start_1:
0x0: {  	(tag) =	ssettag $0x1  }
0x1: {  	s1 =	rddreg [dreg:$0x0]  }
0x2: {  	s0 =	rddreg [dreg:$0x1]  }
0x3: {  	s2 =	rddreg [dreg:$0x2];
	s3 =	simm.s32 $0x0;
	s7 =	srdreg.scid  }
0x4: {  	s26 =	stileid.u32;
	s19 =	simm.s32 $0x2;
	s28 =	simm.s32 $0x17A00  }
0x5: {  	s29 =	simm.s32 $0x10;
	s30 =	simm.s32 $0x17A80;
	s31 =	simm.s32 $0x0  }
0x6: {  	[smem:$0x7FF] =	sst s3;
	s4 =	sadd.s32 $0x1A000, s0;
	s11 =	smul.u32 $0x2710, s26  }
0x7: {  	s5 =	sadd.s32 $0x15000, s0;
	s16 =	sadd.s32 $0x10000, s0;
	s12 =	smul.u32 $0x4E000, s26  }
0x8: {  	s6 =	sadd.s32 $0x41200, s0;
	s9 =	sand.u32 $0x1, s7;
	s13 =	smul.u32 $0x2700, s26  }
0x9: {  	s20 =	sadd.s32 $0x43A00, s0;
	s8 =	sadd.s32 $0x6AC00, s0;
	s17 =	smul.u32 $0x4E2, s26  }
0xa: {  	s25 =	sshll.u32 s26, $0x6;
	p1 =	sne.s32 s26, $0xF;
	p2 =	seq.s32 s26, $0xF  }
0xb: {  	s26 =	simm.s32 $0x17980;
	_ =	strace $0x80000047;
	s10 =	ssub.s32 $0x2, s9  }
0xc: {  	p0 =	seq.s32 s9, $0x1;
	s9 =	sadd.s32 $0x138000, s2;
	[dreg:$0x4] =	wrdreg s20  }
0xd: {  	s15 =	sor.u32 $0x1C02, s25;
	s25 =	simm.s32 $0x1;
	s21 =	sshrl.u32 s10, $0x1  }
0xe: {  	s22 =	sshrl.u32 s11, $0x3;
	s23 =	sshrl.u32 s12, $0x2;
	s7 =	sadd.s32 s20, s13  }
0xf: {  	s24 =	sadd.s32 s8, s13;
	s20 =	sshrl.u32 @!p1 s9, $0x3;
	s0 =	ssub.s32 s10, s21  }
.Ltmp0:
0x10: {  	s11 =	sadd.s32 $0x4E0, s22;
	[dreg:$0x5] =	wrdreg s7;
	(pc) =	sbr.rel .LBB2_1-.Ltmp0, $4  }
0x11: {  	s18 =	sadd.s32 s23, s2;
	[dreg:$0x6] =	wrdreg s24;
	s21 =	simm.s32 $0x13880  }
0x12: {  	s22 =	simm.s32 $0x13900;
	s23 =	simm.s32 $0x80;
	s24 =	simm.s32 $0x13980  }
0x13: {  	s10 =	sadd.s32 s5, s11;
	s11 =	sadd.s32 s16, s11;
	s14 =	smax.u32 s0, $0x1  }
0x14: {  	s16 =	sadd.s32 s17, s16;
	s17 =	sadd.s32 s17, s5;
	s18 =	sshrl.u32 s18, $0x3  }
.LBB2_8:
0x15: {  	s0 =	sadd.s32 $0x27000, s0;
	s5 =	sshrl.u32 s9, $0x3  }
0x16: {  	[hbm:s0], [sflag:s15] =	dma.local [spmem:s5], $0x100  }
0x17: {  	_ =	swait.ge [sflag:s19], $0x100  }
0x18: {  	[sflag:s19] =	ssyncset.done $0x0  }
0x19: {  	[sflag:s19] =	ssyncadd.s32 $0xFFFFFF00  }
.LBB2_9:
0x1a: {  	s31 =	sadd.s32 $0x1, s31  }
0x1b: {  	p3 =	sne.s32 s31, s14  }
.Ltmp1:
0x1c: {  	_ = 	snop;
	(pc) =	sbr.rel @!p3 .LBB2_10-.Ltmp1, $1  }
0x1d: {  	_ =	sdelay $0x3  }
.LBB2_1:
.Ltmp2:
0x1e: {  	(pc) =	sbr.rel @!p0 .LBB2_2-.Ltmp2, $4  }
0x1f: {  	[spmem:s18], [sflag:s15] =	dma.local [hbm:s6], $0x2700  }
0x20: {  	_ =	swait.ge [sflag:s19], $0x2700  }
0x21: {  	[sflag:s19] =	ssyncset.done $0x0  }
0x22: {  	[sflag:s19] =	ssyncadd.s32 $0xFFFFD900  }
0x23: {  	[spmem:s20], [sflag:s15] =	dma.local @!p1 [hbm:s6], $0x100  }
0x24: {  	s0 =	simm.s32 @!p1 $0x2  }
0x25: {  	_ =	swait.ge @!p1 [sflag:s0], $0x100  }
0x26: {  	[sflag:s0] =	ssyncset.done @!p1 $0x0  }
0x27: {  	[sflag:s0] =	ssyncadd.s32 @!p1 $0xFFFFFF00  }
0x28: {  	s12 =	sadd.s32 $0x0, s17;
	[bflag:$0x0] =	sbarrier.arrive $0xFFFF  }
0x29: {  	[tilespmem:s21], [sflag:$0x2] =	stream.linear.gather [hbm4b:s12+s3], $0x80, $0x38;
	[tilespmem:$0x18280] =	vst v63  }
0x2a: {  	_ =	swait.ge [sflag:s19], $0x80  }
0x2b: {  	[sflag:s19] =	ssyncset.done $0x0  }
0x2c: {  	s13 =	sadd.s32 $0x0, s16;
	[sflag:s19] =	ssyncadd.s32 $0xFFFFFF80  }
0x2d: {  	[tilespmem:s22], [sflag:$0x2] =	stream.linear.gather [hbm4b:s13+s3], $0x80, $0x38;
	[tilespmem:$0x18280] =	vst v63  }
0x2e: {  	_ =	swait.ge [sflag:s19], $0x80  }
0x2f: {  	[sflag:s19] =	ssyncset.done $0x0  }
0x30: {  	[sflag:s19] =	ssyncadd.s32 $0xFFFFFF80  }
0x31: {  	[tilespmem:s24], [sflag:$0x1] =	stream.indirect.gather [hbm4b:s4+s23], $0x80, s21, s23, $0xb8;
	[tilespmem:$0x18280] =	vst v63  }
0x32: {  	_ =	swait.ge [sflag:s25], $0x4000  }
0x33: {  	[sflag:s25] =	ssyncset.done $0x0  }
0x34: {  	[sflag:s25] =	ssyncadd.s32 $0xFFFFC000  }
0x35: {  	[spmem:s2] =	stream.indirect.scatter.add.f32 [tilespmem:s24], [sflag:$0x2], $0x80, s22, s23, $0xb8;
	[tilespmem:$0x18280] =	vst v63  }
0x36: {  	_ =	swait.ge [sflag:s19], $0x4000  }
0x37: {  	s5 =	simm.s32 $0x20;
	s0 =	simm.s32 $0x10;
	[sflag:s19] =	ssyncset.done $0x0  }
.LBB2_6:
0x38: {  	s7 =	sadd.s32 s0, s17  }
0x39: {  	[sflag:s19] =	ssyncadd.s32 $0xFFFFC000;
	s12 =	smov.u32 s5;
	s13 =	sadd.s32 $0x10, s5  }
0x3a: {  	[tilespmem:s21], [sflag:$0x2] =	stream.linear.gather [hbm4b:s7+s3], $0x80, $0x38;
	[tilespmem:$0x18280] =	vst v63  }
0x3b: {  	p3 =	sne.s32 s5, $0x4D0;
	_ =	swait.ge [sflag:s19], $0x80  }
0x3c: {  	[sflag:s19] =	ssyncset.done $0x0  }
0x3d: {  	s5 =	sadd.s32 s0, s16;
	s0 =	smov.u32 s12;
	[sflag:s19] =	ssyncadd.s32 $0xFFFFFF80  }
0x3e: {  	[tilespmem:s22], [sflag:$0x2] =	stream.linear.gather [hbm4b:s5+s3], $0x80, $0x38;
	[tilespmem:$0x18280] =	vst v63  }
0x3f: {  	_ =	swait.ge [sflag:s19], $0x80  }
0x40: {  	[sflag:s19] =	ssyncset.done $0x0  }
0x41: {  	[sflag:s19] =	ssyncadd.s32 $0xFFFFFF80  }
0x42: {  	[tilespmem:s24], [sflag:$0x1] =	stream.indirect.gather [hbm4b:s4+s23], $0x80, s21, s23, $0xb8;
	[tilespmem:$0x18280] =	vst v63  }
0x43: {  	_ =	swait.ge [sflag:s25], $0x4000  }
.Ltmp3:
0x44: {  	[sflag:s25] =	ssyncset.done $0x0;
	(pc) =	sbr.rel @p3 .LBB2_6-.Ltmp3, $4  }
0x45: {  	[sflag:s25] =	ssyncadd.s32 $0xFFFFC000  }
0x46: {  	[spmem:s2] =	stream.indirect.scatter.add.f32 [tilespmem:s24], [sflag:$0x2], $0x80, s22, s23, $0xb8;
	[tilespmem:$0x18280] =	vst v63  }
0x47: {  	_ =	swait.ge [sflag:s19], $0x4000  }
0x48: {  	s5 =	smov.u32 s13;
	[sflag:s19] =	ssyncset.done $0x0  }
0x49: {  	s5 =	sadd.s32 s0, s17;
	[sflag:s19] =	ssyncadd.s32 $0xFFFFC000  }
0x4a: {  	[tilespmem:s21], [sflag:$0x2] =	stream.linear.gather [hbm4b:s5+s3], $0x80, $0x38;
	[tilespmem:$0x18280] =	vst v63  }
0x4b: {  	_ =	swait.ge [sflag:s19], $0x80  }
0x4c: {  	[sflag:s19] =	ssyncset.done $0x0  }
0x4d: {  	s12 =	sadd.s32 s0, s16;
	[sflag:s19] =	ssyncadd.s32 $0xFFFFFF80  }
0x4e: {  	[tilespmem:s22], [sflag:$0x2] =	stream.linear.gather [hbm4b:s12+s3], $0x80, $0x38;
	[tilespmem:$0x18280] =	vst v63  }
0x4f: {  	_ =	swait.ge [sflag:s19], $0x80  }
0x50: {  	[sflag:s19] =	ssyncset.done $0x0  }
0x51: {  	[sflag:s19] =	ssyncadd.s32 $0xFFFFFF80  }
0x52: {  	[tilespmem:s24], [sflag:$0x1] =	stream.indirect.gather [hbm4b:s4+s23], $0x80, s21, s23, $0xb8;
	[tilespmem:$0x18280] =	vst v63  }
0x53: {  	_ =	swait.ge [sflag:s25], $0x4000  }
0x54: {  	[sflag:s25] =	ssyncset.done $0x0  }
0x55: {  	[sflag:s25] =	ssyncadd.s32 $0xFFFFC000  }
0x56: {  	[spmem:s2] =	stream.indirect.scatter.add.f32 [tilespmem:s24], [sflag:$0x2], $0x80, s22, s23, $0xb8;
	[tilespmem:$0x18280] =	vst v63  }
0x57: {  	_ =	swait.ge [sflag:s19], $0x4000  }
0x58: {  	[sflag:s19] =	ssyncset.done $0x0  }
0x59: {  	[sflag:s19] =	ssyncadd.s32 $0xFFFFC000  }
0x5a: {  	[tilespmem:s26], [sflag:$0x2] =	stream.linear.gather [hbm4b:s10+s3], $0x10, $0x38;
	[tilespmem:$0x18280] =	vst v63  }
0x5b: {  	_ =	swait.ge [sflag:s19], $0x10  }
0x5c: {  	[sflag:s19] =	ssyncset.done $0x0  }
0x5d: {  	[sflag:s19] =	ssyncadd.s32 $0xFFFFFFF0  }
0x5e: {  	[tilespmem:s28], [sflag:$0x2] =	stream.linear.gather [hbm4b:s11+s3], $0x10, $0x38;
	[tilespmem:$0x18280] =	vst v63  }
0x5f: {  	_ =	swait.ge [sflag:s19], $0x10  }
0x60: {  	[sflag:s19] =	ssyncset.done $0x0  }
0x61: {  	[sflag:s19] =	ssyncadd.s32 $0xFFFFFFF0  }
0x62: {  	[tilespmem:s30], [sflag:$0x1] =	stream.indirect.gather [hbm4b:s4+s29], $0x80, s26, s29, $0xb8;
	[tilespmem:$0x18280] =	vst v63  }
0x63: {  	_ =	swait.ge [sflag:s25], $0x800  }
0x64: {  	[sflag:s25] =	ssyncset.done $0x0  }
0x65: {  	[sflag:s25] =	ssyncadd.s32 $0xFFFFF800  }
0x66: {  	[spmem:s2] =	stream.indirect.scatter.add.f32 [tilespmem:s30], [sflag:$0x2], $0x80, s28, s29, $0xb8;
	[tilespmem:$0x18280] =	vst v63  }
0x67: {  	_ =	swait.ge [sflag:s19], $0x800  }
0x68: {  	[sflag:s19] =	ssyncset.done $0x0  }
0x69: {  	[sflag:s19] =	ssyncadd.s32 $0xFFFFF800  }
0x6a: {  	[bflag:$0x0] =	sbarrier.arrive $0xFFFF  }
0x6b: {  	s13 =	rddreg [dreg:$0x6]  }
0x6c: {  	[hbm:s13], [sflag:s15] =	dma.local [spmem:s18], $0x2700  }
.Ltmp4:
0x6d: {  	_ = 	snop;
	(pc) =	sbr.rel @p1 .LBB2_9-.Ltmp4, $4  }
.Ltmp5:
0x6e: {  	_ = 	snop;
	(pc) =	sbr.rel @!p1 .LBB2_8-.Ltmp5, $4  }
0x6f: {  	_ =	swait.ge [sflag:s19], $0x2700  }
0x70: {  	[sflag:s19] =	ssyncset.done $0x0  }
0x71: {  	s0 =	smov.u32 s8;
	[sflag:s19] =	ssyncadd.s32 $0xFFFFD900  }
0x72: {  	_ = 	snop  }
.LBB2_2:
0x73: {  	[spmem:s20], [sflag:s15] =	dma.local @!p1 [hbm:s6], $0x100  }
0x74: {  	s0 =	simm.s32 @!p1 $0x2  }
0x75: {  	_ =	swait.ge @!p1 [sflag:s0], $0x100  }
0x76: {  	[sflag:s0] =	ssyncset.done @!p1 $0x0  }
0x77: {  	[sflag:s0] =	ssyncadd.s32 @!p1 $0xFFFFFF00  }
0x78: {  	s12 =	sadd.s32 $0x0, s17;
	[bflag:$0x0] =	sbarrier.arrive $0xFFFF  }
0x79: {  	[tilespmem:s21], [sflag:$0x2] =	stream.linear.gather [hbm4b:s12+s3], $0x80, $0x38;
	[tilespmem:$0x18280] =	vst v63  }
0x7a: {  	_ =	swait.ge [sflag:s19], $0x80  }
0x7b: {  	[sflag:s19] =	ssyncset.done $0x0  }
0x7c: {  	s13 =	sadd.s32 $0x0, s16;
	[sflag:s19] =	ssyncadd.s32 $0xFFFFFF80  }
0x7d: {  	[tilespmem:s22], [sflag:$0x2] =	stream.linear.gather [hbm4b:s13+s3], $0x80, $0x38;
	[tilespmem:$0x18280] =	vst v63  }
0x7e: {  	_ =	swait.ge [sflag:s19], $0x80  }
0x7f: {  	[sflag:s19] =	ssyncset.done $0x0  }
0x80: {  	[sflag:s19] =	ssyncadd.s32 $0xFFFFFF80  }
0x81: {  	[tilespmem:s24], [sflag:$0x1] =	stream.indirect.gather [hbm4b:s1+s23], $0x80, s21, s23, $0xb8;
	[tilespmem:$0x18280] =	vst v63  }
0x82: {  	_ =	swait.ge [sflag:s25], $0x4000  }
0x83: {  	[sflag:s25] =	ssyncset.done $0x0  }
0x84: {  	[sflag:s25] =	ssyncadd.s32 $0xFFFFC000  }
0x85: {  	[spmem:s2] =	stream.indirect.scatter.add.f32 [tilespmem:s24], [sflag:$0x2], $0x80, s22, s23, $0xb8;
	[tilespmem:$0x18280] =	vst v63  }
0x86: {  	_ =	swait.ge [sflag:s19], $0x4000  }
0x87: {  	s5 =	simm.s32 $0x20;
	s0 =	simm.s32 $0x10;
	[sflag:s19] =	ssyncset.done $0x0  }
.LBB2_3:
0x88: {  	s12 =	sadd.s32 s0, s17  }
0x89: {  	[sflag:s19] =	ssyncadd.s32 $0xFFFFC000;
	s13 =	smov.u32 s5;
	s7 =	sadd.s32 $0x10, s5  }
0x8a: {  	[tilespmem:s21], [sflag:$0x2] =	stream.linear.gather [hbm4b:s12+s3], $0x80, $0x38;
	[tilespmem:$0x18280] =	vst v63  }
0x8b: {  	p3 =	sne.s32 s5, $0x4D0;
	_ =	swait.ge [sflag:s19], $0x80  }
0x8c: {  	[sflag:s19] =	ssyncset.done $0x0  }
0x8d: {  	s5 =	sadd.s32 s0, s16;
	s0 =	smov.u32 s13;
	[sflag:s19] =	ssyncadd.s32 $0xFFFFFF80  }
0x8e: {  	[tilespmem:s22], [sflag:$0x2] =	stream.linear.gather [hbm4b:s5+s3], $0x80, $0x38;
	[tilespmem:$0x18280] =	vst v63  }
0x8f: {  	_ =	swait.ge [sflag:s19], $0x80  }
0x90: {  	[sflag:s19] =	ssyncset.done $0x0  }
0x91: {  	[sflag:s19] =	ssyncadd.s32 $0xFFFFFF80  }
0x92: {  	[tilespmem:s24], [sflag:$0x1] =	stream.indirect.gather [hbm4b:s1+s23], $0x80, s21, s23, $0xb8;
	[tilespmem:$0x18280] =	vst v63  }
0x93: {  	_ =	swait.ge [sflag:s25], $0x4000  }
.Ltmp6:
0x94: {  	[sflag:s25] =	ssyncset.done $0x0;
	(pc) =	sbr.rel @p3 .LBB2_3-.Ltmp6, $4  }
0x95: {  	[sflag:s25] =	ssyncadd.s32 $0xFFFFC000  }
0x96: {  	[spmem:s2] =	stream.indirect.scatter.add.f32 [tilespmem:s24], [sflag:$0x2], $0x80, s22, s23, $0xb8;
	[tilespmem:$0x18280] =	vst v63  }
0x97: {  	_ =	swait.ge [sflag:s19], $0x4000  }
0x98: {  	s5 =	smov.u32 s7;
	[sflag:s19] =	ssyncset.done $0x0  }
0x99: {  	s5 =	sadd.s32 s0, s17;
	[sflag:s19] =	ssyncadd.s32 $0xFFFFC000  }
0x9a: {  	[tilespmem:s21], [sflag:$0x2] =	stream.linear.gather [hbm4b:s5+s3], $0x80, $0x38;
	[tilespmem:$0x18280] =	vst v63  }
0x9b: {  	_ =	swait.ge [sflag:s19], $0x80  }
0x9c: {  	[sflag:s19] =	ssyncset.done $0x0  }
0x9d: {  	s12 =	sadd.s32 s0, s16;
	[sflag:s19] =	ssyncadd.s32 $0xFFFFFF80  }
0x9e: {  	[tilespmem:s22], [sflag:$0x2] =	stream.linear.gather [hbm4b:s12+s3], $0x80, $0x38;
	[tilespmem:$0x18280] =	vst v63  }
0x9f: {  	_ =	swait.ge [sflag:s19], $0x80  }
0xa0: {  	[sflag:s19] =	ssyncset.done $0x0  }
0xa1: {  	[sflag:s19] =	ssyncadd.s32 $0xFFFFFF80  }
0xa2: {  	[tilespmem:s24], [sflag:$0x1] =	stream.indirect.gather [hbm4b:s1+s23], $0x80, s21, s23, $0xb8;
	[tilespmem:$0x18280] =	vst v63  }
0xa3: {  	_ =	swait.ge [sflag:s25], $0x4000  }
0xa4: {  	[sflag:s25] =	ssyncset.done $0x0  }
0xa5: {  	[sflag:s25] =	ssyncadd.s32 $0xFFFFC000  }
0xa6: {  	[spmem:s2] =	stream.indirect.scatter.add.f32 [tilespmem:s24], [sflag:$0x2], $0x80, s22, s23, $0xb8;
	[tilespmem:$0x18280] =	vst v63  }
0xa7: {  	_ =	swait.ge [sflag:s19], $0x4000  }
0xa8: {  	[sflag:s19] =	ssyncset.done $0x0  }
0xa9: {  	[sflag:s19] =	ssyncadd.s32 $0xFFFFC000  }
0xaa: {  	[tilespmem:s26], [sflag:$0x2] =	stream.linear.gather [hbm4b:s10+s3], $0x10, $0x38;
	[tilespmem:$0x18280] =	vst v63  }
0xab: {  	_ =	swait.ge [sflag:s19], $0x10  }
0xac: {  	[sflag:s19] =	ssyncset.done $0x0  }
0xad: {  	[sflag:s19] =	ssyncadd.s32 $0xFFFFFFF0  }
0xae: {  	[tilespmem:s28], [sflag:$0x2] =	stream.linear.gather [hbm4b:s11+s3], $0x10, $0x38;
	[tilespmem:$0x18280] =	vst v63  }
0xaf: {  	_ =	swait.ge [sflag:s19], $0x10  }
0xb0: {  	[sflag:s19] =	ssyncset.done $0x0  }
0xb1: {  	[sflag:s19] =	ssyncadd.s32 $0xFFFFFFF0  }
0xb2: {  	[tilespmem:s30], [sflag:$0x1] =	stream.indirect.gather [hbm4b:s1+s29], $0x80, s26, s29, $0xb8;
	[tilespmem:$0x18280] =	vst v63  }
0xb3: {  	_ =	swait.ge [sflag:s25], $0x800  }
0xb4: {  	[sflag:s25] =	ssyncset.done $0x0  }
0xb5: {  	[sflag:s25] =	ssyncadd.s32 $0xFFFFF800  }
0xb6: {  	[spmem:s2] =	stream.indirect.scatter.add.f32 [tilespmem:s30], [sflag:$0x2], $0x80, s28, s29, $0xb8;
	[tilespmem:$0x18280] =	vst v63  }
0xb7: {  	_ =	swait.ge [sflag:s19], $0x800  }
0xb8: {  	[sflag:s19] =	ssyncset.done $0x0  }
0xb9: {  	[sflag:s19] =	ssyncadd.s32 $0xFFFFF800  }
0xba: {  	[bflag:$0x0] =	sbarrier.arrive $0xFFFF  }
0xbb: {  	s13 =	rddreg [dreg:$0x5]  }
0xbc: {  	[hbm:s13], [sflag:s15] =	dma.local [spmem:s18], $0x2700  }
.Ltmp7:
0xbd: {  	_ = 	snop;
	(pc) =	sbr.rel @p2 .LBB2_8-.Ltmp7, $4  }
.Ltmp8:
0xbe: {  	_ = 	snop;
	(pc) =	sbr.rel @!p2 .LBB2_9-.Ltmp8, $4  }
0xbf: {  	_ =	swait.ge [sflag:s19], $0x2700  }
0xc0: {  	[sflag:s19] =	ssyncset.done $0x0  }
0xc1: {  	s0 =	rddreg [dreg:$0x4];
	[sflag:s19] =	ssyncadd.s32 $0xFFFFD900  }
0xc2: {  	_ = 	snop  }
.LBB2_10:
0xc3: {  	_ =	sfence.sel $0x180000  }
0xc4: {  	[bflag:$0x0] =	sbarrier.arrive $0xFFFF  }
0xc5: {  	_ =	strace $0x90000047  }
0xc6: {  	s0 =	stileid.u32;
	[bflag:$0x2] =	sbarrier.arrive $0xFFFF  }
0xc7: {  	p0 =	sne.s32 s0, $0x0;
	s0 =	rddreg [dreg:$0x3]  }
0xc8: {  	s0 =	sadd.s32 @!p0 $0x100000, s0  }
0xc9: {  	[sflag:s0] =	ssyncadd.tile.s32 @!p0 $0x1;
	_ =	shalt  }
.Lfunc_end2:
_tile_overlayer_lowered:
.L_overlay_start_2:
0xca: {  	(tag) =	ssettag $0x2  }
0xcb: {  	s0 =	rddreg [dreg:$0x0];
	s2 =	stileid.u32  }
0xcc: {  	s1 =	rddreg [dreg:$0x1];
	p0 =	sne.s32 s2, $0x0  }
0xcd: {  	s3 =	rddreg [dreg:$0x2];
	[bflag:$0x3] =	sbarrier.arrive $0xFFFF;
	s2 =	simm.s32 @!p0 $0x1C02  }
0xce: {  	[timem:s3], [sflag:s2] =	dma.local @!p0 [hbm:s0], s1  }
0xcf: {  	s0 =	simm.s32 @!p0 $0x2  }
0xd0: {  	_ =	swait.ge @!p0 [sflag:s0], s1  }
0xd1: {  	s1 =	ssub.s32 @!p0 $0x0, s1;
	[sflag:s0] =	ssyncset.done @!p0 $0x0  }
0xd2: {  	[sflag:s0] =	ssyncadd.s32 @!p0 s1  }
0xd3: {  	[bflag:$0x3] =	sbarrier.arrive $0xFFFF  }
0xd4: {  	_ =	shalt  }

</sc_bundles>
